<compile_context>
chip_gen: v7x
topology: tpu7x:2x2x1
jax: 0.10.2.dev20260603
libtpu: 0.0.44.dev20260713+nightly
codegen_flags: <defaults>
</compile_context>

<pallas_src>
import jax
import jax.numpy as jnp
from jax import lax
from jax.experimental import pallas as pl
from jax.experimental.pallas import tpu as pltpu
import jax.experimental.pallas.tpu_sc as plsc

NC = 2
NS = 16
NW = NC * NS
CH = 128

_f32 = jnp.float32


def _sc_mesh():
    return plsc.VectorSubcoreMesh(
        core_axis_name="c", subcore_axis_name="s", num_cores=NC, num_subcores=NS
    )


def _sc_deg(idxc, ones8, zeros8, n_pad):
    nch = idxc.shape[0] // NW
    assert nch % 2 == 0
    rps = n_pad // NS
    rch = rps // CH

    def body(idx_hbm, ones_hbm, zeros_hbm, out_hbm,
             idx0, idx1, ones_v, z8_v, is0, is1, acc):
        c = lax.axis_index("c")
        s = lax.axis_index("s")
        wid = s * NC + c
        base = wid * nch
        row0 = s * rps
        pltpu.sync_copy(ones_hbm, ones_v)
        pltpu.sync_copy(zeros_hbm, z8_v)
        for t in range(rch):
            pltpu.sync_copy(z8_v, acc.at[pl.ds(row0 + t * CH, CH)])
        plsc.subcore_barrier()

        idxb = (idx0, idx1)
        isem = (is0, is1)

        def fetch(j, slot):
            pltpu.async_copy(idx_hbm.at[base + j], idxb[slot], isem[slot])

        def wait_fetch(j, slot):
            pltpu.make_async_copy(idx_hbm.at[base + j], idxb[slot],
                                  isem[slot]).wait()

        def scat(slot):
            pltpu.sync_copy(ones_v, acc.at[idxb[slot].at[1]], add=True)

        fetch(0, 0)
        fetch(1, 1)

        def step(p, carry):
            j = p * 2
            wait_fetch(j, 0)
            scat(0)
            fetch(j + 2, 0)
            wait_fetch(j + 1, 1)
            scat(1)
            fetch(j + 3, 1)
            return carry

        lax.fori_loop(0, nch // 2 - 1, step, 0)
        wait_fetch(nch - 2, 0)
        scat(0)
        wait_fetch(nch - 1, 1)
        scat(1)

        plsc.subcore_barrier()
        for t in range(rch):
            sl = pl.ds(row0 + t * CH, CH)
            pltpu.sync_copy(acc.at[sl], z8_v)
            pltpu.sync_copy(z8_v, out_hbm.at[c, sl])

    f = pl.kernel(
        body,
        out_type=jax.ShapeDtypeStruct((NC, n_pad, 8), _f32),
        mesh=_sc_mesh(),
        scratch_types=[
            pltpu.VMEM((2, CH), jnp.int32),
            pltpu.VMEM((2, CH), jnp.int32),
            pltpu.VMEM((CH, 8), _f32),
            pltpu.VMEM((CH, 8), _f32),
            pltpu.SemaphoreType.DMA,
            pltpu.SemaphoreType.DMA,
            pltpu.VMEM_SHARED((n_pad, 8), _f32),
        ],
        compiler_params=pltpu.CompilerParams(use_tc_tiling_on_sc=False),
    )
    return f(idxc, ones8, zeros8)


def _sc_agg(table, idxc, zrows, n_pad, split0):
    n, d = table.shape
    pairs = idxc.shape[0] // NS
    nch0 = max(2, int(pairs * split0) // 2 * 2)
    nch1 = pairs - nch0
    assert nch1 >= 2
    rps = n_pad // NS
    rch = rps // CH

    def body(table_hbm, idx_hbm, zeros_hbm, out_hbm,
             idx0, idx1, rows0, rows1, sem0, sem1, acc):
        c = lax.axis_index("c")
        s = lax.axis_index("s")
        row0 = s * rps
        pltpu.sync_copy(zeros_hbm, rows0)
        for t in range(rch):
            pltpu.sync_copy(rows0, acc.at[pl.ds(row0 + t * CH, CH)])
        plsc.subcore_barrier()

        rows = (rows0, rows1)
        idxb = (idx0, idx1)
        sems = (sem0, sem1)

        def make_pipeline(nch, base):
            def fetch_start(j, slot):
                pltpu.sync_copy(idx_hbm.at[base + j], idxb[slot])
                pltpu.async_copy(table_hbm.at[idxb[slot].at[0]], rows[slot],
                                 sems[slot])

            def finish(slot):
                pltpu.make_async_copy(table_hbm.at[idxb[slot].at[0]],
                                      rows[slot], sems[slot]).wait()
                pltpu.sync_copy(rows[slot], acc.at[idxb[slot].at[1]], add=True)

            def run():
                fetch_start(0, 0)

                def step(p, carry):
                    j = p * 2
                    fetch_start(j + 1, 1)
                    finish(0)
                    fetch_start(j + 2, 0)
                    finish(1)
                    return carry

                lax.fori_loop(0, nch // 2 - 1, step, 0)
                fetch_start(nch - 1, 1)
                finish(0)
                finish(1)

            return run

        run0 = make_pipeline(nch0, s * nch0)
        run1 = make_pipeline(nch1, NS * nch0 + s * nch1)
        lax.cond(c == 0, run0, run1)

        plsc.subcore_barrier()
        for t in range(rch):
            sl = pl.ds(row0 + t * CH, CH)
            pltpu.sync_copy(acc.at[sl], rows0)
            pltpu.sync_copy(rows0, out_hbm.at[c, sl])

    f = pl.kernel(
        body,
        out_type=jax.ShapeDtypeStruct((NC, n_pad, d), _f32),
        mesh=_sc_mesh(),
        scratch_types=[
            pltpu.VMEM((2, CH), jnp.int32),
            pltpu.VMEM((2, CH), jnp.int32),
            pltpu.VMEM((CH, d), _f32),
            pltpu.VMEM((CH, d), _f32),
            pltpu.SemaphoreType.DMA,
            pltpu.SemaphoreType.DMA,
            pltpu.VMEM_SHARED((n_pad, d), _f32),
        ],
        compiler_params=pltpu.CompilerParams(use_tc_tiling_on_sc=False),
    )
    return f(table, idxc, zrows)


def _block(n):
    for b in (1000, 500, 250, 200, 125, 100, 50, 25, 10, 5):
        if n % b == 0:
            return b
    return n


def _tc_l1(x, w1t, degp):
    n, dx = x.shape
    dd = w1t.shape[1]
    bs = _block(n)

    def body(x_ref, w_ref, d0_ref, d1_ref, hp_ref, dinv_ref):
        deg = d0_ref[0, :, 0:1] + d1_ref[0, :, 0:1] + 1.0
        dinv = lax.rsqrt(deg)
        hp_ref[...] = (
            jnp.dot(x_ref[...], w_ref[...], preferred_element_type=_f32) * dinv
        )
        dinv_ref[...] = jnp.broadcast_to(dinv, dinv_ref.shape)

    return pl.pallas_call(
        body,
        grid=(n // bs,),
        in_specs=[
            pl.BlockSpec((bs, dx), lambda i: (i, 0)),
            pl.BlockSpec((dx, dd), lambda i: (0, 0)),
            pl.BlockSpec((1, bs, 8), lambda i: (0, i, 0)),
            pl.BlockSpec((1, bs, 8), lambda i: (1, i, 0)),
        ],
        out_specs=[
            pl.BlockSpec((bs, dd), lambda i: (i, 0)),
            pl.BlockSpec((bs, 8), lambda i: (i, 0)),
        ],
        out_shape=[
            jax.ShapeDtypeStruct((n, dd), _f32),
            jax.ShapeDtypeStruct((n, 8), _f32),
        ],
    )(x, w1t, degp, degp)


def _tc_combine(parts, hp, dinv8, b):
    n, d = hp.shape
    bs = _block(n)

    def body(p0_ref, p1_ref, hp_ref, dinv_ref, b_ref, z_ref, st_ref):
        i = pl.program_id(0)
        z = (dinv_ref[:, 0:1] * (p0_ref[0] + p1_ref[0] + hp_ref[...])
             + b_ref[...])
        z_ref[...] = z
        part = jnp.concatenate(
            [jnp.sum(z, 0, keepdims=True), jnp.sum(z * z, 0, keepdims=True)], 0
        )

        @pl.when(i == 0)
        def _init():
            st_ref[...] = part

        @pl.when(i > 0)
        def _acc():
            st_ref[...] += part

    return pl.pallas_call(
        body,
        grid=(n // bs,),
        in_specs=[
            pl.BlockSpec((1, bs, d), lambda i: (0, i, 0)),
            pl.BlockSpec((1, bs, d), lambda i: (1, i, 0)),
            pl.BlockSpec((bs, d), lambda i: (i, 0)),
            pl.BlockSpec((bs, 8), lambda i: (i, 0)),
            pl.BlockSpec((1, d), lambda i: (0, 0)),
        ],
        out_specs=[
            pl.BlockSpec((bs, d), lambda i: (i, 0)),
            pl.BlockSpec((2, d), lambda i: (0, 0)),
        ],
        out_shape=[
            jax.ShapeDtypeStruct((n, d), _f32),
            jax.ShapeDtypeStruct((2, d), _f32),
        ],
    )(parts, parts, hp, dinv8, b)


def _tc_bnmm(z, st, g, beta, wt, dinv8=None, bias=None):
    n, d = z.shape
    do = wt.shape[1]
    bs = _block(n)
    nf = float(n)

    def body(*refs):
        if dinv8 is not None:
            z_ref, st_ref, g_ref, beta_ref, w_ref, dv_ref, o_ref = refs
        elif bias is not None:
            z_ref, st_ref, g_ref, beta_ref, w_ref, b_ref, o_ref = refs
        else:
            z_ref, st_ref, g_ref, beta_ref, w_ref, o_ref = refs
        mean = st_ref[0:1, :] / nf
        var = st_ref[1:2, :] / nf - mean * mean
        sc = g_ref[...] * lax.rsqrt(var + 1e-5)
        h = jnp.maximum(z_ref[...] * sc + (beta_ref[...] - mean * sc), 0.0)
        o = jnp.dot(h, w_ref[...], preferred_element_type=_f32)
        if dinv8 is not None:
            o = o * dv_ref[:, 0:1]
        if bias is not None:
            o = o + b_ref[...]
        o_ref[...] = o

    in_specs = [
        pl.BlockSpec((bs, d), lambda i: (i, 0)),
        pl.BlockSpec((2, d), lambda i: (0, 0)),
        pl.BlockSpec((1, d), lambda i: (0, 0)),
        pl.BlockSpec((1, d), lambda i: (0, 0)),
        pl.BlockSpec((d, do), lambda i: (0, 0)),
    ]
    args = [z, st, g, beta, wt]
    if dinv8 is not None:
        in_specs.append(pl.BlockSpec((bs, 8), lambda i: (i, 0)))
        args.append(dinv8)
    if bias is not None:
        in_specs.append(pl.BlockSpec((1, do), lambda i: (0, 0)))
        args.append(bias)

    return pl.pallas_call(
        body,
        grid=(n // bs,),
        in_specs=in_specs,
        out_specs=pl.BlockSpec((bs, do), lambda i: (i, 0)),
        out_shape=jax.ShapeDtypeStruct((n, do), _f32),
    )(*args)


def _ceil_to(a, m):
    return (a + m - 1) // m * m


def kernel(x, edge_index, W1, b1, g1, beta1, W2, b2, g2, beta2, Wfc, bfc):
    n = x.shape[0]
    e = edge_index.shape[1]
    n_pad = _ceil_to(n + 1, NS * CH)
    e_pad = _ceil_to(e, NW * CH * 2)

    src_p = jnp.concatenate(
        [edge_index[0], jnp.zeros((e_pad - e,), edge_index.dtype)]
    )
    dst_p = jnp.concatenate(
        [edge_index[1], jnp.full((e_pad - e,), n, edge_index.dtype)]
    )

    idxc = jnp.stack([src_p.reshape(-1, CH), dst_p.reshape(-1, CH)], axis=1)

    ones8 = jnp.ones((CH, 8), _f32)
    zeros8 = jnp.zeros((CH, 8), _f32)
    degp = _sc_deg(idxc, ones8, zeros8, n_pad)

    hp1, dinv8 = _tc_l1(x, W1.T, degp)

    parts1 = _sc_agg(hp1, idxc, jnp.zeros((CH, hp1.shape[1]), _f32), n_pad, 0.87)
    z1, st1 = _tc_combine(parts1, hp1, dinv8, b1.reshape(1, -1))
    hp2 = _tc_bnmm(z1, st1, g1.reshape(1, -1), beta1.reshape(1, -1), W2.T, dinv8=dinv8)

    parts2 = _sc_agg(hp2, idxc, jnp.zeros((CH, hp2.shape[1]), _f32), n_pad, 0.74)
    z2, st2 = _tc_combine(parts2, hp2, dinv8, b2.reshape(1, -1))
    return _tc_bnmm(z2, st2, g2.reshape(1, -1), beta2.reshape(1, -1), Wfc.T, bias=bfc.reshape(1, -1))

# --- scband reference (transcript-rebuilt; emitter-appended) ---
"""Pipeline reference for scband-gcn-44452911513781 (READ-ONLY COPY).

The authoritative reference and input builder live on the scoring server;
editing this copy changes nothing except your own understanding.
"""

import jax, jax.numpy as jnp
import numpy as np


def _gcn_conv(x, edge_index, W, b):
    # PyG GCNConv default: add self-loops, symmetric deg^-1/2 A deg^-1/2 normalization,
    # linear transform, scatter-add aggregation, then bias.
    N = x.shape[0]
    src = edge_index[0]
    dst = edge_index[1]
    loop = jnp.arange(N, dtype=edge_index.dtype)
    src = jnp.concatenate([src, loop])
    dst = jnp.concatenate([dst, loop])
    ones = jnp.ones(src.shape[0], dtype=x.dtype)
    deg = jnp.zeros(N, dtype=x.dtype).at[dst].add(ones)
    dinv = jnp.where(deg > 0, deg ** -0.5, 0.0)
    norm = dinv[src] * dinv[dst]
    h = x @ W.T
    msg = jnp.take(h, src, axis=0) * norm[:, None]
    out = jnp.zeros((N, W.shape[0]), dtype=x.dtype).at[dst].add(msg)
    return out + b


def _batch_norm(x, gamma, beta, eps=1e-5):
    mean = jnp.mean(x, axis=0)
    var = jnp.var(x, axis=0)
    return (x - mean) / jnp.sqrt(var + eps) * gamma + beta


def setup_inputs(seed: int = 0):
    key = jax.random.key(seed)
    ks = jax.random.split(key, 6)
    N, D = 10000, 128
    E = 640000
    d1, d2, dout = 128, 64, 2
    x = jax.random.normal(ks[0], (N, D), dtype=jnp.float32)
    edge_index = jax.random.randint(ks[1], (2, E), 0, N, dtype=jnp.int32)
    W1 = jax.random.normal(ks[2], (d1, D), dtype=jnp.float32) * (1.0 / np.sqrt(D))
    b1 = jnp.zeros((d1,), dtype=jnp.float32)
    g1 = jnp.ones((d1,), dtype=jnp.float32)
    beta1 = jnp.zeros((d1,), dtype=jnp.float32)
    W2 = jax.random.normal(ks[3], (d2, d1), dtype=jnp.float32) * (1.0 / np.sqrt(d1))
    b2 = jnp.zeros((d2,), dtype=jnp.float32)
    g2 = jnp.ones((d2,), dtype=jnp.float32)
    beta2 = jnp.zeros((d2,), dtype=jnp.float32)
    Wfc = jax.random.normal(ks[4], (dout, d2), dtype=jnp.float32) * (1.0 / np.sqrt(d2))
    bfc = jnp.zeros((dout,), dtype=jnp.float32)
    return {"x": x, "edge_index": edge_index, "W1": W1, "b1": b1, "g1": g1, "beta1": beta1,
            "W2": W2, "b2": b2, "g2": g2, "beta2": beta2, "Wfc": Wfc, "bfc": bfc}


def reference(x, edge_index, W1, b1, g1, beta1, W2, b2, g2, beta2, Wfc, bfc):
    h = _gcn_conv(x, edge_index, W1, b1)
    h = jax.nn.relu(_batch_norm(h, g1, beta1))
    # dropout is identity in eval mode
    h = _gcn_conv(h, edge_index, W2, b2)
    h = jax.nn.relu(_batch_norm(h, g2, beta2))
    return h @ Wfc.T + bfc

if __name__ == "__main__":
    import jax
    _d = setup_inputs()
    print(jax.jit(kernel)(*tuple(_d.values())))

</pallas_src>

<mosaic_0001>
#map = affine_map<(d0, d1) -> (0, 0)>
#map1 = affine_map<(d0, d1) -> (0, 0, 0)>
module attributes {stable_mosaic.version = 14 : i64} {
  func.func @body(%arg0: i32, %arg1: i32, %arg2: memref<10000x128xf32, #tpu.memory_space<hbm>>, %arg3: memref<5056x2x128xi32, #tpu.memory_space<hbm>>, %arg4: memref<128x128xf32, #tpu.memory_space<hbm>>, %arg5: memref<2x10240x128xf32, #tpu.memory_space<hbm>>, %arg6: memref<2x128xi32, #tpu.memory_space<vmem>>, %arg7: memref<2x128xi32, #tpu.memory_space<vmem>>, %arg8: memref<128x128xf32, #tpu.memory_space<vmem>>, %arg9: memref<128x128xf32, #tpu.memory_space<vmem>>, %arg10: memref<!tpu.dma_semaphore, #tpu.memory_space<semaphore_mem>>, %arg11: memref<!tpu.dma_semaphore, #tpu.memory_space<semaphore_mem>>, %arg12: memref<10240x128xf32, #tpu.memory_space<vmem_shared>>) attributes {dimension_semantics = [#tpu.dimension_semantics<core_parallel>, #tpu.dimension_semantics<subcore_parallel>], iteration_bounds = array<i64: 2, 16>, scalar_prefetch = 0 : i64, scratch_operands = 7 : i64, tpu.core_type = #tpu.core_type<sc_vector_subcore>, window_params = [{transform_indices = #map}, {transform_indices = #map1}, {transform_indices = #map}, {transform_indices = #map1}]} {
    %mul3A = arith.constant 640 : i32
    %mul3A_0 = arith.muli %arg1, %mul3A : i32
    "tpu.region"() ({
      %run_scoped3A = tpu.sem_alloc : memref<!tpu.dma_semaphore, #tpu.memory_space<semaphore_mem>>
      tpu.enqueue_dma source(%arg4 : memref<128x128xf32, #tpu.memory_space<hbm>>) target(%arg8 : memref<128x128xf32, #tpu.memory_space<vmem>>) target_semaphore(%run_scoped3A : memref<!tpu.dma_semaphore, #tpu.memory_space<semaphore_mem>>)
      tpu.wait_dma2 semaphore(%run_scoped3A : memref<!tpu.dma_semaphore, #tpu.memory_space<semaphore_mem>>) src(%arg4 : memref<128x128xf32, #tpu.memory_space<hbm>>) dst(%arg8 : memref<128x128xf32, #tpu.memory_space<vmem>>)
      tpu.yield
    }) : () -> ()
    %add3A = arith.constant 0 : i32
    %add3A_1 = arith.addi %mul3A_0, %add3A : i32
    "tpu.region"() ({
      %run_scoped3A = tpu.sem_alloc : memref<!tpu.dma_semaphore, #tpu.memory_space<semaphore_mem>>
      %dma_start3A = arith.constant 0 : i32
      %dma_start3A_29 = tpu.memref_slice %arg12[%add3A_1, %dma_start3A] : memref<10240x128xf32, #tpu.memory_space<vmem_shared>> -> memref<128x128xf32, #tpu.memory_space<vmem_shared>>
      %dma_start3A_30 = arith.constant 0 : i32
      %dma_start3A_31 = tpu.memref_slice %arg12[%add3A_1, %dma_start3A_30] : memref<10240x128xf32, #tpu.memory_space<vmem_shared>> -> memref<128x128xf32, #tpu.memory_space<vmem_shared>>
      tpu.enqueue_dma source(%arg8 : memref<128x128xf32, #tpu.memory_space<vmem>>) target(%dma_start3A_31 : memref<128x128xf32, #tpu.memory_space<vmem_shared>>) target_semaphore(%run_scoped3A : memref<!tpu.dma_semaphore, #tpu.memory_space<semaphore_mem>>)
      %dma_wait3A = arith.constant 0 : i32
      %dma_wait3A_32 = tpu.memref_slice %arg12[%add3A_1, %dma_wait3A] : memref<10240x128xf32, #tpu.memory_space<vmem_shared>> -> memref<128x128xf32, #tpu.memory_space<vmem_shared>>
      %dma_wait3A_33 = arith.constant 0 : i32
      %dma_wait3A_34 = tpu.memref_slice %arg12[%add3A_1, %dma_wait3A_33] : memref<10240x128xf32, #tpu.memory_space<vmem_shared>> -> memref<128x128xf32, #tpu.memory_space<vmem_shared>>
      tpu.wait_dma2 semaphore(%run_scoped3A : memref<!tpu.dma_semaphore, #tpu.memory_space<semaphore_mem>>) src(%arg8 : memref<128x128xf32, #tpu.memory_space<vmem>>) dst(%dma_wait3A_34 : memref<128x128xf32, #tpu.memory_space<vmem_shared>>)
      tpu.yield
    }) : () -> ()
    %add3A_2 = arith.constant 128 : i32
    %add3A_3 = arith.addi %mul3A_0, %add3A_2 : i32
    "tpu.region"() ({
      %run_scoped3A = tpu.sem_alloc : memref<!tpu.dma_semaphore, #tpu.memory_space<semaphore_mem>>
      %dma_start3A = arith.constant 0 : i32
      %dma_start3A_29 = tpu.memref_slice %arg12[%add3A_3, %dma_start3A] : memref<10240x128xf32, #tpu.memory_space<vmem_shared>> -> memref<128x128xf32, #tpu.memory_space<vmem_shared>>
      %dma_start3A_30 = arith.constant 0 : i32
      %dma_start3A_31 = tpu.memref_slice %arg12[%add3A_3, %dma_start3A_30] : memref<10240x128xf32, #tpu.memory_space<vmem_shared>> -> memref<128x128xf32, #tpu.memory_space<vmem_shared>>
      tpu.enqueue_dma source(%arg8 : memref<128x128xf32, #tpu.memory_space<vmem>>) target(%dma_start3A_31 : memref<128x128xf32, #tpu.memory_space<vmem_shared>>) target_semaphore(%run_scoped3A : memref<!tpu.dma_semaphore, #tpu.memory_space<semaphore_mem>>)
      %dma_wait3A = arith.constant 0 : i32
      %dma_wait3A_32 = tpu.memref_slice %arg12[%add3A_3, %dma_wait3A] : memref<10240x128xf32, #tpu.memory_space<vmem_shared>> -> memref<128x128xf32, #tpu.memory_space<vmem_shared>>
      %dma_wait3A_33 = arith.constant 0 : i32
      %dma_wait3A_34 = tpu.memref_slice %arg12[%add3A_3, %dma_wait3A_33] : memref<10240x128xf32, #tpu.memory_space<vmem_shared>> -> memref<128x128xf32, #tpu.memory_space<vmem_shared>>
      tpu.wait_dma2 semaphore(%run_scoped3A : memref<!tpu.dma_semaphore, #tpu.memory_space<semaphore_mem>>) src(%arg8 : memref<128x128xf32, #tpu.memory_space<vmem>>) dst(%dma_wait3A_34 : memref<128x128xf32, #tpu.memory_space<vmem_shared>>)
      tpu.yield
    }) : () -> ()
    %add3A_4 = arith.constant 256 : i32
    %add3A_5 = arith.addi %mul3A_0, %add3A_4 : i32
    "tpu.region"() ({
      %run_scoped3A = tpu.sem_alloc : memref<!tpu.dma_semaphore, #tpu.memory_space<semaphore_mem>>
      %dma_start3A = arith.constant 0 : i32
      %dma_start3A_29 = tpu.memref_slice %arg12[%add3A_5, %dma_start3A] : memref<10240x128xf32, #tpu.memory_space<vmem_shared>> -> memref<128x128xf32, #tpu.memory_space<vmem_shared>>
      %dma_start3A_30 = arith.constant 0 : i32
      %dma_start3A_31 = tpu.memref_slice %arg12[%add3A_5, %dma_start3A_30] : memref<10240x128xf32, #tpu.memory_space<vmem_shared>> -> memref<128x128xf32, #tpu.memory_space<vmem_shared>>
      tpu.enqueue_dma source(%arg8 : memref<128x128xf32, #tpu.memory_space<vmem>>) target(%dma_start3A_31 : memref<128x128xf32, #tpu.memory_space<vmem_shared>>) target_semaphore(%run_scoped3A : memref<!tpu.dma_semaphore, #tpu.memory_space<semaphore_mem>>)
      %dma_wait3A = arith.constant 0 : i32
      %dma_wait3A_32 = tpu.memref_slice %arg12[%add3A_5, %dma_wait3A] : memref<10240x128xf32, #tpu.memory_space<vmem_shared>> -> memref<128x128xf32, #tpu.memory_space<vmem_shared>>
      %dma_wait3A_33 = arith.constant 0 : i32
      %dma_wait3A_34 = tpu.memref_slice %arg12[%add3A_5, %dma_wait3A_33] : memref<10240x128xf32, #tpu.memory_space<vmem_shared>> -> memref<128x128xf32, #tpu.memory_space<vmem_shared>>
      tpu.wait_dma2 semaphore(%run_scoped3A : memref<!tpu.dma_semaphore, #tpu.memory_space<semaphore_mem>>) src(%arg8 : memref<128x128xf32, #tpu.memory_space<vmem>>) dst(%dma_wait3A_34 : memref<128x128xf32, #tpu.memory_space<vmem_shared>>)
      tpu.yield
    }) : () -> ()
    %add3A_6 = arith.constant 384 : i32
    %add3A_7 = arith.addi %mul3A_0, %add3A_6 : i32
    "tpu.region"() ({
      %run_scoped3A = tpu.sem_alloc : memref<!tpu.dma_semaphore, #tpu.memory_space<semaphore_mem>>
      %dma_start3A = arith.constant 0 : i32
      %dma_start3A_29 = tpu.memref_slice %arg12[%add3A_7, %dma_start3A] : memref<10240x128xf32, #tpu.memory_space<vmem_shared>> -> memref<128x128xf32, #tpu.memory_space<vmem_shared>>
      %dma_start3A_30 = arith.constant 0 : i32
      %dma_start3A_31 = tpu.memref_slice %arg12[%add3A_7, %dma_start3A_30] : memref<10240x128xf32, #tpu.memory_space<vmem_shared>> -> memref<128x128xf32, #tpu.memory_space<vmem_shared>>
      tpu.enqueue_dma source(%arg8 : memref<128x128xf32, #tpu.memory_space<vmem>>) target(%dma_start3A_31 : memref<128x128xf32, #tpu.memory_space<vmem_shared>>) target_semaphore(%run_scoped3A : memref<!tpu.dma_semaphore, #tpu.memory_space<semaphore_mem>>)
      %dma_wait3A = arith.constant 0 : i32
      %dma_wait3A_32 = tpu.memref_slice %arg12[%add3A_7, %dma_wait3A] : memref<10240x128xf32, #tpu.memory_space<vmem_shared>> -> memref<128x128xf32, #tpu.memory_space<vmem_shared>>
      %dma_wait3A_33 = arith.constant 0 : i32
      %dma_wait3A_34 = tpu.memref_slice %arg12[%add3A_7, %dma_wait3A_33] : memref<10240x128xf32, #tpu.memory_space<vmem_shared>> -> memref<128x128xf32, #tpu.memory_space<vmem_shared>>
      tpu.wait_dma2 semaphore(%run_scoped3A : memref<!tpu.dma_semaphore, #tpu.memory_space<semaphore_mem>>) src(%arg8 : memref<128x128xf32, #tpu.memory_space<vmem>>) dst(%dma_wait3A_34 : memref<128x128xf32, #tpu.memory_space<vmem_shared>>)
      tpu.yield
    }) : () -> ()
    %add3A_8 = arith.constant 512 : i32
    %add3A_9 = arith.addi %mul3A_0, %add3A_8 : i32
    "tpu.region"() ({
      %run_scoped3A = tpu.sem_alloc : memref<!tpu.dma_semaphore, #tpu.memory_space<semaphore_mem>>
      %dma_start3A = arith.constant 0 : i32
      %dma_start3A_29 = tpu.memref_slice %arg12[%add3A_9, %dma_start3A] : memref<10240x128xf32, #tpu.memory_space<vmem_shared>> -> memref<128x128xf32, #tpu.memory_space<vmem_shared>>
      %dma_start3A_30 = arith.constant 0 : i32
      %dma_start3A_31 = tpu.memref_slice %arg12[%add3A_9, %dma_start3A_30] : memref<10240x128xf32, #tpu.memory_space<vmem_shared>> -> memref<128x128xf32, #tpu.memory_space<vmem_shared>>
      tpu.enqueue_dma source(%arg8 : memref<128x128xf32, #tpu.memory_space<vmem>>) target(%dma_start3A_31 : memref<128x128xf32, #tpu.memory_space<vmem_shared>>) target_semaphore(%run_scoped3A : memref<!tpu.dma_semaphore, #tpu.memory_space<semaphore_mem>>)
      %dma_wait3A = arith.constant 0 : i32
      %dma_wait3A_32 = tpu.memref_slice %arg12[%add3A_9, %dma_wait3A] : memref<10240x128xf32, #tpu.memory_space<vmem_shared>> -> memref<128x128xf32, #tpu.memory_space<vmem_shared>>
      %dma_wait3A_33 = arith.constant 0 : i32
      %dma_wait3A_34 = tpu.memref_slice %arg12[%add3A_9, %dma_wait3A_33] : memref<10240x128xf32, #tpu.memory_space<vmem_shared>> -> memref<128x128xf32, #tpu.memory_space<vmem_shared>>
      tpu.wait_dma2 semaphore(%run_scoped3A : memref<!tpu.dma_semaphore, #tpu.memory_space<semaphore_mem>>) src(%arg8 : memref<128x128xf32, #tpu.memory_space<vmem>>) dst(%dma_wait3A_34 : memref<128x128xf32, #tpu.memory_space<vmem_shared>>)
      tpu.yield
    }) : () -> ()
    %barrier3A = arith.constant 0 : index
    tpu.barrier barrier_id(%barrier3A)
    %mul3A_10 = arith.constant 274 : i32
    %mul3A_11 = arith.muli %arg1, %mul3A_10 : i32
    %mul3A_12 = arith.constant 42 : i32
    %mul3A_13 = arith.muli %arg1, %mul3A_12 : i32
    %add3A_14 = arith.constant 4384 : i32
    %add3A_15 = arith.addi %add3A_14, %mul3A_13 : i32
    %eq3A = arith.constant 0 : i32
    %eq3A_16 = arith.cmpi eq, %arg0, %eq3A : i32
    %convert_element_type3A = arith.extui %eq3A_16 : i1 to i32
    %cond3A = arith.constant 0 : i32
    %cond3A_17 = arith.cmpi ne, %convert_element_type3A, %cond3A : i32
    scf.if %cond3A_17 {
      %add3A_29 = arith.constant 0 : i32
      %add3A_30 = arith.addi %mul3A_11, %add3A_29 : i32
      "tpu.region"() ({
        %run_scoped3A_65 = tpu.sem_alloc : memref<!tpu.dma_semaphore, #tpu.memory_space<semaphore_mem>>
        %dma_start3A_66 = arith.constant 0 : i32
        %dma_start3A_67 = arith.constant 0 : i32
        %dma_start3A_68 = tpu.memref_slice %arg3[%add3A_30, %dma_start3A_66, %dma_start3A_67] : memref<5056x2x128xi32, #tpu.memory_space<hbm>> -> memref<1x2x128xi32, #tpu.memory_space<hbm>>
        %dma_start3A_69 = tpu.memref_squeeze %dma_start3A_68 : memref<1x2x128xi32, #tpu.memory_space<hbm>> -> memref<2x128xi32, #tpu.memory_space<hbm>>
        %dma_start3A_70 = arith.constant 0 : i32
        %dma_start3A_71 = arith.constant 0 : i32
        %dma_start3A_72 = tpu.memref_slice %arg3[%add3A_30, %dma_start3A_70, %dma_start3A_71] : memref<5056x2x128xi32, #tpu.memory_space<hbm>> -> memref<1x2x128xi32, #tpu.memory_space<hbm>>
        %dma_start3A_73 = tpu.memref_squeeze %dma_start3A_72 : memref<1x2x128xi32, #tpu.memory_space<hbm>> -> memref<2x128xi32, #tpu.memory_space<hbm>>
        tpu.enqueue_dma source(%dma_start3A_73 : memref<2x128xi32, #tpu.memory_space<hbm>>) target(%arg6 : memref<2x128xi32, #tpu.memory_space<vmem>>) target_semaphore(%run_scoped3A_65 : memref<!tpu.dma_semaphore, #tpu.memory_space<semaphore_mem>>)
        %dma_wait3A_74 = arith.constant 0 : i32
        %dma_wait3A_75 = arith.constant 0 : i32
        %dma_wait3A_76 = tpu.memref_slice %arg3[%add3A_30, %dma_wait3A_74, %dma_wait3A_75] : memref<5056x2x128xi32, #tpu.memory_space<hbm>> -> memref<1x2x128xi32, #tpu.memory_space<hbm>>
        %dma_wait3A_77 = tpu.memref_squeeze %dma_wait3A_76 : memref<1x2x128xi32, #tpu.memory_space<hbm>> -> memref<2x128xi32, #tpu.memory_space<hbm>>
        %dma_wait3A_78 = arith.constant 0 : i32
        %dma_wait3A_79 = arith.constant 0 : i32
        %dma_wait3A_80 = tpu.memref_slice %arg3[%add3A_30, %dma_wait3A_78, %dma_wait3A_79] : memref<5056x2x128xi32, #tpu.memory_space<hbm>> -> memref<1x2x128xi32, #tpu.memory_space<hbm>>
        %dma_wait3A_81 = tpu.memref_squeeze %dma_wait3A_80 : memref<1x2x128xi32, #tpu.memory_space<hbm>> -> memref<2x128xi32, #tpu.memory_space<hbm>>
        tpu.wait_dma2 semaphore(%run_scoped3A_65 : memref<!tpu.dma_semaphore, #tpu.memory_space<semaphore_mem>>) src(%dma_wait3A_81 : memref<2x128xi32, #tpu.memory_space<hbm>>) dst(%arg6 : memref<2x128xi32, #tpu.memory_space<vmem>>)
        tpu.yield
      }) : () -> ()
      %dma_start3A = arith.constant 0 : i32
      %dma_start3A_31 = arith.constant 0 : i32
      %dma_start3A_32 = tpu.memref_slice %arg6[%dma_start3A, %dma_start3A_31] : memref<2x128xi32, #tpu.memory_space<vmem>> -> memref<1x128xi32, #tpu.memory_space<vmem>>
      %dma_start3A_33 = tpu.memref_squeeze %dma_start3A_32 : memref<1x128xi32, #tpu.memory_space<vmem>> -> memref<128xi32, #tpu.memory_space<vmem>>
      %dma_start3A_34 = arith.constant 0 : i32
      %dma_start3A_35 = arith.constant 0 : i32
      %dma_start3A_36 = tpu.memref_slice %arg2[%dma_start3A_34, %dma_start3A_35] : memref<10000x128xf32, #tpu.memory_space<hbm>> -> memref<10000x128xf32, #tpu.memory_space<hbm>>
      tpu.enqueue_indirect_dma source(%dma_start3A_36 : memref<10000x128xf32, #tpu.memory_space<hbm>>) target(%arg8 : memref<128x128xf32, #tpu.memory_space<vmem>>) offsets(%dma_start3A_33 : memref<128xi32, #tpu.memory_space<vmem>>) semaphore(%arg10 : memref<!tpu.dma_semaphore, #tpu.memory_space<semaphore_mem>>)
      %scan3A = arith.constant 0 : i32
      %scan3A_37 = arith.constant 0 : i32
      %scan3A_38 = arith.constant 136 : i32
      %scan3A_39 = arith.addi %scan3A_37, %scan3A_38 : i32
      %scan3A_40 = arith.constant 1 : i32
      scf.for %scan3A_65 = %scan3A_37 to %scan3A_39 step %scan3A_40  : i32 {
        %mul3A_66 = arith.constant 2 : i32
        %mul3A_67 = arith.muli %scan3A_65, %mul3A_66 : i32
        %add3A_68 = arith.constant 1 : i32
        %add3A_69 = arith.addi %mul3A_67, %add3A_68 : i32
        %add3A_70 = arith.addi %mul3A_11, %add3A_69 : i32
        "tpu.region"() ({
          %run_scoped3A_104 = tpu.sem_alloc : memref<!tpu.dma_semaphore, #tpu.memory_space<semaphore_mem>>
          %dma_start3A_105 = arith.constant 0 : i32
          %dma_start3A_106 = arith.constant 0 : i32
          %dma_start3A_107 = tpu.memref_slice %arg3[%add3A_70, %dma_start3A_105, %dma_start3A_106] : memref<5056x2x128xi32, #tpu.memory_space<hbm>> -> memref<1x2x128xi32, #tpu.memory_space<hbm>>
          %dma_start3A_108 = tpu.memref_squeeze %dma_start3A_107 : memref<1x2x128xi32, #tpu.memory_space<hbm>> -> memref<2x128xi32, #tpu.memory_space<hbm>>
          %dma_start3A_109 = arith.constant 0 : i32
          %dma_start3A_110 = arith.constant 0 : i32
          %dma_start3A_111 = tpu.memref_slice %arg3[%add3A_70, %dma_start3A_109, %dma_start3A_110] : memref<5056x2x128xi32, #tpu.memory_space<hbm>> -> memref<1x2x128xi32, #tpu.memory_space<hbm>>
          %dma_start3A_112 = tpu.memref_squeeze %dma_start3A_111 : memref<1x2x128xi32, #tpu.memory_space<hbm>> -> memref<2x128xi32, #tpu.memory_space<hbm>>
          tpu.enqueue_dma source(%dma_start3A_112 : memref<2x128xi32, #tpu.memory_space<hbm>>) target(%arg7 : memref<2x128xi32, #tpu.memory_space<vmem>>) target_semaphore(%run_scoped3A_104 : memref<!tpu.dma_semaphore, #tpu.memory_space<semaphore_mem>>)
          %dma_wait3A_113 = arith.constant 0 : i32
          %dma_wait3A_114 = arith.constant 0 : i32
          %dma_wait3A_115 = tpu.memref_slice %arg3[%add3A_70, %dma_wait3A_113, %dma_wait3A_114] : memref<5056x2x128xi32, #tpu.memory_space<hbm>> -> memref<1x2x128xi32, #tpu.memory_space<hbm>>
          %dma_wait3A_116 = tpu.memref_squeeze %dma_wait3A_115 : memref<1x2x128xi32, #tpu.memory_space<hbm>> -> memref<2x128xi32, #tpu.memory_space<hbm>>
          %dma_wait3A_117 = arith.constant 0 : i32
          %dma_wait3A_118 = arith.constant 0 : i32
          %dma_wait3A_119 = tpu.memref_slice %arg3[%add3A_70, %dma_wait3A_117, %dma_wait3A_118] : memref<5056x2x128xi32, #tpu.memory_space<hbm>> -> memref<1x2x128xi32, #tpu.memory_space<hbm>>
          %dma_wait3A_120 = tpu.memref_squeeze %dma_wait3A_119 : memref<1x2x128xi32, #tpu.memory_space<hbm>> -> memref<2x128xi32, #tpu.memory_space<hbm>>
          tpu.wait_dma2 semaphore(%run_scoped3A_104 : memref<!tpu.dma_semaphore, #tpu.memory_space<semaphore_mem>>) src(%dma_wait3A_120 : memref<2x128xi32, #tpu.memory_space<hbm>>) dst(%arg7 : memref<2x128xi32, #tpu.memory_space<vmem>>)
          tpu.yield
        }) : () -> ()
        %dma_start3A_71 = arith.constant 0 : i32
        %dma_start3A_72 = arith.constant 0 : i32
        %dma_start3A_73 = tpu.memref_slice %arg7[%dma_start3A_71, %dma_start3A_72] : memref<2x128xi32, #tpu.memory_space<vmem>> -> memref<1x128xi32, #tpu.memory_space<vmem>>
        %dma_start3A_74 = tpu.memref_squeeze %dma_start3A_73 : memref<1x128xi32, #tpu.memory_space<vmem>> -> memref<128xi32, #tpu.memory_space<vmem>>
        %dma_start3A_75 = arith.constant 0 : i32
        %dma_start3A_76 = arith.constant 0 : i32
        %dma_start3A_77 = tpu.memref_slice %arg2[%dma_start3A_75, %dma_start3A_76] : memref<10000x128xf32, #tpu.memory_space<hbm>> -> memref<10000x128xf32, #tpu.memory_space<hbm>>
        tpu.enqueue_indirect_dma source(%dma_start3A_77 : memref<10000x128xf32, #tpu.memory_space<hbm>>) target(%arg9 : memref<128x128xf32, #tpu.memory_space<vmem>>) offsets(%dma_start3A_74 : memref<128xi32, #tpu.memory_space<vmem>>) semaphore(%arg11 : memref<!tpu.dma_semaphore, #tpu.memory_space<semaphore_mem>>)
        %dma_wait3A_78 = arith.constant 0 : i32
        %dma_wait3A_79 = arith.constant 0 : i32
        %dma_wait3A_80 = tpu.memref_slice %arg6[%dma_wait3A_78, %dma_wait3A_79] : memref<2x128xi32, #tpu.memory_space<vmem>> -> memref<1x128xi32, #tpu.memory_space<vmem>>
        %dma_wait3A_81 = tpu.memref_squeeze %dma_wait3A_80 : memref<1x128xi32, #tpu.memory_space<vmem>> -> memref<128xi32, #tpu.memory_space<vmem>>
        %dma_wait3A_82 = arith.constant 0 : i32
        %dma_wait3A_83 = arith.constant 0 : i32
        %dma_wait3A_84 = tpu.memref_slice %arg2[%dma_wait3A_82, %dma_wait3A_83] : memref<10000x128xf32, #tpu.memory_space<hbm>> -> memref<10000x128xf32, #tpu.memory_space<hbm>>
        tpu.wait_indirect_dma semaphore(%arg10 : memref<!tpu.dma_semaphore, #tpu.memory_space<semaphore_mem>>) src(%dma_wait3A_84 : memref<10000x128xf32, #tpu.memory_space<hbm>>) dst(%arg8 : memref<128x128xf32, #tpu.memory_space<vmem>>)
        %run_scoped3A_85 = arith.constant 1 : i32
        "tpu.region"() ({
          %run_scoped3A_104 = tpu.sem_alloc : memref<!tpu.dma_semaphore, #tpu.memory_space<semaphore_mem>>
          %dma_start3A_105 = arith.constant 0 : i32
          %dma_start3A_106 = tpu.memref_slice %arg6[%run_scoped3A_85, %dma_start3A_105] : memref<2x128xi32, #tpu.memory_space<vmem>> -> memref<1x128xi32, #tpu.memory_space<vmem>>
          %dma_start3A_107 = tpu.memref_squeeze %dma_start3A_106 : memref<1x128xi32, #tpu.memory_space<vmem>> -> memref<128xi32, #tpu.memory_space<vmem>>
          %dma_start3A_108 = arith.constant 0 : i32
          %dma_start3A_109 = arith.constant 0 : i32
          %dma_start3A_110 = tpu.memref_slice %arg12[%dma_start3A_108, %dma_start3A_109] : memref<10240x128xf32, #tpu.memory_space<vmem_shared>> -> memref<10240x128xf32, #tpu.memory_space<vmem_shared>>
          tpu.enqueue_indirect_dma source(%arg8 : memref<128x128xf32, #tpu.memory_space<vmem>>) target(%dma_start3A_110 : memref<10240x128xf32, #tpu.memory_space<vmem_shared>>) offsets(%dma_start3A_107 : memref<128xi32, #tpu.memory_space<vmem>>) semaphore(%run_scoped3A_104 : memref<!tpu.dma_semaphore, #tpu.memory_space<semaphore_mem>>) {add = true}
          %dma_wait3A_111 = arith.constant 0 : i32
          %dma_wait3A_112 = tpu.memref_slice %arg6[%run_scoped3A_85, %dma_wait3A_111] : memref<2x128xi32, #tpu.memory_space<vmem>> -> memref<1x128xi32, #tpu.memory_space<vmem>>
          %dma_wait3A_113 = tpu.memref_squeeze %dma_wait3A_112 : memref<1x128xi32, #tpu.memory_space<vmem>> -> memref<128xi32, #tpu.memory_space<vmem>>
          %dma_wait3A_114 = arith.constant 0 : i32
          %dma_wait3A_115 = arith.constant 0 : i32
          %dma_wait3A_116 = tpu.memref_slice %arg12[%dma_wait3A_114, %dma_wait3A_115] : memref<10240x128xf32, #tpu.memory_space<vmem_shared>> -> memref<10240x128xf32, #tpu.memory_space<vmem_shared>>
          tpu.wait_indirect_dma semaphore(%run_scoped3A_104 : memref<!tpu.dma_semaphore, #tpu.memory_space<semaphore_mem>>) src(%arg8 : memref<128x128xf32, #tpu.memory_space<vmem>>) dst(%dma_wait3A_116 : memref<10240x128xf32, #tpu.memory_space<vmem_shared>>)
          tpu.yield
        }) : () -> ()
        %add3A_86 = arith.constant 2 : i32
        %add3A_87 = arith.addi %mul3A_67, %add3A_86 : i32
        %add3A_88 = arith.addi %mul3A_11, %add3A_87 : i32
        "tpu.region"() ({
          %run_scoped3A_104 = tpu.sem_alloc : memref<!tpu.dma_semaphore, #tpu.memory_space<semaphore_mem>>
          %dma_start3A_105 = arith.constant 0 : i32
          %dma_start3A_106 = arith.constant 0 : i32
          %dma_start3A_107 = tpu.memref_slice %arg3[%add3A_88, %dma_start3A_105, %dma_start3A_106] : memref<5056x2x128xi32, #tpu.memory_space<hbm>> -> memref<1x2x128xi32, #tpu.memory_space<hbm>>
          %dma_start3A_108 = tpu.memref_squeeze %dma_start3A_107 : memref<1x2x128xi32, #tpu.memory_space<hbm>> -> memref<2x128xi32, #tpu.memory_space<hbm>>
          %dma_start3A_109 = arith.constant 0 : i32
          %dma_start3A_110 = arith.constant 0 : i32
          %dma_start3A_111 = tpu.memref_slice %arg3[%add3A_88, %dma_start3A_109, %dma_start3A_110] : memref<5056x2x128xi32, #tpu.memory_space<hbm>> -> memref<1x2x128xi32, #tpu.memory_space<hbm>>
          %dma_start3A_112 = tpu.memref_squeeze %dma_start3A_111 : memref<1x2x128xi32, #tpu.memory_space<hbm>> -> memref<2x128xi32, #tpu.memory_space<hbm>>
          tpu.enqueue_dma source(%dma_start3A_112 : memref<2x128xi32, #tpu.memory_space<hbm>>) target(%arg6 : memref<2x128xi32, #tpu.memory_space<vmem>>) target_semaphore(%run_scoped3A_104 : memref<!tpu.dma_semaphore, #tpu.memory_space<semaphore_mem>>)
          %dma_wait3A_113 = arith.constant 0 : i32
          %dma_wait3A_114 = arith.constant 0 : i32
          %dma_wait3A_115 = tpu.memref_slice %arg3[%add3A_88, %dma_wait3A_113, %dma_wait3A_114] : memref<5056x2x128xi32, #tpu.memory_space<hbm>> -> memref<1x2x128xi32, #tpu.memory_space<hbm>>
          %dma_wait3A_116 = tpu.memref_squeeze %dma_wait3A_115 : memref<1x2x128xi32, #tpu.memory_space<hbm>> -> memref<2x128xi32, #tpu.memory_space<hbm>>
          %dma_wait3A_117 = arith.constant 0 : i32
          %dma_wait3A_118 = arith.constant 0 : i32
          %dma_wait3A_119 = tpu.memref_slice %arg3[%add3A_88, %dma_wait3A_117, %dma_wait3A_118] : memref<5056x2x128xi32, #tpu.memory_space<hbm>> -> memref<1x2x128xi32, #tpu.memory_space<hbm>>
          %dma_wait3A_120 = tpu.memref_squeeze %dma_wait3A_119 : memref<1x2x128xi32, #tpu.memory_space<hbm>> -> memref<2x128xi32, #tpu.memory_space<hbm>>
          tpu.wait_dma2 semaphore(%run_scoped3A_104 : memref<!tpu.dma_semaphore, #tpu.memory_space<semaphore_mem>>) src(%dma_wait3A_120 : memref<2x128xi32, #tpu.memory_space<hbm>>) dst(%arg6 : memref<2x128xi32, #tpu.memory_space<vmem>>)
          tpu.yield
        }) : () -> ()
        %dma_start3A_89 = arith.constant 0 : i32
        %dma_start3A_90 = arith.constant 0 : i32
        %dma_start3A_91 = tpu.memref_slice %arg6[%dma_start3A_89, %dma_start3A_90] : memref<2x128xi32, #tpu.memory_space<vmem>> -> memref<1x128xi32, #tpu.memory_space<vmem>>
        %dma_start3A_92 = tpu.memref_squeeze %dma_start3A_91 : memref<1x128xi32, #tpu.memory_space<vmem>> -> memref<128xi32, #tpu.memory_space<vmem>>
        %dma_start3A_93 = arith.constant 0 : i32
        %dma_start3A_94 = arith.constant 0 : i32
        %dma_start3A_95 = tpu.memref_slice %arg2[%dma_start3A_93, %dma_start3A_94] : memref<10000x128xf32, #tpu.memory_space<hbm>> -> memref<10000x128xf32, #tpu.memory_space<hbm>>
        tpu.enqueue_indirect_dma source(%dma_start3A_95 : memref<10000x128xf32, #tpu.memory_space<hbm>>) target(%arg8 : memref<128x128xf32, #tpu.memory_space<vmem>>) offsets(%dma_start3A_92 : memref<128xi32, #tpu.memory_space<vmem>>) semaphore(%arg10 : memref<!tpu.dma_semaphore, #tpu.memory_space<semaphore_mem>>)
        %dma_wait3A_96 = arith.constant 0 : i32
        %dma_wait3A_97 = arith.constant 0 : i32
        %dma_wait3A_98 = tpu.memref_slice %arg7[%dma_wait3A_96, %dma_wait3A_97] : memref<2x128xi32, #tpu.memory_space<vmem>> -> memref<1x128xi32, #tpu.memory_space<vmem>>
        %dma_wait3A_99 = tpu.memref_squeeze %dma_wait3A_98 : memref<1x128xi32, #tpu.memory_space<vmem>> -> memref<128xi32, #tpu.memory_space<vmem>>
        %dma_wait3A_100 = arith.constant 0 : i32
        %dma_wait3A_101 = arith.constant 0 : i32
        %dma_wait3A_102 = tpu.memref_slice %arg2[%dma_wait3A_100, %dma_wait3A_101] : memref<10000x128xf32, #tpu.memory_space<hbm>> -> memref<10000x128xf32, #tpu.memory_space<hbm>>
        tpu.wait_indirect_dma semaphore(%arg11 : memref<!tpu.dma_semaphore, #tpu.memory_space<semaphore_mem>>) src(%dma_wait3A_102 : memref<10000x128xf32, #tpu.memory_space<hbm>>) dst(%arg9 : memref<128x128xf32, #tpu.memory_space<vmem>>)
        %run_scoped3A_103 = arith.constant 1 : i32
        "tpu.region"() ({
          %run_scoped3A_104 = tpu.sem_alloc : memref<!tpu.dma_semaphore, #tpu.memory_space<semaphore_mem>>
          %dma_start3A_105 = arith.constant 0 : i32
          %dma_start3A_106 = tpu.memref_slice %arg7[%run_scoped3A_103, %dma_start3A_105] : memref<2x128xi32, #tpu.memory_space<vmem>> -> memref<1x128xi32, #tpu.memory_space<vmem>>
          %dma_start3A_107 = tpu.memref_squeeze %dma_start3A_106 : memref<1x128xi32, #tpu.memory_space<vmem>> -> memref<128xi32, #tpu.memory_space<vmem>>
          %dma_start3A_108 = arith.constant 0 : i32
          %dma_start3A_109 = arith.constant 0 : i32
          %dma_start3A_110 = tpu.memref_slice %arg12[%dma_start3A_108, %dma_start3A_109] : memref<10240x128xf32, #tpu.memory_space<vmem_shared>> -> memref<10240x128xf32, #tpu.memory_space<vmem_shared>>
          tpu.enqueue_indirect_dma source(%arg9 : memref<128x128xf32, #tpu.memory_space<vmem>>) target(%dma_start3A_110 : memref<10240x128xf32, #tpu.memory_space<vmem_shared>>) offsets(%dma_start3A_107 : memref<128xi32, #tpu.memory_space<vmem>>) semaphore(%run_scoped3A_104 : memref<!tpu.dma_semaphore, #tpu.memory_space<semaphore_mem>>) {add = true}
          %dma_wait3A_111 = arith.constant 0 : i32
          %dma_wait3A_112 = tpu.memref_slice %arg7[%run_scoped3A_103, %dma_wait3A_111] : memref<2x128xi32, #tpu.memory_space<vmem>> -> memref<1x128xi32, #tpu.memory_space<vmem>>
          %dma_wait3A_113 = tpu.memref_squeeze %dma_wait3A_112 : memref<1x128xi32, #tpu.memory_space<vmem>> -> memref<128xi32, #tpu.memory_space<vmem>>
          %dma_wait3A_114 = arith.constant 0 : i32
          %dma_wait3A_115 = arith.constant 0 : i32
          %dma_wait3A_116 = tpu.memref_slice %arg12[%dma_wait3A_114, %dma_wait3A_115] : memref<10240x128xf32, #tpu.memory_space<vmem_shared>> -> memref<10240x128xf32, #tpu.memory_space<vmem_shared>>
          tpu.wait_indirect_dma semaphore(%run_scoped3A_104 : memref<!tpu.dma_semaphore, #tpu.memory_space<semaphore_mem>>) src(%arg9 : memref<128x128xf32, #tpu.memory_space<vmem>>) dst(%dma_wait3A_116 : memref<10240x128xf32, #tpu.memory_space<vmem_shared>>)
          tpu.yield
        }) : () -> ()
      }
      %scan3A_41 = arith.constant 136 : i32
      %add3A_42 = arith.constant 273 : i32
      %add3A_43 = arith.addi %mul3A_11, %add3A_42 : i32
      "tpu.region"() ({
        %run_scoped3A_65 = tpu.sem_alloc : memref<!tpu.dma_semaphore, #tpu.memory_space<semaphore_mem>>
        %dma_start3A_66 = arith.constant 0 : i32
        %dma_start3A_67 = arith.constant 0 : i32
        %dma_start3A_68 = tpu.memref_slice %arg3[%add3A_43, %dma_start3A_66, %dma_start3A_67] : memref<5056x2x128xi32, #tpu.memory_space<hbm>> -> memref<1x2x128xi32, #tpu.memory_space<hbm>>
        %dma_start3A_69 = tpu.memref_squeeze %dma_start3A_68 : memref<1x2x128xi32, #tpu.memory_space<hbm>> -> memref<2x128xi32, #tpu.memory_space<hbm>>
        %dma_start3A_70 = arith.constant 0 : i32
        %dma_start3A_71 = arith.constant 0 : i32
        %dma_start3A_72 = tpu.memref_slice %arg3[%add3A_43, %dma_start3A_70, %dma_start3A_71] : memref<5056x2x128xi32, #tpu.memory_space<hbm>> -> memref<1x2x128xi32, #tpu.memory_space<hbm>>
        %dma_start3A_73 = tpu.memref_squeeze %dma_start3A_72 : memref<1x2x128xi32, #tpu.memory_space<hbm>> -> memref<2x128xi32, #tpu.memory_space<hbm>>
        tpu.enqueue_dma source(%dma_start3A_73 : memref<2x128xi32, #tpu.memory_space<hbm>>) target(%arg7 : memref<2x128xi32, #tpu.memory_space<vmem>>) target_semaphore(%run_scoped3A_65 : memref<!tpu.dma_semaphore, #tpu.memory_space<semaphore_mem>>)
        %dma_wait3A_74 = arith.constant 0 : i32
        %dma_wait3A_75 = arith.constant 0 : i32
        %dma_wait3A_76 = tpu.memref_slice %arg3[%add3A_43, %dma_wait3A_74, %dma_wait3A_75] : memref<5056x2x128xi32, #tpu.memory_space<hbm>> -> memref<1x2x128xi32, #tpu.memory_space<hbm>>
        %dma_wait3A_77 = tpu.memref_squeeze %dma_wait3A_76 : memref<1x2x128xi32, #tpu.memory_space<hbm>> -> memref<2x128xi32, #tpu.memory_space<hbm>>
        %dma_wait3A_78 = arith.constant 0 : i32
        %dma_wait3A_79 = arith.constant 0 : i32
        %dma_wait3A_80 = tpu.memref_slice %arg3[%add3A_43, %dma_wait3A_78, %dma_wait3A_79] : memref<5056x2x128xi32, #tpu.memory_space<hbm>> -> memref<1x2x128xi32, #tpu.memory_space<hbm>>
        %dma_wait3A_81 = tpu.memref_squeeze %dma_wait3A_80 : memref<1x2x128xi32, #tpu.memory_space<hbm>> -> memref<2x128xi32, #tpu.memory_space<hbm>>
        tpu.wait_dma2 semaphore(%run_scoped3A_65 : memref<!tpu.dma_semaphore, #tpu.memory_space<semaphore_mem>>) src(%dma_wait3A_81 : memref<2x128xi32, #tpu.memory_space<hbm>>) dst(%arg7 : memref<2x128xi32, #tpu.memory_space<vmem>>)
        tpu.yield
      }) : () -> ()
      %dma_start3A_44 = arith.constant 0 : i32
      %dma_start3A_45 = arith.constant 0 : i32
      %dma_start3A_46 = tpu.memref_slice %arg7[%dma_start3A_44, %dma_start3A_45] : memref<2x128xi32, #tpu.memory_space<vmem>> -> memref<1x128xi32, #tpu.memory_space<vmem>>
      %dma_start3A_47 = tpu.memref_squeeze %dma_start3A_46 : memref<1x128xi32, #tpu.memory_space<vmem>> -> memref<128xi32, #tpu.memory_space<vmem>>
      %dma_start3A_48 = arith.constant 0 : i32
      %dma_start3A_49 = arith.constant 0 : i32
      %dma_start3A_50 = tpu.memref_slice %arg2[%dma_start3A_48, %dma_start3A_49] : memref<10000x128xf32, #tpu.memory_space<hbm>> -> memref<10000x128xf32, #tpu.memory_space<hbm>>
      tpu.enqueue_indirect_dma source(%dma_start3A_50 : memref<10000x128xf32, #tpu.memory_space<hbm>>) target(%arg9 : memref<128x128xf32, #tpu.memory_space<vmem>>) offsets(%dma_start3A_47 : memref<128xi32, #tpu.memory_space<vmem>>) semaphore(%arg11 : memref<!tpu.dma_semaphore, #tpu.memory_space<semaphore_mem>>)
      %dma_wait3A = arith.constant 0 : i32
      %dma_wait3A_51 = arith.constant 0 : i32
      %dma_wait3A_52 = tpu.memref_slice %arg6[%dma_wait3A, %dma_wait3A_51] : memref<2x128xi32, #tpu.memory_space<vmem>> -> memref<1x128xi32, #tpu.memory_space<vmem>>
      %dma_wait3A_53 = tpu.memref_squeeze %dma_wait3A_52 : memref<1x128xi32, #tpu.memory_space<vmem>> -> memref<128xi32, #tpu.memory_space<vmem>>
      %dma_wait3A_54 = arith.constant 0 : i32
      %dma_wait3A_55 = arith.constant 0 : i32
      %dma_wait3A_56 = tpu.memref_slice %arg2[%dma_wait3A_54, %dma_wait3A_55] : memref<10000x128xf32, #tpu.memory_space<hbm>> -> memref<10000x128xf32, #tpu.memory_space<hbm>>
      tpu.wait_indirect_dma semaphore(%arg10 : memref<!tpu.dma_semaphore, #tpu.memory_space<semaphore_mem>>) src(%dma_wait3A_56 : memref<10000x128xf32, #tpu.memory_space<hbm>>) dst(%arg8 : memref<128x128xf32, #tpu.memory_space<vmem>>)
      %run_scoped3A = arith.constant 1 : i32
      "tpu.region"() ({
        %run_scoped3A_65 = tpu.sem_alloc : memref<!tpu.dma_semaphore, #tpu.memory_space<semaphore_mem>>
        %dma_start3A_66 = arith.constant 0 : i32
        %dma_start3A_67 = tpu.memref_slice %arg6[%run_scoped3A, %dma_start3A_66] : memref<2x128xi32, #tpu.memory_space<vmem>> -> memref<1x128xi32, #tpu.memory_space<vmem>>
        %dma_start3A_68 = tpu.memref_squeeze %dma_start3A_67 : memref<1x128xi32, #tpu.memory_space<vmem>> -> memref<128xi32, #tpu.memory_space<vmem>>
        %dma_start3A_69 = arith.constant 0 : i32
        %dma_start3A_70 = arith.constant 0 : i32
        %dma_start3A_71 = tpu.memref_slice %arg12[%dma_start3A_69, %dma_start3A_70] : memref<10240x128xf32, #tpu.memory_space<vmem_shared>> -> memref<10240x128xf32, #tpu.memory_space<vmem_shared>>
        tpu.enqueue_indirect_dma source(%arg8 : memref<128x128xf32, #tpu.memory_space<vmem>>) target(%dma_start3A_71 : memref<10240x128xf32, #tpu.memory_space<vmem_shared>>) offsets(%dma_start3A_68 : memref<128xi32, #tpu.memory_space<vmem>>) semaphore(%run_scoped3A_65 : memref<!tpu.dma_semaphore, #tpu.memory_space<semaphore_mem>>) {add = true}
        %dma_wait3A_72 = arith.constant 0 : i32
        %dma_wait3A_73 = tpu.memref_slice %arg6[%run_scoped3A, %dma_wait3A_72] : memref<2x128xi32, #tpu.memory_space<vmem>> -> memref<1x128xi32, #tpu.memory_space<vmem>>
        %dma_wait3A_74 = tpu.memref_squeeze %dma_wait3A_73 : memref<1x128xi32, #tpu.memory_space<vmem>> -> memref<128xi32, #tpu.memory_space<vmem>>
        %dma_wait3A_75 = arith.constant 0 : i32
        %dma_wait3A_76 = arith.constant 0 : i32
        %dma_wait3A_77 = tpu.memref_slice %arg12[%dma_wait3A_75, %dma_wait3A_76] : memref<10240x128xf32, #tpu.memory_space<vmem_shared>> -> memref<10240x128xf32, #tpu.memory_space<vmem_shared>>
        tpu.wait_indirect_dma semaphore(%run_scoped3A_65 : memref<!tpu.dma_semaphore, #tpu.memory_space<semaphore_mem>>) src(%arg8 : memref<128x128xf32, #tpu.memory_space<vmem>>) dst(%dma_wait3A_77 : memref<10240x128xf32, #tpu.memory_space<vmem_shared>>)
        tpu.yield
      }) : () -> ()
      %dma_wait3A_57 = arith.constant 0 : i32
      %dma_wait3A_58 = arith.constant 0 : i32
      %dma_wait3A_59 = tpu.memref_slice %arg7[%dma_wait3A_57, %dma_wait3A_58] : memref<2x128xi32, #tpu.memory_space<vmem>> -> memref<1x128xi32, #tpu.memory_space<vmem>>
      %dma_wait3A_60 = tpu.memref_squeeze %dma_wait3A_59 : memref<1x128xi32, #tpu.memory_space<vmem>> -> memref<128xi32, #tpu.memory_space<vmem>>
      %dma_wait3A_61 = arith.constant 0 : i32
      %dma_wait3A_62 = arith.constant 0 : i32
      %dma_wait3A_63 = tpu.memref_slice %arg2[%dma_wait3A_61, %dma_wait3A_62] : memref<10000x128xf32, #tpu.memory_space<hbm>> -> memref<10000x128xf32, #tpu.memory_space<hbm>>
      tpu.wait_indirect_dma semaphore(%arg11 : memref<!tpu.dma_semaphore, #tpu.memory_space<semaphore_mem>>) src(%dma_wait3A_63 : memref<10000x128xf32, #tpu.memory_space<hbm>>) dst(%arg9 : memref<128x128xf32, #tpu.memory_space<vmem>>)
      %run_scoped3A_64 = arith.constant 1 : i32
      "tpu.region"() ({
        %run_scoped3A_65 = tpu.sem_alloc : memref<!tpu.dma_semaphore, #tpu.memory_space<semaphore_mem>>
        %dma_start3A_66 = arith.constant 0 : i32
        %dma_start3A_67 = tpu.memref_slice %arg7[%run_scoped3A_64, %dma_start3A_66] : memref<2x128xi32, #tpu.memory_space<vmem>> -> memref<1x128xi32, #tpu.memory_space<vmem>>
        %dma_start3A_68 = tpu.memref_squeeze %dma_start3A_67 : memref<1x128xi32, #tpu.memory_space<vmem>> -> memref<128xi32, #tpu.memory_space<vmem>>
        %dma_start3A_69 = arith.constant 0 : i32
        %dma_start3A_70 = arith.constant 0 : i32
        %dma_start3A_71 = tpu.memref_slice %arg12[%dma_start3A_69, %dma_start3A_70] : memref<10240x128xf32, #tpu.memory_space<vmem_shared>> -> memref<10240x128xf32, #tpu.memory_space<vmem_shared>>
        tpu.enqueue_indirect_dma source(%arg9 : memref<128x128xf32, #tpu.memory_space<vmem>>) target(%dma_start3A_71 : memref<10240x128xf32, #tpu.memory_space<vmem_shared>>) offsets(%dma_start3A_68 : memref<128xi32, #tpu.memory_space<vmem>>) semaphore(%run_scoped3A_65 : memref<!tpu.dma_semaphore, #tpu.memory_space<semaphore_mem>>) {add = true}
        %dma_wait3A_72 = arith.constant 0 : i32
        %dma_wait3A_73 = tpu.memref_slice %arg7[%run_scoped3A_64, %dma_wait3A_72] : memref<2x128xi32, #tpu.memory_space<vmem>> -> memref<1x128xi32, #tpu.memory_space<vmem>>
        %dma_wait3A_74 = tpu.memref_squeeze %dma_wait3A_73 : memref<1x128xi32, #tpu.memory_space<vmem>> -> memref<128xi32, #tpu.memory_space<vmem>>
        %dma_wait3A_75 = arith.constant 0 : i32
        %dma_wait3A_76 = arith.constant 0 : i32
        %dma_wait3A_77 = tpu.memref_slice %arg12[%dma_wait3A_75, %dma_wait3A_76] : memref<10240x128xf32, #tpu.memory_space<vmem_shared>> -> memref<10240x128xf32, #tpu.memory_space<vmem_shared>>
        tpu.wait_indirect_dma semaphore(%run_scoped3A_65 : memref<!tpu.dma_semaphore, #tpu.memory_space<semaphore_mem>>) src(%arg9 : memref<128x128xf32, #tpu.memory_space<vmem>>) dst(%dma_wait3A_77 : memref<10240x128xf32, #tpu.memory_space<vmem_shared>>)
        tpu.yield
      }) : () -> ()
    } else {
      %add3A_29 = arith.constant 0 : i32
      %add3A_30 = arith.addi %add3A_15, %add3A_29 : i32
      "tpu.region"() ({
        %run_scoped3A_65 = tpu.sem_alloc : memref<!tpu.dma_semaphore, #tpu.memory_space<semaphore_mem>>
        %dma_start3A_66 = arith.constant 0 : i32
        %dma_start3A_67 = arith.constant 0 : i32
        %dma_start3A_68 = tpu.memref_slice %arg3[%add3A_30, %dma_start3A_66, %dma_start3A_67] : memref<5056x2x128xi32, #tpu.memory_space<hbm>> -> memref<1x2x128xi32, #tpu.memory_space<hbm>>
        %dma_start3A_69 = tpu.memref_squeeze %dma_start3A_68 : memref<1x2x128xi32, #tpu.memory_space<hbm>> -> memref<2x128xi32, #tpu.memory_space<hbm>>
        %dma_start3A_70 = arith.constant 0 : i32
        %dma_start3A_71 = arith.constant 0 : i32
        %dma_start3A_72 = tpu.memref_slice %arg3[%add3A_30, %dma_start3A_70, %dma_start3A_71] : memref<5056x2x128xi32, #tpu.memory_space<hbm>> -> memref<1x2x128xi32, #tpu.memory_space<hbm>>
        %dma_start3A_73 = tpu.memref_squeeze %dma_start3A_72 : memref<1x2x128xi32, #tpu.memory_space<hbm>> -> memref<2x128xi32, #tpu.memory_space<hbm>>
        tpu.enqueue_dma source(%dma_start3A_73 : memref<2x128xi32, #tpu.memory_space<hbm>>) target(%arg6 : memref<2x128xi32, #tpu.memory_space<vmem>>) target_semaphore(%run_scoped3A_65 : memref<!tpu.dma_semaphore, #tpu.memory_space<semaphore_mem>>)
        %dma_wait3A_74 = arith.constant 0 : i32
        %dma_wait3A_75 = arith.constant 0 : i32
        %dma_wait3A_76 = tpu.memref_slice %arg3[%add3A_30, %dma_wait3A_74, %dma_wait3A_75] : memref<5056x2x128xi32, #tpu.memory_space<hbm>> -> memref<1x2x128xi32, #tpu.memory_space<hbm>>
        %dma_wait3A_77 = tpu.memref_squeeze %dma_wait3A_76 : memref<1x2x128xi32, #tpu.memory_space<hbm>> -> memref<2x128xi32, #tpu.memory_space<hbm>>
        %dma_wait3A_78 = arith.constant 0 : i32
        %dma_wait3A_79 = arith.constant 0 : i32
        %dma_wait3A_80 = tpu.memref_slice %arg3[%add3A_30, %dma_wait3A_78, %dma_wait3A_79] : memref<5056x2x128xi32, #tpu.memory_space<hbm>> -> memref<1x2x128xi32, #tpu.memory_space<hbm>>
        %dma_wait3A_81 = tpu.memref_squeeze %dma_wait3A_80 : memref<1x2x128xi32, #tpu.memory_space<hbm>> -> memref<2x128xi32, #tpu.memory_space<hbm>>
        tpu.wait_dma2 semaphore(%run_scoped3A_65 : memref<!tpu.dma_semaphore, #tpu.memory_space<semaphore_mem>>) src(%dma_wait3A_81 : memref<2x128xi32, #tpu.memory_space<hbm>>) dst(%arg6 : memref<2x128xi32, #tpu.memory_space<vmem>>)
        tpu.yield
      }) : () -> ()
      %dma_start3A = arith.constant 0 : i32
      %dma_start3A_31 = arith.constant 0 : i32
      %dma_start3A_32 = tpu.memref_slice %arg6[%dma_start3A, %dma_start3A_31] : memref<2x128xi32, #tpu.memory_space<vmem>> -> memref<1x128xi32, #tpu.memory_space<vmem>>
      %dma_start3A_33 = tpu.memref_squeeze %dma_start3A_32 : memref<1x128xi32, #tpu.memory_space<vmem>> -> memref<128xi32, #tpu.memory_space<vmem>>
      %dma_start3A_34 = arith.constant 0 : i32
      %dma_start3A_35 = arith.constant 0 : i32
      %dma_start3A_36 = tpu.memref_slice %arg2[%dma_start3A_34, %dma_start3A_35] : memref<10000x128xf32, #tpu.memory_space<hbm>> -> memref<10000x128xf32, #tpu.memory_space<hbm>>
      tpu.enqueue_indirect_dma source(%dma_start3A_36 : memref<10000x128xf32, #tpu.memory_space<hbm>>) target(%arg8 : memref<128x128xf32, #tpu.memory_space<vmem>>) offsets(%dma_start3A_33 : memref<128xi32, #tpu.memory_space<vmem>>) semaphore(%arg10 : memref<!tpu.dma_semaphore, #tpu.memory_space<semaphore_mem>>)
      %scan3A = arith.constant 0 : i32
      %scan3A_37 = arith.constant 0 : i32
      %scan3A_38 = arith.constant 20 : i32
      %scan3A_39 = arith.addi %scan3A_37, %scan3A_38 : i32
      %scan3A_40 = arith.constant 1 : i32
      scf.for %scan3A_65 = %scan3A_37 to %scan3A_39 step %scan3A_40  : i32 {
        %mul3A_66 = arith.constant 2 : i32
        %mul3A_67 = arith.muli %scan3A_65, %mul3A_66 : i32
        %add3A_68 = arith.constant 1 : i32
        %add3A_69 = arith.addi %mul3A_67, %add3A_68 : i32
        %add3A_70 = arith.addi %add3A_15, %add3A_69 : i32
        "tpu.region"() ({
          %run_scoped3A_104 = tpu.sem_alloc : memref<!tpu.dma_semaphore, #tpu.memory_space<semaphore_mem>>
          %dma_start3A_105 = arith.constant 0 : i32
          %dma_start3A_106 = arith.constant 0 : i32
          %dma_start3A_107 = tpu.memref_slice %arg3[%add3A_70, %dma_start3A_105, %dma_start3A_106] : memref<5056x2x128xi32, #tpu.memory_space<hbm>> -> memref<1x2x128xi32, #tpu.memory_space<hbm>>
          %dma_start3A_108 = tpu.memref_squeeze %dma_start3A_107 : memref<1x2x128xi32, #tpu.memory_space<hbm>> -> memref<2x128xi32, #tpu.memory_space<hbm>>
          %dma_start3A_109 = arith.constant 0 : i32
          %dma_start3A_110 = arith.constant 0 : i32
          %dma_start3A_111 = tpu.memref_slice %arg3[%add3A_70, %dma_start3A_109, %dma_start3A_110] : memref<5056x2x128xi32, #tpu.memory_space<hbm>> -> memref<1x2x128xi32, #tpu.memory_space<hbm>>
          %dma_start3A_112 = tpu.memref_squeeze %dma_start3A_111 : memref<1x2x128xi32, #tpu.memory_space<hbm>> -> memref<2x128xi32, #tpu.memory_space<hbm>>
          tpu.enqueue_dma source(%dma_start3A_112 : memref<2x128xi32, #tpu.memory_space<hbm>>) target(%arg7 : memref<2x128xi32, #tpu.memory_space<vmem>>) target_semaphore(%run_scoped3A_104 : memref<!tpu.dma_semaphore, #tpu.memory_space<semaphore_mem>>)
          %dma_wait3A_113 = arith.constant 0 : i32
          %dma_wait3A_114 = arith.constant 0 : i32
          %dma_wait3A_115 = tpu.memref_slice %arg3[%add3A_70, %dma_wait3A_113, %dma_wait3A_114] : memref<5056x2x128xi32, #tpu.memory_space<hbm>> -> memref<1x2x128xi32, #tpu.memory_space<hbm>>
          %dma_wait3A_116 = tpu.memref_squeeze %dma_wait3A_115 : memref<1x2x128xi32, #tpu.memory_space<hbm>> -> memref<2x128xi32, #tpu.memory_space<hbm>>
          %dma_wait3A_117 = arith.constant 0 : i32
          %dma_wait3A_118 = arith.constant 0 : i32
          %dma_wait3A_119 = tpu.memref_slice %arg3[%add3A_70, %dma_wait3A_117, %dma_wait3A_118] : memref<5056x2x128xi32, #tpu.memory_space<hbm>> -> memref<1x2x128xi32, #tpu.memory_space<hbm>>
          %dma_wait3A_120 = tpu.memref_squeeze %dma_wait3A_119 : memref<1x2x128xi32, #tpu.memory_space<hbm>> -> memref<2x128xi32, #tpu.memory_space<hbm>>
          tpu.wait_dma2 semaphore(%run_scoped3A_104 : memref<!tpu.dma_semaphore, #tpu.memory_space<semaphore_mem>>) src(%dma_wait3A_120 : memref<2x128xi32, #tpu.memory_space<hbm>>) dst(%arg7 : memref<2x128xi32, #tpu.memory_space<vmem>>)
          tpu.yield
        }) : () -> ()
        %dma_start3A_71 = arith.constant 0 : i32
        %dma_start3A_72 = arith.constant 0 : i32
        %dma_start3A_73 = tpu.memref_slice %arg7[%dma_start3A_71, %dma_start3A_72] : memref<2x128xi32, #tpu.memory_space<vmem>> -> memref<1x128xi32, #tpu.memory_space<vmem>>
        %dma_start3A_74 = tpu.memref_squeeze %dma_start3A_73 : memref<1x128xi32, #tpu.memory_space<vmem>> -> memref<128xi32, #tpu.memory_space<vmem>>
        %dma_start3A_75 = arith.constant 0 : i32
        %dma_start3A_76 = arith.constant 0 : i32
        %dma_start3A_77 = tpu.memref_slice %arg2[%dma_start3A_75, %dma_start3A_76] : memref<10000x128xf32, #tpu.memory_space<hbm>> -> memref<10000x128xf32, #tpu.memory_space<hbm>>
        tpu.enqueue_indirect_dma source(%dma_start3A_77 : memref<10000x128xf32, #tpu.memory_space<hbm>>) target(%arg9 : memref<128x128xf32, #tpu.memory_space<vmem>>) offsets(%dma_start3A_74 : memref<128xi32, #tpu.memory_space<vmem>>) semaphore(%arg11 : memref<!tpu.dma_semaphore, #tpu.memory_space<semaphore_mem>>)
        %dma_wait3A_78 = arith.constant 0 : i32
        %dma_wait3A_79 = arith.constant 0 : i32
        %dma_wait3A_80 = tpu.memref_slice %arg6[%dma_wait3A_78, %dma_wait3A_79] : memref<2x128xi32, #tpu.memory_space<vmem>> -> memref<1x128xi32, #tpu.memory_space<vmem>>
        %dma_wait3A_81 = tpu.memref_squeeze %dma_wait3A_80 : memref<1x128xi32, #tpu.memory_space<vmem>> -> memref<128xi32, #tpu.memory_space<vmem>>
        %dma_wait3A_82 = arith.constant 0 : i32
        %dma_wait3A_83 = arith.constant 0 : i32
        %dma_wait3A_84 = tpu.memref_slice %arg2[%dma_wait3A_82, %dma_wait3A_83] : memref<10000x128xf32, #tpu.memory_space<hbm>> -> memref<10000x128xf32, #tpu.memory_space<hbm>>
        tpu.wait_indirect_dma semaphore(%arg10 : memref<!tpu.dma_semaphore, #tpu.memory_space<semaphore_mem>>) src(%dma_wait3A_84 : memref<10000x128xf32, #tpu.memory_space<hbm>>) dst(%arg8 : memref<128x128xf32, #tpu.memory_space<vmem>>)
        %run_scoped3A_85 = arith.constant 1 : i32
        "tpu.region"() ({
          %run_scoped3A_104 = tpu.sem_alloc : memref<!tpu.dma_semaphore, #tpu.memory_space<semaphore_mem>>
          %dma_start3A_105 = arith.constant 0 : i32
          %dma_start3A_106 = tpu.memref_slice %arg6[%run_scoped3A_85, %dma_start3A_105] : memref<2x128xi32, #tpu.memory_space<vmem>> -> memref<1x128xi32, #tpu.memory_space<vmem>>
          %dma_start3A_107 = tpu.memref_squeeze %dma_start3A_106 : memref<1x128xi32, #tpu.memory_space<vmem>> -> memref<128xi32, #tpu.memory_space<vmem>>
          %dma_start3A_108 = arith.constant 0 : i32
          %dma_start3A_109 = arith.constant 0 : i32
          %dma_start3A_110 = tpu.memref_slice %arg12[%dma_start3A_108, %dma_start3A_109] : memref<10240x128xf32, #tpu.memory_space<vmem_shared>> -> memref<10240x128xf32, #tpu.memory_space<vmem_shared>>
          tpu.enqueue_indirect_dma source(%arg8 : memref<128x128xf32, #tpu.memory_space<vmem>>) target(%dma_start3A_110 : memref<10240x128xf32, #tpu.memory_space<vmem_shared>>) offsets(%dma_start3A_107 : memref<128xi32, #tpu.memory_space<vmem>>) semaphore(%run_scoped3A_104 : memref<!tpu.dma_semaphore, #tpu.memory_space<semaphore_mem>>) {add = true}
          %dma_wait3A_111 = arith.constant 0 : i32
          %dma_wait3A_112 = tpu.memref_slice %arg6[%run_scoped3A_85, %dma_wait3A_111] : memref<2x128xi32, #tpu.memory_space<vmem>> -> memref<1x128xi32, #tpu.memory_space<vmem>>
          %dma_wait3A_113 = tpu.memref_squeeze %dma_wait3A_112 : memref<1x128xi32, #tpu.memory_space<vmem>> -> memref<128xi32, #tpu.memory_space<vmem>>
          %dma_wait3A_114 = arith.constant 0 : i32
          %dma_wait3A_115 = arith.constant 0 : i32
          %dma_wait3A_116 = tpu.memref_slice %arg12[%dma_wait3A_114, %dma_wait3A_115] : memref<10240x128xf32, #tpu.memory_space<vmem_shared>> -> memref<10240x128xf32, #tpu.memory_space<vmem_shared>>
          tpu.wait_indirect_dma semaphore(%run_scoped3A_104 : memref<!tpu.dma_semaphore, #tpu.memory_space<semaphore_mem>>) src(%arg8 : memref<128x128xf32, #tpu.memory_space<vmem>>) dst(%dma_wait3A_116 : memref<10240x128xf32, #tpu.memory_space<vmem_shared>>)
          tpu.yield
        }) : () -> ()
        %add3A_86 = arith.constant 2 : i32
        %add3A_87 = arith.addi %mul3A_67, %add3A_86 : i32
        %add3A_88 = arith.addi %add3A_15, %add3A_87 : i32
        "tpu.region"() ({
          %run_scoped3A_104 = tpu.sem_alloc : memref<!tpu.dma_semaphore, #tpu.memory_space<semaphore_mem>>
          %dma_start3A_105 = arith.constant 0 : i32
          %dma_start3A_106 = arith.constant 0 : i32
          %dma_start3A_107 = tpu.memref_slice %arg3[%add3A_88, %dma_start3A_105, %dma_start3A_106] : memref<5056x2x128xi32, #tpu.memory_space<hbm>> -> memref<1x2x128xi32, #tpu.memory_space<hbm>>
          %dma_start3A_108 = tpu.memref_squeeze %dma_start3A_107 : memref<1x2x128xi32, #tpu.memory_space<hbm>> -> memref<2x128xi32, #tpu.memory_space<hbm>>
          %dma_start3A_109 = arith.constant 0 : i32
          %dma_start3A_110 = arith.constant 0 : i32
          %dma_start3A_111 = tpu.memref_slice %arg3[%add3A_88, %dma_start3A_109, %dma_start3A_110] : memref<5056x2x128xi32, #tpu.memory_space<hbm>> -> memref<1x2x128xi32, #tpu.memory_space<hbm>>
          %dma_start3A_112 = tpu.memref_squeeze %dma_start3A_111 : memref<1x2x128xi32, #tpu.memory_space<hbm>> -> memref<2x128xi32, #tpu.memory_space<hbm>>
          tpu.enqueue_dma source(%dma_start3A_112 : memref<2x128xi32, #tpu.memory_space<hbm>>) target(%arg6 : memref<2x128xi32, #tpu.memory_space<vmem>>) target_semaphore(%run_scoped3A_104 : memref<!tpu.dma_semaphore, #tpu.memory_space<semaphore_mem>>)
          %dma_wait3A_113 = arith.constant 0 : i32
          %dma_wait3A_114 = arith.constant 0 : i32
          %dma_wait3A_115 = tpu.memref_slice %arg3[%add3A_88, %dma_wait3A_113, %dma_wait3A_114] : memref<5056x2x128xi32, #tpu.memory_space<hbm>> -> memref<1x2x128xi32, #tpu.memory_space<hbm>>
          %dma_wait3A_116 = tpu.memref_squeeze %dma_wait3A_115 : memref<1x2x128xi32, #tpu.memory_space<hbm>> -> memref<2x128xi32, #tpu.memory_space<hbm>>
          %dma_wait3A_117 = arith.constant 0 : i32
          %dma_wait3A_118 = arith.constant 0 : i32
          %dma_wait3A_119 = tpu.memref_slice %arg3[%add3A_88, %dma_wait3A_117, %dma_wait3A_118] : memref<5056x2x128xi32, #tpu.memory_space<hbm>> -> memref<1x2x128xi32, #tpu.memory_space<hbm>>
          %dma_wait3A_120 = tpu.memref_squeeze %dma_wait3A_119 : memref<1x2x128xi32, #tpu.memory_space<hbm>> -> memref<2x128xi32, #tpu.memory_space<hbm>>
          tpu.wait_dma2 semaphore(%run_scoped3A_104 : memref<!tpu.dma_semaphore, #tpu.memory_space<semaphore_mem>>) src(%dma_wait3A_120 : memref<2x128xi32, #tpu.memory_space<hbm>>) dst(%arg6 : memref<2x128xi32, #tpu.memory_space<vmem>>)
          tpu.yield
        }) : () -> ()
        %dma_start3A_89 = arith.constant 0 : i32
        %dma_start3A_90 = arith.constant 0 : i32
        %dma_start3A_91 = tpu.memref_slice %arg6[%dma_start3A_89, %dma_start3A_90] : memref<2x128xi32, #tpu.memory_space<vmem>> -> memref<1x128xi32, #tpu.memory_space<vmem>>
        %dma_start3A_92 = tpu.memref_squeeze %dma_start3A_91 : memref<1x128xi32, #tpu.memory_space<vmem>> -> memref<128xi32, #tpu.memory_space<vmem>>
        %dma_start3A_93 = arith.constant 0 : i32
        %dma_start3A_94 = arith.constant 0 : i32
        %dma_start3A_95 = tpu.memref_slice %arg2[%dma_start3A_93, %dma_start3A_94] : memref<10000x128xf32, #tpu.memory_space<hbm>> -> memref<10000x128xf32, #tpu.memory_space<hbm>>
        tpu.enqueue_indirect_dma source(%dma_start3A_95 : memref<10000x128xf32, #tpu.memory_space<hbm>>) target(%arg8 : memref<128x128xf32, #tpu.memory_space<vmem>>) offsets(%dma_start3A_92 : memref<128xi32, #tpu.memory_space<vmem>>) semaphore(%arg10 : memref<!tpu.dma_semaphore, #tpu.memory_space<semaphore_mem>>)
        %dma_wait3A_96 = arith.constant 0 : i32
        %dma_wait3A_97 = arith.constant 0 : i32
        %dma_wait3A_98 = tpu.memref_slice %arg7[%dma_wait3A_96, %dma_wait3A_97] : memref<2x128xi32, #tpu.memory_space<vmem>> -> memref<1x128xi32, #tpu.memory_space<vmem>>
        %dma_wait3A_99 = tpu.memref_squeeze %dma_wait3A_98 : memref<1x128xi32, #tpu.memory_space<vmem>> -> memref<128xi32, #tpu.memory_space<vmem>>
        %dma_wait3A_100 = arith.constant 0 : i32
        %dma_wait3A_101 = arith.constant 0 : i32
        %dma_wait3A_102 = tpu.memref_slice %arg2[%dma_wait3A_100, %dma_wait3A_101] : memref<10000x128xf32, #tpu.memory_space<hbm>> -> memref<10000x128xf32, #tpu.memory_space<hbm>>
        tpu.wait_indirect_dma semaphore(%arg11 : memref<!tpu.dma_semaphore, #tpu.memory_space<semaphore_mem>>) src(%dma_wait3A_102 : memref<10000x128xf32, #tpu.memory_space<hbm>>) dst(%arg9 : memref<128x128xf32, #tpu.memory_space<vmem>>)
        %run_scoped3A_103 = arith.constant 1 : i32
        "tpu.region"() ({
          %run_scoped3A_104 = tpu.sem_alloc : memref<!tpu.dma_semaphore, #tpu.memory_space<semaphore_mem>>
          %dma_start3A_105 = arith.constant 0 : i32
          %dma_start3A_106 = tpu.memref_slice %arg7[%run_scoped3A_103, %dma_start3A_105] : memref<2x128xi32, #tpu.memory_space<vmem>> -> memref<1x128xi32, #tpu.memory_space<vmem>>
          %dma_start3A_107 = tpu.memref_squeeze %dma_start3A_106 : memref<1x128xi32, #tpu.memory_space<vmem>> -> memref<128xi32, #tpu.memory_space<vmem>>
          %dma_start3A_108 = arith.constant 0 : i32
          %dma_start3A_109 = arith.constant 0 : i32
          %dma_start3A_110 = tpu.memref_slice %arg12[%dma_start3A_108, %dma_start3A_109] : memref<10240x128xf32, #tpu.memory_space<vmem_shared>> -> memref<10240x128xf32, #tpu.memory_space<vmem_shared>>
          tpu.enqueue_indirect_dma source(%arg9 : memref<128x128xf32, #tpu.memory_space<vmem>>) target(%dma_start3A_110 : memref<10240x128xf32, #tpu.memory_space<vmem_shared>>) offsets(%dma_start3A_107 : memref<128xi32, #tpu.memory_space<vmem>>) semaphore(%run_scoped3A_104 : memref<!tpu.dma_semaphore, #tpu.memory_space<semaphore_mem>>) {add = true}
          %dma_wait3A_111 = arith.constant 0 : i32
          %dma_wait3A_112 = tpu.memref_slice %arg7[%run_scoped3A_103, %dma_wait3A_111] : memref<2x128xi32, #tpu.memory_space<vmem>> -> memref<1x128xi32, #tpu.memory_space<vmem>>
          %dma_wait3A_113 = tpu.memref_squeeze %dma_wait3A_112 : memref<1x128xi32, #tpu.memory_space<vmem>> -> memref<128xi32, #tpu.memory_space<vmem>>
          %dma_wait3A_114 = arith.constant 0 : i32
          %dma_wait3A_115 = arith.constant 0 : i32
          %dma_wait3A_116 = tpu.memref_slice %arg12[%dma_wait3A_114, %dma_wait3A_115] : memref<10240x128xf32, #tpu.memory_space<vmem_shared>> -> memref<10240x128xf32, #tpu.memory_space<vmem_shared>>
          tpu.wait_indirect_dma semaphore(%run_scoped3A_104 : memref<!tpu.dma_semaphore, #tpu.memory_space<semaphore_mem>>) src(%arg9 : memref<128x128xf32, #tpu.memory_space<vmem>>) dst(%dma_wait3A_116 : memref<10240x128xf32, #tpu.memory_space<vmem_shared>>)
          tpu.yield
        }) : () -> ()
      }
      %scan3A_41 = arith.constant 20 : i32
      %add3A_42 = arith.constant 41 : i32
      %add3A_43 = arith.addi %add3A_15, %add3A_42 : i32
      "tpu.region"() ({
        %run_scoped3A_65 = tpu.sem_alloc : memref<!tpu.dma_semaphore, #tpu.memory_space<semaphore_mem>>
        %dma_start3A_66 = arith.constant 0 : i32
        %dma_start3A_67 = arith.constant 0 : i32
        %dma_start3A_68 = tpu.memref_slice %arg3[%add3A_43, %dma_start3A_66, %dma_start3A_67] : memref<5056x2x128xi32, #tpu.memory_space<hbm>> -> memref<1x2x128xi32, #tpu.memory_space<hbm>>
        %dma_start3A_69 = tpu.memref_squeeze %dma_start3A_68 : memref<1x2x128xi32, #tpu.memory_space<hbm>> -> memref<2x128xi32, #tpu.memory_space<hbm>>
        %dma_start3A_70 = arith.constant 0 : i32
        %dma_start3A_71 = arith.constant 0 : i32
        %dma_start3A_72 = tpu.memref_slice %arg3[%add3A_43, %dma_start3A_70, %dma_start3A_71] : memref<5056x2x128xi32, #tpu.memory_space<hbm>> -> memref<1x2x128xi32, #tpu.memory_space<hbm>>
        %dma_start3A_73 = tpu.memref_squeeze %dma_start3A_72 : memref<1x2x128xi32, #tpu.memory_space<hbm>> -> memref<2x128xi32, #tpu.memory_space<hbm>>
        tpu.enqueue_dma source(%dma_start3A_73 : memref<2x128xi32, #tpu.memory_space<hbm>>) target(%arg7 : memref<2x128xi32, #tpu.memory_space<vmem>>) target_semaphore(%run_scoped3A_65 : memref<!tpu.dma_semaphore, #tpu.memory_space<semaphore_mem>>)
        %dma_wait3A_74 = arith.constant 0 : i32
        %dma_wait3A_75 = arith.constant 0 : i32
        %dma_wait3A_76 = tpu.memref_slice %arg3[%add3A_43, %dma_wait3A_74, %dma_wait3A_75] : memref<5056x2x128xi32, #tpu.memory_space<hbm>> -> memref<1x2x128xi32, #tpu.memory_space<hbm>>
        %dma_wait3A_77 = tpu.memref_squeeze %dma_wait3A_76 : memref<1x2x128xi32, #tpu.memory_space<hbm>> -> memref<2x128xi32, #tpu.memory_space<hbm>>
        %dma_wait3A_78 = arith.constant 0 : i32
        %dma_wait3A_79 = arith.constant 0 : i32
        %dma_wait3A_80 = tpu.memref_slice %arg3[%add3A_43, %dma_wait3A_78, %dma_wait3A_79] : memref<5056x2x128xi32, #tpu.memory_space<hbm>> -> memref<1x2x128xi32, #tpu.memory_space<hbm>>
        %dma_wait3A_81 = tpu.memref_squeeze %dma_wait3A_80 : memref<1x2x128xi32, #tpu.memory_space<hbm>> -> memref<2x128xi32, #tpu.memory_space<hbm>>
        tpu.wait_dma2 semaphore(%run_scoped3A_65 : memref<!tpu.dma_semaphore, #tpu.memory_space<semaphore_mem>>) src(%dma_wait3A_81 : memref<2x128xi32, #tpu.memory_space<hbm>>) dst(%arg7 : memref<2x128xi32, #tpu.memory_space<vmem>>)
        tpu.yield
      }) : () -> ()
      %dma_start3A_44 = arith.constant 0 : i32
      %dma_start3A_45 = arith.constant 0 : i32
      %dma_start3A_46 = tpu.memref_slice %arg7[%dma_start3A_44, %dma_start3A_45] : memref<2x128xi32, #tpu.memory_space<vmem>> -> memref<1x128xi32, #tpu.memory_space<vmem>>
      %dma_start3A_47 = tpu.memref_squeeze %dma_start3A_46 : memref<1x128xi32, #tpu.memory_space<vmem>> -> memref<128xi32, #tpu.memory_space<vmem>>
      %dma_start3A_48 = arith.constant 0 : i32
      %dma_start3A_49 = arith.constant 0 : i32
      %dma_start3A_50 = tpu.memref_slice %arg2[%dma_start3A_48, %dma_start3A_49] : memref<10000x128xf32, #tpu.memory_space<hbm>> -> memref<10000x128xf32, #tpu.memory_space<hbm>>
      tpu.enqueue_indirect_dma source(%dma_start3A_50 : memref<10000x128xf32, #tpu.memory_space<hbm>>) target(%arg9 : memref<128x128xf32, #tpu.memory_space<vmem>>) offsets(%dma_start3A_47 : memref<128xi32, #tpu.memory_space<vmem>>) semaphore(%arg11 : memref<!tpu.dma_semaphore, #tpu.memory_space<semaphore_mem>>)
      %dma_wait3A = arith.constant 0 : i32
      %dma_wait3A_51 = arith.constant 0 : i32
      %dma_wait3A_52 = tpu.memref_slice %arg6[%dma_wait3A, %dma_wait3A_51] : memref<2x128xi32, #tpu.memory_space<vmem>> -> memref<1x128xi32, #tpu.memory_space<vmem>>
      %dma_wait3A_53 = tpu.memref_squeeze %dma_wait3A_52 : memref<1x128xi32, #tpu.memory_space<vmem>> -> memref<128xi32, #tpu.memory_space<vmem>>
      %dma_wait3A_54 = arith.constant 0 : i32
      %dma_wait3A_55 = arith.constant 0 : i32
      %dma_wait3A_56 = tpu.memref_slice %arg2[%dma_wait3A_54, %dma_wait3A_55] : memref<10000x128xf32, #tpu.memory_space<hbm>> -> memref<10000x128xf32, #tpu.memory_space<hbm>>
      tpu.wait_indirect_dma semaphore(%arg10 : memref<!tpu.dma_semaphore, #tpu.memory_space<semaphore_mem>>) src(%dma_wait3A_56 : memref<10000x128xf32, #tpu.memory_space<hbm>>) dst(%arg8 : memref<128x128xf32, #tpu.memory_space<vmem>>)
      %run_scoped3A = arith.constant 1 : i32
      "tpu.region"() ({
        %run_scoped3A_65 = tpu.sem_alloc : memref<!tpu.dma_semaphore, #tpu.memory_space<semaphore_mem>>
        %dma_start3A_66 = arith.constant 0 : i32
        %dma_start3A_67 = tpu.memref_slice %arg6[%run_scoped3A, %dma_start3A_66] : memref<2x128xi32, #tpu.memory_space<vmem>> -> memref<1x128xi32, #tpu.memory_space<vmem>>
        %dma_start3A_68 = tpu.memref_squeeze %dma_start3A_67 : memref<1x128xi32, #tpu.memory_space<vmem>> -> memref<128xi32, #tpu.memory_space<vmem>>
        %dma_start3A_69 = arith.constant 0 : i32
        %dma_start3A_70 = arith.constant 0 : i32
        %dma_start3A_71 = tpu.memref_slice %arg12[%dma_start3A_69, %dma_start3A_70] : memref<10240x128xf32, #tpu.memory_space<vmem_shared>> -> memref<10240x128xf32, #tpu.memory_space<vmem_shared>>
        tpu.enqueue_indirect_dma source(%arg8 : memref<128x128xf32, #tpu.memory_space<vmem>>) target(%dma_start3A_71 : memref<10240x128xf32, #tpu.memory_space<vmem_shared>>) offsets(%dma_start3A_68 : memref<128xi32, #tpu.memory_space<vmem>>) semaphore(%run_scoped3A_65 : memref<!tpu.dma_semaphore, #tpu.memory_space<semaphore_mem>>) {add = true}
        %dma_wait3A_72 = arith.constant 0 : i32
        %dma_wait3A_73 = tpu.memref_slice %arg6[%run_scoped3A, %dma_wait3A_72] : memref<2x128xi32, #tpu.memory_space<vmem>> -> memref<1x128xi32, #tpu.memory_space<vmem>>
        %dma_wait3A_74 = tpu.memref_squeeze %dma_wait3A_73 : memref<1x128xi32, #tpu.memory_space<vmem>> -> memref<128xi32, #tpu.memory_space<vmem>>
        %dma_wait3A_75 = arith.constant 0 : i32
        %dma_wait3A_76 = arith.constant 0 : i32
        %dma_wait3A_77 = tpu.memref_slice %arg12[%dma_wait3A_75, %dma_wait3A_76] : memref<10240x128xf32, #tpu.memory_space<vmem_shared>> -> memref<10240x128xf32, #tpu.memory_space<vmem_shared>>
        tpu.wait_indirect_dma semaphore(%run_scoped3A_65 : memref<!tpu.dma_semaphore, #tpu.memory_space<semaphore_mem>>) src(%arg8 : memref<128x128xf32, #tpu.memory_space<vmem>>) dst(%dma_wait3A_77 : memref<10240x128xf32, #tpu.memory_space<vmem_shared>>)
        tpu.yield
      }) : () -> ()
      %dma_wait3A_57 = arith.constant 0 : i32
      %dma_wait3A_58 = arith.constant 0 : i32
      %dma_wait3A_59 = tpu.memref_slice %arg7[%dma_wait3A_57, %dma_wait3A_58] : memref<2x128xi32, #tpu.memory_space<vmem>> -> memref<1x128xi32, #tpu.memory_space<vmem>>
      %dma_wait3A_60 = tpu.memref_squeeze %dma_wait3A_59 : memref<1x128xi32, #tpu.memory_space<vmem>> -> memref<128xi32, #tpu.memory_space<vmem>>
      %dma_wait3A_61 = arith.constant 0 : i32
      %dma_wait3A_62 = arith.constant 0 : i32
      %dma_wait3A_63 = tpu.memref_slice %arg2[%dma_wait3A_61, %dma_wait3A_62] : memref<10000x128xf32, #tpu.memory_space<hbm>> -> memref<10000x128xf32, #tpu.memory_space<hbm>>
      tpu.wait_indirect_dma semaphore(%arg11 : memref<!tpu.dma_semaphore, #tpu.memory_space<semaphore_mem>>) src(%dma_wait3A_63 : memref<10000x128xf32, #tpu.memory_space<hbm>>) dst(%arg9 : memref<128x128xf32, #tpu.memory_space<vmem>>)
      %run_scoped3A_64 = arith.constant 1 : i32
      "tpu.region"() ({
        %run_scoped3A_65 = tpu.sem_alloc : memref<!tpu.dma_semaphore, #tpu.memory_space<semaphore_mem>>
        %dma_start3A_66 = arith.constant 0 : i32
        %dma_start3A_67 = tpu.memref_slice %arg7[%run_scoped3A_64, %dma_start3A_66] : memref<2x128xi32, #tpu.memory_space<vmem>> -> memref<1x128xi32, #tpu.memory_space<vmem>>
        %dma_start3A_68 = tpu.memref_squeeze %dma_start3A_67 : memref<1x128xi32, #tpu.memory_space<vmem>> -> memref<128xi32, #tpu.memory_space<vmem>>
        %dma_start3A_69 = arith.constant 0 : i32
        %dma_start3A_70 = arith.constant 0 : i32
        %dma_start3A_71 = tpu.memref_slice %arg12[%dma_start3A_69, %dma_start3A_70] : memref<10240x128xf32, #tpu.memory_space<vmem_shared>> -> memref<10240x128xf32, #tpu.memory_space<vmem_shared>>
        tpu.enqueue_indirect_dma source(%arg9 : memref<128x128xf32, #tpu.memory_space<vmem>>) target(%dma_start3A_71 : memref<10240x128xf32, #tpu.memory_space<vmem_shared>>) offsets(%dma_start3A_68 : memref<128xi32, #tpu.memory_space<vmem>>) semaphore(%run_scoped3A_65 : memref<!tpu.dma_semaphore, #tpu.memory_space<semaphore_mem>>) {add = true}
        %dma_wait3A_72 = arith.constant 0 : i32
        %dma_wait3A_73 = tpu.memref_slice %arg7[%run_scoped3A_64, %dma_wait3A_72] : memref<2x128xi32, #tpu.memory_space<vmem>> -> memref<1x128xi32, #tpu.memory_space<vmem>>
        %dma_wait3A_74 = tpu.memref_squeeze %dma_wait3A_73 : memref<1x128xi32, #tpu.memory_space<vmem>> -> memref<128xi32, #tpu.memory_space<vmem>>
        %dma_wait3A_75 = arith.constant 0 : i32
        %dma_wait3A_76 = arith.constant 0 : i32
        %dma_wait3A_77 = tpu.memref_slice %arg12[%dma_wait3A_75, %dma_wait3A_76] : memref<10240x128xf32, #tpu.memory_space<vmem_shared>> -> memref<10240x128xf32, #tpu.memory_space<vmem_shared>>
        tpu.wait_indirect_dma semaphore(%run_scoped3A_65 : memref<!tpu.dma_semaphore, #tpu.memory_space<semaphore_mem>>) src(%arg9 : memref<128x128xf32, #tpu.memory_space<vmem>>) dst(%dma_wait3A_77 : memref<10240x128xf32, #tpu.memory_space<vmem_shared>>)
        tpu.yield
      }) : () -> ()
    }
    %barrier3A_18 = arith.constant 0 : index
    tpu.barrier barrier_id(%barrier3A_18)
    %add3A_19 = arith.constant 0 : i32
    %add3A_20 = arith.addi %mul3A_0, %add3A_19 : i32
    "tpu.region"() ({
      %run_scoped3A = tpu.sem_alloc : memref<!tpu.dma_semaphore, #tpu.memory_space<semaphore_mem>>
      %dma_start3A = arith.constant 0 : i32
      %dma_start3A_29 = tpu.memref_slice %arg12[%add3A_20, %dma_start3A] : memref<10240x128xf32, #tpu.memory_space<vmem_shared>> -> memref<128x128xf32, #tpu.memory_space<vmem_shared>>
      %dma_start3A_30 = arith.constant 0 : i32
      %dma_start3A_31 = tpu.memref_slice %arg12[%add3A_20, %dma_start3A_30] : memref<10240x128xf32, #tpu.memory_space<vmem_shared>> -> memref<128x128xf32, #tpu.memory_space<vmem_shared>>
      tpu.enqueue_dma source(%dma_start3A_31 : memref<128x128xf32, #tpu.memory_space<vmem_shared>>) target(%arg8 : memref<128x128xf32, #tpu.memory_space<vmem>>) target_semaphore(%run_scoped3A : memref<!tpu.dma_semaphore, #tpu.memory_space<semaphore_mem>>)
      %dma_wait3A = arith.constant 0 : i32
      %dma_wait3A_32 = tpu.memref_slice %arg12[%add3A_20, %dma_wait3A] : memref<10240x128xf32, #tpu.memory_space<vmem_shared>> -> memref<128x128xf32, #tpu.memory_space<vmem_shared>>
      %dma_wait3A_33 = arith.constant 0 : i32
      %dma_wait3A_34 = tpu.memref_slice %arg12[%add3A_20, %dma_wait3A_33] : memref<10240x128xf32, #tpu.memory_space<vmem_shared>> -> memref<128x128xf32, #tpu.memory_space<vmem_shared>>
      tpu.wait_dma2 semaphore(%run_scoped3A : memref<!tpu.dma_semaphore, #tpu.memory_space<semaphore_mem>>) src(%dma_wait3A_34 : memref<128x128xf32, #tpu.memory_space<vmem_shared>>) dst(%arg8 : memref<128x128xf32, #tpu.memory_space<vmem>>)
      tpu.yield
    }) : () -> ()
    "tpu.region"() ({
      %run_scoped3A = tpu.sem_alloc : memref<!tpu.dma_semaphore, #tpu.memory_space<semaphore_mem>>
      %dma_start3A = arith.constant 0 : i32
      %dma_start3A_29 = tpu.memref_slice %arg5[%arg0, %add3A_20, %dma_start3A] : memref<2x10240x128xf32, #tpu.memory_space<hbm>> -> memref<1x128x128xf32, #tpu.memory_space<hbm>>
      %dma_start3A_30 = tpu.memref_squeeze %dma_start3A_29 : memref<1x128x128xf32, #tpu.memory_space<hbm>> -> memref<128x128xf32, #tpu.memory_space<hbm>>
      %dma_start3A_31 = arith.constant 0 : i32
      %dma_start3A_32 = tpu.memref_slice %arg5[%arg0, %add3A_20, %dma_start3A_31] : memref<2x10240x128xf32, #tpu.memory_space<hbm>> -> memref<1x128x128xf32, #tpu.memory_space<hbm>>
      %dma_start3A_33 = tpu.memref_squeeze %dma_start3A_32 : memref<1x128x128xf32, #tpu.memory_space<hbm>> -> memref<128x128xf32, #tpu.memory_space<hbm>>
      tpu.enqueue_dma source(%arg8 : memref<128x128xf32, #tpu.memory_space<vmem>>) target(%dma_start3A_33 : memref<128x128xf32, #tpu.memory_space<hbm>>) target_semaphore(%run_scoped3A : memref<!tpu.dma_semaphore, #tpu.memory_space<semaphore_mem>>)
      %dma_wait3A = arith.constant 0 : i32
      %dma_wait3A_34 = tpu.memref_slice %arg5[%arg0, %add3A_20, %dma_wait3A] : memref<2x10240x128xf32, #tpu.memory_space<hbm>> -> memref<1x128x128xf32, #tpu.memory_space<hbm>>
      %dma_wait3A_35 = tpu.memref_squeeze %dma_wait3A_34 : memref<1x128x128xf32, #tpu.memory_space<hbm>> -> memref<128x128xf32, #tpu.memory_space<hbm>>
      %dma_wait3A_36 = arith.constant 0 : i32
      %dma_wait3A_37 = tpu.memref_slice %arg5[%arg0, %add3A_20, %dma_wait3A_36] : memref<2x10240x128xf32, #tpu.memory_space<hbm>> -> memref<1x128x128xf32, #tpu.memory_space<hbm>>
      %dma_wait3A_38 = tpu.memref_squeeze %dma_wait3A_37 : memref<1x128x128xf32, #tpu.memory_space<hbm>> -> memref<128x128xf32, #tpu.memory_space<hbm>>
      tpu.wait_dma2 semaphore(%run_scoped3A : memref<!tpu.dma_semaphore, #tpu.memory_space<semaphore_mem>>) src(%arg8 : memref<128x128xf32, #tpu.memory_space<vmem>>) dst(%dma_wait3A_38 : memref<128x128xf32, #tpu.memory_space<hbm>>)
      tpu.yield
    }) : () -> ()
    %add3A_21 = arith.constant 128 : i32
    %add3A_22 = arith.addi %mul3A_0, %add3A_21 : i32
    "tpu.region"() ({
      %run_scoped3A = tpu.sem_alloc : memref<!tpu.dma_semaphore, #tpu.memory_space<semaphore_mem>>
      %dma_start3A = arith.constant 0 : i32
      %dma_start3A_29 = tpu.memref_slice %arg12[%add3A_22, %dma_start3A] : memref<10240x128xf32, #tpu.memory_space<vmem_shared>> -> memref<128x128xf32, #tpu.memory_space<vmem_shared>>
      %dma_start3A_30 = arith.constant 0 : i32
      %dma_start3A_31 = tpu.memref_slice %arg12[%add3A_22, %dma_start3A_30] : memref<10240x128xf32, #tpu.memory_space<vmem_shared>> -> memref<128x128xf32, #tpu.memory_space<vmem_shared>>
      tpu.enqueue_dma source(%dma_start3A_31 : memref<128x128xf32, #tpu.memory_space<vmem_shared>>) target(%arg8 : memref<128x128xf32, #tpu.memory_space<vmem>>) target_semaphore(%run_scoped3A : memref<!tpu.dma_semaphore, #tpu.memory_space<semaphore_mem>>)
      %dma_wait3A = arith.constant 0 : i32
      %dma_wait3A_32 = tpu.memref_slice %arg12[%add3A_22, %dma_wait3A] : memref<10240x128xf32, #tpu.memory_space<vmem_shared>> -> memref<128x128xf32, #tpu.memory_space<vmem_shared>>
      %dma_wait3A_33 = arith.constant 0 : i32
      %dma_wait3A_34 = tpu.memref_slice %arg12[%add3A_22, %dma_wait3A_33] : memref<10240x128xf32, #tpu.memory_space<vmem_shared>> -> memref<128x128xf32, #tpu.memory_space<vmem_shared>>
      tpu.wait_dma2 semaphore(%run_scoped3A : memref<!tpu.dma_semaphore, #tpu.memory_space<semaphore_mem>>) src(%dma_wait3A_34 : memref<128x128xf32, #tpu.memory_space<vmem_shared>>) dst(%arg8 : memref<128x128xf32, #tpu.memory_space<vmem>>)
      tpu.yield
    }) : () -> ()
    "tpu.region"() ({
      %run_scoped3A = tpu.sem_alloc : memref<!tpu.dma_semaphore, #tpu.memory_space<semaphore_mem>>
      %dma_start3A = arith.constant 0 : i32
      %dma_start3A_29 = tpu.memref_slice %arg5[%arg0, %add3A_22, %dma_start3A] : memref<2x10240x128xf32, #tpu.memory_space<hbm>> -> memref<1x128x128xf32, #tpu.memory_space<hbm>>
      %dma_start3A_30 = tpu.memref_squeeze %dma_start3A_29 : memref<1x128x128xf32, #tpu.memory_space<hbm>> -> memref<128x128xf32, #tpu.memory_space<hbm>>
      %dma_start3A_31 = arith.constant 0 : i32
      %dma_start3A_32 = tpu.memref_slice %arg5[%arg0, %add3A_22, %dma_start3A_31] : memref<2x10240x128xf32, #tpu.memory_space<hbm>> -> memref<1x128x128xf32, #tpu.memory_space<hbm>>
      %dma_start3A_33 = tpu.memref_squeeze %dma_start3A_32 : memref<1x128x128xf32, #tpu.memory_space<hbm>> -> memref<128x128xf32, #tpu.memory_space<hbm>>
      tpu.enqueue_dma source(%arg8 : memref<128x128xf32, #tpu.memory_space<vmem>>) target(%dma_start3A_33 : memref<128x128xf32, #tpu.memory_space<hbm>>) target_semaphore(%run_scoped3A : memref<!tpu.dma_semaphore, #tpu.memory_space<semaphore_mem>>)
      %dma_wait3A = arith.constant 0 : i32
      %dma_wait3A_34 = tpu.memref_slice %arg5[%arg0, %add3A_22, %dma_wait3A] : memref<2x10240x128xf32, #tpu.memory_space<hbm>> -> memref<1x128x128xf32, #tpu.memory_space<hbm>>
      %dma_wait3A_35 = tpu.memref_squeeze %dma_wait3A_34 : memref<1x128x128xf32, #tpu.memory_space<hbm>> -> memref<128x128xf32, #tpu.memory_space<hbm>>
      %dma_wait3A_36 = arith.constant 0 : i32
      %dma_wait3A_37 = tpu.memref_slice %arg5[%arg0, %add3A_22, %dma_wait3A_36] : memref<2x10240x128xf32, #tpu.memory_space<hbm>> -> memref<1x128x128xf32, #tpu.memory_space<hbm>>
      %dma_wait3A_38 = tpu.memref_squeeze %dma_wait3A_37 : memref<1x128x128xf32, #tpu.memory_space<hbm>> -> memref<128x128xf32, #tpu.memory_space<hbm>>
      tpu.wait_dma2 semaphore(%run_scoped3A : memref<!tpu.dma_semaphore, #tpu.memory_space<semaphore_mem>>) src(%arg8 : memref<128x128xf32, #tpu.memory_space<vmem>>) dst(%dma_wait3A_38 : memref<128x128xf32, #tpu.memory_space<hbm>>)
      tpu.yield
    }) : () -> ()
    %add3A_23 = arith.constant 256 : i32
    %add3A_24 = arith.addi %mul3A_0, %add3A_23 : i32
    "tpu.region"() ({
      %run_scoped3A = tpu.sem_alloc : memref<!tpu.dma_semaphore, #tpu.memory_space<semaphore_mem>>
      %dma_start3A = arith.constant 0 : i32
      %dma_start3A_29 = tpu.memref_slice %arg12[%add3A_24, %dma_start3A] : memref<10240x128xf32, #tpu.memory_space<vmem_shared>> -> memref<128x128xf32, #tpu.memory_space<vmem_shared>>
      %dma_start3A_30 = arith.constant 0 : i32
      %dma_start3A_31 = tpu.memref_slice %arg12[%add3A_24, %dma_start3A_30] : memref<10240x128xf32, #tpu.memory_space<vmem_shared>> -> memref<128x128xf32, #tpu.memory_space<vmem_shared>>
      tpu.enqueue_dma source(%dma_start3A_31 : memref<128x128xf32, #tpu.memory_space<vmem_shared>>) target(%arg8 : memref<128x128xf32, #tpu.memory_space<vmem>>) target_semaphore(%run_scoped3A : memref<!tpu.dma_semaphore, #tpu.memory_space<semaphore_mem>>)
      %dma_wait3A = arith.constant 0 : i32
      %dma_wait3A_32 = tpu.memref_slice %arg12[%add3A_24, %dma_wait3A] : memref<10240x128xf32, #tpu.memory_space<vmem_shared>> -> memref<128x128xf32, #tpu.memory_space<vmem_shared>>
      %dma_wait3A_33 = arith.constant 0 : i32
      %dma_wait3A_34 = tpu.memref_slice %arg12[%add3A_24, %dma_wait3A_33] : memref<10240x128xf32, #tpu.memory_space<vmem_shared>> -> memref<128x128xf32, #tpu.memory_space<vmem_shared>>
      tpu.wait_dma2 semaphore(%run_scoped3A : memref<!tpu.dma_semaphore, #tpu.memory_space<semaphore_mem>>) src(%dma_wait3A_34 : memref<128x128xf32, #tpu.memory_space<vmem_shared>>) dst(%arg8 : memref<128x128xf32, #tpu.memory_space<vmem>>)
      tpu.yield
    }) : () -> ()
    "tpu.region"() ({
      %run_scoped3A = tpu.sem_alloc : memref<!tpu.dma_semaphore, #tpu.memory_space<semaphore_mem>>
      %dma_start3A = arith.constant 0 : i32
      %dma_start3A_29 = tpu.memref_slice %arg5[%arg0, %add3A_24, %dma_start3A] : memref<2x10240x128xf32, #tpu.memory_space<hbm>> -> memref<1x128x128xf32, #tpu.memory_space<hbm>>
      %dma_start3A_30 = tpu.memref_squeeze %dma_start3A_29 : memref<1x128x128xf32, #tpu.memory_space<hbm>> -> memref<128x128xf32, #tpu.memory_space<hbm>>
      %dma_start3A_31 = arith.constant 0 : i32
      %dma_start3A_32 = tpu.memref_slice %arg5[%arg0, %add3A_24, %dma_start3A_31] : memref<2x10240x128xf32, #tpu.memory_space<hbm>> -> memref<1x128x128xf32, #tpu.memory_space<hbm>>
      %dma_start3A_33 = tpu.memref_squeeze %dma_start3A_32 : memref<1x128x128xf32, #tpu.memory_space<hbm>> -> memref<128x128xf32, #tpu.memory_space<hbm>>
      tpu.enqueue_dma source(%arg8 : memref<128x128xf32, #tpu.memory_space<vmem>>) target(%dma_start3A_33 : memref<128x128xf32, #tpu.memory_space<hbm>>) target_semaphore(%run_scoped3A : memref<!tpu.dma_semaphore, #tpu.memory_space<semaphore_mem>>)
      %dma_wait3A = arith.constant 0 : i32
      %dma_wait3A_34 = tpu.memref_slice %arg5[%arg0, %add3A_24, %dma_wait3A] : memref<2x10240x128xf32, #tpu.memory_space<hbm>> -> memref<1x128x128xf32, #tpu.memory_space<hbm>>
      %dma_wait3A_35 = tpu.memref_squeeze %dma_wait3A_34 : memref<1x128x128xf32, #tpu.memory_space<hbm>> -> memref<128x128xf32, #tpu.memory_space<hbm>>
      %dma_wait3A_36 = arith.constant 0 : i32
      %dma_wait3A_37 = tpu.memref_slice %arg5[%arg0, %add3A_24, %dma_wait3A_36] : memref<2x10240x128xf32, #tpu.memory_space<hbm>> -> memref<1x128x128xf32, #tpu.memory_space<hbm>>
      %dma_wait3A_38 = tpu.memref_squeeze %dma_wait3A_37 : memref<1x128x128xf32, #tpu.memory_space<hbm>> -> memref<128x128xf32, #tpu.memory_space<hbm>>
      tpu.wait_dma2 semaphore(%run_scoped3A : memref<!tpu.dma_semaphore, #tpu.memory_space<semaphore_mem>>) src(%arg8 : memref<128x128xf32, #tpu.memory_space<vmem>>) dst(%dma_wait3A_38 : memref<128x128xf32, #tpu.memory_space<hbm>>)
      tpu.yield
    }) : () -> ()
    %add3A_25 = arith.constant 384 : i32
    %add3A_26 = arith.addi %mul3A_0, %add3A_25 : i32
    "tpu.region"() ({
      %run_scoped3A = tpu.sem_alloc : memref<!tpu.dma_semaphore, #tpu.memory_space<semaphore_mem>>
      %dma_start3A = arith.constant 0 : i32
      %dma_start3A_29 = tpu.memref_slice %arg12[%add3A_26, %dma_start3A] : memref<10240x128xf32, #tpu.memory_space<vmem_shared>> -> memref<128x128xf32, #tpu.memory_space<vmem_shared>>
      %dma_start3A_30 = arith.constant 0 : i32
      %dma_start3A_31 = tpu.memref_slice %arg12[%add3A_26, %dma_start3A_30] : memref<10240x128xf32, #tpu.memory_space<vmem_shared>> -> memref<128x128xf32, #tpu.memory_space<vmem_shared>>
      tpu.enqueue_dma source(%dma_start3A_31 : memref<128x128xf32, #tpu.memory_space<vmem_shared>>) target(%arg8 : memref<128x128xf32, #tpu.memory_space<vmem>>) target_semaphore(%run_scoped3A : memref<!tpu.dma_semaphore, #tpu.memory_space<semaphore_mem>>)
      %dma_wait3A = arith.constant 0 : i32
      %dma_wait3A_32 = tpu.memref_slice %arg12[%add3A_26, %dma_wait3A] : memref<10240x128xf32, #tpu.memory_space<vmem_shared>> -> memref<128x128xf32, #tpu.memory_space<vmem_shared>>
      %dma_wait3A_33 = arith.constant 0 : i32
      %dma_wait3A_34 = tpu.memref_slice %arg12[%add3A_26, %dma_wait3A_33] : memref<10240x128xf32, #tpu.memory_space<vmem_shared>> -> memref<128x128xf32, #tpu.memory_space<vmem_shared>>
      tpu.wait_dma2 semaphore(%run_scoped3A : memref<!tpu.dma_semaphore, #tpu.memory_space<semaphore_mem>>) src(%dma_wait3A_34 : memref<128x128xf32, #tpu.memory_space<vmem_shared>>) dst(%arg8 : memref<128x128xf32, #tpu.memory_space<vmem>>)
      tpu.yield
    }) : () -> ()
    "tpu.region"() ({
      %run_scoped3A = tpu.sem_alloc : memref<!tpu.dma_semaphore, #tpu.memory_space<semaphore_mem>>
      %dma_start3A = arith.constant 0 : i32
      %dma_start3A_29 = tpu.memref_slice %arg5[%arg0, %add3A_26, %dma_start3A] : memref<2x10240x128xf32, #tpu.memory_space<hbm>> -> memref<1x128x128xf32, #tpu.memory_space<hbm>>
      %dma_start3A_30 = tpu.memref_squeeze %dma_start3A_29 : memref<1x128x128xf32, #tpu.memory_space<hbm>> -> memref<128x128xf32, #tpu.memory_space<hbm>>
      %dma_start3A_31 = arith.constant 0 : i32
      %dma_start3A_32 = tpu.memref_slice %arg5[%arg0, %add3A_26, %dma_start3A_31] : memref<2x10240x128xf32, #tpu.memory_space<hbm>> -> memref<1x128x128xf32, #tpu.memory_space<hbm>>
      %dma_start3A_33 = tpu.memref_squeeze %dma_start3A_32 : memref<1x128x128xf32, #tpu.memory_space<hbm>> -> memref<128x128xf32, #tpu.memory_space<hbm>>
      tpu.enqueue_dma source(%arg8 : memref<128x128xf32, #tpu.memory_space<vmem>>) target(%dma_start3A_33 : memref<128x128xf32, #tpu.memory_space<hbm>>) target_semaphore(%run_scoped3A : memref<!tpu.dma_semaphore, #tpu.memory_space<semaphore_mem>>)
      %dma_wait3A = arith.constant 0 : i32
      %dma_wait3A_34 = tpu.memref_slice %arg5[%arg0, %add3A_26, %dma_wait3A] : memref<2x10240x128xf32, #tpu.memory_space<hbm>> -> memref<1x128x128xf32, #tpu.memory_space<hbm>>
      %dma_wait3A_35 = tpu.memref_squeeze %dma_wait3A_34 : memref<1x128x128xf32, #tpu.memory_space<hbm>> -> memref<128x128xf32, #tpu.memory_space<hbm>>
      %dma_wait3A_36 = arith.constant 0 : i32
      %dma_wait3A_37 = tpu.memref_slice %arg5[%arg0, %add3A_26, %dma_wait3A_36] : memref<2x10240x128xf32, #tpu.memory_space<hbm>> -> memref<1x128x128xf32, #tpu.memory_space<hbm>>
      %dma_wait3A_38 = tpu.memref_squeeze %dma_wait3A_37 : memref<1x128x128xf32, #tpu.memory_space<hbm>> -> memref<128x128xf32, #tpu.memory_space<hbm>>
      tpu.wait_dma2 semaphore(%run_scoped3A : memref<!tpu.dma_semaphore, #tpu.memory_space<semaphore_mem>>) src(%arg8 : memref<128x128xf32, #tpu.memory_space<vmem>>) dst(%dma_wait3A_38 : memref<128x128xf32, #tpu.memory_space<hbm>>)
      tpu.yield
    }) : () -> ()
    %add3A_27 = arith.constant 512 : i32
    %add3A_28 = arith.addi %mul3A_0, %add3A_27 : i32
    "tpu.region"() ({
      %run_scoped3A = tpu.sem_alloc : memref<!tpu.dma_semaphore, #tpu.memory_space<semaphore_mem>>
      %dma_start3A = arith.constant 0 : i32
      %dma_start3A_29 = tpu.memref_slice %arg12[%add3A_28, %dma_start3A] : memref<10240x128xf32, #tpu.memory_space<vmem_shared>> -> memref<128x128xf32, #tpu.memory_space<vmem_shared>>
      %dma_start3A_30 = arith.constant 0 : i32
      %dma_start3A_31 = tpu.memref_slice %arg12[%add3A_28, %dma_start3A_30] : memref<10240x128xf32, #tpu.memory_space<vmem_shared>> -> memref<128x128xf32, #tpu.memory_space<vmem_shared>>
      tpu.enqueue_dma source(%dma_start3A_31 : memref<128x128xf32, #tpu.memory_space<vmem_shared>>) target(%arg8 : memref<128x128xf32, #tpu.memory_space<vmem>>) target_semaphore(%run_scoped3A : memref<!tpu.dma_semaphore, #tpu.memory_space<semaphore_mem>>)
      %dma_wait3A = arith.constant 0 : i32
      %dma_wait3A_32 = tpu.memref_slice %arg12[%add3A_28, %dma_wait3A] : memref<10240x128xf32, #tpu.memory_space<vmem_shared>> -> memref<128x128xf32, #tpu.memory_space<vmem_shared>>
      %dma_wait3A_33 = arith.constant 0 : i32
      %dma_wait3A_34 = tpu.memref_slice %arg12[%add3A_28, %dma_wait3A_33] : memref<10240x128xf32, #tpu.memory_space<vmem_shared>> -> memref<128x128xf32, #tpu.memory_space<vmem_shared>>
      tpu.wait_dma2 semaphore(%run_scoped3A : memref<!tpu.dma_semaphore, #tpu.memory_space<semaphore_mem>>) src(%dma_wait3A_34 : memref<128x128xf32, #tpu.memory_space<vmem_shared>>) dst(%arg8 : memref<128x128xf32, #tpu.memory_space<vmem>>)
      tpu.yield
    }) : () -> ()
    "tpu.region"() ({
      %run_scoped3A = tpu.sem_alloc : memref<!tpu.dma_semaphore, #tpu.memory_space<semaphore_mem>>
      %dma_start3A = arith.constant 0 : i32
      %dma_start3A_29 = tpu.memref_slice %arg5[%arg0, %add3A_28, %dma_start3A] : memref<2x10240x128xf32, #tpu.memory_space<hbm>> -> memref<1x128x128xf32, #tpu.memory_space<hbm>>
      %dma_start3A_30 = tpu.memref_squeeze %dma_start3A_29 : memref<1x128x128xf32, #tpu.memory_space<hbm>> -> memref<128x128xf32, #tpu.memory_space<hbm>>
      %dma_start3A_31 = arith.constant 0 : i32
      %dma_start3A_32 = tpu.memref_slice %arg5[%arg0, %add3A_28, %dma_start3A_31] : memref<2x10240x128xf32, #tpu.memory_space<hbm>> -> memref<1x128x128xf32, #tpu.memory_space<hbm>>
      %dma_start3A_33 = tpu.memref_squeeze %dma_start3A_32 : memref<1x128x128xf32, #tpu.memory_space<hbm>> -> memref<128x128xf32, #tpu.memory_space<hbm>>
      tpu.enqueue_dma source(%arg8 : memref<128x128xf32, #tpu.memory_space<vmem>>) target(%dma_start3A_33 : memref<128x128xf32, #tpu.memory_space<hbm>>) target_semaphore(%run_scoped3A : memref<!tpu.dma_semaphore, #tpu.memory_space<semaphore_mem>>)
      %dma_wait3A = arith.constant 0 : i32
      %dma_wait3A_34 = tpu.memref_slice %arg5[%arg0, %add3A_28, %dma_wait3A] : memref<2x10240x128xf32, #tpu.memory_space<hbm>> -> memref<1x128x128xf32, #tpu.memory_space<hbm>>
      %dma_wait3A_35 = tpu.memref_squeeze %dma_wait3A_34 : memref<1x128x128xf32, #tpu.memory_space<hbm>> -> memref<128x128xf32, #tpu.memory_space<hbm>>
      %dma_wait3A_36 = arith.constant 0 : i32
      %dma_wait3A_37 = tpu.memref_slice %arg5[%arg0, %add3A_28, %dma_wait3A_36] : memref<2x10240x128xf32, #tpu.memory_space<hbm>> -> memref<1x128x128xf32, #tpu.memory_space<hbm>>
      %dma_wait3A_38 = tpu.memref_squeeze %dma_wait3A_37 : memref<1x128x128xf32, #tpu.memory_space<hbm>> -> memref<128x128xf32, #tpu.memory_space<hbm>>
      tpu.wait_dma2 semaphore(%run_scoped3A : memref<!tpu.dma_semaphore, #tpu.memory_space<semaphore_mem>>) src(%arg8 : memref<128x128xf32, #tpu.memory_space<vmem>>) dst(%dma_wait3A_38 : memref<128x128xf32, #tpu.memory_space<hbm>>)
      tpu.yield
    }) : () -> ()
    return
  }
}

#map = affine_map<(d0, d1) -> (0, 0, 0)>
#map1 = affine_map<(d0, d1) -> (0, 0)>
module attributes {stable_mosaic.version = 14 : i64} {
  func.func @body(%arg0: i32, %arg1: i32, %arg2: memref<5056x2x128xi32, #tpu.memory_space<hbm>>, %arg3: memref<128x8xf32, #tpu.memory_space<hbm>>, %arg4: memref<128x8xf32, #tpu.memory_space<hbm>>, %arg5: memref<2x10240x8xf32, #tpu.memory_space<hbm>>, %arg6: memref<2x128xi32, #tpu.memory_space<vmem>>, %arg7: memref<2x128xi32, #tpu.memory_space<vmem>>, %arg8: memref<128x8xf32, #tpu.memory_space<vmem>>, %arg9: memref<128x8xf32, #tpu.memory_space<vmem>>, %arg10: memref<!tpu.dma_semaphore, #tpu.memory_space<semaphore_mem>>, %arg11: memref<!tpu.dma_semaphore, #tpu.memory_space<semaphore_mem>>, %arg12: memref<10240x8xf32, #tpu.memory_space<vmem_shared>>) attributes {dimension_semantics = [#tpu.dimension_semantics<core_parallel>, #tpu.dimension_semantics<subcore_parallel>], iteration_bounds = array<i64: 2, 16>, scalar_prefetch = 0 : i64, scratch_operands = 7 : i64, tpu.core_type = #tpu.core_type<sc_vector_subcore>, window_params = [{transform_indices = #map}, {transform_indices = #map1}, {transform_indices = #map1}, {transform_indices = #map}]} {
    %mul3A = arith.constant 2 : i32
    %mul3A_0 = arith.muli %arg1, %mul3A : i32
    %add3A = arith.addi %mul3A_0, %arg0 : i32
    %mul3A_1 = arith.constant 158 : i32
    %mul3A_2 = arith.muli %add3A, %mul3A_1 : i32
    %mul3A_3 = arith.constant 640 : i32
    %mul3A_4 = arith.muli %arg1, %mul3A_3 : i32
    "tpu.region"() ({
      %run_scoped3A_70 = tpu.sem_alloc : memref<!tpu.dma_semaphore, #tpu.memory_space<semaphore_mem>>
      tpu.enqueue_dma source(%arg3 : memref<128x8xf32, #tpu.memory_space<hbm>>) target(%arg8 : memref<128x8xf32, #tpu.memory_space<vmem>>) target_semaphore(%run_scoped3A_70 : memref<!tpu.dma_semaphore, #tpu.memory_space<semaphore_mem>>)
      tpu.wait_dma2 semaphore(%run_scoped3A_70 : memref<!tpu.dma_semaphore, #tpu.memory_space<semaphore_mem>>) src(%arg3 : memref<128x8xf32, #tpu.memory_space<hbm>>) dst(%arg8 : memref<128x8xf32, #tpu.memory_space<vmem>>)
      tpu.yield
    }) : () -> ()
    "tpu.region"() ({
      %run_scoped3A_70 = tpu.sem_alloc : memref<!tpu.dma_semaphore, #tpu.memory_space<semaphore_mem>>
      tpu.enqueue_dma source(%arg4 : memref<128x8xf32, #tpu.memory_space<hbm>>) target(%arg9 : memref<128x8xf32, #tpu.memory_space<vmem>>) target_semaphore(%run_scoped3A_70 : memref<!tpu.dma_semaphore, #tpu.memory_space<semaphore_mem>>)
      tpu.wait_dma2 semaphore(%run_scoped3A_70 : memref<!tpu.dma_semaphore, #tpu.memory_space<semaphore_mem>>) src(%arg4 : memref<128x8xf32, #tpu.memory_space<hbm>>) dst(%arg9 : memref<128x8xf32, #tpu.memory_space<vmem>>)
      tpu.yield
    }) : () -> ()
    %add3A_5 = arith.constant 0 : i32
    %add3A_6 = arith.addi %mul3A_4, %add3A_5 : i32
    "tpu.region"() ({
      %run_scoped3A_70 = tpu.sem_alloc : memref<!tpu.dma_semaphore, #tpu.memory_space<semaphore_mem>>
      %dma_start3A_71 = arith.constant 0 : i32
      %dma_start3A_72 = tpu.memref_slice %arg12[%add3A_6, %dma_start3A_71] : memref<10240x8xf32, #tpu.memory_space<vmem_shared>> -> memref<128x8xf32, #tpu.memory_space<vmem_shared>>
      %dma_start3A_73 = arith.constant 0 : i32
      %dma_start3A_74 = tpu.memref_slice %arg12[%add3A_6, %dma_start3A_73] : memref<10240x8xf32, #tpu.memory_space<vmem_shared>> -> memref<128x8xf32, #tpu.memory_space<vmem_shared>>
      tpu.enqueue_dma source(%arg9 : memref<128x8xf32, #tpu.memory_space<vmem>>) target(%dma_start3A_74 : memref<128x8xf32, #tpu.memory_space<vmem_shared>>) target_semaphore(%run_scoped3A_70 : memref<!tpu.dma_semaphore, #tpu.memory_space<semaphore_mem>>)
      %dma_wait3A_75 = arith.constant 0 : i32
      %dma_wait3A_76 = tpu.memref_slice %arg12[%add3A_6, %dma_wait3A_75] : memref<10240x8xf32, #tpu.memory_space<vmem_shared>> -> memref<128x8xf32, #tpu.memory_space<vmem_shared>>
      %dma_wait3A_77 = arith.constant 0 : i32
      %dma_wait3A_78 = tpu.memref_slice %arg12[%add3A_6, %dma_wait3A_77] : memref<10240x8xf32, #tpu.memory_space<vmem_shared>> -> memref<128x8xf32, #tpu.memory_space<vmem_shared>>
      tpu.wait_dma2 semaphore(%run_scoped3A_70 : memref<!tpu.dma_semaphore, #tpu.memory_space<semaphore_mem>>) src(%arg9 : memref<128x8xf32, #tpu.memory_space<vmem>>) dst(%dma_wait3A_78 : memref<128x8xf32, #tpu.memory_space<vmem_shared>>)
      tpu.yield
    }) : () -> ()
    %add3A_7 = arith.constant 128 : i32
    %add3A_8 = arith.addi %mul3A_4, %add3A_7 : i32
    "tpu.region"() ({
      %run_scoped3A_70 = tpu.sem_alloc : memref<!tpu.dma_semaphore, #tpu.memory_space<semaphore_mem>>
      %dma_start3A_71 = arith.constant 0 : i32
      %dma_start3A_72 = tpu.memref_slice %arg12[%add3A_8, %dma_start3A_71] : memref<10240x8xf32, #tpu.memory_space<vmem_shared>> -> memref<128x8xf32, #tpu.memory_space<vmem_shared>>
      %dma_start3A_73 = arith.constant 0 : i32
      %dma_start3A_74 = tpu.memref_slice %arg12[%add3A_8, %dma_start3A_73] : memref<10240x8xf32, #tpu.memory_space<vmem_shared>> -> memref<128x8xf32, #tpu.memory_space<vmem_shared>>
      tpu.enqueue_dma source(%arg9 : memref<128x8xf32, #tpu.memory_space<vmem>>) target(%dma_start3A_74 : memref<128x8xf32, #tpu.memory_space<vmem_shared>>) target_semaphore(%run_scoped3A_70 : memref<!tpu.dma_semaphore, #tpu.memory_space<semaphore_mem>>)
      %dma_wait3A_75 = arith.constant 0 : i32
      %dma_wait3A_76 = tpu.memref_slice %arg12[%add3A_8, %dma_wait3A_75] : memref<10240x8xf32, #tpu.memory_space<vmem_shared>> -> memref<128x8xf32, #tpu.memory_space<vmem_shared>>
      %dma_wait3A_77 = arith.constant 0 : i32
      %dma_wait3A_78 = tpu.memref_slice %arg12[%add3A_8, %dma_wait3A_77] : memref<10240x8xf32, #tpu.memory_space<vmem_shared>> -> memref<128x8xf32, #tpu.memory_space<vmem_shared>>
      tpu.wait_dma2 semaphore(%run_scoped3A_70 : memref<!tpu.dma_semaphore, #tpu.memory_space<semaphore_mem>>) src(%arg9 : memref<128x8xf32, #tpu.memory_space<vmem>>) dst(%dma_wait3A_78 : memref<128x8xf32, #tpu.memory_space<vmem_shared>>)
      tpu.yield
    }) : () -> ()
    %add3A_9 = arith.constant 256 : i32
    %add3A_10 = arith.addi %mul3A_4, %add3A_9 : i32
    "tpu.region"() ({
      %run_scoped3A_70 = tpu.sem_alloc : memref<!tpu.dma_semaphore, #tpu.memory_space<semaphore_mem>>
      %dma_start3A_71 = arith.constant 0 : i32
      %dma_start3A_72 = tpu.memref_slice %arg12[%add3A_10, %dma_start3A_71] : memref<10240x8xf32, #tpu.memory_space<vmem_shared>> -> memref<128x8xf32, #tpu.memory_space<vmem_shared>>
      %dma_start3A_73 = arith.constant 0 : i32
      %dma_start3A_74 = tpu.memref_slice %arg12[%add3A_10, %dma_start3A_73] : memref<10240x8xf32, #tpu.memory_space<vmem_shared>> -> memref<128x8xf32, #tpu.memory_space<vmem_shared>>
      tpu.enqueue_dma source(%arg9 : memref<128x8xf32, #tpu.memory_space<vmem>>) target(%dma_start3A_74 : memref<128x8xf32, #tpu.memory_space<vmem_shared>>) target_semaphore(%run_scoped3A_70 : memref<!tpu.dma_semaphore, #tpu.memory_space<semaphore_mem>>)
      %dma_wait3A_75 = arith.constant 0 : i32
      %dma_wait3A_76 = tpu.memref_slice %arg12[%add3A_10, %dma_wait3A_75] : memref<10240x8xf32, #tpu.memory_space<vmem_shared>> -> memref<128x8xf32, #tpu.memory_space<vmem_shared>>
      %dma_wait3A_77 = arith.constant 0 : i32
      %dma_wait3A_78 = tpu.memref_slice %arg12[%add3A_10, %dma_wait3A_77] : memref<10240x8xf32, #tpu.memory_space<vmem_shared>> -> memref<128x8xf32, #tpu.memory_space<vmem_shared>>
      tpu.wait_dma2 semaphore(%run_scoped3A_70 : memref<!tpu.dma_semaphore, #tpu.memory_space<semaphore_mem>>) src(%arg9 : memref<128x8xf32, #tpu.memory_space<vmem>>) dst(%dma_wait3A_78 : memref<128x8xf32, #tpu.memory_space<vmem_shared>>)
      tpu.yield
    }) : () -> ()
    %add3A_11 = arith.constant 384 : i32
    %add3A_12 = arith.addi %mul3A_4, %add3A_11 : i32
    "tpu.region"() ({
      %run_scoped3A_70 = tpu.sem_alloc : memref<!tpu.dma_semaphore, #tpu.memory_space<semaphore_mem>>
      %dma_start3A_71 = arith.constant 0 : i32
      %dma_start3A_72 = tpu.memref_slice %arg12[%add3A_12, %dma_start3A_71] : memref<10240x8xf32, #tpu.memory_space<vmem_shared>> -> memref<128x8xf32, #tpu.memory_space<vmem_shared>>
      %dma_start3A_73 = arith.constant 0 : i32
      %dma_start3A_74 = tpu.memref_slice %arg12[%add3A_12, %dma_start3A_73] : memref<10240x8xf32, #tpu.memory_space<vmem_shared>> -> memref<128x8xf32, #tpu.memory_space<vmem_shared>>
      tpu.enqueue_dma source(%arg9 : memref<128x8xf32, #tpu.memory_space<vmem>>) target(%dma_start3A_74 : memref<128x8xf32, #tpu.memory_space<vmem_shared>>) target_semaphore(%run_scoped3A_70 : memref<!tpu.dma_semaphore, #tpu.memory_space<semaphore_mem>>)
      %dma_wait3A_75 = arith.constant 0 : i32
      %dma_wait3A_76 = tpu.memref_slice %arg12[%add3A_12, %dma_wait3A_75] : memref<10240x8xf32, #tpu.memory_space<vmem_shared>> -> memref<128x8xf32, #tpu.memory_space<vmem_shared>>
      %dma_wait3A_77 = arith.constant 0 : i32
      %dma_wait3A_78 = tpu.memref_slice %arg12[%add3A_12, %dma_wait3A_77] : memref<10240x8xf32, #tpu.memory_space<vmem_shared>> -> memref<128x8xf32, #tpu.memory_space<vmem_shared>>
      tpu.wait_dma2 semaphore(%run_scoped3A_70 : memref<!tpu.dma_semaphore, #tpu.memory_space<semaphore_mem>>) src(%arg9 : memref<128x8xf32, #tpu.memory_space<vmem>>) dst(%dma_wait3A_78 : memref<128x8xf32, #tpu.memory_space<vmem_shared>>)
      tpu.yield
    }) : () -> ()
    %add3A_13 = arith.constant 512 : i32
    %add3A_14 = arith.addi %mul3A_4, %add3A_13 : i32
    "tpu.region"() ({
      %run_scoped3A_70 = tpu.sem_alloc : memref<!tpu.dma_semaphore, #tpu.memory_space<semaphore_mem>>
      %dma_start3A_71 = arith.constant 0 : i32
      %dma_start3A_72 = tpu.memref_slice %arg12[%add3A_14, %dma_start3A_71] : memref<10240x8xf32, #tpu.memory_space<vmem_shared>> -> memref<128x8xf32, #tpu.memory_space<vmem_shared>>
      %dma_start3A_73 = arith.constant 0 : i32
      %dma_start3A_74 = tpu.memref_slice %arg12[%add3A_14, %dma_start3A_73] : memref<10240x8xf32, #tpu.memory_space<vmem_shared>> -> memref<128x8xf32, #tpu.memory_space<vmem_shared>>
      tpu.enqueue_dma source(%arg9 : memref<128x8xf32, #tpu.memory_space<vmem>>) target(%dma_start3A_74 : memref<128x8xf32, #tpu.memory_space<vmem_shared>>) target_semaphore(%run_scoped3A_70 : memref<!tpu.dma_semaphore, #tpu.memory_space<semaphore_mem>>)
      %dma_wait3A_75 = arith.constant 0 : i32
      %dma_wait3A_76 = tpu.memref_slice %arg12[%add3A_14, %dma_wait3A_75] : memref<10240x8xf32, #tpu.memory_space<vmem_shared>> -> memref<128x8xf32, #tpu.memory_space<vmem_shared>>
      %dma_wait3A_77 = arith.constant 0 : i32
      %dma_wait3A_78 = tpu.memref_slice %arg12[%add3A_14, %dma_wait3A_77] : memref<10240x8xf32, #tpu.memory_space<vmem_shared>> -> memref<128x8xf32, #tpu.memory_space<vmem_shared>>
      tpu.wait_dma2 semaphore(%run_scoped3A_70 : memref<!tpu.dma_semaphore, #tpu.memory_space<semaphore_mem>>) src(%arg9 : memref<128x8xf32, #tpu.memory_space<vmem>>) dst(%dma_wait3A_78 : memref<128x8xf32, #tpu.memory_space<vmem_shared>>)
      tpu.yield
    }) : () -> ()
    %barrier3A = arith.constant 0 : index
    tpu.barrier barrier_id(%barrier3A)
    %add3A_15 = arith.constant 0 : i32
    %add3A_16 = arith.addi %mul3A_2, %add3A_15 : i32
    %dma_start3A = arith.constant 0 : i32
    %dma_start3A_17 = arith.constant 0 : i32
    %dma_start3A_18 = tpu.memref_slice %arg2[%add3A_16, %dma_start3A, %dma_start3A_17] : memref<5056x2x128xi32, #tpu.memory_space<hbm>> -> memref<1x2x128xi32, #tpu.memory_space<hbm>>
    %dma_start3A_19 = tpu.memref_squeeze %dma_start3A_18 : memref<1x2x128xi32, #tpu.memory_space<hbm>> -> memref<2x128xi32, #tpu.memory_space<hbm>>
    %dma_start3A_20 = arith.constant 0 : i32
    %dma_start3A_21 = arith.constant 0 : i32
    %dma_start3A_22 = tpu.memref_slice %arg2[%add3A_16, %dma_start3A_20, %dma_start3A_21] : memref<5056x2x128xi32, #tpu.memory_space<hbm>> -> memref<1x2x128xi32, #tpu.memory_space<hbm>>
    %dma_start3A_23 = tpu.memref_squeeze %dma_start3A_22 : memref<1x2x128xi32, #tpu.memory_space<hbm>> -> memref<2x128xi32, #tpu.memory_space<hbm>>
    tpu.enqueue_dma source(%dma_start3A_23 : memref<2x128xi32, #tpu.memory_space<hbm>>) target(%arg6 : memref<2x128xi32, #tpu.memory_space<vmem>>) target_semaphore(%arg10 : memref<!tpu.dma_semaphore, #tpu.memory_space<semaphore_mem>>)
    %add3A_24 = arith.constant 1 : i32
    %add3A_25 = arith.addi %mul3A_2, %add3A_24 : i32
    %dma_start3A_26 = arith.constant 0 : i32
    %dma_start3A_27 = arith.constant 0 : i32
    %dma_start3A_28 = tpu.memref_slice %arg2[%add3A_25, %dma_start3A_26, %dma_start3A_27] : memref<5056x2x128xi32, #tpu.memory_space<hbm>> -> memref<1x2x128xi32, #tpu.memory_space<hbm>>
    %dma_start3A_29 = tpu.memref_squeeze %dma_start3A_28 : memref<1x2x128xi32, #tpu.memory_space<hbm>> -> memref<2x128xi32, #tpu.memory_space<hbm>>
    %dma_start3A_30 = arith.constant 0 : i32
    %dma_start3A_31 = arith.constant 0 : i32
    %dma_start3A_32 = tpu.memref_slice %arg2[%add3A_25, %dma_start3A_30, %dma_start3A_31] : memref<5056x2x128xi32, #tpu.memory_space<hbm>> -> memref<1x2x128xi32, #tpu.memory_space<hbm>>
    %dma_start3A_33 = tpu.memref_squeeze %dma_start3A_32 : memref<1x2x128xi32, #tpu.memory_space<hbm>> -> memref<2x128xi32, #tpu.memory_space<hbm>>
    tpu.enqueue_dma source(%dma_start3A_33 : memref<2x128xi32, #tpu.memory_space<hbm>>) target(%arg7 : memref<2x128xi32, #tpu.memory_space<vmem>>) target_semaphore(%arg11 : memref<!tpu.dma_semaphore, #tpu.memory_space<semaphore_mem>>)
    %scan3A = arith.constant 0 : i32
    %scan3A_34 = arith.constant 0 : i32
    %scan3A_35 = arith.constant 78 : i32
    %scan3A_36 = arith.addi %scan3A_34, %scan3A_35 : i32
    %scan3A_37 = arith.constant 1 : i32
    scf.for %scan3A_70 = %scan3A_34 to %scan3A_36 step %scan3A_37  : i32 {
      %mul3A_71 = arith.constant 2 : i32
      %mul3A_72 = arith.muli %scan3A_70, %mul3A_71 : i32
      %add3A_73 = arith.addi %mul3A_2, %mul3A_72 : i32
      %dma_wait3A_74 = arith.constant 0 : i32
      %dma_wait3A_75 = arith.constant 0 : i32
      %dma_wait3A_76 = tpu.memref_slice %arg2[%add3A_73, %dma_wait3A_74, %dma_wait3A_75] : memref<5056x2x128xi32, #tpu.memory_space<hbm>> -> memref<1x2x128xi32, #tpu.memory_space<hbm>>
      %dma_wait3A_77 = tpu.memref_squeeze %dma_wait3A_76 : memref<1x2x128xi32, #tpu.memory_space<hbm>> -> memref<2x128xi32, #tpu.memory_space<hbm>>
      %dma_wait3A_78 = arith.constant 0 : i32
      %dma_wait3A_79 = arith.constant 0 : i32
      %dma_wait3A_80 = tpu.memref_slice %arg2[%add3A_73, %dma_wait3A_78, %dma_wait3A_79] : memref<5056x2x128xi32, #tpu.memory_space<hbm>> -> memref<1x2x128xi32, #tpu.memory_space<hbm>>
      %dma_wait3A_81 = tpu.memref_squeeze %dma_wait3A_80 : memref<1x2x128xi32, #tpu.memory_space<hbm>> -> memref<2x128xi32, #tpu.memory_space<hbm>>
      tpu.wait_dma2 semaphore(%arg10 : memref<!tpu.dma_semaphore, #tpu.memory_space<semaphore_mem>>) src(%dma_wait3A_81 : memref<2x128xi32, #tpu.memory_space<hbm>>) dst(%arg6 : memref<2x128xi32, #tpu.memory_space<vmem>>)
      %run_scoped3A_82 = arith.constant 1 : i32
      "tpu.region"() ({
        %run_scoped3A_117 = tpu.sem_alloc : memref<!tpu.dma_semaphore, #tpu.memory_space<semaphore_mem>>
        %dma_start3A_118 = arith.constant 0 : i32
        %dma_start3A_119 = tpu.memref_slice %arg6[%run_scoped3A_82, %dma_start3A_118] : memref<2x128xi32, #tpu.memory_space<vmem>> -> memref<1x128xi32, #tpu.memory_space<vmem>>
        %dma_start3A_120 = tpu.memref_squeeze %dma_start3A_119 : memref<1x128xi32, #tpu.memory_space<vmem>> -> memref<128xi32, #tpu.memory_space<vmem>>
        %dma_start3A_121 = arith.constant 0 : i32
        %dma_start3A_122 = arith.constant 0 : i32
        %dma_start3A_123 = tpu.memref_slice %arg12[%dma_start3A_121, %dma_start3A_122] : memref<10240x8xf32, #tpu.memory_space<vmem_shared>> -> memref<10240x8xf32, #tpu.memory_space<vmem_shared>>
        tpu.enqueue_indirect_dma source(%arg8 : memref<128x8xf32, #tpu.memory_space<vmem>>) target(%dma_start3A_123 : memref<10240x8xf32, #tpu.memory_space<vmem_shared>>) offsets(%dma_start3A_120 : memref<128xi32, #tpu.memory_space<vmem>>) semaphore(%run_scoped3A_117 : memref<!tpu.dma_semaphore, #tpu.memory_space<semaphore_mem>>) {add = true}
        %dma_wait3A_124 = arith.constant 0 : i32
        %dma_wait3A_125 = tpu.memref_slice %arg6[%run_scoped3A_82, %dma_wait3A_124] : memref<2x128xi32, #tpu.memory_space<vmem>> -> memref<1x128xi32, #tpu.memory_space<vmem>>
        %dma_wait3A_126 = tpu.memref_squeeze %dma_wait3A_125 : memref<1x128xi32, #tpu.memory_space<vmem>> -> memref<128xi32, #tpu.memory_space<vmem>>
        %dma_wait3A_127 = arith.constant 0 : i32
        %dma_wait3A_128 = arith.constant 0 : i32
        %dma_wait3A_129 = tpu.memref_slice %arg12[%dma_wait3A_127, %dma_wait3A_128] : memref<10240x8xf32, #tpu.memory_space<vmem_shared>> -> memref<10240x8xf32, #tpu.memory_space<vmem_shared>>
        tpu.wait_indirect_dma semaphore(%run_scoped3A_117 : memref<!tpu.dma_semaphore, #tpu.memory_space<semaphore_mem>>) src(%arg8 : memref<128x8xf32, #tpu.memory_space<vmem>>) dst(%dma_wait3A_129 : memref<10240x8xf32, #tpu.memory_space<vmem_shared>>)
        tpu.yield
      }) : () -> ()
      %add3A_83 = arith.constant 2 : i32
      %add3A_84 = arith.addi %mul3A_72, %add3A_83 : i32
      %add3A_85 = arith.addi %mul3A_2, %add3A_84 : i32
      %dma_start3A_86 = arith.constant 0 : i32
      %dma_start3A_87 = arith.constant 0 : i32
      %dma_start3A_88 = tpu.memref_slice %arg2[%add3A_85, %dma_start3A_86, %dma_start3A_87] : memref<5056x2x128xi32, #tpu.memory_space<hbm>> -> memref<1x2x128xi32, #tpu.memory_space<hbm>>
      %dma_start3A_89 = tpu.memref_squeeze %dma_start3A_88 : memref<1x2x128xi32, #tpu.memory_space<hbm>> -> memref<2x128xi32, #tpu.memory_space<hbm>>
      %dma_start3A_90 = arith.constant 0 : i32
      %dma_start3A_91 = arith.constant 0 : i32
      %dma_start3A_92 = tpu.memref_slice %arg2[%add3A_85, %dma_start3A_90, %dma_start3A_91] : memref<5056x2x128xi32, #tpu.memory_space<hbm>> -> memref<1x2x128xi32, #tpu.memory_space<hbm>>
      %dma_start3A_93 = tpu.memref_squeeze %dma_start3A_92 : memref<1x2x128xi32, #tpu.memory_space<hbm>> -> memref<2x128xi32, #tpu.memory_space<hbm>>
      tpu.enqueue_dma source(%dma_start3A_93 : memref<2x128xi32, #tpu.memory_space<hbm>>) target(%arg6 : memref<2x128xi32, #tpu.memory_space<vmem>>) target_semaphore(%arg10 : memref<!tpu.dma_semaphore, #tpu.memory_space<semaphore_mem>>)
      %add3A_94 = arith.constant 1 : i32
      %add3A_95 = arith.addi %mul3A_72, %add3A_94 : i32
      %add3A_96 = arith.addi %mul3A_2, %add3A_95 : i32
      %dma_wait3A_97 = arith.constant 0 : i32
      %dma_wait3A_98 = arith.constant 0 : i32
      %dma_wait3A_99 = tpu.memref_slice %arg2[%add3A_96, %dma_wait3A_97, %dma_wait3A_98] : memref<5056x2x128xi32, #tpu.memory_space<hbm>> -> memref<1x2x128xi32, #tpu.memory_space<hbm>>
      %dma_wait3A_100 = tpu.memref_squeeze %dma_wait3A_99 : memref<1x2x128xi32, #tpu.memory_space<hbm>> -> memref<2x128xi32, #tpu.memory_space<hbm>>
      %dma_wait3A_101 = arith.constant 0 : i32
      %dma_wait3A_102 = arith.constant 0 : i32
      %dma_wait3A_103 = tpu.memref_slice %arg2[%add3A_96, %dma_wait3A_101, %dma_wait3A_102] : memref<5056x2x128xi32, #tpu.memory_space<hbm>> -> memref<1x2x128xi32, #tpu.memory_space<hbm>>
      %dma_wait3A_104 = tpu.memref_squeeze %dma_wait3A_103 : memref<1x2x128xi32, #tpu.memory_space<hbm>> -> memref<2x128xi32, #tpu.memory_space<hbm>>
      tpu.wait_dma2 semaphore(%arg11 : memref<!tpu.dma_semaphore, #tpu.memory_space<semaphore_mem>>) src(%dma_wait3A_104 : memref<2x128xi32, #tpu.memory_space<hbm>>) dst(%arg7 : memref<2x128xi32, #tpu.memory_space<vmem>>)
      %run_scoped3A_105 = arith.constant 1 : i32
      "tpu.region"() ({
        %run_scoped3A_117 = tpu.sem_alloc : memref<!tpu.dma_semaphore, #tpu.memory_space<semaphore_mem>>
        %dma_start3A_118 = arith.constant 0 : i32
        %dma_start3A_119 = tpu.memref_slice %arg7[%run_scoped3A_105, %dma_start3A_118] : memref<2x128xi32, #tpu.memory_space<vmem>> -> memref<1x128xi32, #tpu.memory_space<vmem>>
        %dma_start3A_120 = tpu.memref_squeeze %dma_start3A_119 : memref<1x128xi32, #tpu.memory_space<vmem>> -> memref<128xi32, #tpu.memory_space<vmem>>
        %dma_start3A_121 = arith.constant 0 : i32
        %dma_start3A_122 = arith.constant 0 : i32
        %dma_start3A_123 = tpu.memref_slice %arg12[%dma_start3A_121, %dma_start3A_122] : memref<10240x8xf32, #tpu.memory_space<vmem_shared>> -> memref<10240x8xf32, #tpu.memory_space<vmem_shared>>
        tpu.enqueue_indirect_dma source(%arg8 : memref<128x8xf32, #tpu.memory_space<vmem>>) target(%dma_start3A_123 : memref<10240x8xf32, #tpu.memory_space<vmem_shared>>) offsets(%dma_start3A_120 : memref<128xi32, #tpu.memory_space<vmem>>) semaphore(%run_scoped3A_117 : memref<!tpu.dma_semaphore, #tpu.memory_space<semaphore_mem>>) {add = true}
        %dma_wait3A_124 = arith.constant 0 : i32
        %dma_wait3A_125 = tpu.memref_slice %arg7[%run_scoped3A_105, %dma_wait3A_124] : memref<2x128xi32, #tpu.memory_space<vmem>> -> memref<1x128xi32, #tpu.memory_space<vmem>>
        %dma_wait3A_126 = tpu.memref_squeeze %dma_wait3A_125 : memref<1x128xi32, #tpu.memory_space<vmem>> -> memref<128xi32, #tpu.memory_space<vmem>>
        %dma_wait3A_127 = arith.constant 0 : i32
        %dma_wait3A_128 = arith.constant 0 : i32
        %dma_wait3A_129 = tpu.memref_slice %arg12[%dma_wait3A_127, %dma_wait3A_128] : memref<10240x8xf32, #tpu.memory_space<vmem_shared>> -> memref<10240x8xf32, #tpu.memory_space<vmem_shared>>
        tpu.wait_indirect_dma semaphore(%run_scoped3A_117 : memref<!tpu.dma_semaphore, #tpu.memory_space<semaphore_mem>>) src(%arg8 : memref<128x8xf32, #tpu.memory_space<vmem>>) dst(%dma_wait3A_129 : memref<10240x8xf32, #tpu.memory_space<vmem_shared>>)
        tpu.yield
      }) : () -> ()
      %add3A_106 = arith.constant 3 : i32
      %add3A_107 = arith.addi %mul3A_72, %add3A_106 : i32
      %add3A_108 = arith.addi %mul3A_2, %add3A_107 : i32
      %dma_start3A_109 = arith.constant 0 : i32
      %dma_start3A_110 = arith.constant 0 : i32
      %dma_start3A_111 = tpu.memref_slice %arg2[%add3A_108, %dma_start3A_109, %dma_start3A_110] : memref<5056x2x128xi32, #tpu.memory_space<hbm>> -> memref<1x2x128xi32, #tpu.memory_space<hbm>>
      %dma_start3A_112 = tpu.memref_squeeze %dma_start3A_111 : memref<1x2x128xi32, #tpu.memory_space<hbm>> -> memref<2x128xi32, #tpu.memory_space<hbm>>
      %dma_start3A_113 = arith.constant 0 : i32
      %dma_start3A_114 = arith.constant 0 : i32
      %dma_start3A_115 = tpu.memref_slice %arg2[%add3A_108, %dma_start3A_113, %dma_start3A_114] : memref<5056x2x128xi32, #tpu.memory_space<hbm>> -> memref<1x2x128xi32, #tpu.memory_space<hbm>>
      %dma_start3A_116 = tpu.memref_squeeze %dma_start3A_115 : memref<1x2x128xi32, #tpu.memory_space<hbm>> -> memref<2x128xi32, #tpu.memory_space<hbm>>
      tpu.enqueue_dma source(%dma_start3A_116 : memref<2x128xi32, #tpu.memory_space<hbm>>) target(%arg7 : memref<2x128xi32, #tpu.memory_space<vmem>>) target_semaphore(%arg11 : memref<!tpu.dma_semaphore, #tpu.memory_space<semaphore_mem>>)
    }
    %scan3A_38 = arith.constant 78 : i32
    %add3A_39 = arith.constant 156 : i32
    %add3A_40 = arith.addi %mul3A_2, %add3A_39 : i32
    %dma_wait3A = arith.constant 0 : i32
    %dma_wait3A_41 = arith.constant 0 : i32
    %dma_wait3A_42 = tpu.memref_slice %arg2[%add3A_40, %dma_wait3A, %dma_wait3A_41] : memref<5056x2x128xi32, #tpu.memory_space<hbm>> -> memref<1x2x128xi32, #tpu.memory_space<hbm>>
    %dma_wait3A_43 = tpu.memref_squeeze %dma_wait3A_42 : memref<1x2x128xi32, #tpu.memory_space<hbm>> -> memref<2x128xi32, #tpu.memory_space<hbm>>
    %dma_wait3A_44 = arith.constant 0 : i32
    %dma_wait3A_45 = arith.constant 0 : i32
    %dma_wait3A_46 = tpu.memref_slice %arg2[%add3A_40, %dma_wait3A_44, %dma_wait3A_45] : memref<5056x2x128xi32, #tpu.memory_space<hbm>> -> memref<1x2x128xi32, #tpu.memory_space<hbm>>
    %dma_wait3A_47 = tpu.memref_squeeze %dma_wait3A_46 : memref<1x2x128xi32, #tpu.memory_space<hbm>> -> memref<2x128xi32, #tpu.memory_space<hbm>>
    tpu.wait_dma2 semaphore(%arg10 : memref<!tpu.dma_semaphore, #tpu.memory_space<semaphore_mem>>) src(%dma_wait3A_47 : memref<2x128xi32, #tpu.memory_space<hbm>>) dst(%arg6 : memref<2x128xi32, #tpu.memory_space<vmem>>)
    %run_scoped3A = arith.constant 1 : i32
    "tpu.region"() ({
      %run_scoped3A_70 = tpu.sem_alloc : memref<!tpu.dma_semaphore, #tpu.memory_space<semaphore_mem>>
      %dma_start3A_71 = arith.constant 0 : i32
      %dma_start3A_72 = tpu.memref_slice %arg6[%run_scoped3A, %dma_start3A_71] : memref<2x128xi32, #tpu.memory_space<vmem>> -> memref<1x128xi32, #tpu.memory_space<vmem>>
      %dma_start3A_73 = tpu.memref_squeeze %dma_start3A_72 : memref<1x128xi32, #tpu.memory_space<vmem>> -> memref<128xi32, #tpu.memory_space<vmem>>
      %dma_start3A_74 = arith.constant 0 : i32
      %dma_start3A_75 = arith.constant 0 : i32
      %dma_start3A_76 = tpu.memref_slice %arg12[%dma_start3A_74, %dma_start3A_75] : memref<10240x8xf32, #tpu.memory_space<vmem_shared>> -> memref<10240x8xf32, #tpu.memory_space<vmem_shared>>
      tpu.enqueue_indirect_dma source(%arg8 : memref<128x8xf32, #tpu.memory_space<vmem>>) target(%dma_start3A_76 : memref<10240x8xf32, #tpu.memory_space<vmem_shared>>) offsets(%dma_start3A_73 : memref<128xi32, #tpu.memory_space<vmem>>) semaphore(%run_scoped3A_70 : memref<!tpu.dma_semaphore, #tpu.memory_space<semaphore_mem>>) {add = true}
      %dma_wait3A_77 = arith.constant 0 : i32
      %dma_wait3A_78 = tpu.memref_slice %arg6[%run_scoped3A, %dma_wait3A_77] : memref<2x128xi32, #tpu.memory_space<vmem>> -> memref<1x128xi32, #tpu.memory_space<vmem>>
      %dma_wait3A_79 = tpu.memref_squeeze %dma_wait3A_78 : memref<1x128xi32, #tpu.memory_space<vmem>> -> memref<128xi32, #tpu.memory_space<vmem>>
      %dma_wait3A_80 = arith.constant 0 : i32
      %dma_wait3A_81 = arith.constant 0 : i32
      %dma_wait3A_82 = tpu.memref_slice %arg12[%dma_wait3A_80, %dma_wait3A_81] : memref<10240x8xf32, #tpu.memory_space<vmem_shared>> -> memref<10240x8xf32, #tpu.memory_space<vmem_shared>>
      tpu.wait_indirect_dma semaphore(%run_scoped3A_70 : memref<!tpu.dma_semaphore, #tpu.memory_space<semaphore_mem>>) src(%arg8 : memref<128x8xf32, #tpu.memory_space<vmem>>) dst(%dma_wait3A_82 : memref<10240x8xf32, #tpu.memory_space<vmem_shared>>)
      tpu.yield
    }) : () -> ()
    %add3A_48 = arith.constant 157 : i32
    %add3A_49 = arith.addi %mul3A_2, %add3A_48 : i32
    %dma_wait3A_50 = arith.constant 0 : i32
    %dma_wait3A_51 = arith.constant 0 : i32
    %dma_wait3A_52 = tpu.memref_slice %arg2[%add3A_49, %dma_wait3A_50, %dma_wait3A_51] : memref<5056x2x128xi32, #tpu.memory_space<hbm>> -> memref<1x2x128xi32, #tpu.memory_space<hbm>>
    %dma_wait3A_53 = tpu.memref_squeeze %dma_wait3A_52 : memref<1x2x128xi32, #tpu.memory_space<hbm>> -> memref<2x128xi32, #tpu.memory_space<hbm>>
    %dma_wait3A_54 = arith.constant 0 : i32
    %dma_wait3A_55 = arith.constant 0 : i32
    %dma_wait3A_56 = tpu.memref_slice %arg2[%add3A_49, %dma_wait3A_54, %dma_wait3A_55] : memref<5056x2x128xi32, #tpu.memory_space<hbm>> -> memref<1x2x128xi32, #tpu.memory_space<hbm>>
    %dma_wait3A_57 = tpu.memref_squeeze %dma_wait3A_56 : memref<1x2x128xi32, #tpu.memory_space<hbm>> -> memref<2x128xi32, #tpu.memory_space<hbm>>
    tpu.wait_dma2 semaphore(%arg11 : memref<!tpu.dma_semaphore, #tpu.memory_space<semaphore_mem>>) src(%dma_wait3A_57 : memref<2x128xi32, #tpu.memory_space<hbm>>) dst(%arg7 : memref<2x128xi32, #tpu.memory_space<vmem>>)
    %run_scoped3A_58 = arith.constant 1 : i32
    "tpu.region"() ({
      %run_scoped3A_70 = tpu.sem_alloc : memref<!tpu.dma_semaphore, #tpu.memory_space<semaphore_mem>>
      %dma_start3A_71 = arith.constant 0 : i32
      %dma_start3A_72 = tpu.memref_slice %arg7[%run_scoped3A_58, %dma_start3A_71] : memref<2x128xi32, #tpu.memory_space<vmem>> -> memref<1x128xi32, #tpu.memory_space<vmem>>
      %dma_start3A_73 = tpu.memref_squeeze %dma_start3A_72 : memref<1x128xi32, #tpu.memory_space<vmem>> -> memref<128xi32, #tpu.memory_space<vmem>>
      %dma_start3A_74 = arith.constant 0 : i32
      %dma_start3A_75 = arith.constant 0 : i32
      %dma_start3A_76 = tpu.memref_slice %arg12[%dma_start3A_74, %dma_start3A_75] : memref<10240x8xf32, #tpu.memory_space<vmem_shared>> -> memref<10240x8xf32, #tpu.memory_space<vmem_shared>>
      tpu.enqueue_indirect_dma source(%arg8 : memref<128x8xf32, #tpu.memory_space<vmem>>) target(%dma_start3A_76 : memref<10240x8xf32, #tpu.memory_space<vmem_shared>>) offsets(%dma_start3A_73 : memref<128xi32, #tpu.memory_space<vmem>>) semaphore(%run_scoped3A_70 : memref<!tpu.dma_semaphore, #tpu.memory_space<semaphore_mem>>) {add = true}
      %dma_wait3A_77 = arith.constant 0 : i32
      %dma_wait3A_78 = tpu.memref_slice %arg7[%run_scoped3A_58, %dma_wait3A_77] : memref<2x128xi32, #tpu.memory_space<vmem>> -> memref<1x128xi32, #tpu.memory_space<vmem>>
      %dma_wait3A_79 = tpu.memref_squeeze %dma_wait3A_78 : memref<1x128xi32, #tpu.memory_space<vmem>> -> memref<128xi32, #tpu.memory_space<vmem>>
      %dma_wait3A_80 = arith.constant 0 : i32
      %dma_wait3A_81 = arith.constant 0 : i32
      %dma_wait3A_82 = tpu.memref_slice %arg12[%dma_wait3A_80, %dma_wait3A_81] : memref<10240x8xf32, #tpu.memory_space<vmem_shared>> -> memref<10240x8xf32, #tpu.memory_space<vmem_shared>>
      tpu.wait_indirect_dma semaphore(%run_scoped3A_70 : memref<!tpu.dma_semaphore, #tpu.memory_space<semaphore_mem>>) src(%arg8 : memref<128x8xf32, #tpu.memory_space<vmem>>) dst(%dma_wait3A_82 : memref<10240x8xf32, #tpu.memory_space<vmem_shared>>)
      tpu.yield
    }) : () -> ()
    %barrier3A_59 = arith.constant 0 : index
    tpu.barrier barrier_id(%barrier3A_59)
    %add3A_60 = arith.constant 0 : i32
    %add3A_61 = arith.addi %mul3A_4, %add3A_60 : i32
    "tpu.region"() ({
      %run_scoped3A_70 = tpu.sem_alloc : memref<!tpu.dma_semaphore, #tpu.memory_space<semaphore_mem>>
      %dma_start3A_71 = arith.constant 0 : i32
      %dma_start3A_72 = tpu.memref_slice %arg12[%add3A_61, %dma_start3A_71] : memref<10240x8xf32, #tpu.memory_space<vmem_shared>> -> memref<128x8xf32, #tpu.memory_space<vmem_shared>>
      %dma_start3A_73 = arith.constant 0 : i32
      %dma_start3A_74 = tpu.memref_slice %arg12[%add3A_61, %dma_start3A_73] : memref<10240x8xf32, #tpu.memory_space<vmem_shared>> -> memref<128x8xf32, #tpu.memory_space<vmem_shared>>
      tpu.enqueue_dma source(%dma_start3A_74 : memref<128x8xf32, #tpu.memory_space<vmem_shared>>) target(%arg9 : memref<128x8xf32, #tpu.memory_space<vmem>>) target_semaphore(%run_scoped3A_70 : memref<!tpu.dma_semaphore, #tpu.memory_space<semaphore_mem>>)
      %dma_wait3A_75 = arith.constant 0 : i32
      %dma_wait3A_76 = tpu.memref_slice %arg12[%add3A_61, %dma_wait3A_75] : memref<10240x8xf32, #tpu.memory_space<vmem_shared>> -> memref<128x8xf32, #tpu.memory_space<vmem_shared>>
      %dma_wait3A_77 = arith.constant 0 : i32
      %dma_wait3A_78 = tpu.memref_slice %arg12[%add3A_61, %dma_wait3A_77] : memref<10240x8xf32, #tpu.memory_space<vmem_shared>> -> memref<128x8xf32, #tpu.memory_space<vmem_shared>>
      tpu.wait_dma2 semaphore(%run_scoped3A_70 : memref<!tpu.dma_semaphore, #tpu.memory_space<semaphore_mem>>) src(%dma_wait3A_78 : memref<128x8xf32, #tpu.memory_space<vmem_shared>>) dst(%arg9 : memref<128x8xf32, #tpu.memory_space<vmem>>)
      tpu.yield
    }) : () -> ()
    "tpu.region"() ({
      %run_scoped3A_70 = tpu.sem_alloc : memref<!tpu.dma_semaphore, #tpu.memory_space<semaphore_mem>>
      %dma_start3A_71 = arith.constant 0 : i32
      %dma_start3A_72 = tpu.memref_slice %arg5[%arg0, %add3A_61, %dma_start3A_71] : memref<2x10240x8xf32, #tpu.memory_space<hbm>> -> memref<1x128x8xf32, #tpu.memory_space<hbm>>
      %dma_start3A_73 = tpu.memref_squeeze %dma_start3A_72 : memref<1x128x8xf32, #tpu.memory_space<hbm>> -> memref<128x8xf32, #tpu.memory_space<hbm>>
      %dma_start3A_74 = arith.constant 0 : i32
      %dma_start3A_75 = tpu.memref_slice %arg5[%arg0, %add3A_61, %dma_start3A_74] : memref<2x10240x8xf32, #tpu.memory_space<hbm>> -> memref<1x128x8xf32, #tpu.memory_space<hbm>>
      %dma_start3A_76 = tpu.memref_squeeze %dma_start3A_75 : memref<1x128x8xf32, #tpu.memory_space<hbm>> -> memref<128x8xf32, #tpu.memory_space<hbm>>
      tpu.enqueue_dma source(%arg9 : memref<128x8xf32, #tpu.memory_space<vmem>>) target(%dma_start3A_76 : memref<128x8xf32, #tpu.memory_space<hbm>>) target_semaphore(%run_scoped3A_70 : memref<!tpu.dma_semaphore, #tpu.memory_space<semaphore_mem>>)
      %dma_wait3A_77 = arith.constant 0 : i32
      %dma_wait3A_78 = tpu.memref_slice %arg5[%arg0, %add3A_61, %dma_wait3A_77] : memref<2x10240x8xf32, #tpu.memory_space<hbm>> -> memref<1x128x8xf32, #tpu.memory_space<hbm>>
      %dma_wait3A_79 = tpu.memref_squeeze %dma_wait3A_78 : memref<1x128x8xf32, #tpu.memory_space<hbm>> -> memref<128x8xf32, #tpu.memory_space<hbm>>
      %dma_wait3A_80 = arith.constant 0 : i32
      %dma_wait3A_81 = tpu.memref_slice %arg5[%arg0, %add3A_61, %dma_wait3A_80] : memref<2x10240x8xf32, #tpu.memory_space<hbm>> -> memref<1x128x8xf32, #tpu.memory_space<hbm>>
      %dma_wait3A_82 = tpu.memref_squeeze %dma_wait3A_81 : memref<1x128x8xf32, #tpu.memory_space<hbm>> -> memref<128x8xf32, #tpu.memory_space<hbm>>
      tpu.wait_dma2 semaphore(%run_scoped3A_70 : memref<!tpu.dma_semaphore, #tpu.memory_space<semaphore_mem>>) src(%arg9 : memref<128x8xf32, #tpu.memory_space<vmem>>) dst(%dma_wait3A_82 : memref<128x8xf32, #tpu.memory_space<hbm>>)
      tpu.yield
    }) : () -> ()
    %add3A_62 = arith.constant 128 : i32
    %add3A_63 = arith.addi %mul3A_4, %add3A_62 : i32
    "tpu.region"() ({
      %run_scoped3A_70 = tpu.sem_alloc : memref<!tpu.dma_semaphore, #tpu.memory_space<semaphore_mem>>
      %dma_start3A_71 = arith.constant 0 : i32
      %dma_start3A_72 = tpu.memref_slice %arg12[%add3A_63, %dma_start3A_71] : memref<10240x8xf32, #tpu.memory_space<vmem_shared>> -> memref<128x8xf32, #tpu.memory_space<vmem_shared>>
      %dma_start3A_73 = arith.constant 0 : i32
      %dma_start3A_74 = tpu.memref_slice %arg12[%add3A_63, %dma_start3A_73] : memref<10240x8xf32, #tpu.memory_space<vmem_shared>> -> memref<128x8xf32, #tpu.memory_space<vmem_shared>>
      tpu.enqueue_dma source(%dma_start3A_74 : memref<128x8xf32, #tpu.memory_space<vmem_shared>>) target(%arg9 : memref<128x8xf32, #tpu.memory_space<vmem>>) target_semaphore(%run_scoped3A_70 : memref<!tpu.dma_semaphore, #tpu.memory_space<semaphore_mem>>)
      %dma_wait3A_75 = arith.constant 0 : i32
      %dma_wait3A_76 = tpu.memref_slice %arg12[%add3A_63, %dma_wait3A_75] : memref<10240x8xf32, #tpu.memory_space<vmem_shared>> -> memref<128x8xf32, #tpu.memory_space<vmem_shared>>
      %dma_wait3A_77 = arith.constant 0 : i32
      %dma_wait3A_78 = tpu.memref_slice %arg12[%add3A_63, %dma_wait3A_77] : memref<10240x8xf32, #tpu.memory_space<vmem_shared>> -> memref<128x8xf32, #tpu.memory_space<vmem_shared>>
      tpu.wait_dma2 semaphore(%run_scoped3A_70 : memref<!tpu.dma_semaphore, #tpu.memory_space<semaphore_mem>>) src(%dma_wait3A_78 : memref<128x8xf32, #tpu.memory_space<vmem_shared>>) dst(%arg9 : memref<128x8xf32, #tpu.memory_space<vmem>>)
      tpu.yield
    }) : () -> ()
    "tpu.region"() ({
      %run_scoped3A_70 = tpu.sem_alloc : memref<!tpu.dma_semaphore, #tpu.memory_space<semaphore_mem>>
      %dma_start3A_71 = arith.constant 0 : i32
      %dma_start3A_72 = tpu.memref_slice %arg5[%arg0, %add3A_63, %dma_start3A_71] : memref<2x10240x8xf32, #tpu.memory_space<hbm>> -> memref<1x128x8xf32, #tpu.memory_space<hbm>>
      %dma_start3A_73 = tpu.memref_squeeze %dma_start3A_72 : memref<1x128x8xf32, #tpu.memory_space<hbm>> -> memref<128x8xf32, #tpu.memory_space<hbm>>
      %dma_start3A_74 = arith.constant 0 : i32
      %dma_start3A_75 = tpu.memref_slice %arg5[%arg0, %add3A_63, %dma_start3A_74] : memref<2x10240x8xf32, #tpu.memory_space<hbm>> -> memref<1x128x8xf32, #tpu.memory_space<hbm>>
      %dma_start3A_76 = tpu.memref_squeeze %dma_start3A_75 : memref<1x128x8xf32, #tpu.memory_space<hbm>> -> memref<128x8xf32, #tpu.memory_space<hbm>>
      tpu.enqueue_dma source(%arg9 : memref<128x8xf32, #tpu.memory_space<vmem>>) target(%dma_start3A_76 : memref<128x8xf32, #tpu.memory_space<hbm>>) target_semaphore(%run_scoped3A_70 : memref<!tpu.dma_semaphore, #tpu.memory_space<semaphore_mem>>)
      %dma_wait3A_77 = arith.constant 0 : i32
      %dma_wait3A_78 = tpu.memref_slice %arg5[%arg0, %add3A_63, %dma_wait3A_77] : memref<2x10240x8xf32, #tpu.memory_space<hbm>> -> memref<1x128x8xf32, #tpu.memory_space<hbm>>
      %dma_wait3A_79 = tpu.memref_squeeze %dma_wait3A_78 : memref<1x128x8xf32, #tpu.memory_space<hbm>> -> memref<128x8xf32, #tpu.memory_space<hbm>>
      %dma_wait3A_80 = arith.constant 0 : i32
      %dma_wait3A_81 = tpu.memref_slice %arg5[%arg0, %add3A_63, %dma_wait3A_80] : memref<2x10240x8xf32, #tpu.memory_space<hbm>> -> memref<1x128x8xf32, #tpu.memory_space<hbm>>
      %dma_wait3A_82 = tpu.memref_squeeze %dma_wait3A_81 : memref<1x128x8xf32, #tpu.memory_space<hbm>> -> memref<128x8xf32, #tpu.memory_space<hbm>>
      tpu.wait_dma2 semaphore(%run_scoped3A_70 : memref<!tpu.dma_semaphore, #tpu.memory_space<semaphore_mem>>) src(%arg9 : memref<128x8xf32, #tpu.memory_space<vmem>>) dst(%dma_wait3A_82 : memref<128x8xf32, #tpu.memory_space<hbm>>)
      tpu.yield
    }) : () -> ()
    %add3A_64 = arith.constant 256 : i32
    %add3A_65 = arith.addi %mul3A_4, %add3A_64 : i32
    "tpu.region"() ({
      %run_scoped3A_70 = tpu.sem_alloc : memref<!tpu.dma_semaphore, #tpu.memory_space<semaphore_mem>>
      %dma_start3A_71 = arith.constant 0 : i32
      %dma_start3A_72 = tpu.memref_slice %arg12[%add3A_65, %dma_start3A_71] : memref<10240x8xf32, #tpu.memory_space<vmem_shared>> -> memref<128x8xf32, #tpu.memory_space<vmem_shared>>
      %dma_start3A_73 = arith.constant 0 : i32
      %dma_start3A_74 = tpu.memref_slice %arg12[%add3A_65, %dma_start3A_73] : memref<10240x8xf32, #tpu.memory_space<vmem_shared>> -> memref<128x8xf32, #tpu.memory_space<vmem_shared>>
      tpu.enqueue_dma source(%dma_start3A_74 : memref<128x8xf32, #tpu.memory_space<vmem_shared>>) target(%arg9 : memref<128x8xf32, #tpu.memory_space<vmem>>) target_semaphore(%run_scoped3A_70 : memref<!tpu.dma_semaphore, #tpu.memory_space<semaphore_mem>>)
      %dma_wait3A_75 = arith.constant 0 : i32
      %dma_wait3A_76 = tpu.memref_slice %arg12[%add3A_65, %dma_wait3A_75] : memref<10240x8xf32, #tpu.memory_space<vmem_shared>> -> memref<128x8xf32, #tpu.memory_space<vmem_shared>>
      %dma_wait3A_77 = arith.constant 0 : i32
      %dma_wait3A_78 = tpu.memref_slice %arg12[%add3A_65, %dma_wait3A_77] : memref<10240x8xf32, #tpu.memory_space<vmem_shared>> -> memref<128x8xf32, #tpu.memory_space<vmem_shared>>
      tpu.wait_dma2 semaphore(%run_scoped3A_70 : memref<!tpu.dma_semaphore, #tpu.memory_space<semaphore_mem>>) src(%dma_wait3A_78 : memref<128x8xf32, #tpu.memory_space<vmem_shared>>) dst(%arg9 : memref<128x8xf32, #tpu.memory_space<vmem>>)
      tpu.yield
    }) : () -> ()
    "tpu.region"() ({
      %run_scoped3A_70 = tpu.sem_alloc : memref<!tpu.dma_semaphore, #tpu.memory_space<semaphore_mem>>
      %dma_start3A_71 = arith.constant 0 : i32
      %dma_start3A_72 = tpu.memref_slice %arg5[%arg0, %add3A_65, %dma_start3A_71] : memref<2x10240x8xf32, #tpu.memory_space<hbm>> -> memref<1x128x8xf32, #tpu.memory_space<hbm>>
      %dma_start3A_73 = tpu.memref_squeeze %dma_start3A_72 : memref<1x128x8xf32, #tpu.memory_space<hbm>> -> memref<128x8xf32, #tpu.memory_space<hbm>>
      %dma_start3A_74 = arith.constant 0 : i32
      %dma_start3A_75 = tpu.memref_slice %arg5[%arg0, %add3A_65, %dma_start3A_74] : memref<2x10240x8xf32, #tpu.memory_space<hbm>> -> memref<1x128x8xf32, #tpu.memory_space<hbm>>
      %dma_start3A_76 = tpu.memref_squeeze %dma_start3A_75 : memref<1x128x8xf32, #tpu.memory_space<hbm>> -> memref<128x8xf32, #tpu.memory_space<hbm>>
      tpu.enqueue_dma source(%arg9 : memref<128x8xf32, #tpu.memory_space<vmem>>) target(%dma_start3A_76 : memref<128x8xf32, #tpu.memory_space<hbm>>) target_semaphore(%run_scoped3A_70 : memref<!tpu.dma_semaphore, #tpu.memory_space<semaphore_mem>>)
      %dma_wait3A_77 = arith.constant 0 : i32
      %dma_wait3A_78 = tpu.memref_slice %arg5[%arg0, %add3A_65, %dma_wait3A_77] : memref<2x10240x8xf32, #tpu.memory_space<hbm>> -> memref<1x128x8xf32, #tpu.memory_space<hbm>>
      %dma_wait3A_79 = tpu.memref_squeeze %dma_wait3A_78 : memref<1x128x8xf32, #tpu.memory_space<hbm>> -> memref<128x8xf32, #tpu.memory_space<hbm>>
      %dma_wait3A_80 = arith.constant 0 : i32
      %dma_wait3A_81 = tpu.memref_slice %arg5[%arg0, %add3A_65, %dma_wait3A_80] : memref<2x10240x8xf32, #tpu.memory_space<hbm>> -> memref<1x128x8xf32, #tpu.memory_space<hbm>>
      %dma_wait3A_82 = tpu.memref_squeeze %dma_wait3A_81 : memref<1x128x8xf32, #tpu.memory_space<hbm>> -> memref<128x8xf32, #tpu.memory_space<hbm>>
      tpu.wait_dma2 semaphore(%run_scoped3A_70 : memref<!tpu.dma_semaphore, #tpu.memory_space<semaphore_mem>>) src(%arg9 : memref<128x8xf32, #tpu.memory_space<vmem>>) dst(%dma_wait3A_82 : memref<128x8xf32, #tpu.memory_space<hbm>>)
      tpu.yield
    }) : () -> ()
    %add3A_66 = arith.constant 384 : i32
    %add3A_67 = arith.addi %mul3A_4, %add3A_66 : i32
    "tpu.region"() ({
      %run_scoped3A_70 = tpu.sem_alloc : memref<!tpu.dma_semaphore, #tpu.memory_space<semaphore_mem>>
      %dma_start3A_71 = arith.constant 0 : i32
      %dma_start3A_72 = tpu.memref_slice %arg12[%add3A_67, %dma_start3A_71] : memref<10240x8xf32, #tpu.memory_space<vmem_shared>> -> memref<128x8xf32, #tpu.memory_space<vmem_shared>>
      %dma_start3A_73 = arith.constant 0 : i32
      %dma_start3A_74 = tpu.memref_slice %arg12[%add3A_67, %dma_start3A_73] : memref<10240x8xf32, #tpu.memory_space<vmem_shared>> -> memref<128x8xf32, #tpu.memory_space<vmem_shared>>
      tpu.enqueue_dma source(%dma_start3A_74 : memref<128x8xf32, #tpu.memory_space<vmem_shared>>) target(%arg9 : memref<128x8xf32, #tpu.memory_space<vmem>>) target_semaphore(%run_scoped3A_70 : memref<!tpu.dma_semaphore, #tpu.memory_space<semaphore_mem>>)
      %dma_wait3A_75 = arith.constant 0 : i32
      %dma_wait3A_76 = tpu.memref_slice %arg12[%add3A_67, %dma_wait3A_75] : memref<10240x8xf32, #tpu.memory_space<vmem_shared>> -> memref<128x8xf32, #tpu.memory_space<vmem_shared>>
      %dma_wait3A_77 = arith.constant 0 : i32
      %dma_wait3A_78 = tpu.memref_slice %arg12[%add3A_67, %dma_wait3A_77] : memref<10240x8xf32, #tpu.memory_space<vmem_shared>> -> memref<128x8xf32, #tpu.memory_space<vmem_shared>>
      tpu.wait_dma2 semaphore(%run_scoped3A_70 : memref<!tpu.dma_semaphore, #tpu.memory_space<semaphore_mem>>) src(%dma_wait3A_78 : memref<128x8xf32, #tpu.memory_space<vmem_shared>>) dst(%arg9 : memref<128x8xf32, #tpu.memory_space<vmem>>)
      tpu.yield
    }) : () -> ()
    "tpu.region"() ({
      %run_scoped3A_70 = tpu.sem_alloc : memref<!tpu.dma_semaphore, #tpu.memory_space<semaphore_mem>>
      %dma_start3A_71 = arith.constant 0 : i32
      %dma_start3A_72 = tpu.memref_slice %arg5[%arg0, %add3A_67, %dma_start3A_71] : memref<2x10240x8xf32, #tpu.memory_space<hbm>> -> memref<1x128x8xf32, #tpu.memory_space<hbm>>
      %dma_start3A_73 = tpu.memref_squeeze %dma_start3A_72 : memref<1x128x8xf32, #tpu.memory_space<hbm>> -> memref<128x8xf32, #tpu.memory_space<hbm>>
      %dma_start3A_74 = arith.constant 0 : i32
      %dma_start3A_75 = tpu.memref_slice %arg5[%arg0, %add3A_67, %dma_start3A_74] : memref<2x10240x8xf32, #tpu.memory_space<hbm>> -> memref<1x128x8xf32, #tpu.memory_space<hbm>>
      %dma_start3A_76 = tpu.memref_squeeze %dma_start3A_75 : memref<1x128x8xf32, #tpu.memory_space<hbm>> -> memref<128x8xf32, #tpu.memory_space<hbm>>
      tpu.enqueue_dma source(%arg9 : memref<128x8xf32, #tpu.memory_space<vmem>>) target(%dma_start3A_76 : memref<128x8xf32, #tpu.memory_space<hbm>>) target_semaphore(%run_scoped3A_70 : memref<!tpu.dma_semaphore, #tpu.memory_space<semaphore_mem>>)
      %dma_wait3A_77 = arith.constant 0 : i32
      %dma_wait3A_78 = tpu.memref_slice %arg5[%arg0, %add3A_67, %dma_wait3A_77] : memref<2x10240x8xf32, #tpu.memory_space<hbm>> -> memref<1x128x8xf32, #tpu.memory_space<hbm>>
      %dma_wait3A_79 = tpu.memref_squeeze %dma_wait3A_78 : memref<1x128x8xf32, #tpu.memory_space<hbm>> -> memref<128x8xf32, #tpu.memory_space<hbm>>
      %dma_wait3A_80 = arith.constant 0 : i32
      %dma_wait3A_81 = tpu.memref_slice %arg5[%arg0, %add3A_67, %dma_wait3A_80] : memref<2x10240x8xf32, #tpu.memory_space<hbm>> -> memref<1x128x8xf32, #tpu.memory_space<hbm>>
      %dma_wait3A_82 = tpu.memref_squeeze %dma_wait3A_81 : memref<1x128x8xf32, #tpu.memory_space<hbm>> -> memref<128x8xf32, #tpu.memory_space<hbm>>
      tpu.wait_dma2 semaphore(%run_scoped3A_70 : memref<!tpu.dma_semaphore, #tpu.memory_space<semaphore_mem>>) src(%arg9 : memref<128x8xf32, #tpu.memory_space<vmem>>) dst(%dma_wait3A_82 : memref<128x8xf32, #tpu.memory_space<hbm>>)
      tpu.yield
    }) : () -> ()
    %add3A_68 = arith.constant 512 : i32
    %add3A_69 = arith.addi %mul3A_4, %add3A_68 : i32
    "tpu.region"() ({
      %run_scoped3A_70 = tpu.sem_alloc : memref<!tpu.dma_semaphore, #tpu.memory_space<semaphore_mem>>
      %dma_start3A_71 = arith.constant 0 : i32
      %dma_start3A_72 = tpu.memref_slice %arg12[%add3A_69, %dma_start3A_71] : memref<10240x8xf32, #tpu.memory_space<vmem_shared>> -> memref<128x8xf32, #tpu.memory_space<vmem_shared>>
      %dma_start3A_73 = arith.constant 0 : i32
      %dma_start3A_74 = tpu.memref_slice %arg12[%add3A_69, %dma_start3A_73] : memref<10240x8xf32, #tpu.memory_space<vmem_shared>> -> memref<128x8xf32, #tpu.memory_space<vmem_shared>>
      tpu.enqueue_dma source(%dma_start3A_74 : memref<128x8xf32, #tpu.memory_space<vmem_shared>>) target(%arg9 : memref<128x8xf32, #tpu.memory_space<vmem>>) target_semaphore(%run_scoped3A_70 : memref<!tpu.dma_semaphore, #tpu.memory_space<semaphore_mem>>)
      %dma_wait3A_75 = arith.constant 0 : i32
      %dma_wait3A_76 = tpu.memref_slice %arg12[%add3A_69, %dma_wait3A_75] : memref<10240x8xf32, #tpu.memory_space<vmem_shared>> -> memref<128x8xf32, #tpu.memory_space<vmem_shared>>
      %dma_wait3A_77 = arith.constant 0 : i32
      %dma_wait3A_78 = tpu.memref_slice %arg12[%add3A_69, %dma_wait3A_77] : memref<10240x8xf32, #tpu.memory_space<vmem_shared>> -> memref<128x8xf32, #tpu.memory_space<vmem_shared>>
      tpu.wait_dma2 semaphore(%run_scoped3A_70 : memref<!tpu.dma_semaphore, #tpu.memory_space<semaphore_mem>>) src(%dma_wait3A_78 : memref<128x8xf32, #tpu.memory_space<vmem_shared>>) dst(%arg9 : memref<128x8xf32, #tpu.memory_space<vmem>>)
      tpu.yield
    }) : () -> ()
    "tpu.region"() ({
      %run_scoped3A_70 = tpu.sem_alloc : memref<!tpu.dma_semaphore, #tpu.memory_space<semaphore_mem>>
      %dma_start3A_71 = arith.constant 0 : i32
      %dma_start3A_72 = tpu.memref_slice %arg5[%arg0, %add3A_69, %dma_start3A_71] : memref<2x10240x8xf32, #tpu.memory_space<hbm>> -> memref<1x128x8xf32, #tpu.memory_space<hbm>>
      %dma_start3A_73 = tpu.memref_squeeze %dma_start3A_72 : memref<1x128x8xf32, #tpu.memory_space<hbm>> -> memref<128x8xf32, #tpu.memory_space<hbm>>
      %dma_start3A_74 = arith.constant 0 : i32
      %dma_start3A_75 = tpu.memref_slice %arg5[%arg0, %add3A_69, %dma_start3A_74] : memref<2x10240x8xf32, #tpu.memory_space<hbm>> -> memref<1x128x8xf32, #tpu.memory_space<hbm>>
      %dma_start3A_76 = tpu.memref_squeeze %dma_start3A_75 : memref<1x128x8xf32, #tpu.memory_space<hbm>> -> memref<128x8xf32, #tpu.memory_space<hbm>>
      tpu.enqueue_dma source(%arg9 : memref<128x8xf32, #tpu.memory_space<vmem>>) target(%dma_start3A_76 : memref<128x8xf32, #tpu.memory_space<hbm>>) target_semaphore(%run_scoped3A_70 : memref<!tpu.dma_semaphore, #tpu.memory_space<semaphore_mem>>)
      %dma_wait3A_77 = arith.constant 0 : i32
      %dma_wait3A_78 = tpu.memref_slice %arg5[%arg0, %add3A_69, %dma_wait3A_77] : memref<2x10240x8xf32, #tpu.memory_space<hbm>> -> memref<1x128x8xf32, #tpu.memory_space<hbm>>
      %dma_wait3A_79 = tpu.memref_squeeze %dma_wait3A_78 : memref<1x128x8xf32, #tpu.memory_space<hbm>> -> memref<128x8xf32, #tpu.memory_space<hbm>>
      %dma_wait3A_80 = arith.constant 0 : i32
      %dma_wait3A_81 = tpu.memref_slice %arg5[%arg0, %add3A_69, %dma_wait3A_80] : memref<2x10240x8xf32, #tpu.memory_space<hbm>> -> memref<1x128x8xf32, #tpu.memory_space<hbm>>
      %dma_wait3A_82 = tpu.memref_squeeze %dma_wait3A_81 : memref<1x128x8xf32, #tpu.memory_space<hbm>> -> memref<128x8xf32, #tpu.memory_space<hbm>>
      tpu.wait_dma2 semaphore(%run_scoped3A_70 : memref<!tpu.dma_semaphore, #tpu.memory_space<semaphore_mem>>) src(%arg9 : memref<128x8xf32, #tpu.memory_space<vmem>>) dst(%dma_wait3A_82 : memref<128x8xf32, #tpu.memory_space<hbm>>)
      tpu.yield
    }) : () -> ()
    return
  }
}

#map = affine_map<(d0, d1) -> (0, 0)>
#map1 = affine_map<(d0, d1) -> (0, 0, 0)>
module attributes {stable_mosaic.version = 14 : i64} {
  func.func @body(%arg0: i32, %arg1: i32, %arg2: memref<10000x64xf32, #tpu.memory_space<hbm>>, %arg3: memref<5056x2x128xi32, #tpu.memory_space<hbm>>, %arg4: memref<128x64xf32, #tpu.memory_space<hbm>>, %arg5: memref<2x10240x64xf32, #tpu.memory_space<hbm>>, %arg6: memref<2x128xi32, #tpu.memory_space<vmem>>, %arg7: memref<2x128xi32, #tpu.memory_space<vmem>>, %arg8: memref<128x64xf32, #tpu.memory_space<vmem>>, %arg9: memref<128x64xf32, #tpu.memory_space<vmem>>, %arg10: memref<!tpu.dma_semaphore, #tpu.memory_space<semaphore_mem>>, %arg11: memref<!tpu.dma_semaphore, #tpu.memory_space<semaphore_mem>>, %arg12: memref<10240x64xf32, #tpu.memory_space<vmem_shared>>) attributes {dimension_semantics = [#tpu.dimension_semantics<core_parallel>, #tpu.dimension_semantics<subcore_parallel>], iteration_bounds = array<i64: 2, 16>, scalar_prefetch = 0 : i64, scratch_operands = 7 : i64, tpu.core_type = #tpu.core_type<sc_vector_subcore>, window_params = [{transform_indices = #map}, {transform_indices = #map1}, {transform_indices = #map}, {transform_indices = #map1}]} {
    %mul3A = arith.constant 640 : i32
    %mul3A_0 = arith.muli %arg1, %mul3A : i32
    "tpu.region"() ({
      %run_scoped3A = tpu.sem_alloc : memref<!tpu.dma_semaphore, #tpu.memory_space<semaphore_mem>>
      tpu.enqueue_dma source(%arg4 : memref<128x64xf32, #tpu.memory_space<hbm>>) target(%arg8 : memref<128x64xf32, #tpu.memory_space<vmem>>) target_semaphore(%run_scoped3A : memref<!tpu.dma_semaphore, #tpu.memory_space<semaphore_mem>>)
      tpu.wait_dma2 semaphore(%run_scoped3A : memref<!tpu.dma_semaphore, #tpu.memory_space<semaphore_mem>>) src(%arg4 : memref<128x64xf32, #tpu.memory_space<hbm>>) dst(%arg8 : memref<128x64xf32, #tpu.memory_space<vmem>>)
      tpu.yield
    }) : () -> ()
    %add3A = arith.constant 0 : i32
    %add3A_1 = arith.addi %mul3A_0, %add3A : i32
    "tpu.region"() ({
      %run_scoped3A = tpu.sem_alloc : memref<!tpu.dma_semaphore, #tpu.memory_space<semaphore_mem>>
      %dma_start3A = arith.constant 0 : i32
      %dma_start3A_29 = tpu.memref_slice %arg12[%add3A_1, %dma_start3A] : memref<10240x64xf32, #tpu.memory_space<vmem_shared>> -> memref<128x64xf32, #tpu.memory_space<vmem_shared>>
      %dma_start3A_30 = arith.constant 0 : i32
      %dma_start3A_31 = tpu.memref_slice %arg12[%add3A_1, %dma_start3A_30] : memref<10240x64xf32, #tpu.memory_space<vmem_shared>> -> memref<128x64xf32, #tpu.memory_space<vmem_shared>>
      tpu.enqueue_dma source(%arg8 : memref<128x64xf32, #tpu.memory_space<vmem>>) target(%dma_start3A_31 : memref<128x64xf32, #tpu.memory_space<vmem_shared>>) target_semaphore(%run_scoped3A : memref<!tpu.dma_semaphore, #tpu.memory_space<semaphore_mem>>)
      %dma_wait3A = arith.constant 0 : i32
      %dma_wait3A_32 = tpu.memref_slice %arg12[%add3A_1, %dma_wait3A] : memref<10240x64xf32, #tpu.memory_space<vmem_shared>> -> memref<128x64xf32, #tpu.memory_space<vmem_shared>>
      %dma_wait3A_33 = arith.constant 0 : i32
      %dma_wait3A_34 = tpu.memref_slice %arg12[%add3A_1, %dma_wait3A_33] : memref<10240x64xf32, #tpu.memory_space<vmem_shared>> -> memref<128x64xf32, #tpu.memory_space<vmem_shared>>
      tpu.wait_dma2 semaphore(%run_scoped3A : memref<!tpu.dma_semaphore, #tpu.memory_space<semaphore_mem>>) src(%arg8 : memref<128x64xf32, #tpu.memory_space<vmem>>) dst(%dma_wait3A_34 : memref<128x64xf32, #tpu.memory_space<vmem_shared>>)
      tpu.yield
    }) : () -> ()
    %add3A_2 = arith.constant 128 : i32
    %add3A_3 = arith.addi %mul3A_0, %add3A_2 : i32
    "tpu.region"() ({
      %run_scoped3A = tpu.sem_alloc : memref<!tpu.dma_semaphore, #tpu.memory_space<semaphore_mem>>
      %dma_start3A = arith.constant 0 : i32
      %dma_start3A_29 = tpu.memref_slice %arg12[%add3A_3, %dma_start3A] : memref<10240x64xf32, #tpu.memory_space<vmem_shared>> -> memref<128x64xf32, #tpu.memory_space<vmem_shared>>
      %dma_start3A_30 = arith.constant 0 : i32
      %dma_start3A_31 = tpu.memref_slice %arg12[%add3A_3, %dma_start3A_30] : memref<10240x64xf32, #tpu.memory_space<vmem_shared>> -> memref<128x64xf32, #tpu.memory_space<vmem_shared>>
      tpu.enqueue_dma source(%arg8 : memref<128x64xf32, #tpu.memory_space<vmem>>) target(%dma_start3A_31 : memref<128x64xf32, #tpu.memory_space<vmem_shared>>) target_semaphore(%run_scoped3A : memref<!tpu.dma_semaphore, #tpu.memory_space<semaphore_mem>>)
      %dma_wait3A = arith.constant 0 : i32
      %dma_wait3A_32 = tpu.memref_slice %arg12[%add3A_3, %dma_wait3A] : memref<10240x64xf32, #tpu.memory_space<vmem_shared>> -> memref<128x64xf32, #tpu.memory_space<vmem_shared>>
      %dma_wait3A_33 = arith.constant 0 : i32
      %dma_wait3A_34 = tpu.memref_slice %arg12[%add3A_3, %dma_wait3A_33] : memref<10240x64xf32, #tpu.memory_space<vmem_shared>> -> memref<128x64xf32, #tpu.memory_space<vmem_shared>>
      tpu.wait_dma2 semaphore(%run_scoped3A : memref<!tpu.dma_semaphore, #tpu.memory_space<semaphore_mem>>) src(%arg8 : memref<128x64xf32, #tpu.memory_space<vmem>>) dst(%dma_wait3A_34 : memref<128x64xf32, #tpu.memory_space<vmem_shared>>)
      tpu.yield
    }) : () -> ()
    %add3A_4 = arith.constant 256 : i32
    %add3A_5 = arith.addi %mul3A_0, %add3A_4 : i32
    "tpu.region"() ({
      %run_scoped3A = tpu.sem_alloc : memref<!tpu.dma_semaphore, #tpu.memory_space<semaphore_mem>>
      %dma_start3A = arith.constant 0 : i32
      %dma_start3A_29 = tpu.memref_slice %arg12[%add3A_5, %dma_start3A] : memref<10240x64xf32, #tpu.memory_space<vmem_shared>> -> memref<128x64xf32, #tpu.memory_space<vmem_shared>>
      %dma_start3A_30 = arith.constant 0 : i32
      %dma_start3A_31 = tpu.memref_slice %arg12[%add3A_5, %dma_start3A_30] : memref<10240x64xf32, #tpu.memory_space<vmem_shared>> -> memref<128x64xf32, #tpu.memory_space<vmem_shared>>
      tpu.enqueue_dma source(%arg8 : memref<128x64xf32, #tpu.memory_space<vmem>>) target(%dma_start3A_31 : memref<128x64xf32, #tpu.memory_space<vmem_shared>>) target_semaphore(%run_scoped3A : memref<!tpu.dma_semaphore, #tpu.memory_space<semaphore_mem>>)
      %dma_wait3A = arith.constant 0 : i32
      %dma_wait3A_32 = tpu.memref_slice %arg12[%add3A_5, %dma_wait3A] : memref<10240x64xf32, #tpu.memory_space<vmem_shared>> -> memref<128x64xf32, #tpu.memory_space<vmem_shared>>
      %dma_wait3A_33 = arith.constant 0 : i32
      %dma_wait3A_34 = tpu.memref_slice %arg12[%add3A_5, %dma_wait3A_33] : memref<10240x64xf32, #tpu.memory_space<vmem_shared>> -> memref<128x64xf32, #tpu.memory_space<vmem_shared>>
      tpu.wait_dma2 semaphore(%run_scoped3A : memref<!tpu.dma_semaphore, #tpu.memory_space<semaphore_mem>>) src(%arg8 : memref<128x64xf32, #tpu.memory_space<vmem>>) dst(%dma_wait3A_34 : memref<128x64xf32, #tpu.memory_space<vmem_shared>>)
      tpu.yield
    }) : () -> ()
    %add3A_6 = arith.constant 384 : i32
    %add3A_7 = arith.addi %mul3A_0, %add3A_6 : i32
    "tpu.region"() ({
      %run_scoped3A = tpu.sem_alloc : memref<!tpu.dma_semaphore, #tpu.memory_space<semaphore_mem>>
      %dma_start3A = arith.constant 0 : i32
      %dma_start3A_29 = tpu.memref_slice %arg12[%add3A_7, %dma_start3A] : memref<10240x64xf32, #tpu.memory_space<vmem_shared>> -> memref<128x64xf32, #tpu.memory_space<vmem_shared>>
      %dma_start3A_30 = arith.constant 0 : i32
      %dma_start3A_31 = tpu.memref_slice %arg12[%add3A_7, %dma_start3A_30] : memref<10240x64xf32, #tpu.memory_space<vmem_shared>> -> memref<128x64xf32, #tpu.memory_space<vmem_shared>>
      tpu.enqueue_dma source(%arg8 : memref<128x64xf32, #tpu.memory_space<vmem>>) target(%dma_start3A_31 : memref<128x64xf32, #tpu.memory_space<vmem_shared>>) target_semaphore(%run_scoped3A : memref<!tpu.dma_semaphore, #tpu.memory_space<semaphore_mem>>)
      %dma_wait3A = arith.constant 0 : i32
      %dma_wait3A_32 = tpu.memref_slice %arg12[%add3A_7, %dma_wait3A] : memref<10240x64xf32, #tpu.memory_space<vmem_shared>> -> memref<128x64xf32, #tpu.memory_space<vmem_shared>>
      %dma_wait3A_33 = arith.constant 0 : i32
      %dma_wait3A_34 = tpu.memref_slice %arg12[%add3A_7, %dma_wait3A_33] : memref<10240x64xf32, #tpu.memory_space<vmem_shared>> -> memref<128x64xf32, #tpu.memory_space<vmem_shared>>
      tpu.wait_dma2 semaphore(%run_scoped3A : memref<!tpu.dma_semaphore, #tpu.memory_space<semaphore_mem>>) src(%arg8 : memref<128x64xf32, #tpu.memory_space<vmem>>) dst(%dma_wait3A_34 : memref<128x64xf32, #tpu.memory_space<vmem_shared>>)
      tpu.yield
    }) : () -> ()
    %add3A_8 = arith.constant 512 : i32
    %add3A_9 = arith.addi %mul3A_0, %add3A_8 : i32
    "tpu.region"() ({
      %run_scoped3A = tpu.sem_alloc : memref<!tpu.dma_semaphore, #tpu.memory_space<semaphore_mem>>
      %dma_start3A = arith.constant 0 : i32
      %dma_start3A_29 = tpu.memref_slice %arg12[%add3A_9, %dma_start3A] : memref<10240x64xf32, #tpu.memory_space<vmem_shared>> -> memref<128x64xf32, #tpu.memory_space<vmem_shared>>
      %dma_start3A_30 = arith.constant 0 : i32
      %dma_start3A_31 = tpu.memref_slice %arg12[%add3A_9, %dma_start3A_30] : memref<10240x64xf32, #tpu.memory_space<vmem_shared>> -> memref<128x64xf32, #tpu.memory_space<vmem_shared>>
      tpu.enqueue_dma source(%arg8 : memref<128x64xf32, #tpu.memory_space<vmem>>) target(%dma_start3A_31 : memref<128x64xf32, #tpu.memory_space<vmem_shared>>) target_semaphore(%run_scoped3A : memref<!tpu.dma_semaphore, #tpu.memory_space<semaphore_mem>>)
      %dma_wait3A = arith.constant 0 : i32
      %dma_wait3A_32 = tpu.memref_slice %arg12[%add3A_9, %dma_wait3A] : memref<10240x64xf32, #tpu.memory_space<vmem_shared>> -> memref<128x64xf32, #tpu.memory_space<vmem_shared>>
      %dma_wait3A_33 = arith.constant 0 : i32
      %dma_wait3A_34 = tpu.memref_slice %arg12[%add3A_9, %dma_wait3A_33] : memref<10240x64xf32, #tpu.memory_space<vmem_shared>> -> memref<128x64xf32, #tpu.memory_space<vmem_shared>>
      tpu.wait_dma2 semaphore(%run_scoped3A : memref<!tpu.dma_semaphore, #tpu.memory_space<semaphore_mem>>) src(%arg8 : memref<128x64xf32, #tpu.memory_space<vmem>>) dst(%dma_wait3A_34 : memref<128x64xf32, #tpu.memory_space<vmem_shared>>)
      tpu.yield
    }) : () -> ()
    %barrier3A = arith.constant 0 : index
    tpu.barrier barrier_id(%barrier3A)
    %mul3A_10 = arith.constant 232 : i32
    %mul3A_11 = arith.muli %arg1, %mul3A_10 : i32
    %mul3A_12 = arith.constant 84 : i32
    %mul3A_13 = arith.muli %arg1, %mul3A_12 : i32
    %add3A_14 = arith.constant 3712 : i32
    %add3A_15 = arith.addi %add3A_14, %mul3A_13 : i32
    %eq3A = arith.constant 0 : i32
    %eq3A_16 = arith.cmpi eq, %arg0, %eq3A : i32
    %convert_element_type3A = arith.extui %eq3A_16 : i1 to i32
    %cond3A = arith.constant 0 : i32
    %cond3A_17 = arith.cmpi ne, %convert_element_type3A, %cond3A : i32
    scf.if %cond3A_17 {
      %add3A_29 = arith.constant 0 : i32
      %add3A_30 = arith.addi %mul3A_11, %add3A_29 : i32
      "tpu.region"() ({
        %run_scoped3A_65 = tpu.sem_alloc : memref<!tpu.dma_semaphore, #tpu.memory_space<semaphore_mem>>
        %dma_start3A_66 = arith.constant 0 : i32
        %dma_start3A_67 = arith.constant 0 : i32
        %dma_start3A_68 = tpu.memref_slice %arg3[%add3A_30, %dma_start3A_66, %dma_start3A_67] : memref<5056x2x128xi32, #tpu.memory_space<hbm>> -> memref<1x2x128xi32, #tpu.memory_space<hbm>>
        %dma_start3A_69 = tpu.memref_squeeze %dma_start3A_68 : memref<1x2x128xi32, #tpu.memory_space<hbm>> -> memref<2x128xi32, #tpu.memory_space<hbm>>
        %dma_start3A_70 = arith.constant 0 : i32
        %dma_start3A_71 = arith.constant 0 : i32
        %dma_start3A_72 = tpu.memref_slice %arg3[%add3A_30, %dma_start3A_70, %dma_start3A_71] : memref<5056x2x128xi32, #tpu.memory_space<hbm>> -> memref<1x2x128xi32, #tpu.memory_space<hbm>>
        %dma_start3A_73 = tpu.memref_squeeze %dma_start3A_72 : memref<1x2x128xi32, #tpu.memory_space<hbm>> -> memref<2x128xi32, #tpu.memory_space<hbm>>
        tpu.enqueue_dma source(%dma_start3A_73 : memref<2x128xi32, #tpu.memory_space<hbm>>) target(%arg6 : memref<2x128xi32, #tpu.memory_space<vmem>>) target_semaphore(%run_scoped3A_65 : memref<!tpu.dma_semaphore, #tpu.memory_space<semaphore_mem>>)
        %dma_wait3A_74 = arith.constant 0 : i32
        %dma_wait3A_75 = arith.constant 0 : i32
        %dma_wait3A_76 = tpu.memref_slice %arg3[%add3A_30, %dma_wait3A_74, %dma_wait3A_75] : memref<5056x2x128xi32, #tpu.memory_space<hbm>> -> memref<1x2x128xi32, #tpu.memory_space<hbm>>
        %dma_wait3A_77 = tpu.memref_squeeze %dma_wait3A_76 : memref<1x2x128xi32, #tpu.memory_space<hbm>> -> memref<2x128xi32, #tpu.memory_space<hbm>>
        %dma_wait3A_78 = arith.constant 0 : i32
        %dma_wait3A_79 = arith.constant 0 : i32
        %dma_wait3A_80 = tpu.memref_slice %arg3[%add3A_30, %dma_wait3A_78, %dma_wait3A_79] : memref<5056x2x128xi32, #tpu.memory_space<hbm>> -> memref<1x2x128xi32, #tpu.memory_space<hbm>>
        %dma_wait3A_81 = tpu.memref_squeeze %dma_wait3A_80 : memref<1x2x128xi32, #tpu.memory_space<hbm>> -> memref<2x128xi32, #tpu.memory_space<hbm>>
        tpu.wait_dma2 semaphore(%run_scoped3A_65 : memref<!tpu.dma_semaphore, #tpu.memory_space<semaphore_mem>>) src(%dma_wait3A_81 : memref<2x128xi32, #tpu.memory_space<hbm>>) dst(%arg6 : memref<2x128xi32, #tpu.memory_space<vmem>>)
        tpu.yield
      }) : () -> ()
      %dma_start3A = arith.constant 0 : i32
      %dma_start3A_31 = arith.constant 0 : i32
      %dma_start3A_32 = tpu.memref_slice %arg6[%dma_start3A, %dma_start3A_31] : memref<2x128xi32, #tpu.memory_space<vmem>> -> memref<1x128xi32, #tpu.memory_space<vmem>>
      %dma_start3A_33 = tpu.memref_squeeze %dma_start3A_32 : memref<1x128xi32, #tpu.memory_space<vmem>> -> memref<128xi32, #tpu.memory_space<vmem>>
      %dma_start3A_34 = arith.constant 0 : i32
      %dma_start3A_35 = arith.constant 0 : i32
      %dma_start3A_36 = tpu.memref_slice %arg2[%dma_start3A_34, %dma_start3A_35] : memref<10000x64xf32, #tpu.memory_space<hbm>> -> memref<10000x64xf32, #tpu.memory_space<hbm>>
      tpu.enqueue_indirect_dma source(%dma_start3A_36 : memref<10000x64xf32, #tpu.memory_space<hbm>>) target(%arg8 : memref<128x64xf32, #tpu.memory_space<vmem>>) offsets(%dma_start3A_33 : memref<128xi32, #tpu.memory_space<vmem>>) semaphore(%arg10 : memref<!tpu.dma_semaphore, #tpu.memory_space<semaphore_mem>>)
      %scan3A = arith.constant 0 : i32
      %scan3A_37 = arith.constant 0 : i32
      %scan3A_38 = arith.constant 115 : i32
      %scan3A_39 = arith.addi %scan3A_37, %scan3A_38 : i32
      %scan3A_40 = arith.constant 1 : i32
      scf.for %scan3A_65 = %scan3A_37 to %scan3A_39 step %scan3A_40  : i32 {
        %mul3A_66 = arith.constant 2 : i32
        %mul3A_67 = arith.muli %scan3A_65, %mul3A_66 : i32
        %add3A_68 = arith.constant 1 : i32
        %add3A_69 = arith.addi %mul3A_67, %add3A_68 : i32
        %add3A_70 = arith.addi %mul3A_11, %add3A_69 : i32
        "tpu.region"() ({
          %run_scoped3A_104 = tpu.sem_alloc : memref<!tpu.dma_semaphore, #tpu.memory_space<semaphore_mem>>
          %dma_start3A_105 = arith.constant 0 : i32
          %dma_start3A_106 = arith.constant 0 : i32
          %dma_start3A_107 = tpu.memref_slice %arg3[%add3A_70, %dma_start3A_105, %dma_start3A_106] : memref<5056x2x128xi32, #tpu.memory_space<hbm>> -> memref<1x2x128xi32, #tpu.memory_space<hbm>>
          %dma_start3A_108 = tpu.memref_squeeze %dma_start3A_107 : memref<1x2x128xi32, #tpu.memory_space<hbm>> -> memref<2x128xi32, #tpu.memory_space<hbm>>
          %dma_start3A_109 = arith.constant 0 : i32
          %dma_start3A_110 = arith.constant 0 : i32
          %dma_start3A_111 = tpu.memref_slice %arg3[%add3A_70, %dma_start3A_109, %dma_start3A_110] : memref<5056x2x128xi32, #tpu.memory_space<hbm>> -> memref<1x2x128xi32, #tpu.memory_space<hbm>>
          %dma_start3A_112 = tpu.memref_squeeze %dma_start3A_111 : memref<1x2x128xi32, #tpu.memory_space<hbm>> -> memref<2x128xi32, #tpu.memory_space<hbm>>
          tpu.enqueue_dma source(%dma_start3A_112 : memref<2x128xi32, #tpu.memory_space<hbm>>) target(%arg7 : memref<2x128xi32, #tpu.memory_space<vmem>>) target_semaphore(%run_scoped3A_104 : memref<!tpu.dma_semaphore, #tpu.memory_space<semaphore_mem>>)
          %dma_wait3A_113 = arith.constant 0 : i32
          %dma_wait3A_114 = arith.constant 0 : i32
          %dma_wait3A_115 = tpu.memref_slice %arg3[%add3A_70, %dma_wait3A_113, %dma_wait3A_114] : memref<5056x2x128xi32, #tpu.memory_space<hbm>> -> memref<1x2x128xi32, #tpu.memory_space<hbm>>
          %dma_wait3A_116 = tpu.memref_squeeze %dma_wait3A_115 : memref<1x2x128xi32, #tpu.memory_space<hbm>> -> memref<2x128xi32, #tpu.memory_space<hbm>>
          %dma_wait3A_117 = arith.constant 0 : i32
          %dma_wait3A_118 = arith.constant 0 : i32
          %dma_wait3A_119 = tpu.memref_slice %arg3[%add3A_70, %dma_wait3A_117, %dma_wait3A_118] : memref<5056x2x128xi32, #tpu.memory_space<hbm>> -> memref<1x2x128xi32, #tpu.memory_space<hbm>>
          %dma_wait3A_120 = tpu.memref_squeeze %dma_wait3A_119 : memref<1x2x128xi32, #tpu.memory_space<hbm>> -> memref<2x128xi32, #tpu.memory_space<hbm>>
          tpu.wait_dma2 semaphore(%run_scoped3A_104 : memref<!tpu.dma_semaphore, #tpu.memory_space<semaphore_mem>>) src(%dma_wait3A_120 : memref<2x128xi32, #tpu.memory_space<hbm>>) dst(%arg7 : memref<2x128xi32, #tpu.memory_space<vmem>>)
          tpu.yield
        }) : () -> ()
        %dma_start3A_71 = arith.constant 0 : i32
        %dma_start3A_72 = arith.constant 0 : i32
        %dma_start3A_73 = tpu.memref_slice %arg7[%dma_start3A_71, %dma_start3A_72] : memref<2x128xi32, #tpu.memory_space<vmem>> -> memref<1x128xi32, #tpu.memory_space<vmem>>
        %dma_start3A_74 = tpu.memref_squeeze %dma_start3A_73 : memref<1x128xi32, #tpu.memory_space<vmem>> -> memref<128xi32, #tpu.memory_space<vmem>>
        %dma_start3A_75 = arith.constant 0 : i32
        %dma_start3A_76 = arith.constant 0 : i32
        %dma_start3A_77 = tpu.memref_slice %arg2[%dma_start3A_75, %dma_start3A_76] : memref<10000x64xf32, #tpu.memory_space<hbm>> -> memref<10000x64xf32, #tpu.memory_space<hbm>>
        tpu.enqueue_indirect_dma source(%dma_start3A_77 : memref<10000x64xf32, #tpu.memory_space<hbm>>) target(%arg9 : memref<128x64xf32, #tpu.memory_space<vmem>>) offsets(%dma_start3A_74 : memref<128xi32, #tpu.memory_space<vmem>>) semaphore(%arg11 : memref<!tpu.dma_semaphore, #tpu.memory_space<semaphore_mem>>)
        %dma_wait3A_78 = arith.constant 0 : i32
        %dma_wait3A_79 = arith.constant 0 : i32
        %dma_wait3A_80 = tpu.memref_slice %arg6[%dma_wait3A_78, %dma_wait3A_79] : memref<2x128xi32, #tpu.memory_space<vmem>> -> memref<1x128xi32, #tpu.memory_space<vmem>>
        %dma_wait3A_81 = tpu.memref_squeeze %dma_wait3A_80 : memref<1x128xi32, #tpu.memory_space<vmem>> -> memref<128xi32, #tpu.memory_space<vmem>>
        %dma_wait3A_82 = arith.constant 0 : i32
        %dma_wait3A_83 = arith.constant 0 : i32
        %dma_wait3A_84 = tpu.memref_slice %arg2[%dma_wait3A_82, %dma_wait3A_83] : memref<10000x64xf32, #tpu.memory_space<hbm>> -> memref<10000x64xf32, #tpu.memory_space<hbm>>
        tpu.wait_indirect_dma semaphore(%arg10 : memref<!tpu.dma_semaphore, #tpu.memory_space<semaphore_mem>>) src(%dma_wait3A_84 : memref<10000x64xf32, #tpu.memory_space<hbm>>) dst(%arg8 : memref<128x64xf32, #tpu.memory_space<vmem>>)
        %run_scoped3A_85 = arith.constant 1 : i32
        "tpu.region"() ({
          %run_scoped3A_104 = tpu.sem_alloc : memref<!tpu.dma_semaphore, #tpu.memory_space<semaphore_mem>>
          %dma_start3A_105 = arith.constant 0 : i32
          %dma_start3A_106 = tpu.memref_slice %arg6[%run_scoped3A_85, %dma_start3A_105] : memref<2x128xi32, #tpu.memory_space<vmem>> -> memref<1x128xi32, #tpu.memory_space<vmem>>
          %dma_start3A_107 = tpu.memref_squeeze %dma_start3A_106 : memref<1x128xi32, #tpu.memory_space<vmem>> -> memref<128xi32, #tpu.memory_space<vmem>>
          %dma_start3A_108 = arith.constant 0 : i32
          %dma_start3A_109 = arith.constant 0 : i32
          %dma_start3A_110 = tpu.memref_slice %arg12[%dma_start3A_108, %dma_start3A_109] : memref<10240x64xf32, #tpu.memory_space<vmem_shared>> -> memref<10240x64xf32, #tpu.memory_space<vmem_shared>>
          tpu.enqueue_indirect_dma source(%arg8 : memref<128x64xf32, #tpu.memory_space<vmem>>) target(%dma_start3A_110 : memref<10240x64xf32, #tpu.memory_space<vmem_shared>>) offsets(%dma_start3A_107 : memref<128xi32, #tpu.memory_space<vmem>>) semaphore(%run_scoped3A_104 : memref<!tpu.dma_semaphore, #tpu.memory_space<semaphore_mem>>) {add = true}
          %dma_wait3A_111 = arith.constant 0 : i32
          %dma_wait3A_112 = tpu.memref_slice %arg6[%run_scoped3A_85, %dma_wait3A_111] : memref<2x128xi32, #tpu.memory_space<vmem>> -> memref<1x128xi32, #tpu.memory_space<vmem>>
          %dma_wait3A_113 = tpu.memref_squeeze %dma_wait3A_112 : memref<1x128xi32, #tpu.memory_space<vmem>> -> memref<128xi32, #tpu.memory_space<vmem>>
          %dma_wait3A_114 = arith.constant 0 : i32
          %dma_wait3A_115 = arith.constant 0 : i32
          %dma_wait3A_116 = tpu.memref_slice %arg12[%dma_wait3A_114, %dma_wait3A_115] : memref<10240x64xf32, #tpu.memory_space<vmem_shared>> -> memref<10240x64xf32, #tpu.memory_space<vmem_shared>>
          tpu.wait_indirect_dma semaphore(%run_scoped3A_104 : memref<!tpu.dma_semaphore, #tpu.memory_space<semaphore_mem>>) src(%arg8 : memref<128x64xf32, #tpu.memory_space<vmem>>) dst(%dma_wait3A_116 : memref<10240x64xf32, #tpu.memory_space<vmem_shared>>)
          tpu.yield
        }) : () -> ()
        %add3A_86 = arith.constant 2 : i32
        %add3A_87 = arith.addi %mul3A_67, %add3A_86 : i32
        %add3A_88 = arith.addi %mul3A_11, %add3A_87 : i32
        "tpu.region"() ({
          %run_scoped3A_104 = tpu.sem_alloc : memref<!tpu.dma_semaphore, #tpu.memory_space<semaphore_mem>>
          %dma_start3A_105 = arith.constant 0 : i32
          %dma_start3A_106 = arith.constant 0 : i32
          %dma_start3A_107 = tpu.memref_slice %arg3[%add3A_88, %dma_start3A_105, %dma_start3A_106] : memref<5056x2x128xi32, #tpu.memory_space<hbm>> -> memref<1x2x128xi32, #tpu.memory_space<hbm>>
          %dma_start3A_108 = tpu.memref_squeeze %dma_start3A_107 : memref<1x2x128xi32, #tpu.memory_space<hbm>> -> memref<2x128xi32, #tpu.memory_space<hbm>>
          %dma_start3A_109 = arith.constant 0 : i32
          %dma_start3A_110 = arith.constant 0 : i32
          %dma_start3A_111 = tpu.memref_slice %arg3[%add3A_88, %dma_start3A_109, %dma_start3A_110] : memref<5056x2x128xi32, #tpu.memory_space<hbm>> -> memref<1x2x128xi32, #tpu.memory_space<hbm>>
          %dma_start3A_112 = tpu.memref_squeeze %dma_start3A_111 : memref<1x2x128xi32, #tpu.memory_space<hbm>> -> memref<2x128xi32, #tpu.memory_space<hbm>>
          tpu.enqueue_dma source(%dma_start3A_112 : memref<2x128xi32, #tpu.memory_space<hbm>>) target(%arg6 : memref<2x128xi32, #tpu.memory_space<vmem>>) target_semaphore(%run_scoped3A_104 : memref<!tpu.dma_semaphore, #tpu.memory_space<semaphore_mem>>)
          %dma_wait3A_113 = arith.constant 0 : i32
          %dma_wait3A_114 = arith.constant 0 : i32
          %dma_wait3A_115 = tpu.memref_slice %arg3[%add3A_88, %dma_wait3A_113, %dma_wait3A_114] : memref<5056x2x128xi32, #tpu.memory_space<hbm>> -> memref<1x2x128xi32, #tpu.memory_space<hbm>>
          %dma_wait3A_116 = tpu.memref_squeeze %dma_wait3A_115 : memref<1x2x128xi32, #tpu.memory_space<hbm>> -> memref<2x128xi32, #tpu.memory_space<hbm>>
          %dma_wait3A_117 = arith.constant 0 : i32
          %dma_wait3A_118 = arith.constant 0 : i32
          %dma_wait3A_119 = tpu.memref_slice %arg3[%add3A_88, %dma_wait3A_117, %dma_wait3A_118] : memref<5056x2x128xi32, #tpu.memory_space<hbm>> -> memref<1x2x128xi32, #tpu.memory_space<hbm>>
          %dma_wait3A_120 = tpu.memref_squeeze %dma_wait3A_119 : memref<1x2x128xi32, #tpu.memory_space<hbm>> -> memref<2x128xi32, #tpu.memory_space<hbm>>
          tpu.wait_dma2 semaphore(%run_scoped3A_104 : memref<!tpu.dma_semaphore, #tpu.memory_space<semaphore_mem>>) src(%dma_wait3A_120 : memref<2x128xi32, #tpu.memory_space<hbm>>) dst(%arg6 : memref<2x128xi32, #tpu.memory_space<vmem>>)
          tpu.yield
        }) : () -> ()
        %dma_start3A_89 = arith.constant 0 : i32
        %dma_start3A_90 = arith.constant 0 : i32
        %dma_start3A_91 = tpu.memref_slice %arg6[%dma_start3A_89, %dma_start3A_90] : memref<2x128xi32, #tpu.memory_space<vmem>> -> memref<1x128xi32, #tpu.memory_space<vmem>>
        %dma_start3A_92 = tpu.memref_squeeze %dma_start3A_91 : memref<1x128xi32, #tpu.memory_space<vmem>> -> memref<128xi32, #tpu.memory_space<vmem>>
        %dma_start3A_93 = arith.constant 0 : i32
        %dma_start3A_94 = arith.constant 0 : i32
        %dma_start3A_95 = tpu.memref_slice %arg2[%dma_start3A_93, %dma_start3A_94] : memref<10000x64xf32, #tpu.memory_space<hbm>> -> memref<10000x64xf32, #tpu.memory_space<hbm>>
        tpu.enqueue_indirect_dma source(%dma_start3A_95 : memref<10000x64xf32, #tpu.memory_space<hbm>>) target(%arg8 : memref<128x64xf32, #tpu.memory_space<vmem>>) offsets(%dma_start3A_92 : memref<128xi32, #tpu.memory_space<vmem>>) semaphore(%arg10 : memref<!tpu.dma_semaphore, #tpu.memory_space<semaphore_mem>>)
        %dma_wait3A_96 = arith.constant 0 : i32
        %dma_wait3A_97 = arith.constant 0 : i32
        %dma_wait3A_98 = tpu.memref_slice %arg7[%dma_wait3A_96, %dma_wait3A_97] : memref<2x128xi32, #tpu.memory_space<vmem>> -> memref<1x128xi32, #tpu.memory_space<vmem>>
        %dma_wait3A_99 = tpu.memref_squeeze %dma_wait3A_98 : memref<1x128xi32, #tpu.memory_space<vmem>> -> memref<128xi32, #tpu.memory_space<vmem>>
        %dma_wait3A_100 = arith.constant 0 : i32
        %dma_wait3A_101 = arith.constant 0 : i32
        %dma_wait3A_102 = tpu.memref_slice %arg2[%dma_wait3A_100, %dma_wait3A_101] : memref<10000x64xf32, #tpu.memory_space<hbm>> -> memref<10000x64xf32, #tpu.memory_space<hbm>>
        tpu.wait_indirect_dma semaphore(%arg11 : memref<!tpu.dma_semaphore, #tpu.memory_space<semaphore_mem>>) src(%dma_wait3A_102 : memref<10000x64xf32, #tpu.memory_space<hbm>>) dst(%arg9 : memref<128x64xf32, #tpu.memory_space<vmem>>)
        %run_scoped3A_103 = arith.constant 1 : i32
        "tpu.region"() ({
          %run_scoped3A_104 = tpu.sem_alloc : memref<!tpu.dma_semaphore, #tpu.memory_space<semaphore_mem>>
          %dma_start3A_105 = arith.constant 0 : i32
          %dma_start3A_106 = tpu.memref_slice %arg7[%run_scoped3A_103, %dma_start3A_105] : memref<2x128xi32, #tpu.memory_space<vmem>> -> memref<1x128xi32, #tpu.memory_space<vmem>>
          %dma_start3A_107 = tpu.memref_squeeze %dma_start3A_106 : memref<1x128xi32, #tpu.memory_space<vmem>> -> memref<128xi32, #tpu.memory_space<vmem>>
          %dma_start3A_108 = arith.constant 0 : i32
          %dma_start3A_109 = arith.constant 0 : i32
          %dma_start3A_110 = tpu.memref_slice %arg12[%dma_start3A_108, %dma_start3A_109] : memref<10240x64xf32, #tpu.memory_space<vmem_shared>> -> memref<10240x64xf32, #tpu.memory_space<vmem_shared>>
          tpu.enqueue_indirect_dma source(%arg9 : memref<128x64xf32, #tpu.memory_space<vmem>>) target(%dma_start3A_110 : memref<10240x64xf32, #tpu.memory_space<vmem_shared>>) offsets(%dma_start3A_107 : memref<128xi32, #tpu.memory_space<vmem>>) semaphore(%run_scoped3A_104 : memref<!tpu.dma_semaphore, #tpu.memory_space<semaphore_mem>>) {add = true}
          %dma_wait3A_111 = arith.constant 0 : i32
          %dma_wait3A_112 = tpu.memref_slice %arg7[%run_scoped3A_103, %dma_wait3A_111] : memref<2x128xi32, #tpu.memory_space<vmem>> -> memref<1x128xi32, #tpu.memory_space<vmem>>
          %dma_wait3A_113 = tpu.memref_squeeze %dma_wait3A_112 : memref<1x128xi32, #tpu.memory_space<vmem>> -> memref<128xi32, #tpu.memory_space<vmem>>
          %dma_wait3A_114 = arith.constant 0 : i32
          %dma_wait3A_115 = arith.constant 0 : i32
          %dma_wait3A_116 = tpu.memref_slice %arg12[%dma_wait3A_114, %dma_wait3A_115] : memref<10240x64xf32, #tpu.memory_space<vmem_shared>> -> memref<10240x64xf32, #tpu.memory_space<vmem_shared>>
          tpu.wait_indirect_dma semaphore(%run_scoped3A_104 : memref<!tpu.dma_semaphore, #tpu.memory_space<semaphore_mem>>) src(%arg9 : memref<128x64xf32, #tpu.memory_space<vmem>>) dst(%dma_wait3A_116 : memref<10240x64xf32, #tpu.memory_space<vmem_shared>>)
          tpu.yield
        }) : () -> ()
      }
      %scan3A_41 = arith.constant 115 : i32
      %add3A_42 = arith.constant 231 : i32
      %add3A_43 = arith.addi %mul3A_11, %add3A_42 : i32
      "tpu.region"() ({
        %run_scoped3A_65 = tpu.sem_alloc : memref<!tpu.dma_semaphore, #tpu.memory_space<semaphore_mem>>
        %dma_start3A_66 = arith.constant 0 : i32
        %dma_start3A_67 = arith.constant 0 : i32
        %dma_start3A_68 = tpu.memref_slice %arg3[%add3A_43, %dma_start3A_66, %dma_start3A_67] : memref<5056x2x128xi32, #tpu.memory_space<hbm>> -> memref<1x2x128xi32, #tpu.memory_space<hbm>>
        %dma_start3A_69 = tpu.memref_squeeze %dma_start3A_68 : memref<1x2x128xi32, #tpu.memory_space<hbm>> -> memref<2x128xi32, #tpu.memory_space<hbm>>
        %dma_start3A_70 = arith.constant 0 : i32
        %dma_start3A_71 = arith.constant 0 : i32
        %dma_start3A_72 = tpu.memref_slice %arg3[%add3A_43, %dma_start3A_70, %dma_start3A_71] : memref<5056x2x128xi32, #tpu.memory_space<hbm>> -> memref<1x2x128xi32, #tpu.memory_space<hbm>>
        %dma_start3A_73 = tpu.memref_squeeze %dma_start3A_72 : memref<1x2x128xi32, #tpu.memory_space<hbm>> -> memref<2x128xi32, #tpu.memory_space<hbm>>
        tpu.enqueue_dma source(%dma_start3A_73 : memref<2x128xi32, #tpu.memory_space<hbm>>) target(%arg7 : memref<2x128xi32, #tpu.memory_space<vmem>>) target_semaphore(%run_scoped3A_65 : memref<!tpu.dma_semaphore, #tpu.memory_space<semaphore_mem>>)
        %dma_wait3A_74 = arith.constant 0 : i32
        %dma_wait3A_75 = arith.constant 0 : i32
        %dma_wait3A_76 = tpu.memref_slice %arg3[%add3A_43, %dma_wait3A_74, %dma_wait3A_75] : memref<5056x2x128xi32, #tpu.memory_space<hbm>> -> memref<1x2x128xi32, #tpu.memory_space<hbm>>
        %dma_wait3A_77 = tpu.memref_squeeze %dma_wait3A_76 : memref<1x2x128xi32, #tpu.memory_space<hbm>> -> memref<2x128xi32, #tpu.memory_space<hbm>>
        %dma_wait3A_78 = arith.constant 0 : i32
        %dma_wait3A_79 = arith.constant 0 : i32
        %dma_wait3A_80 = tpu.memref_slice %arg3[%add3A_43, %dma_wait3A_78, %dma_wait3A_79] : memref<5056x2x128xi32, #tpu.memory_space<hbm>> -> memref<1x2x128xi32, #tpu.memory_space<hbm>>
        %dma_wait3A_81 = tpu.memref_squeeze %dma_wait3A_80 : memref<1x2x128xi32, #tpu.memory_space<hbm>> -> memref<2x128xi32, #tpu.memory_space<hbm>>
        tpu.wait_dma2 semaphore(%run_scoped3A_65 : memref<!tpu.dma_semaphore, #tpu.memory_space<semaphore_mem>>) src(%dma_wait3A_81 : memref<2x128xi32, #tpu.memory_space<hbm>>) dst(%arg7 : memref<2x128xi32, #tpu.memory_space<vmem>>)
        tpu.yield
      }) : () -> ()
      %dma_start3A_44 = arith.constant 0 : i32
      %dma_start3A_45 = arith.constant 0 : i32
      %dma_start3A_46 = tpu.memref_slice %arg7[%dma_start3A_44, %dma_start3A_45] : memref<2x128xi32, #tpu.memory_space<vmem>> -> memref<1x128xi32, #tpu.memory_space<vmem>>
      %dma_start3A_47 = tpu.memref_squeeze %dma_start3A_46 : memref<1x128xi32, #tpu.memory_space<vmem>> -> memref<128xi32, #tpu.memory_space<vmem>>
      %dma_start3A_48 = arith.constant 0 : i32
      %dma_start3A_49 = arith.constant 0 : i32
      %dma_start3A_50 = tpu.memref_slice %arg2[%dma_start3A_48, %dma_start3A_49] : memref<10000x64xf32, #tpu.memory_space<hbm>> -> memref<10000x64xf32, #tpu.memory_space<hbm>>
      tpu.enqueue_indirect_dma source(%dma_start3A_50 : memref<10000x64xf32, #tpu.memory_space<hbm>>) target(%arg9 : memref<128x64xf32, #tpu.memory_space<vmem>>) offsets(%dma_start3A_47 : memref<128xi32, #tpu.memory_space<vmem>>) semaphore(%arg11 : memref<!tpu.dma_semaphore, #tpu.memory_space<semaphore_mem>>)
      %dma_wait3A = arith.constant 0 : i32
      %dma_wait3A_51 = arith.constant 0 : i32
      %dma_wait3A_52 = tpu.memref_slice %arg6[%dma_wait3A, %dma_wait3A_51] : memref<2x128xi32, #tpu.memory_space<vmem>> -> memref<1x128xi32, #tpu.memory_space<vmem>>
      %dma_wait3A_53 = tpu.memref_squeeze %dma_wait3A_52 : memref<1x128xi32, #tpu.memory_space<vmem>> -> memref<128xi32, #tpu.memory_space<vmem>>
      %dma_wait3A_54 = arith.constant 0 : i32
      %dma_wait3A_55 = arith.constant 0 : i32
      %dma_wait3A_56 = tpu.memref_slice %arg2[%dma_wait3A_54, %dma_wait3A_55] : memref<10000x64xf32, #tpu.memory_space<hbm>> -> memref<10000x64xf32, #tpu.memory_space<hbm>>
      tpu.wait_indirect_dma semaphore(%arg10 : memref<!tpu.dma_semaphore, #tpu.memory_space<semaphore_mem>>) src(%dma_wait3A_56 : memref<10000x64xf32, #tpu.memory_space<hbm>>) dst(%arg8 : memref<128x64xf32, #tpu.memory_space<vmem>>)
      %run_scoped3A = arith.constant 1 : i32
      "tpu.region"() ({
        %run_scoped3A_65 = tpu.sem_alloc : memref<!tpu.dma_semaphore, #tpu.memory_space<semaphore_mem>>
        %dma_start3A_66 = arith.constant 0 : i32
        %dma_start3A_67 = tpu.memref_slice %arg6[%run_scoped3A, %dma_start3A_66] : memref<2x128xi32, #tpu.memory_space<vmem>> -> memref<1x128xi32, #tpu.memory_space<vmem>>
        %dma_start3A_68 = tpu.memref_squeeze %dma_start3A_67 : memref<1x128xi32, #tpu.memory_space<vmem>> -> memref<128xi32, #tpu.memory_space<vmem>>
        %dma_start3A_69 = arith.constant 0 : i32
        %dma_start3A_70 = arith.constant 0 : i32
        %dma_start3A_71 = tpu.memref_slice %arg12[%dma_start3A_69, %dma_start3A_70] : memref<10240x64xf32, #tpu.memory_space<vmem_shared>> -> memref<10240x64xf32, #tpu.memory_space<vmem_shared>>
        tpu.enqueue_indirect_dma source(%arg8 : memref<128x64xf32, #tpu.memory_space<vmem>>) target(%dma_start3A_71 : memref<10240x64xf32, #tpu.memory_space<vmem_shared>>) offsets(%dma_start3A_68 : memref<128xi32, #tpu.memory_space<vmem>>) semaphore(%run_scoped3A_65 : memref<!tpu.dma_semaphore, #tpu.memory_space<semaphore_mem>>) {add = true}
        %dma_wait3A_72 = arith.constant 0 : i32
        %dma_wait3A_73 = tpu.memref_slice %arg6[%run_scoped3A, %dma_wait3A_72] : memref<2x128xi32, #tpu.memory_space<vmem>> -> memref<1x128xi32, #tpu.memory_space<vmem>>
        %dma_wait3A_74 = tpu.memref_squeeze %dma_wait3A_73 : memref<1x128xi32, #tpu.memory_space<vmem>> -> memref<128xi32, #tpu.memory_space<vmem>>
        %dma_wait3A_75 = arith.constant 0 : i32
        %dma_wait3A_76 = arith.constant 0 : i32
        %dma_wait3A_77 = tpu.memref_slice %arg12[%dma_wait3A_75, %dma_wait3A_76] : memref<10240x64xf32, #tpu.memory_space<vmem_shared>> -> memref<10240x64xf32, #tpu.memory_space<vmem_shared>>
        tpu.wait_indirect_dma semaphore(%run_scoped3A_65 : memref<!tpu.dma_semaphore, #tpu.memory_space<semaphore_mem>>) src(%arg8 : memref<128x64xf32, #tpu.memory_space<vmem>>) dst(%dma_wait3A_77 : memref<10240x64xf32, #tpu.memory_space<vmem_shared>>)
        tpu.yield
      }) : () -> ()
      %dma_wait3A_57 = arith.constant 0 : i32
      %dma_wait3A_58 = arith.constant 0 : i32
      %dma_wait3A_59 = tpu.memref_slice %arg7[%dma_wait3A_57, %dma_wait3A_58] : memref<2x128xi32, #tpu.memory_space<vmem>> -> memref<1x128xi32, #tpu.memory_space<vmem>>
      %dma_wait3A_60 = tpu.memref_squeeze %dma_wait3A_59 : memref<1x128xi32, #tpu.memory_space<vmem>> -> memref<128xi32, #tpu.memory_space<vmem>>
      %dma_wait3A_61 = arith.constant 0 : i32
      %dma_wait3A_62 = arith.constant 0 : i32
      %dma_wait3A_63 = tpu.memref_slice %arg2[%dma_wait3A_61, %dma_wait3A_62] : memref<10000x64xf32, #tpu.memory_space<hbm>> -> memref<10000x64xf32, #tpu.memory_space<hbm>>
      tpu.wait_indirect_dma semaphore(%arg11 : memref<!tpu.dma_semaphore, #tpu.memory_space<semaphore_mem>>) src(%dma_wait3A_63 : memref<10000x64xf32, #tpu.memory_space<hbm>>) dst(%arg9 : memref<128x64xf32, #tpu.memory_space<vmem>>)
      %run_scoped3A_64 = arith.constant 1 : i32
      "tpu.region"() ({
        %run_scoped3A_65 = tpu.sem_alloc : memref<!tpu.dma_semaphore, #tpu.memory_space<semaphore_mem>>
        %dma_start3A_66 = arith.constant 0 : i32
        %dma_start3A_67 = tpu.memref_slice %arg7[%run_scoped3A_64, %dma_start3A_66] : memref<2x128xi32, #tpu.memory_space<vmem>> -> memref<1x128xi32, #tpu.memory_space<vmem>>
        %dma_start3A_68 = tpu.memref_squeeze %dma_start3A_67 : memref<1x128xi32, #tpu.memory_space<vmem>> -> memref<128xi32, #tpu.memory_space<vmem>>
        %dma_start3A_69 = arith.constant 0 : i32
        %dma_start3A_70 = arith.constant 0 : i32
        %dma_start3A_71 = tpu.memref_slice %arg12[%dma_start3A_69, %dma_start3A_70] : memref<10240x64xf32, #tpu.memory_space<vmem_shared>> -> memref<10240x64xf32, #tpu.memory_space<vmem_shared>>
        tpu.enqueue_indirect_dma source(%arg9 : memref<128x64xf32, #tpu.memory_space<vmem>>) target(%dma_start3A_71 : memref<10240x64xf32, #tpu.memory_space<vmem_shared>>) offsets(%dma_start3A_68 : memref<128xi32, #tpu.memory_space<vmem>>) semaphore(%run_scoped3A_65 : memref<!tpu.dma_semaphore, #tpu.memory_space<semaphore_mem>>) {add = true}
        %dma_wait3A_72 = arith.constant 0 : i32
        %dma_wait3A_73 = tpu.memref_slice %arg7[%run_scoped3A_64, %dma_wait3A_72] : memref<2x128xi32, #tpu.memory_space<vmem>> -> memref<1x128xi32, #tpu.memory_space<vmem>>
        %dma_wait3A_74 = tpu.memref_squeeze %dma_wait3A_73 : memref<1x128xi32, #tpu.memory_space<vmem>> -> memref<128xi32, #tpu.memory_space<vmem>>
        %dma_wait3A_75 = arith.constant 0 : i32
        %dma_wait3A_76 = arith.constant 0 : i32
        %dma_wait3A_77 = tpu.memref_slice %arg12[%dma_wait3A_75, %dma_wait3A_76] : memref<10240x64xf32, #tpu.memory_space<vmem_shared>> -> memref<10240x64xf32, #tpu.memory_space<vmem_shared>>
        tpu.wait_indirect_dma semaphore(%run_scoped3A_65 : memref<!tpu.dma_semaphore, #tpu.memory_space<semaphore_mem>>) src(%arg9 : memref<128x64xf32, #tpu.memory_space<vmem>>) dst(%dma_wait3A_77 : memref<10240x64xf32, #tpu.memory_space<vmem_shared>>)
        tpu.yield
      }) : () -> ()
    } else {
      %add3A_29 = arith.constant 0 : i32
      %add3A_30 = arith.addi %add3A_15, %add3A_29 : i32
      "tpu.region"() ({
        %run_scoped3A_65 = tpu.sem_alloc : memref<!tpu.dma_semaphore, #tpu.memory_space<semaphore_mem>>
        %dma_start3A_66 = arith.constant 0 : i32
        %dma_start3A_67 = arith.constant 0 : i32
        %dma_start3A_68 = tpu.memref_slice %arg3[%add3A_30, %dma_start3A_66, %dma_start3A_67] : memref<5056x2x128xi32, #tpu.memory_space<hbm>> -> memref<1x2x128xi32, #tpu.memory_space<hbm>>
        %dma_start3A_69 = tpu.memref_squeeze %dma_start3A_68 : memref<1x2x128xi32, #tpu.memory_space<hbm>> -> memref<2x128xi32, #tpu.memory_space<hbm>>
        %dma_start3A_70 = arith.constant 0 : i32
        %dma_start3A_71 = arith.constant 0 : i32
        %dma_start3A_72 = tpu.memref_slice %arg3[%add3A_30, %dma_start3A_70, %dma_start3A_71] : memref<5056x2x128xi32, #tpu.memory_space<hbm>> -> memref<1x2x128xi32, #tpu.memory_space<hbm>>
        %dma_start3A_73 = tpu.memref_squeeze %dma_start3A_72 : memref<1x2x128xi32, #tpu.memory_space<hbm>> -> memref<2x128xi32, #tpu.memory_space<hbm>>
        tpu.enqueue_dma source(%dma_start3A_73 : memref<2x128xi32, #tpu.memory_space<hbm>>) target(%arg6 : memref<2x128xi32, #tpu.memory_space<vmem>>) target_semaphore(%run_scoped3A_65 : memref<!tpu.dma_semaphore, #tpu.memory_space<semaphore_mem>>)
        %dma_wait3A_74 = arith.constant 0 : i32
        %dma_wait3A_75 = arith.constant 0 : i32
        %dma_wait3A_76 = tpu.memref_slice %arg3[%add3A_30, %dma_wait3A_74, %dma_wait3A_75] : memref<5056x2x128xi32, #tpu.memory_space<hbm>> -> memref<1x2x128xi32, #tpu.memory_space<hbm>>
        %dma_wait3A_77 = tpu.memref_squeeze %dma_wait3A_76 : memref<1x2x128xi32, #tpu.memory_space<hbm>> -> memref<2x128xi32, #tpu.memory_space<hbm>>
        %dma_wait3A_78 = arith.constant 0 : i32
        %dma_wait3A_79 = arith.constant 0 : i32
        %dma_wait3A_80 = tpu.memref_slice %arg3[%add3A_30, %dma_wait3A_78, %dma_wait3A_79] : memref<5056x2x128xi32, #tpu.memory_space<hbm>> -> memref<1x2x128xi32, #tpu.memory_space<hbm>>
        %dma_wait3A_81 = tpu.memref_squeeze %dma_wait3A_80 : memref<1x2x128xi32, #tpu.memory_space<hbm>> -> memref<2x128xi32, #tpu.memory_space<hbm>>
        tpu.wait_dma2 semaphore(%run_scoped3A_65 : memref<!tpu.dma_semaphore, #tpu.memory_space<semaphore_mem>>) src(%dma_wait3A_81 : memref<2x128xi32, #tpu.memory_space<hbm>>) dst(%arg6 : memref<2x128xi32, #tpu.memory_space<vmem>>)
        tpu.yield
      }) : () -> ()
      %dma_start3A = arith.constant 0 : i32
      %dma_start3A_31 = arith.constant 0 : i32
      %dma_start3A_32 = tpu.memref_slice %arg6[%dma_start3A, %dma_start3A_31] : memref<2x128xi32, #tpu.memory_space<vmem>> -> memref<1x128xi32, #tpu.memory_space<vmem>>
      %dma_start3A_33 = tpu.memref_squeeze %dma_start3A_32 : memref<1x128xi32, #tpu.memory_space<vmem>> -> memref<128xi32, #tpu.memory_space<vmem>>
      %dma_start3A_34 = arith.constant 0 : i32
      %dma_start3A_35 = arith.constant 0 : i32
      %dma_start3A_36 = tpu.memref_slice %arg2[%dma_start3A_34, %dma_start3A_35] : memref<10000x64xf32, #tpu.memory_space<hbm>> -> memref<10000x64xf32, #tpu.memory_space<hbm>>
      tpu.enqueue_indirect_dma source(%dma_start3A_36 : memref<10000x64xf32, #tpu.memory_space<hbm>>) target(%arg8 : memref<128x64xf32, #tpu.memory_space<vmem>>) offsets(%dma_start3A_33 : memref<128xi32, #tpu.memory_space<vmem>>) semaphore(%arg10 : memref<!tpu.dma_semaphore, #tpu.memory_space<semaphore_mem>>)
      %scan3A = arith.constant 0 : i32
      %scan3A_37 = arith.constant 0 : i32
      %scan3A_38 = arith.constant 41 : i32
      %scan3A_39 = arith.addi %scan3A_37, %scan3A_38 : i32
      %scan3A_40 = arith.constant 1 : i32
      scf.for %scan3A_65 = %scan3A_37 to %scan3A_39 step %scan3A_40  : i32 {
        %mul3A_66 = arith.constant 2 : i32
        %mul3A_67 = arith.muli %scan3A_65, %mul3A_66 : i32
        %add3A_68 = arith.constant 1 : i32
        %add3A_69 = arith.addi %mul3A_67, %add3A_68 : i32
        %add3A_70 = arith.addi %add3A_15, %add3A_69 : i32
        "tpu.region"() ({
          %run_scoped3A_104 = tpu.sem_alloc : memref<!tpu.dma_semaphore, #tpu.memory_space<semaphore_mem>>
          %dma_start3A_105 = arith.constant 0 : i32
          %dma_start3A_106 = arith.constant 0 : i32
          %dma_start3A_107 = tpu.memref_slice %arg3[%add3A_70, %dma_start3A_105, %dma_start3A_106] : memref<5056x2x128xi32, #tpu.memory_space<hbm>> -> memref<1x2x128xi32, #tpu.memory_space<hbm>>
          %dma_start3A_108 = tpu.memref_squeeze %dma_start3A_107 : memref<1x2x128xi32, #tpu.memory_space<hbm>> -> memref<2x128xi32, #tpu.memory_space<hbm>>
          %dma_start3A_109 = arith.constant 0 : i32
          %dma_start3A_110 = arith.constant 0 : i32
          %dma_start3A_111 = tpu.memref_slice %arg3[%add3A_70, %dma_start3A_109, %dma_start3A_110] : memref<5056x2x128xi32, #tpu.memory_space<hbm>> -> memref<1x2x128xi32, #tpu.memory_space<hbm>>
          %dma_start3A_112 = tpu.memref_squeeze %dma_start3A_111 : memref<1x2x128xi32, #tpu.memory_space<hbm>> -> memref<2x128xi32, #tpu.memory_space<hbm>>
          tpu.enqueue_dma source(%dma_start3A_112 : memref<2x128xi32, #tpu.memory_space<hbm>>) target(%arg7 : memref<2x128xi32, #tpu.memory_space<vmem>>) target_semaphore(%run_scoped3A_104 : memref<!tpu.dma_semaphore, #tpu.memory_space<semaphore_mem>>)
          %dma_wait3A_113 = arith.constant 0 : i32
          %dma_wait3A_114 = arith.constant 0 : i32
          %dma_wait3A_115 = tpu.memref_slice %arg3[%add3A_70, %dma_wait3A_113, %dma_wait3A_114] : memref<5056x2x128xi32, #tpu.memory_space<hbm>> -> memref<1x2x128xi32, #tpu.memory_space<hbm>>
          %dma_wait3A_116 = tpu.memref_squeeze %dma_wait3A_115 : memref<1x2x128xi32, #tpu.memory_space<hbm>> -> memref<2x128xi32, #tpu.memory_space<hbm>>
          %dma_wait3A_117 = arith.constant 0 : i32
          %dma_wait3A_118 = arith.constant 0 : i32
          %dma_wait3A_119 = tpu.memref_slice %arg3[%add3A_70, %dma_wait3A_117, %dma_wait3A_118] : memref<5056x2x128xi32, #tpu.memory_space<hbm>> -> memref<1x2x128xi32, #tpu.memory_space<hbm>>
          %dma_wait3A_120 = tpu.memref_squeeze %dma_wait3A_119 : memref<1x2x128xi32, #tpu.memory_space<hbm>> -> memref<2x128xi32, #tpu.memory_space<hbm>>
          tpu.wait_dma2 semaphore(%run_scoped3A_104 : memref<!tpu.dma_semaphore, #tpu.memory_space<semaphore_mem>>) src(%dma_wait3A_120 : memref<2x128xi32, #tpu.memory_space<hbm>>) dst(%arg7 : memref<2x128xi32, #tpu.memory_space<vmem>>)
          tpu.yield
        }) : () -> ()
        %dma_start3A_71 = arith.constant 0 : i32
        %dma_start3A_72 = arith.constant 0 : i32
        %dma_start3A_73 = tpu.memref_slice %arg7[%dma_start3A_71, %dma_start3A_72] : memref<2x128xi32, #tpu.memory_space<vmem>> -> memref<1x128xi32, #tpu.memory_space<vmem>>
        %dma_start3A_74 = tpu.memref_squeeze %dma_start3A_73 : memref<1x128xi32, #tpu.memory_space<vmem>> -> memref<128xi32, #tpu.memory_space<vmem>>
        %dma_start3A_75 = arith.constant 0 : i32
        %dma_start3A_76 = arith.constant 0 : i32
        %dma_start3A_77 = tpu.memref_slice %arg2[%dma_start3A_75, %dma_start3A_76] : memref<10000x64xf32, #tpu.memory_space<hbm>> -> memref<10000x64xf32, #tpu.memory_space<hbm>>
        tpu.enqueue_indirect_dma source(%dma_start3A_77 : memref<10000x64xf32, #tpu.memory_space<hbm>>) target(%arg9 : memref<128x64xf32, #tpu.memory_space<vmem>>) offsets(%dma_start3A_74 : memref<128xi32, #tpu.memory_space<vmem>>) semaphore(%arg11 : memref<!tpu.dma_semaphore, #tpu.memory_space<semaphore_mem>>)
        %dma_wait3A_78 = arith.constant 0 : i32
        %dma_wait3A_79 = arith.constant 0 : i32
        %dma_wait3A_80 = tpu.memref_slice %arg6[%dma_wait3A_78, %dma_wait3A_79] : memref<2x128xi32, #tpu.memory_space<vmem>> -> memref<1x128xi32, #tpu.memory_space<vmem>>
        %dma_wait3A_81 = tpu.memref_squeeze %dma_wait3A_80 : memref<1x128xi32, #tpu.memory_space<vmem>> -> memref<128xi32, #tpu.memory_space<vmem>>
        %dma_wait3A_82 = arith.constant 0 : i32
        %dma_wait3A_83 = arith.constant 0 : i32
        %dma_wait3A_84 = tpu.memref_slice %arg2[%dma_wait3A_82, %dma_wait3A_83] : memref<10000x64xf32, #tpu.memory_space<hbm>> -> memref<10000x64xf32, #tpu.memory_space<hbm>>
        tpu.wait_indirect_dma semaphore(%arg10 : memref<!tpu.dma_semaphore, #tpu.memory_space<semaphore_mem>>) src(%dma_wait3A_84 : memref<10000x64xf32, #tpu.memory_space<hbm>>) dst(%arg8 : memref<128x64xf32, #tpu.memory_space<vmem>>)
        %run_scoped3A_85 = arith.constant 1 : i32
        "tpu.region"() ({
          %run_scoped3A_104 = tpu.sem_alloc : memref<!tpu.dma_semaphore, #tpu.memory_space<semaphore_mem>>
          %dma_start3A_105 = arith.constant 0 : i32
          %dma_start3A_106 = tpu.memref_slice %arg6[%run_scoped3A_85, %dma_start3A_105] : memref<2x128xi32, #tpu.memory_space<vmem>> -> memref<1x128xi32, #tpu.memory_space<vmem>>
          %dma_start3A_107 = tpu.memref_squeeze %dma_start3A_106 : memref<1x128xi32, #tpu.memory_space<vmem>> -> memref<128xi32, #tpu.memory_space<vmem>>
          %dma_start3A_108 = arith.constant 0 : i32
          %dma_start3A_109 = arith.constant 0 : i32
          %dma_start3A_110 = tpu.memref_slice %arg12[%dma_start3A_108, %dma_start3A_109] : memref<10240x64xf32, #tpu.memory_space<vmem_shared>> -> memref<10240x64xf32, #tpu.memory_space<vmem_shared>>
          tpu.enqueue_indirect_dma source(%arg8 : memref<128x64xf32, #tpu.memory_space<vmem>>) target(%dma_start3A_110 : memref<10240x64xf32, #tpu.memory_space<vmem_shared>>) offsets(%dma_start3A_107 : memref<128xi32, #tpu.memory_space<vmem>>) semaphore(%run_scoped3A_104 : memref<!tpu.dma_semaphore, #tpu.memory_space<semaphore_mem>>) {add = true}
          %dma_wait3A_111 = arith.constant 0 : i32
          %dma_wait3A_112 = tpu.memref_slice %arg6[%run_scoped3A_85, %dma_wait3A_111] : memref<2x128xi32, #tpu.memory_space<vmem>> -> memref<1x128xi32, #tpu.memory_space<vmem>>
          %dma_wait3A_113 = tpu.memref_squeeze %dma_wait3A_112 : memref<1x128xi32, #tpu.memory_space<vmem>> -> memref<128xi32, #tpu.memory_space<vmem>>
          %dma_wait3A_114 = arith.constant 0 : i32
          %dma_wait3A_115 = arith.constant 0 : i32
          %dma_wait3A_116 = tpu.memref_slice %arg12[%dma_wait3A_114, %dma_wait3A_115] : memref<10240x64xf32, #tpu.memory_space<vmem_shared>> -> memref<10240x64xf32, #tpu.memory_space<vmem_shared>>
          tpu.wait_indirect_dma semaphore(%run_scoped3A_104 : memref<!tpu.dma_semaphore, #tpu.memory_space<semaphore_mem>>) src(%arg8 : memref<128x64xf32, #tpu.memory_space<vmem>>) dst(%dma_wait3A_116 : memref<10240x64xf32, #tpu.memory_space<vmem_shared>>)
          tpu.yield
        }) : () -> ()
        %add3A_86 = arith.constant 2 : i32
        %add3A_87 = arith.addi %mul3A_67, %add3A_86 : i32
        %add3A_88 = arith.addi %add3A_15, %add3A_87 : i32
        "tpu.region"() ({
          %run_scoped3A_104 = tpu.sem_alloc : memref<!tpu.dma_semaphore, #tpu.memory_space<semaphore_mem>>
          %dma_start3A_105 = arith.constant 0 : i32
          %dma_start3A_106 = arith.constant 0 : i32
          %dma_start3A_107 = tpu.memref_slice %arg3[%add3A_88, %dma_start3A_105, %dma_start3A_106] : memref<5056x2x128xi32, #tpu.memory_space<hbm>> -> memref<1x2x128xi32, #tpu.memory_space<hbm>>
          %dma_start3A_108 = tpu.memref_squeeze %dma_start3A_107 : memref<1x2x128xi32, #tpu.memory_space<hbm>> -> memref<2x128xi32, #tpu.memory_space<hbm>>
          %dma_start3A_109 = arith.constant 0 : i32
          %dma_start3A_110 = arith.constant 0 : i32
          %dma_start3A_111 = tpu.memref_slice %arg3[%add3A_88, %dma_start3A_109, %dma_start3A_110] : memref<5056x2x128xi32, #tpu.memory_space<hbm>> -> memref<1x2x128xi32, #tpu.memory_space<hbm>>
          %dma_start3A_112 = tpu.memref_squeeze %dma_start3A_111 : memref<1x2x128xi32, #tpu.memory_space<hbm>> -> memref<2x128xi32, #tpu.memory_space<hbm>>
          tpu.enqueue_dma source(%dma_start3A_112 : memref<2x128xi32, #tpu.memory_space<hbm>>) target(%arg6 : memref<2x128xi32, #tpu.memory_space<vmem>>) target_semaphore(%run_scoped3A_104 : memref<!tpu.dma_semaphore, #tpu.memory_space<semaphore_mem>>)
          %dma_wait3A_113 = arith.constant 0 : i32
          %dma_wait3A_114 = arith.constant 0 : i32
          %dma_wait3A_115 = tpu.memref_slice %arg3[%add3A_88, %dma_wait3A_113, %dma_wait3A_114] : memref<5056x2x128xi32, #tpu.memory_space<hbm>> -> memref<1x2x128xi32, #tpu.memory_space<hbm>>
          %dma_wait3A_116 = tpu.memref_squeeze %dma_wait3A_115 : memref<1x2x128xi32, #tpu.memory_space<hbm>> -> memref<2x128xi32, #tpu.memory_space<hbm>>
          %dma_wait3A_117 = arith.constant 0 : i32
          %dma_wait3A_118 = arith.constant 0 : i32
          %dma_wait3A_119 = tpu.memref_slice %arg3[%add3A_88, %dma_wait3A_117, %dma_wait3A_118] : memref<5056x2x128xi32, #tpu.memory_space<hbm>> -> memref<1x2x128xi32, #tpu.memory_space<hbm>>
          %dma_wait3A_120 = tpu.memref_squeeze %dma_wait3A_119 : memref<1x2x128xi32, #tpu.memory_space<hbm>> -> memref<2x128xi32, #tpu.memory_space<hbm>>
          tpu.wait_dma2 semaphore(%run_scoped3A_104 : memref<!tpu.dma_semaphore, #tpu.memory_space<semaphore_mem>>) src(%dma_wait3A_120 : memref<2x128xi32, #tpu.memory_space<hbm>>) dst(%arg6 : memref<2x128xi32, #tpu.memory_space<vmem>>)
          tpu.yield
        }) : () -> ()
        %dma_start3A_89 = arith.constant 0 : i32
        %dma_start3A_90 = arith.constant 0 : i32
        %dma_start3A_91 = tpu.memref_slice %arg6[%dma_start3A_89, %dma_start3A_90] : memref<2x128xi32, #tpu.memory_space<vmem>> -> memref<1x128xi32, #tpu.memory_space<vmem>>
        %dma_start3A_92 = tpu.memref_squeeze %dma_start3A_91 : memref<1x128xi32, #tpu.memory_space<vmem>> -> memref<128xi32, #tpu.memory_space<vmem>>
        %dma_start3A_93 = arith.constant 0 : i32
        %dma_start3A_94 = arith.constant 0 : i32
        %dma_start3A_95 = tpu.memref_slice %arg2[%dma_start3A_93, %dma_start3A_94] : memref<10000x64xf32, #tpu.memory_space<hbm>> -> memref<10000x64xf32, #tpu.memory_space<hbm>>
        tpu.enqueue_indirect_dma source(%dma_start3A_95 : memref<10000x64xf32, #tpu.memory_space<hbm>>) target(%arg8 : memref<128x64xf32, #tpu.memory_space<vmem>>) offsets(%dma_start3A_92 : memref<128xi32, #tpu.memory_space<vmem>>) semaphore(%arg10 : memref<!tpu.dma_semaphore, #tpu.memory_space<semaphore_mem>>)
        %dma_wait3A_96 = arith.constant 0 : i32
        %dma_wait3A_97 = arith.constant 0 : i32
        %dma_wait3A_98 = tpu.memref_slice %arg7[%dma_wait3A_96, %dma_wait3A_97] : memref<2x128xi32, #tpu.memory_space<vmem>> -> memref<1x128xi32, #tpu.memory_space<vmem>>
        %dma_wait3A_99 = tpu.memref_squeeze %dma_wait3A_98 : memref<1x128xi32, #tpu.memory_space<vmem>> -> memref<128xi32, #tpu.memory_space<vmem>>
        %dma_wait3A_100 = arith.constant 0 : i32
        %dma_wait3A_101 = arith.constant 0 : i32
        %dma_wait3A_102 = tpu.memref_slice %arg2[%dma_wait3A_100, %dma_wait3A_101] : memref<10000x64xf32, #tpu.memory_space<hbm>> -> memref<10000x64xf32, #tpu.memory_space<hbm>>
        tpu.wait_indirect_dma semaphore(%arg11 : memref<!tpu.dma_semaphore, #tpu.memory_space<semaphore_mem>>) src(%dma_wait3A_102 : memref<10000x64xf32, #tpu.memory_space<hbm>>) dst(%arg9 : memref<128x64xf32, #tpu.memory_space<vmem>>)
        %run_scoped3A_103 = arith.constant 1 : i32
        "tpu.region"() ({
          %run_scoped3A_104 = tpu.sem_alloc : memref<!tpu.dma_semaphore, #tpu.memory_space<semaphore_mem>>
          %dma_start3A_105 = arith.constant 0 : i32
          %dma_start3A_106 = tpu.memref_slice %arg7[%run_scoped3A_103, %dma_start3A_105] : memref<2x128xi32, #tpu.memory_space<vmem>> -> memref<1x128xi32, #tpu.memory_space<vmem>>
          %dma_start3A_107 = tpu.memref_squeeze %dma_start3A_106 : memref<1x128xi32, #tpu.memory_space<vmem>> -> memref<128xi32, #tpu.memory_space<vmem>>
          %dma_start3A_108 = arith.constant 0 : i32
          %dma_start3A_109 = arith.constant 0 : i32
          %dma_start3A_110 = tpu.memref_slice %arg12[%dma_start3A_108, %dma_start3A_109] : memref<10240x64xf32, #tpu.memory_space<vmem_shared>> -> memref<10240x64xf32, #tpu.memory_space<vmem_shared>>
          tpu.enqueue_indirect_dma source(%arg9 : memref<128x64xf32, #tpu.memory_space<vmem>>) target(%dma_start3A_110 : memref<10240x64xf32, #tpu.memory_space<vmem_shared>>) offsets(%dma_start3A_107 : memref<128xi32, #tpu.memory_space<vmem>>) semaphore(%run_scoped3A_104 : memref<!tpu.dma_semaphore, #tpu.memory_space<semaphore_mem>>) {add = true}
          %dma_wait3A_111 = arith.constant 0 : i32
          %dma_wait3A_112 = tpu.memref_slice %arg7[%run_scoped3A_103, %dma_wait3A_111] : memref<2x128xi32, #tpu.memory_space<vmem>> -> memref<1x128xi32, #tpu.memory_space<vmem>>
          %dma_wait3A_113 = tpu.memref_squeeze %dma_wait3A_112 : memref<1x128xi32, #tpu.memory_space<vmem>> -> memref<128xi32, #tpu.memory_space<vmem>>
          %dma_wait3A_114 = arith.constant 0 : i32
          %dma_wait3A_115 = arith.constant 0 : i32
          %dma_wait3A_116 = tpu.memref_slice %arg12[%dma_wait3A_114, %dma_wait3A_115] : memref<10240x64xf32, #tpu.memory_space<vmem_shared>> -> memref<10240x64xf32, #tpu.memory_space<vmem_shared>>
          tpu.wait_indirect_dma semaphore(%run_scoped3A_104 : memref<!tpu.dma_semaphore, #tpu.memory_space<semaphore_mem>>) src(%arg9 : memref<128x64xf32, #tpu.memory_space<vmem>>) dst(%dma_wait3A_116 : memref<10240x64xf32, #tpu.memory_space<vmem_shared>>)
          tpu.yield
        }) : () -> ()
      }
      %scan3A_41 = arith.constant 41 : i32
      %add3A_42 = arith.constant 83 : i32
      %add3A_43 = arith.addi %add3A_15, %add3A_42 : i32
      "tpu.region"() ({
        %run_scoped3A_65 = tpu.sem_alloc : memref<!tpu.dma_semaphore, #tpu.memory_space<semaphore_mem>>
        %dma_start3A_66 = arith.constant 0 : i32
        %dma_start3A_67 = arith.constant 0 : i32
        %dma_start3A_68 = tpu.memref_slice %arg3[%add3A_43, %dma_start3A_66, %dma_start3A_67] : memref<5056x2x128xi32, #tpu.memory_space<hbm>> -> memref<1x2x128xi32, #tpu.memory_space<hbm>>
        %dma_start3A_69 = tpu.memref_squeeze %dma_start3A_68 : memref<1x2x128xi32, #tpu.memory_space<hbm>> -> memref<2x128xi32, #tpu.memory_space<hbm>>
        %dma_start3A_70 = arith.constant 0 : i32
        %dma_start3A_71 = arith.constant 0 : i32
        %dma_start3A_72 = tpu.memref_slice %arg3[%add3A_43, %dma_start3A_70, %dma_start3A_71] : memref<5056x2x128xi32, #tpu.memory_space<hbm>> -> memref<1x2x128xi32, #tpu.memory_space<hbm>>
        %dma_start3A_73 = tpu.memref_squeeze %dma_start3A_72 : memref<1x2x128xi32, #tpu.memory_space<hbm>> -> memref<2x128xi32, #tpu.memory_space<hbm>>
        tpu.enqueue_dma source(%dma_start3A_73 : memref<2x128xi32, #tpu.memory_space<hbm>>) target(%arg7 : memref<2x128xi32, #tpu.memory_space<vmem>>) target_semaphore(%run_scoped3A_65 : memref<!tpu.dma_semaphore, #tpu.memory_space<semaphore_mem>>)
        %dma_wait3A_74 = arith.constant 0 : i32
        %dma_wait3A_75 = arith.constant 0 : i32
        %dma_wait3A_76 = tpu.memref_slice %arg3[%add3A_43, %dma_wait3A_74, %dma_wait3A_75] : memref<5056x2x128xi32, #tpu.memory_space<hbm>> -> memref<1x2x128xi32, #tpu.memory_space<hbm>>
        %dma_wait3A_77 = tpu.memref_squeeze %dma_wait3A_76 : memref<1x2x128xi32, #tpu.memory_space<hbm>> -> memref<2x128xi32, #tpu.memory_space<hbm>>
        %dma_wait3A_78 = arith.constant 0 : i32
        %dma_wait3A_79 = arith.constant 0 : i32
        %dma_wait3A_80 = tpu.memref_slice %arg3[%add3A_43, %dma_wait3A_78, %dma_wait3A_79] : memref<5056x2x128xi32, #tpu.memory_space<hbm>> -> memref<1x2x128xi32, #tpu.memory_space<hbm>>
        %dma_wait3A_81 = tpu.memref_squeeze %dma_wait3A_80 : memref<1x2x128xi32, #tpu.memory_space<hbm>> -> memref<2x128xi32, #tpu.memory_space<hbm>>
        tpu.wait_dma2 semaphore(%run_scoped3A_65 : memref<!tpu.dma_semaphore, #tpu.memory_space<semaphore_mem>>) src(%dma_wait3A_81 : memref<2x128xi32, #tpu.memory_space<hbm>>) dst(%arg7 : memref<2x128xi32, #tpu.memory_space<vmem>>)
        tpu.yield
      }) : () -> ()
      %dma_start3A_44 = arith.constant 0 : i32
      %dma_start3A_45 = arith.constant 0 : i32
      %dma_start3A_46 = tpu.memref_slice %arg7[%dma_start3A_44, %dma_start3A_45] : memref<2x128xi32, #tpu.memory_space<vmem>> -> memref<1x128xi32, #tpu.memory_space<vmem>>
      %dma_start3A_47 = tpu.memref_squeeze %dma_start3A_46 : memref<1x128xi32, #tpu.memory_space<vmem>> -> memref<128xi32, #tpu.memory_space<vmem>>
      %dma_start3A_48 = arith.constant 0 : i32
      %dma_start3A_49 = arith.constant 0 : i32
      %dma_start3A_50 = tpu.memref_slice %arg2[%dma_start3A_48, %dma_start3A_49] : memref<10000x64xf32, #tpu.memory_space<hbm>> -> memref<10000x64xf32, #tpu.memory_space<hbm>>
      tpu.enqueue_indirect_dma source(%dma_start3A_50 : memref<10000x64xf32, #tpu.memory_space<hbm>>) target(%arg9 : memref<128x64xf32, #tpu.memory_space<vmem>>) offsets(%dma_start3A_47 : memref<128xi32, #tpu.memory_space<vmem>>) semaphore(%arg11 : memref<!tpu.dma_semaphore, #tpu.memory_space<semaphore_mem>>)
      %dma_wait3A = arith.constant 0 : i32
      %dma_wait3A_51 = arith.constant 0 : i32
      %dma_wait3A_52 = tpu.memref_slice %arg6[%dma_wait3A, %dma_wait3A_51] : memref<2x128xi32, #tpu.memory_space<vmem>> -> memref<1x128xi32, #tpu.memory_space<vmem>>
      %dma_wait3A_53 = tpu.memref_squeeze %dma_wait3A_52 : memref<1x128xi32, #tpu.memory_space<vmem>> -> memref<128xi32, #tpu.memory_space<vmem>>
      %dma_wait3A_54 = arith.constant 0 : i32
      %dma_wait3A_55 = arith.constant 0 : i32
      %dma_wait3A_56 = tpu.memref_slice %arg2[%dma_wait3A_54, %dma_wait3A_55] : memref<10000x64xf32, #tpu.memory_space<hbm>> -> memref<10000x64xf32, #tpu.memory_space<hbm>>
      tpu.wait_indirect_dma semaphore(%arg10 : memref<!tpu.dma_semaphore, #tpu.memory_space<semaphore_mem>>) src(%dma_wait3A_56 : memref<10000x64xf32, #tpu.memory_space<hbm>>) dst(%arg8 : memref<128x64xf32, #tpu.memory_space<vmem>>)
      %run_scoped3A = arith.constant 1 : i32
      "tpu.region"() ({
        %run_scoped3A_65 = tpu.sem_alloc : memref<!tpu.dma_semaphore, #tpu.memory_space<semaphore_mem>>
        %dma_start3A_66 = arith.constant 0 : i32
        %dma_start3A_67 = tpu.memref_slice %arg6[%run_scoped3A, %dma_start3A_66] : memref<2x128xi32, #tpu.memory_space<vmem>> -> memref<1x128xi32, #tpu.memory_space<vmem>>
        %dma_start3A_68 = tpu.memref_squeeze %dma_start3A_67 : memref<1x128xi32, #tpu.memory_space<vmem>> -> memref<128xi32, #tpu.memory_space<vmem>>
        %dma_start3A_69 = arith.constant 0 : i32
        %dma_start3A_70 = arith.constant 0 : i32
        %dma_start3A_71 = tpu.memref_slice %arg12[%dma_start3A_69, %dma_start3A_70] : memref<10240x64xf32, #tpu.memory_space<vmem_shared>> -> memref<10240x64xf32, #tpu.memory_space<vmem_shared>>
        tpu.enqueue_indirect_dma source(%arg8 : memref<128x64xf32, #tpu.memory_space<vmem>>) target(%dma_start3A_71 : memref<10240x64xf32, #tpu.memory_space<vmem_shared>>) offsets(%dma_start3A_68 : memref<128xi32, #tpu.memory_space<vmem>>) semaphore(%run_scoped3A_65 : memref<!tpu.dma_semaphore, #tpu.memory_space<semaphore_mem>>) {add = true}
        %dma_wait3A_72 = arith.constant 0 : i32
        %dma_wait3A_73 = tpu.memref_slice %arg6[%run_scoped3A, %dma_wait3A_72] : memref<2x128xi32, #tpu.memory_space<vmem>> -> memref<1x128xi32, #tpu.memory_space<vmem>>
        %dma_wait3A_74 = tpu.memref_squeeze %dma_wait3A_73 : memref<1x128xi32, #tpu.memory_space<vmem>> -> memref<128xi32, #tpu.memory_space<vmem>>
        %dma_wait3A_75 = arith.constant 0 : i32
        %dma_wait3A_76 = arith.constant 0 : i32
        %dma_wait3A_77 = tpu.memref_slice %arg12[%dma_wait3A_75, %dma_wait3A_76] : memref<10240x64xf32, #tpu.memory_space<vmem_shared>> -> memref<10240x64xf32, #tpu.memory_space<vmem_shared>>
        tpu.wait_indirect_dma semaphore(%run_scoped3A_65 : memref<!tpu.dma_semaphore, #tpu.memory_space<semaphore_mem>>) src(%arg8 : memref<128x64xf32, #tpu.memory_space<vmem>>) dst(%dma_wait3A_77 : memref<10240x64xf32, #tpu.memory_space<vmem_shared>>)
        tpu.yield
      }) : () -> ()
      %dma_wait3A_57 = arith.constant 0 : i32
      %dma_wait3A_58 = arith.constant 0 : i32
      %dma_wait3A_59 = tpu.memref_slice %arg7[%dma_wait3A_57, %dma_wait3A_58] : memref<2x128xi32, #tpu.memory_space<vmem>> -> memref<1x128xi32, #tpu.memory_space<vmem>>
      %dma_wait3A_60 = tpu.memref_squeeze %dma_wait3A_59 : memref<1x128xi32, #tpu.memory_space<vmem>> -> memref<128xi32, #tpu.memory_space<vmem>>
      %dma_wait3A_61 = arith.constant 0 : i32
      %dma_wait3A_62 = arith.constant 0 : i32
      %dma_wait3A_63 = tpu.memref_slice %arg2[%dma_wait3A_61, %dma_wait3A_62] : memref<10000x64xf32, #tpu.memory_space<hbm>> -> memref<10000x64xf32, #tpu.memory_space<hbm>>
      tpu.wait_indirect_dma semaphore(%arg11 : memref<!tpu.dma_semaphore, #tpu.memory_space<semaphore_mem>>) src(%dma_wait3A_63 : memref<10000x64xf32, #tpu.memory_space<hbm>>) dst(%arg9 : memref<128x64xf32, #tpu.memory_space<vmem>>)
      %run_scoped3A_64 = arith.constant 1 : i32
      "tpu.region"() ({
        %run_scoped3A_65 = tpu.sem_alloc : memref<!tpu.dma_semaphore, #tpu.memory_space<semaphore_mem>>
        %dma_start3A_66 = arith.constant 0 : i32
        %dma_start3A_67 = tpu.memref_slice %arg7[%run_scoped3A_64, %dma_start3A_66] : memref<2x128xi32, #tpu.memory_space<vmem>> -> memref<1x128xi32, #tpu.memory_space<vmem>>
        %dma_start3A_68 = tpu.memref_squeeze %dma_start3A_67 : memref<1x128xi32, #tpu.memory_space<vmem>> -> memref<128xi32, #tpu.memory_space<vmem>>
        %dma_start3A_69 = arith.constant 0 : i32
        %dma_start3A_70 = arith.constant 0 : i32
        %dma_start3A_71 = tpu.memref_slice %arg12[%dma_start3A_69, %dma_start3A_70] : memref<10240x64xf32, #tpu.memory_space<vmem_shared>> -> memref<10240x64xf32, #tpu.memory_space<vmem_shared>>
        tpu.enqueue_indirect_dma source(%arg9 : memref<128x64xf32, #tpu.memory_space<vmem>>) target(%dma_start3A_71 : memref<10240x64xf32, #tpu.memory_space<vmem_shared>>) offsets(%dma_start3A_68 : memref<128xi32, #tpu.memory_space<vmem>>) semaphore(%run_scoped3A_65 : memref<!tpu.dma_semaphore, #tpu.memory_space<semaphore_mem>>) {add = true}
        %dma_wait3A_72 = arith.constant 0 : i32
        %dma_wait3A_73 = tpu.memref_slice %arg7[%run_scoped3A_64, %dma_wait3A_72] : memref<2x128xi32, #tpu.memory_space<vmem>> -> memref<1x128xi32, #tpu.memory_space<vmem>>
        %dma_wait3A_74 = tpu.memref_squeeze %dma_wait3A_73 : memref<1x128xi32, #tpu.memory_space<vmem>> -> memref<128xi32, #tpu.memory_space<vmem>>
        %dma_wait3A_75 = arith.constant 0 : i32
        %dma_wait3A_76 = arith.constant 0 : i32
        %dma_wait3A_77 = tpu.memref_slice %arg12[%dma_wait3A_75, %dma_wait3A_76] : memref<10240x64xf32, #tpu.memory_space<vmem_shared>> -> memref<10240x64xf32, #tpu.memory_space<vmem_shared>>
        tpu.wait_indirect_dma semaphore(%run_scoped3A_65 : memref<!tpu.dma_semaphore, #tpu.memory_space<semaphore_mem>>) src(%arg9 : memref<128x64xf32, #tpu.memory_space<vmem>>) dst(%dma_wait3A_77 : memref<10240x64xf32, #tpu.memory_space<vmem_shared>>)
        tpu.yield
      }) : () -> ()
    }
    %barrier3A_18 = arith.constant 0 : index
    tpu.barrier barrier_id(%barrier3A_18)
    %add3A_19 = arith.constant 0 : i32
    %add3A_20 = arith.addi %mul3A_0, %add3A_19 : i32
    "tpu.region"() ({
      %run_scoped3A = tpu.sem_alloc : memref<!tpu.dma_semaphore, #tpu.memory_space<semaphore_mem>>
      %dma_start3A = arith.constant 0 : i32
      %dma_start3A_29 = tpu.memref_slice %arg12[%add3A_20, %dma_start3A] : memref<10240x64xf32, #tpu.memory_space<vmem_shared>> -> memref<128x64xf32, #tpu.memory_space<vmem_shared>>
      %dma_start3A_30 = arith.constant 0 : i32
      %dma_start3A_31 = tpu.memref_slice %arg12[%add3A_20, %dma_start3A_30] : memref<10240x64xf32, #tpu.memory_space<vmem_shared>> -> memref<128x64xf32, #tpu.memory_space<vmem_shared>>
      tpu.enqueue_dma source(%dma_start3A_31 : memref<128x64xf32, #tpu.memory_space<vmem_shared>>) target(%arg8 : memref<128x64xf32, #tpu.memory_space<vmem>>) target_semaphore(%run_scoped3A : memref<!tpu.dma_semaphore, #tpu.memory_space<semaphore_mem>>)
      %dma_wait3A = arith.constant 0 : i32
      %dma_wait3A_32 = tpu.memref_slice %arg12[%add3A_20, %dma_wait3A] : memref<10240x64xf32, #tpu.memory_space<vmem_shared>> -> memref<128x64xf32, #tpu.memory_space<vmem_shared>>
      %dma_wait3A_33 = arith.constant 0 : i32
      %dma_wait3A_34 = tpu.memref_slice %arg12[%add3A_20, %dma_wait3A_33] : memref<10240x64xf32, #tpu.memory_space<vmem_shared>> -> memref<128x64xf32, #tpu.memory_space<vmem_shared>>
      tpu.wait_dma2 semaphore(%run_scoped3A : memref<!tpu.dma_semaphore, #tpu.memory_space<semaphore_mem>>) src(%dma_wait3A_34 : memref<128x64xf32, #tpu.memory_space<vmem_shared>>) dst(%arg8 : memref<128x64xf32, #tpu.memory_space<vmem>>)
      tpu.yield
    }) : () -> ()
    "tpu.region"() ({
      %run_scoped3A = tpu.sem_alloc : memref<!tpu.dma_semaphore, #tpu.memory_space<semaphore_mem>>
      %dma_start3A = arith.constant 0 : i32
      %dma_start3A_29 = tpu.memref_slice %arg5[%arg0, %add3A_20, %dma_start3A] : memref<2x10240x64xf32, #tpu.memory_space<hbm>> -> memref<1x128x64xf32, #tpu.memory_space<hbm>>
      %dma_start3A_30 = tpu.memref_squeeze %dma_start3A_29 : memref<1x128x64xf32, #tpu.memory_space<hbm>> -> memref<128x64xf32, #tpu.memory_space<hbm>>
      %dma_start3A_31 = arith.constant 0 : i32
      %dma_start3A_32 = tpu.memref_slice %arg5[%arg0, %add3A_20, %dma_start3A_31] : memref<2x10240x64xf32, #tpu.memory_space<hbm>> -> memref<1x128x64xf32, #tpu.memory_space<hbm>>
      %dma_start3A_33 = tpu.memref_squeeze %dma_start3A_32 : memref<1x128x64xf32, #tpu.memory_space<hbm>> -> memref<128x64xf32, #tpu.memory_space<hbm>>
      tpu.enqueue_dma source(%arg8 : memref<128x64xf32, #tpu.memory_space<vmem>>) target(%dma_start3A_33 : memref<128x64xf32, #tpu.memory_space<hbm>>) target_semaphore(%run_scoped3A : memref<!tpu.dma_semaphore, #tpu.memory_space<semaphore_mem>>)
      %dma_wait3A = arith.constant 0 : i32
      %dma_wait3A_34 = tpu.memref_slice %arg5[%arg0, %add3A_20, %dma_wait3A] : memref<2x10240x64xf32, #tpu.memory_space<hbm>> -> memref<1x128x64xf32, #tpu.memory_space<hbm>>
      %dma_wait3A_35 = tpu.memref_squeeze %dma_wait3A_34 : memref<1x128x64xf32, #tpu.memory_space<hbm>> -> memref<128x64xf32, #tpu.memory_space<hbm>>
      %dma_wait3A_36 = arith.constant 0 : i32
      %dma_wait3A_37 = tpu.memref_slice %arg5[%arg0, %add3A_20, %dma_wait3A_36] : memref<2x10240x64xf32, #tpu.memory_space<hbm>> -> memref<1x128x64xf32, #tpu.memory_space<hbm>>
      %dma_wait3A_38 = tpu.memref_squeeze %dma_wait3A_37 : memref<1x128x64xf32, #tpu.memory_space<hbm>> -> memref<128x64xf32, #tpu.memory_space<hbm>>
      tpu.wait_dma2 semaphore(%run_scoped3A : memref<!tpu.dma_semaphore, #tpu.memory_space<semaphore_mem>>) src(%arg8 : memref<128x64xf32, #tpu.memory_space<vmem>>) dst(%dma_wait3A_38 : memref<128x64xf32, #tpu.memory_space<hbm>>)
      tpu.yield
    }) : () -> ()
    %add3A_21 = arith.constant 128 : i32
    %add3A_22 = arith.addi %mul3A_0, %add3A_21 : i32
    "tpu.region"() ({
      %run_scoped3A = tpu.sem_alloc : memref<!tpu.dma_semaphore, #tpu.memory_space<semaphore_mem>>
      %dma_start3A = arith.constant 0 : i32
      %dma_start3A_29 = tpu.memref_slice %arg12[%add3A_22, %dma_start3A] : memref<10240x64xf32, #tpu.memory_space<vmem_shared>> -> memref<128x64xf32, #tpu.memory_space<vmem_shared>>
      %dma_start3A_30 = arith.constant 0 : i32
      %dma_start3A_31 = tpu.memref_slice %arg12[%add3A_22, %dma_start3A_30] : memref<10240x64xf32, #tpu.memory_space<vmem_shared>> -> memref<128x64xf32, #tpu.memory_space<vmem_shared>>
      tpu.enqueue_dma source(%dma_start3A_31 : memref<128x64xf32, #tpu.memory_space<vmem_shared>>) target(%arg8 : memref<128x64xf32, #tpu.memory_space<vmem>>) target_semaphore(%run_scoped3A : memref<!tpu.dma_semaphore, #tpu.memory_space<semaphore_mem>>)
      %dma_wait3A = arith.constant 0 : i32
      %dma_wait3A_32 = tpu.memref_slice %arg12[%add3A_22, %dma_wait3A] : memref<10240x64xf32, #tpu.memory_space<vmem_shared>> -> memref<128x64xf32, #tpu.memory_space<vmem_shared>>
      %dma_wait3A_33 = arith.constant 0 : i32
      %dma_wait3A_34 = tpu.memref_slice %arg12[%add3A_22, %dma_wait3A_33] : memref<10240x64xf32, #tpu.memory_space<vmem_shared>> -> memref<128x64xf32, #tpu.memory_space<vmem_shared>>
      tpu.wait_dma2 semaphore(%run_scoped3A : memref<!tpu.dma_semaphore, #tpu.memory_space<semaphore_mem>>) src(%dma_wait3A_34 : memref<128x64xf32, #tpu.memory_space<vmem_shared>>) dst(%arg8 : memref<128x64xf32, #tpu.memory_space<vmem>>)
      tpu.yield
    }) : () -> ()
    "tpu.region"() ({
      %run_scoped3A = tpu.sem_alloc : memref<!tpu.dma_semaphore, #tpu.memory_space<semaphore_mem>>
      %dma_start3A = arith.constant 0 : i32
      %dma_start3A_29 = tpu.memref_slice %arg5[%arg0, %add3A_22, %dma_start3A] : memref<2x10240x64xf32, #tpu.memory_space<hbm>> -> memref<1x128x64xf32, #tpu.memory_space<hbm>>
      %dma_start3A_30 = tpu.memref_squeeze %dma_start3A_29 : memref<1x128x64xf32, #tpu.memory_space<hbm>> -> memref<128x64xf32, #tpu.memory_space<hbm>>
      %dma_start3A_31 = arith.constant 0 : i32
      %dma_start3A_32 = tpu.memref_slice %arg5[%arg0, %add3A_22, %dma_start3A_31] : memref<2x10240x64xf32, #tpu.memory_space<hbm>> -> memref<1x128x64xf32, #tpu.memory_space<hbm>>
      %dma_start3A_33 = tpu.memref_squeeze %dma_start3A_32 : memref<1x128x64xf32, #tpu.memory_space<hbm>> -> memref<128x64xf32, #tpu.memory_space<hbm>>
      tpu.enqueue_dma source(%arg8 : memref<128x64xf32, #tpu.memory_space<vmem>>) target(%dma_start3A_33 : memref<128x64xf32, #tpu.memory_space<hbm>>) target_semaphore(%run_scoped3A : memref<!tpu.dma_semaphore, #tpu.memory_space<semaphore_mem>>)
      %dma_wait3A = arith.constant 0 : i32
      %dma_wait3A_34 = tpu.memref_slice %arg5[%arg0, %add3A_22, %dma_wait3A] : memref<2x10240x64xf32, #tpu.memory_space<hbm>> -> memref<1x128x64xf32, #tpu.memory_space<hbm>>
      %dma_wait3A_35 = tpu.memref_squeeze %dma_wait3A_34 : memref<1x128x64xf32, #tpu.memory_space<hbm>> -> memref<128x64xf32, #tpu.memory_space<hbm>>
      %dma_wait3A_36 = arith.constant 0 : i32
      %dma_wait3A_37 = tpu.memref_slice %arg5[%arg0, %add3A_22, %dma_wait3A_36] : memref<2x10240x64xf32, #tpu.memory_space<hbm>> -> memref<1x128x64xf32, #tpu.memory_space<hbm>>
      %dma_wait3A_38 = tpu.memref_squeeze %dma_wait3A_37 : memref<1x128x64xf32, #tpu.memory_space<hbm>> -> memref<128x64xf32, #tpu.memory_space<hbm>>
      tpu.wait_dma2 semaphore(%run_scoped3A : memref<!tpu.dma_semaphore, #tpu.memory_space<semaphore_mem>>) src(%arg8 : memref<128x64xf32, #tpu.memory_space<vmem>>) dst(%dma_wait3A_38 : memref<128x64xf32, #tpu.memory_space<hbm>>)
      tpu.yield
    }) : () -> ()
    %add3A_23 = arith.constant 256 : i32
    %add3A_24 = arith.addi %mul3A_0, %add3A_23 : i32
    "tpu.region"() ({
      %run_scoped3A = tpu.sem_alloc : memref<!tpu.dma_semaphore, #tpu.memory_space<semaphore_mem>>
      %dma_start3A = arith.constant 0 : i32
      %dma_start3A_29 = tpu.memref_slice %arg12[%add3A_24, %dma_start3A] : memref<10240x64xf32, #tpu.memory_space<vmem_shared>> -> memref<128x64xf32, #tpu.memory_space<vmem_shared>>
      %dma_start3A_30 = arith.constant 0 : i32
      %dma_start3A_31 = tpu.memref_slice %arg12[%add3A_24, %dma_start3A_30] : memref<10240x64xf32, #tpu.memory_space<vmem_shared>> -> memref<128x64xf32, #tpu.memory_space<vmem_shared>>
      tpu.enqueue_dma source(%dma_start3A_31 : memref<128x64xf32, #tpu.memory_space<vmem_shared>>) target(%arg8 : memref<128x64xf32, #tpu.memory_space<vmem>>) target_semaphore(%run_scoped3A : memref<!tpu.dma_semaphore, #tpu.memory_space<semaphore_mem>>)
      %dma_wait3A = arith.constant 0 : i32
      %dma_wait3A_32 = tpu.memref_slice %arg12[%add3A_24, %dma_wait3A] : memref<10240x64xf32, #tpu.memory_space<vmem_shared>> -> memref<128x64xf32, #tpu.memory_space<vmem_shared>>
      %dma_wait3A_33 = arith.constant 0 : i32
      %dma_wait3A_34 = tpu.memref_slice %arg12[%add3A_24, %dma_wait3A_33] : memref<10240x64xf32, #tpu.memory_space<vmem_shared>> -> memref<128x64xf32, #tpu.memory_space<vmem_shared>>
      tpu.wait_dma2 semaphore(%run_scoped3A : memref<!tpu.dma_semaphore, #tpu.memory_space<semaphore_mem>>) src(%dma_wait3A_34 : memref<128x64xf32, #tpu.memory_space<vmem_shared>>) dst(%arg8 : memref<128x64xf32, #tpu.memory_space<vmem>>)
      tpu.yield
    }) : () -> ()
    "tpu.region"() ({
      %run_scoped3A = tpu.sem_alloc : memref<!tpu.dma_semaphore, #tpu.memory_space<semaphore_mem>>
      %dma_start3A = arith.constant 0 : i32
      %dma_start3A_29 = tpu.memref_slice %arg5[%arg0, %add3A_24, %dma_start3A] : memref<2x10240x64xf32, #tpu.memory_space<hbm>> -> memref<1x128x64xf32, #tpu.memory_space<hbm>>
      %dma_start3A_30 = tpu.memref_squeeze %dma_start3A_29 : memref<1x128x64xf32, #tpu.memory_space<hbm>> -> memref<128x64xf32, #tpu.memory_space<hbm>>
      %dma_start3A_31 = arith.constant 0 : i32
      %dma_start3A_32 = tpu.memref_slice %arg5[%arg0, %add3A_24, %dma_start3A_31] : memref<2x10240x64xf32, #tpu.memory_space<hbm>> -> memref<1x128x64xf32, #tpu.memory_space<hbm>>
      %dma_start3A_33 = tpu.memref_squeeze %dma_start3A_32 : memref<1x128x64xf32, #tpu.memory_space<hbm>> -> memref<128x64xf32, #tpu.memory_space<hbm>>
      tpu.enqueue_dma source(%arg8 : memref<128x64xf32, #tpu.memory_space<vmem>>) target(%dma_start3A_33 : memref<128x64xf32, #tpu.memory_space<hbm>>) target_semaphore(%run_scoped3A : memref<!tpu.dma_semaphore, #tpu.memory_space<semaphore_mem>>)
      %dma_wait3A = arith.constant 0 : i32
      %dma_wait3A_34 = tpu.memref_slice %arg5[%arg0, %add3A_24, %dma_wait3A] : memref<2x10240x64xf32, #tpu.memory_space<hbm>> -> memref<1x128x64xf32, #tpu.memory_space<hbm>>
      %dma_wait3A_35 = tpu.memref_squeeze %dma_wait3A_34 : memref<1x128x64xf32, #tpu.memory_space<hbm>> -> memref<128x64xf32, #tpu.memory_space<hbm>>
      %dma_wait3A_36 = arith.constant 0 : i32
      %dma_wait3A_37 = tpu.memref_slice %arg5[%arg0, %add3A_24, %dma_wait3A_36] : memref<2x10240x64xf32, #tpu.memory_space<hbm>> -> memref<1x128x64xf32, #tpu.memory_space<hbm>>
      %dma_wait3A_38 = tpu.memref_squeeze %dma_wait3A_37 : memref<1x128x64xf32, #tpu.memory_space<hbm>> -> memref<128x64xf32, #tpu.memory_space<hbm>>
      tpu.wait_dma2 semaphore(%run_scoped3A : memref<!tpu.dma_semaphore, #tpu.memory_space<semaphore_mem>>) src(%arg8 : memref<128x64xf32, #tpu.memory_space<vmem>>) dst(%dma_wait3A_38 : memref<128x64xf32, #tpu.memory_space<hbm>>)
      tpu.yield
    }) : () -> ()
    %add3A_25 = arith.constant 384 : i32
    %add3A_26 = arith.addi %mul3A_0, %add3A_25 : i32
    "tpu.region"() ({
      %run_scoped3A = tpu.sem_alloc : memref<!tpu.dma_semaphore, #tpu.memory_space<semaphore_mem>>
      %dma_start3A = arith.constant 0 : i32
      %dma_start3A_29 = tpu.memref_slice %arg12[%add3A_26, %dma_start3A] : memref<10240x64xf32, #tpu.memory_space<vmem_shared>> -> memref<128x64xf32, #tpu.memory_space<vmem_shared>>
      %dma_start3A_30 = arith.constant 0 : i32
      %dma_start3A_31 = tpu.memref_slice %arg12[%add3A_26, %dma_start3A_30] : memref<10240x64xf32, #tpu.memory_space<vmem_shared>> -> memref<128x64xf32, #tpu.memory_space<vmem_shared>>
      tpu.enqueue_dma source(%dma_start3A_31 : memref<128x64xf32, #tpu.memory_space<vmem_shared>>) target(%arg8 : memref<128x64xf32, #tpu.memory_space<vmem>>) target_semaphore(%run_scoped3A : memref<!tpu.dma_semaphore, #tpu.memory_space<semaphore_mem>>)
      %dma_wait3A = arith.constant 0 : i32
      %dma_wait3A_32 = tpu.memref_slice %arg12[%add3A_26, %dma_wait3A] : memref<10240x64xf32, #tpu.memory_space<vmem_shared>> -> memref<128x64xf32, #tpu.memory_space<vmem_shared>>
      %dma_wait3A_33 = arith.constant 0 : i32
      %dma_wait3A_34 = tpu.memref_slice %arg12[%add3A_26, %dma_wait3A_33] : memref<10240x64xf32, #tpu.memory_space<vmem_shared>> -> memref<128x64xf32, #tpu.memory_space<vmem_shared>>
      tpu.wait_dma2 semaphore(%run_scoped3A : memref<!tpu.dma_semaphore, #tpu.memory_space<semaphore_mem>>) src(%dma_wait3A_34 : memref<128x64xf32, #tpu.memory_space<vmem_shared>>) dst(%arg8 : memref<128x64xf32, #tpu.memory_space<vmem>>)
      tpu.yield
    }) : () -> ()
    "tpu.region"() ({
      %run_scoped3A = tpu.sem_alloc : memref<!tpu.dma_semaphore, #tpu.memory_space<semaphore_mem>>
      %dma_start3A = arith.constant 0 : i32
      %dma_start3A_29 = tpu.memref_slice %arg5[%arg0, %add3A_26, %dma_start3A] : memref<2x10240x64xf32, #tpu.memory_space<hbm>> -> memref<1x128x64xf32, #tpu.memory_space<hbm>>
      %dma_start3A_30 = tpu.memref_squeeze %dma_start3A_29 : memref<1x128x64xf32, #tpu.memory_space<hbm>> -> memref<128x64xf32, #tpu.memory_space<hbm>>
      %dma_start3A_31 = arith.constant 0 : i32
      %dma_start3A_32 = tpu.memref_slice %arg5[%arg0, %add3A_26, %dma_start3A_31] : memref<2x10240x64xf32, #tpu.memory_space<hbm>> -> memref<1x128x64xf32, #tpu.memory_space<hbm>>
      %dma_start3A_33 = tpu.memref_squeeze %dma_start3A_32 : memref<1x128x64xf32, #tpu.memory_space<hbm>> -> memref<128x64xf32, #tpu.memory_space<hbm>>
      tpu.enqueue_dma source(%arg8 : memref<128x64xf32, #tpu.memory_space<vmem>>) target(%dma_start3A_33 : memref<128x64xf32, #tpu.memory_space<hbm>>) target_semaphore(%run_scoped3A : memref<!tpu.dma_semaphore, #tpu.memory_space<semaphore_mem>>)
      %dma_wait3A = arith.constant 0 : i32
      %dma_wait3A_34 = tpu.memref_slice %arg5[%arg0, %add3A_26, %dma_wait3A] : memref<2x10240x64xf32, #tpu.memory_space<hbm>> -> memref<1x128x64xf32, #tpu.memory_space<hbm>>
      %dma_wait3A_35 = tpu.memref_squeeze %dma_wait3A_34 : memref<1x128x64xf32, #tpu.memory_space<hbm>> -> memref<128x64xf32, #tpu.memory_space<hbm>>
      %dma_wait3A_36 = arith.constant 0 : i32
      %dma_wait3A_37 = tpu.memref_slice %arg5[%arg0, %add3A_26, %dma_wait3A_36] : memref<2x10240x64xf32, #tpu.memory_space<hbm>> -> memref<1x128x64xf32, #tpu.memory_space<hbm>>
      %dma_wait3A_38 = tpu.memref_squeeze %dma_wait3A_37 : memref<1x128x64xf32, #tpu.memory_space<hbm>> -> memref<128x64xf32, #tpu.memory_space<hbm>>
      tpu.wait_dma2 semaphore(%run_scoped3A : memref<!tpu.dma_semaphore, #tpu.memory_space<semaphore_mem>>) src(%arg8 : memref<128x64xf32, #tpu.memory_space<vmem>>) dst(%dma_wait3A_38 : memref<128x64xf32, #tpu.memory_space<hbm>>)
      tpu.yield
    }) : () -> ()
    %add3A_27 = arith.constant 512 : i32
    %add3A_28 = arith.addi %mul3A_0, %add3A_27 : i32
    "tpu.region"() ({
      %run_scoped3A = tpu.sem_alloc : memref<!tpu.dma_semaphore, #tpu.memory_space<semaphore_mem>>
      %dma_start3A = arith.constant 0 : i32
      %dma_start3A_29 = tpu.memref_slice %arg12[%add3A_28, %dma_start3A] : memref<10240x64xf32, #tpu.memory_space<vmem_shared>> -> memref<128x64xf32, #tpu.memory_space<vmem_shared>>
      %dma_start3A_30 = arith.constant 0 : i32
      %dma_start3A_31 = tpu.memref_slice %arg12[%add3A_28, %dma_start3A_30] : memref<10240x64xf32, #tpu.memory_space<vmem_shared>> -> memref<128x64xf32, #tpu.memory_space<vmem_shared>>
      tpu.enqueue_dma source(%dma_start3A_31 : memref<128x64xf32, #tpu.memory_space<vmem_shared>>) target(%arg8 : memref<128x64xf32, #tpu.memory_space<vmem>>) target_semaphore(%run_scoped3A : memref<!tpu.dma_semaphore, #tpu.memory_space<semaphore_mem>>)
      %dma_wait3A = arith.constant 0 : i32
      %dma_wait3A_32 = tpu.memref_slice %arg12[%add3A_28, %dma_wait3A] : memref<10240x64xf32, #tpu.memory_space<vmem_shared>> -> memref<128x64xf32, #tpu.memory_space<vmem_shared>>
      %dma_wait3A_33 = arith.constant 0 : i32
      %dma_wait3A_34 = tpu.memref_slice %arg12[%add3A_28, %dma_wait3A_33] : memref<10240x64xf32, #tpu.memory_space<vmem_shared>> -> memref<128x64xf32, #tpu.memory_space<vmem_shared>>
      tpu.wait_dma2 semaphore(%run_scoped3A : memref<!tpu.dma_semaphore, #tpu.memory_space<semaphore_mem>>) src(%dma_wait3A_34 : memref<128x64xf32, #tpu.memory_space<vmem_shared>>) dst(%arg8 : memref<128x64xf32, #tpu.memory_space<vmem>>)
      tpu.yield
    }) : () -> ()
    "tpu.region"() ({
      %run_scoped3A = tpu.sem_alloc : memref<!tpu.dma_semaphore, #tpu.memory_space<semaphore_mem>>
      %dma_start3A = arith.constant 0 : i32
      %dma_start3A_29 = tpu.memref_slice %arg5[%arg0, %add3A_28, %dma_start3A] : memref<2x10240x64xf32, #tpu.memory_space<hbm>> -> memref<1x128x64xf32, #tpu.memory_space<hbm>>
      %dma_start3A_30 = tpu.memref_squeeze %dma_start3A_29 : memref<1x128x64xf32, #tpu.memory_space<hbm>> -> memref<128x64xf32, #tpu.memory_space<hbm>>
      %dma_start3A_31 = arith.constant 0 : i32
      %dma_start3A_32 = tpu.memref_slice %arg5[%arg0, %add3A_28, %dma_start3A_31] : memref<2x10240x64xf32, #tpu.memory_space<hbm>> -> memref<1x128x64xf32, #tpu.memory_space<hbm>>
      %dma_start3A_33 = tpu.memref_squeeze %dma_start3A_32 : memref<1x128x64xf32, #tpu.memory_space<hbm>> -> memref<128x64xf32, #tpu.memory_space<hbm>>
      tpu.enqueue_dma source(%arg8 : memref<128x64xf32, #tpu.memory_space<vmem>>) target(%dma_start3A_33 : memref<128x64xf32, #tpu.memory_space<hbm>>) target_semaphore(%run_scoped3A : memref<!tpu.dma_semaphore, #tpu.memory_space<semaphore_mem>>)
      %dma_wait3A = arith.constant 0 : i32
      %dma_wait3A_34 = tpu.memref_slice %arg5[%arg0, %add3A_28, %dma_wait3A] : memref<2x10240x64xf32, #tpu.memory_space<hbm>> -> memref<1x128x64xf32, #tpu.memory_space<hbm>>
      %dma_wait3A_35 = tpu.memref_squeeze %dma_wait3A_34 : memref<1x128x64xf32, #tpu.memory_space<hbm>> -> memref<128x64xf32, #tpu.memory_space<hbm>>
      %dma_wait3A_36 = arith.constant 0 : i32
      %dma_wait3A_37 = tpu.memref_slice %arg5[%arg0, %add3A_28, %dma_wait3A_36] : memref<2x10240x64xf32, #tpu.memory_space<hbm>> -> memref<1x128x64xf32, #tpu.memory_space<hbm>>
      %dma_wait3A_38 = tpu.memref_squeeze %dma_wait3A_37 : memref<1x128x64xf32, #tpu.memory_space<hbm>> -> memref<128x64xf32, #tpu.memory_space<hbm>>
      tpu.wait_dma2 semaphore(%run_scoped3A : memref<!tpu.dma_semaphore, #tpu.memory_space<semaphore_mem>>) src(%arg8 : memref<128x64xf32, #tpu.memory_space<vmem>>) dst(%dma_wait3A_38 : memref<128x64xf32, #tpu.memory_space<hbm>>)
      tpu.yield
    }) : () -> ()
    return
  }
}

module attributes {stable_mosaic.version = 14 : i64} {
  func.func @body(%arg0: i32, %arg1: memref<1000x128xf32, #tpu.memory_space<vmem>>, %arg2: memref<128x128xf32, #tpu.memory_space<vmem>>, %arg3: memref<1x1000x8xf32, #tpu.memory_space<vmem>>, %arg4: memref<1x1000x8xf32, #tpu.memory_space<vmem>>, %arg5: memref<1000x128xf32, #tpu.memory_space<vmem>>, %arg6: memref<1000x8xf32, #tpu.memory_space<vmem>>) attributes {dimension_semantics = [#tpu.dimension_semantics<arbitrary>], iteration_bounds = array<i64: 10>, scalar_prefetch = 0 : i64, scratch_operands = 0 : i64, tpu.core_type = #tpu.core_type<tc>, window_params = [{transform_indices = @transform_0, window_bounds = array<i64: 1000, 128>}, {pipeline_mode = #tpu.pipeline_mode<synchronous>, transform_indices = @transform_1, window_bounds = array<i64: 128, 128>}, {transform_indices = @transform_2, window_bounds = array<i64: 1, 1000, 8>}, {transform_indices = @transform_3, window_bounds = array<i64: 1, 1000, 8>}, {transform_indices = @transform_4, window_bounds = array<i64: 1000, 128>}, {transform_indices = @transform_5, window_bounds = array<i64: 1000, 8>}]} {
    %get3A = arith.constant 0 : index
    %get3A_0 = arith.constant 0 : index
    %get3A_1 = arith.constant 0 : index
    %get3A_2 = vector.load %arg3[%get3A, %get3A_0, %get3A_1] : memref<1x1000x8xf32, #tpu.memory_space<vmem>>, vector<1x1000x1xf32>
    %get3A_3 = vector.shape_cast %get3A_2 : vector<1x1000x1xf32> to vector<1000x1xf32>
    %get3A_4 = arith.constant 0 : index
    %get3A_5 = arith.constant 0 : index
    %get3A_6 = arith.constant 0 : index
    %get3A_7 = vector.load %arg4[%get3A_4, %get3A_5, %get3A_6] : memref<1x1000x8xf32, #tpu.memory_space<vmem>>, vector<1x1000x1xf32>
    %get3A_8 = vector.shape_cast %get3A_7 : vector<1x1000x1xf32> to vector<1000x1xf32>
    %add3A = arith.addf %get3A_3, %get3A_8 : vector<1000x1xf32>
    %add3A_9 = arith.constant 1.000000e+00 : f32
    %add3A_10 = vector.broadcast %add3A_9 : f32 to vector<1000x1xf32>
    %add3A_11 = arith.addf %add3A, %add3A_10 : vector<1000x1xf32>
    %rsqrt3A = math.rsqrt %add3A_11 : vector<1000x1xf32>
    %get3A_12 = arith.constant 0 : index
    %get3A_13 = arith.constant 0 : index
    %get3A_14 = vector.load %arg1[%get3A_12, %get3A_13] : memref<1000x128xf32, #tpu.memory_space<vmem>>, vector<1000x128xf32>
    %get3A_15 = arith.constant 0 : index
    %get3A_16 = arith.constant 0 : index
    %get3A_17 = vector.load %arg2[%get3A_15, %get3A_16] : memref<128x128xf32, #tpu.memory_space<vmem>>, vector<128x128xf32>
    %dot_general3A = arith.constant dense<0.000000e+00> : vector<1000x128xf32>
    %dot_general3A_18 = tpu.matmul %get3A_14, %get3A_17, %dot_general3A {dimension_numbers = #tpu.dot_dimension_numbers<[1], [0], [0], [1], [0, 0, 1, 1], [], []>, transpose_lhs_hint = false} : vector<1000x128xf32>, vector<128x128xf32>, vector<1000x128xf32> -> vector<1000x128xf32>
    %mul3A = vector.broadcast %rsqrt3A : vector<1000x1xf32> to vector<1000x128xf32>
    %mul3A_19 = arith.mulf %dot_general3A_18, %mul3A : vector<1000x128xf32>
    %swap3A = arith.constant 0 : index
    %swap3A_20 = arith.constant 0 : index
    %swap3A_21 = vector.load %arg5[%swap3A, %swap3A_20] : memref<1000x128xf32, #tpu.memory_space<vmem>>, vector<1000x128xf32>
    tpu.vector_store %arg5[%swap3A, %swap3A_20], %mul3A_19 {strides = array<i32>} : memref<1000x128xf32, #tpu.memory_space<vmem>>, vector<1000x128xf32>,
    %broadcast_in_dim3A = vector.shape_cast %rsqrt3A : vector<1000x1xf32> to vector<1000x1xf32>
    %broadcast_in_dim3A_22 = vector.broadcast %broadcast_in_dim3A : vector<1000x1xf32> to vector<1000x8xf32>
    %swap3A_23 = arith.constant 0 : index
    %swap3A_24 = arith.constant 0 : index
    %swap3A_25 = vector.load %arg6[%swap3A_23, %swap3A_24] : memref<1000x8xf32, #tpu.memory_space<vmem>>, vector<1000x8xf32>
    tpu.vector_store %arg6[%swap3A_23, %swap3A_24], %broadcast_in_dim3A_22 {strides = array<i32>} : memref<1000x8xf32, #tpu.memory_space<vmem>>, vector<1000x8xf32>,
    return
  }
  func.func @transform_0(%arg0: i32) -> (i32, i32) {
    %c0_i32 = arith.constant 0 : i32
    %c0_i32_0 = arith.constant 0 : i32
    return %arg0, %c0_i32 : i32, i32
  }
  func.func @transform_1(%arg0: i32) -> (i32, i32) {
    %c0_i32 = arith.constant 0 : i32
    %c0_i32_0 = arith.constant 0 : i32
    %c0_i32_1 = arith.constant 0 : i32
    return %c0_i32, %c0_i32_0 : i32, i32
  }
  func.func @transform_2(%arg0: i32) -> (i32, i32, i32) {
    %c0_i32 = arith.constant 0 : i32
    %c0_i32_0 = arith.constant 0 : i32
    %c0_i32_1 = arith.constant 0 : i32
    return %c0_i32, %arg0, %c0_i32_0 : i32, i32, i32
  }
  func.func @transform_3(%arg0: i32) -> (i32, i32, i32) {
    %c1_i32 = arith.constant 1 : i32
    %c0_i32 = arith.constant 0 : i32
    %c0_i32_0 = arith.constant 0 : i32
    return %c1_i32, %arg0, %c0_i32 : i32, i32, i32
  }
  func.func @transform_4(%arg0: i32) -> (i32, i32) {
    %c0_i32 = arith.constant 0 : i32
    %c0_i32_0 = arith.constant 0 : i32
    return %arg0, %c0_i32 : i32, i32
  }
  func.func @transform_5(%arg0: i32) -> (i32, i32) {
    %c0_i32 = arith.constant 0 : i32
    %c0_i32_0 = arith.constant 0 : i32
    return %arg0, %c0_i32 : i32, i32
  }
}

module attributes {stable_mosaic.version = 14 : i64} {
  func.func @body(%arg0: i32, %arg1: memref<1x1000x128xf32, #tpu.memory_space<vmem>>, %arg2: memref<1x1000x128xf32, #tpu.memory_space<vmem>>, %arg3: memref<1000x128xf32, #tpu.memory_space<vmem>>, %arg4: memref<1000x8xf32, #tpu.memory_space<vmem>>, %arg5: memref<1x128xf32, #tpu.memory_space<vmem>>, %arg6: memref<1000x128xf32, #tpu.memory_space<vmem>>, %arg7: memref<2x128xf32, #tpu.memory_space<vmem>>) attributes {dimension_semantics = [#tpu.dimension_semantics<arbitrary>], iteration_bounds = array<i64: 10>, scalar_prefetch = 0 : i64, scratch_operands = 0 : i64, tpu.core_type = #tpu.core_type<tc>, window_params = [{transform_indices = @transform_0, window_bounds = array<i64: 1, 1000, 128>}, {transform_indices = @transform_1, window_bounds = array<i64: 1, 1000, 128>}, {transform_indices = @transform_2, window_bounds = array<i64: 1000, 128>}, {transform_indices = @transform_3, window_bounds = array<i64: 1000, 8>}, {pipeline_mode = #tpu.pipeline_mode<synchronous>, transform_indices = @transform_4, window_bounds = array<i64: 1, 128>}, {transform_indices = @transform_5, window_bounds = array<i64: 1000, 128>}, {pipeline_mode = #tpu.pipeline_mode<synchronous>, transform_indices = @transform_6, window_bounds = array<i64: 2, 128>}]} {
    %get3A = arith.constant 0 : index
    %get3A_0 = arith.constant 0 : index
    %get3A_1 = vector.load %arg4[%get3A, %get3A_0] : memref<1000x8xf32, #tpu.memory_space<vmem>>, vector<1000x1xf32>
    %get3A_2 = arith.constant 0 : index
    %get3A_3 = arith.constant 0 : index
    %get3A_4 = arith.constant 0 : index
    %get3A_5 = vector.load %arg1[%get3A_2, %get3A_3, %get3A_4] : memref<1x1000x128xf32, #tpu.memory_space<vmem>>, vector<1x1000x128xf32>
    %get3A_6 = vector.shape_cast %get3A_5 : vector<1x1000x128xf32> to vector<1000x128xf32>
    %get3A_7 = arith.constant 0 : index
    %get3A_8 = arith.constant 0 : index
    %get3A_9 = arith.constant 0 : index
    %get3A_10 = vector.load %arg2[%get3A_7, %get3A_8, %get3A_9] : memref<1x1000x128xf32, #tpu.memory_space<vmem>>, vector<1x1000x128xf32>
    %get3A_11 = vector.shape_cast %get3A_10 : vector<1x1000x128xf32> to vector<1000x128xf32>
    %add3A = arith.addf %get3A_6, %get3A_11 : vector<1000x128xf32>
    %get3A_12 = arith.constant 0 : index
    %get3A_13 = arith.constant 0 : index
    %get3A_14 = vector.load %arg3[%get3A_12, %get3A_13] : memref<1000x128xf32, #tpu.memory_space<vmem>>, vector<1000x128xf32>
    %add3A_15 = arith.addf %add3A, %get3A_14 : vector<1000x128xf32>
    %mul3A = vector.broadcast %get3A_1 : vector<1000x1xf32> to vector<1000x128xf32>
    %mul3A_16 = arith.mulf %mul3A, %add3A_15 : vector<1000x128xf32>
    %get3A_17 = arith.constant 0 : index
    %get3A_18 = arith.constant 0 : index
    %get3A_19 = vector.load %arg5[%get3A_17, %get3A_18] : memref<1x128xf32, #tpu.memory_space<vmem>>, vector<1x128xf32>
    %add3A_20 = vector.broadcast %get3A_19 : vector<1x128xf32> to vector<1000x128xf32>
    %add3A_21 = arith.addf %mul3A_16, %add3A_20 : vector<1000x128xf32>
    %swap3A = arith.constant 0 : index
    %swap3A_22 = arith.constant 0 : index
    %swap3A_23 = vector.load %arg6[%swap3A, %swap3A_22] : memref<1000x128xf32, #tpu.memory_space<vmem>>, vector<1000x128xf32>
    tpu.vector_store %arg6[%swap3A, %swap3A_22], %add3A_21 {strides = array<i32>} : memref<1000x128xf32, #tpu.memory_space<vmem>>, vector<1000x128xf32>,
    %reduce_sum3A = arith.constant dense<0.000000e+00> : vector<128xf32>
    %reduce_sum3A_24 = vector.multi_reduction <add>, %add3A_21, %reduce_sum3A [0] : vector<1000x128xf32> to vector<128xf32>
    %broadcast_in_dim3A = vector.shape_cast %reduce_sum3A_24 : vector<128xf32> to vector<1x128xf32>
    %mul3A_25 = arith.mulf %add3A_21, %add3A_21 : vector<1000x128xf32>
    %reduce_sum3A_26 = arith.constant dense<0.000000e+00> : vector<128xf32>
    %reduce_sum3A_27 = vector.multi_reduction <add>, %mul3A_25, %reduce_sum3A_26 [0] : vector<1000x128xf32> to vector<128xf32>
    %broadcast_in_dim3A_28 = vector.shape_cast %reduce_sum3A_27 : vector<128xf32> to vector<1x128xf32>
    %concatenate3A = tpu.concatenate %broadcast_in_dim3A, %broadcast_in_dim3A_28 in 0 : vector<1x128xf32>, vector<1x128xf32> -> vector<2x128xf32>
    %eq3A = arith.constant 0 : i32
    %eq3A_29 = arith.cmpi eq, %arg0, %eq3A : i32
    %convert_element_type3A = arith.extui %eq3A_29 : i1 to i32
    %cond3A = arith.constant 0 : i32
    %cond3A_30 = arith.cmpi ne, %convert_element_type3A, %cond3A : i32
    scf.if %cond3A_30 {
      %swap3A_35 = arith.constant 0 : index
      %swap3A_36 = arith.constant 0 : index
      %swap3A_37 = vector.load %arg7[%swap3A_35, %swap3A_36] : memref<2x128xf32, #tpu.memory_space<vmem>>, vector<2x128xf32>
      tpu.vector_store %arg7[%swap3A_35, %swap3A_36], %concatenate3A {strides = array<i32>} : memref<2x128xf32, #tpu.memory_space<vmem>>, vector<2x128xf32>,
    } else {
    }
    %gt3A = arith.constant 0 : i32
    %gt3A_31 = arith.cmpi sgt, %arg0, %gt3A : i32
    %convert_element_type3A_32 = arith.extui %gt3A_31 : i1 to i32
    %cond3A_33 = arith.constant 0 : i32
    %cond3A_34 = arith.cmpi ne, %convert_element_type3A_32, %cond3A_33 : i32
    scf.if %cond3A_34 {
      %get3A_35 = arith.constant 0 : index
      %get3A_36 = arith.constant 0 : index
      %get3A_37 = vector.load %arg7[%get3A_35, %get3A_36] : memref<2x128xf32, #tpu.memory_space<vmem>>, vector<2x128xf32>
      %add3A_38 = arith.addf %get3A_37, %concatenate3A : vector<2x128xf32>
      %swap3A_39 = arith.constant 0 : index
      %swap3A_40 = arith.constant 0 : index
      %swap3A_41 = vector.load %arg7[%swap3A_39, %swap3A_40] : memref<2x128xf32, #tpu.memory_space<vmem>>, vector<2x128xf32>
      tpu.vector_store %arg7[%swap3A_39, %swap3A_40], %add3A_38 {strides = array<i32>} : memref<2x128xf32, #tpu.memory_space<vmem>>, vector<2x128xf32>,
    } else {
    }
    return
  }
  func.func @transform_0(%arg0: i32) -> (i32, i32, i32) {
    %c0_i32 = arith.constant 0 : i32
    %c0_i32_0 = arith.constant 0 : i32
    %c0_i32_1 = arith.constant 0 : i32
    return %c0_i32, %arg0, %c0_i32_0 : i32, i32, i32
  }
  func.func @transform_1(%arg0: i32) -> (i32, i32, i32) {
    %c1_i32 = arith.constant 1 : i32
    %c0_i32 = arith.constant 0 : i32
    %c0_i32_0 = arith.constant 0 : i32
    return %c1_i32, %arg0, %c0_i32 : i32, i32, i32
  }
  func.func @transform_2(%arg0: i32) -> (i32, i32) {
    %c0_i32 = arith.constant 0 : i32
    %c0_i32_0 = arith.constant 0 : i32
    return %arg0, %c0_i32 : i32, i32
  }
  func.func @transform_3(%arg0: i32) -> (i32, i32) {
    %c0_i32 = arith.constant 0 : i32
    %c0_i32_0 = arith.constant 0 : i32
    return %arg0, %c0_i32 : i32, i32
  }
  func.func @transform_4(%arg0: i32) -> (i32, i32) {
    %c0_i32 = arith.constant 0 : i32
    %c0_i32_0 = arith.constant 0 : i32
    %c0_i32_1 = arith.constant 0 : i32
    return %c0_i32, %c0_i32_0 : i32, i32
  }
  func.func @transform_5(%arg0: i32) -> (i32, i32) {
    %c0_i32 = arith.constant 0 : i32
    %c0_i32_0 = arith.constant 0 : i32
    return %arg0, %c0_i32 : i32, i32
  }
  func.func @transform_6(%arg0: i32) -> (i32, i32) {
    %c0_i32 = arith.constant 0 : i32
    %c0_i32_0 = arith.constant 0 : i32
    %c0_i32_1 = arith.constant 0 : i32
    return %c0_i32, %c0_i32_0 : i32, i32
  }
}

module attributes {stable_mosaic.version = 14 : i64} {
  func.func @body(%arg0: i32, %arg1: memref<1000x128xf32, #tpu.memory_space<vmem>>, %arg2: memref<2x128xf32, #tpu.memory_space<vmem>>, %arg3: memref<1x128xf32, #tpu.memory_space<vmem>>, %arg4: memref<1x128xf32, #tpu.memory_space<vmem>>, %arg5: memref<128x64xf32, #tpu.memory_space<vmem>>, %arg6: memref<1000x8xf32, #tpu.memory_space<vmem>>, %arg7: memref<1000x64xf32, #tpu.memory_space<vmem>>) attributes {dimension_semantics = [#tpu.dimension_semantics<arbitrary>], iteration_bounds = array<i64: 10>, scalar_prefetch = 0 : i64, scratch_operands = 0 : i64, tpu.core_type = #tpu.core_type<tc>, window_params = [{transform_indices = @transform_0, window_bounds = array<i64: 1000, 128>}, {pipeline_mode = #tpu.pipeline_mode<synchronous>, transform_indices = @transform_1, window_bounds = array<i64: 2, 128>}, {pipeline_mode = #tpu.pipeline_mode<synchronous>, transform_indices = @transform_2, window_bounds = array<i64: 1, 128>}, {pipeline_mode = #tpu.pipeline_mode<synchronous>, transform_indices = @transform_3, window_bounds = array<i64: 1, 128>}, {pipeline_mode = #tpu.pipeline_mode<synchronous>, transform_indices = @transform_4, window_bounds = array<i64: 128, 64>}, {transform_indices = @transform_5, window_bounds = array<i64: 1000, 8>}, {transform_indices = @transform_6, window_bounds = array<i64: 1000, 64>}]} {
    %get3A = arith.constant 0 : index
    %get3A_0 = arith.constant 0 : index
    %get3A_1 = vector.load %arg2[%get3A, %get3A_0] : memref<2x128xf32, #tpu.memory_space<vmem>>, vector<1x128xf32>
    %div3A = arith.constant 1.000000e+04 : f32
    %div3A_2 = vector.broadcast %div3A : f32 to vector<1x128xf32>
    %div3A_3 = arith.divf %get3A_1, %div3A_2 : vector<1x128xf32>
    %get3A_4 = arith.constant 1 : index
    %get3A_5 = arith.constant 0 : index
    %get3A_6 = vector.load %arg2[%get3A_4, %get3A_5] : memref<2x128xf32, #tpu.memory_space<vmem>>, vector<1x128xf32>
    %div3A_7 = arith.constant 1.000000e+04 : f32
    %div3A_8 = vector.broadcast %div3A_7 : f32 to vector<1x128xf32>
    %div3A_9 = arith.divf %get3A_6, %div3A_8 : vector<1x128xf32>
    %mul3A = arith.mulf %div3A_3, %div3A_3 : vector<1x128xf32>
    %sub3A = arith.subf %div3A_9, %mul3A : vector<1x128xf32>
    %get3A_10 = arith.constant 0 : index
    %get3A_11 = arith.constant 0 : index
    %get3A_12 = vector.load %arg3[%get3A_10, %get3A_11] : memref<1x128xf32, #tpu.memory_space<vmem>>, vector<1x128xf32>
    %add3A = arith.constant 9.99999974E-6 : f32
    %add3A_13 = vector.broadcast %add3A : f32 to vector<1x128xf32>
    %add3A_14 = arith.addf %sub3A, %add3A_13 : vector<1x128xf32>
    %rsqrt3A = math.rsqrt %add3A_14 : vector<1x128xf32>
    %mul3A_15 = arith.mulf %get3A_12, %rsqrt3A : vector<1x128xf32>
    %get3A_16 = arith.constant 0 : index
    %get3A_17 = arith.constant 0 : index
    %get3A_18 = vector.load %arg1[%get3A_16, %get3A_17] : memref<1000x128xf32, #tpu.memory_space<vmem>>, vector<1000x128xf32>
    %mul3A_19 = vector.broadcast %mul3A_15 : vector<1x128xf32> to vector<1000x128xf32>
    %mul3A_20 = arith.mulf %get3A_18, %mul3A_19 : vector<1000x128xf32>
    %get3A_21 = arith.constant 0 : index
    %get3A_22 = arith.constant 0 : index
    %get3A_23 = vector.load %arg4[%get3A_21, %get3A_22] : memref<1x128xf32, #tpu.memory_space<vmem>>, vector<1x128xf32>
    %mul3A_24 = arith.mulf %div3A_3, %mul3A_15 : vector<1x128xf32>
    %sub3A_25 = arith.subf %get3A_23, %mul3A_24 : vector<1x128xf32>
    %add3A_26 = vector.broadcast %sub3A_25 : vector<1x128xf32> to vector<1000x128xf32>
    %add3A_27 = arith.addf %mul3A_20, %add3A_26 : vector<1000x128xf32>
    %max3A = arith.constant 0.000000e+00 : f32
    %max3A_28 = vector.broadcast %max3A : f32 to vector<1000x128xf32>
    %max3A_29 = arith.maximumf %add3A_27, %max3A_28 : vector<1000x128xf32>
    %get3A_30 = arith.constant 0 : index
    %get3A_31 = arith.constant 0 : index
    %get3A_32 = vector.load %arg5[%get3A_30, %get3A_31] : memref<128x64xf32, #tpu.memory_space<vmem>>, vector<128x64xf32>
    %dot_general3A = arith.constant dense<0.000000e+00> : vector<1000x64xf32>
    %dot_general3A_33 = tpu.matmul %max3A_29, %get3A_32, %dot_general3A {dimension_numbers = #tpu.dot_dimension_numbers<[1], [0], [0], [1], [0, 0, 1, 1], [], []>, transpose_lhs_hint = false} : vector<1000x128xf32>, vector<128x64xf32>, vector<1000x64xf32> -> vector<1000x64xf32>
    %get3A_34 = arith.constant 0 : index
    %get3A_35 = arith.constant 0 : index
    %get3A_36 = vector.load %arg6[%get3A_34, %get3A_35] : memref<1000x8xf32, #tpu.memory_space<vmem>>, vector<1000x1xf32>
    %mul3A_37 = vector.broadcast %get3A_36 : vector<1000x1xf32> to vector<1000x64xf32>
    %mul3A_38 = arith.mulf %dot_general3A_33, %mul3A_37 : vector<1000x64xf32>
    %swap3A = arith.constant 0 : index
    %swap3A_39 = arith.constant 0 : index
    %swap3A_40 = vector.load %arg7[%swap3A, %swap3A_39] : memref<1000x64xf32, #tpu.memory_space<vmem>>, vector<1000x64xf32>
    tpu.vector_store %arg7[%swap3A, %swap3A_39], %mul3A_38 {strides = array<i32>} : memref<1000x64xf32, #tpu.memory_space<vmem>>, vector<1000x64xf32>,
    return
  }
  func.func @transform_0(%arg0: i32) -> (i32, i32) {
    %c0_i32 = arith.constant 0 : i32
    %c0_i32_0 = arith.constant 0 : i32
    return %arg0, %c0_i32 : i32, i32
  }
  func.func @transform_1(%arg0: i32) -> (i32, i32) {
    %c0_i32 = arith.constant 0 : i32
    %c0_i32_0 = arith.constant 0 : i32
    %c0_i32_1 = arith.constant 0 : i32
    return %c0_i32, %c0_i32_0 : i32, i32
  }
  func.func @transform_2(%arg0: i32) -> (i32, i32) {
    %c0_i32 = arith.constant 0 : i32
    %c0_i32_0 = arith.constant 0 : i32
    %c0_i32_1 = arith.constant 0 : i32
    return %c0_i32, %c0_i32_0 : i32, i32
  }
  func.func @transform_3(%arg0: i32) -> (i32, i32) {
    %c0_i32 = arith.constant 0 : i32
    %c0_i32_0 = arith.constant 0 : i32
    %c0_i32_1 = arith.constant 0 : i32
    return %c0_i32, %c0_i32_0 : i32, i32
  }
  func.func @transform_4(%arg0: i32) -> (i32, i32) {
    %c0_i32 = arith.constant 0 : i32
    %c0_i32_0 = arith.constant 0 : i32
    %c0_i32_1 = arith.constant 0 : i32
    return %c0_i32, %c0_i32_0 : i32, i32
  }
  func.func @transform_5(%arg0: i32) -> (i32, i32) {
    %c0_i32 = arith.constant 0 : i32
    %c0_i32_0 = arith.constant 0 : i32
    return %arg0, %c0_i32 : i32, i32
  }
  func.func @transform_6(%arg0: i32) -> (i32, i32) {
    %c0_i32 = arith.constant 0 : i32
    %c0_i32_0 = arith.constant 0 : i32
    return %arg0, %c0_i32 : i32, i32
  }
}

module attributes {stable_mosaic.version = 14 : i64} {
  func.func @body(%arg0: i32, %arg1: memref<1x1000x64xf32, #tpu.memory_space<vmem>>, %arg2: memref<1x1000x64xf32, #tpu.memory_space<vmem>>, %arg3: memref<1000x64xf32, #tpu.memory_space<vmem>>, %arg4: memref<1000x8xf32, #tpu.memory_space<vmem>>, %arg5: memref<1x64xf32, #tpu.memory_space<vmem>>, %arg6: memref<1000x64xf32, #tpu.memory_space<vmem>>, %arg7: memref<2x64xf32, #tpu.memory_space<vmem>>) attributes {dimension_semantics = [#tpu.dimension_semantics<arbitrary>], iteration_bounds = array<i64: 10>, scalar_prefetch = 0 : i64, scratch_operands = 0 : i64, tpu.core_type = #tpu.core_type<tc>, window_params = [{transform_indices = @transform_0, window_bounds = array<i64: 1, 1000, 64>}, {transform_indices = @transform_1, window_bounds = array<i64: 1, 1000, 64>}, {transform_indices = @transform_2, window_bounds = array<i64: 1000, 64>}, {transform_indices = @transform_3, window_bounds = array<i64: 1000, 8>}, {pipeline_mode = #tpu.pipeline_mode<synchronous>, transform_indices = @transform_4, window_bounds = array<i64: 1, 64>}, {transform_indices = @transform_5, window_bounds = array<i64: 1000, 64>}, {pipeline_mode = #tpu.pipeline_mode<synchronous>, transform_indices = @transform_6, window_bounds = array<i64: 2, 64>}]} {
    %get3A = arith.constant 0 : index
    %get3A_0 = arith.constant 0 : index
    %get3A_1 = vector.load %arg4[%get3A, %get3A_0] : memref<1000x8xf32, #tpu.memory_space<vmem>>, vector<1000x1xf32>
    %get3A_2 = arith.constant 0 : index
    %get3A_3 = arith.constant 0 : index
    %get3A_4 = arith.constant 0 : index
    %get3A_5 = vector.load %arg1[%get3A_2, %get3A_3, %get3A_4] : memref<1x1000x64xf32, #tpu.memory_space<vmem>>, vector<1x1000x64xf32>
    %get3A_6 = vector.shape_cast %get3A_5 : vector<1x1000x64xf32> to vector<1000x64xf32>
    %get3A_7 = arith.constant 0 : index
    %get3A_8 = arith.constant 0 : index
    %get3A_9 = arith.constant 0 : index
    %get3A_10 = vector.load %arg2[%get3A_7, %get3A_8, %get3A_9] : memref<1x1000x64xf32, #tpu.memory_space<vmem>>, vector<1x1000x64xf32>
    %get3A_11 = vector.shape_cast %get3A_10 : vector<1x1000x64xf32> to vector<1000x64xf32>
    %add3A = arith.addf %get3A_6, %get3A_11 : vector<1000x64xf32>
    %get3A_12 = arith.constant 0 : index
    %get3A_13 = arith.constant 0 : index
    %get3A_14 = vector.load %arg3[%get3A_12, %get3A_13] : memref<1000x64xf32, #tpu.memory_space<vmem>>, vector<1000x64xf32>
    %add3A_15 = arith.addf %add3A, %get3A_14 : vector<1000x64xf32>
    %mul3A = vector.broadcast %get3A_1 : vector<1000x1xf32> to vector<1000x64xf32>
    %mul3A_16 = arith.mulf %mul3A, %add3A_15 : vector<1000x64xf32>
    %get3A_17 = arith.constant 0 : index
    %get3A_18 = arith.constant 0 : index
    %get3A_19 = vector.load %arg5[%get3A_17, %get3A_18] : memref<1x64xf32, #tpu.memory_space<vmem>>, vector<1x64xf32>
    %add3A_20 = vector.broadcast %get3A_19 : vector<1x64xf32> to vector<1000x64xf32>
    %add3A_21 = arith.addf %mul3A_16, %add3A_20 : vector<1000x64xf32>
    %swap3A = arith.constant 0 : index
    %swap3A_22 = arith.constant 0 : index
    %swap3A_23 = vector.load %arg6[%swap3A, %swap3A_22] : memref<1000x64xf32, #tpu.memory_space<vmem>>, vector<1000x64xf32>
    tpu.vector_store %arg6[%swap3A, %swap3A_22], %add3A_21 {strides = array<i32>} : memref<1000x64xf32, #tpu.memory_space<vmem>>, vector<1000x64xf32>,
    %reduce_sum3A = arith.constant dense<0.000000e+00> : vector<64xf32>
    %reduce_sum3A_24 = vector.multi_reduction <add>, %add3A_21, %reduce_sum3A [0] : vector<1000x64xf32> to vector<64xf32>
    %broadcast_in_dim3A = vector.shape_cast %reduce_sum3A_24 : vector<64xf32> to vector<1x64xf32>
    %mul3A_25 = arith.mulf %add3A_21, %add3A_21 : vector<1000x64xf32>
    %reduce_sum3A_26 = arith.constant dense<0.000000e+00> : vector<64xf32>
    %reduce_sum3A_27 = vector.multi_reduction <add>, %mul3A_25, %reduce_sum3A_26 [0] : vector<1000x64xf32> to vector<64xf32>
    %broadcast_in_dim3A_28 = vector.shape_cast %reduce_sum3A_27 : vector<64xf32> to vector<1x64xf32>
    %concatenate3A = tpu.concatenate %broadcast_in_dim3A, %broadcast_in_dim3A_28 in 0 : vector<1x64xf32>, vector<1x64xf32> -> vector<2x64xf32>
    %eq3A = arith.constant 0 : i32
    %eq3A_29 = arith.cmpi eq, %arg0, %eq3A : i32
    %convert_element_type3A = arith.extui %eq3A_29 : i1 to i32
    %cond3A = arith.constant 0 : i32
    %cond3A_30 = arith.cmpi ne, %convert_element_type3A, %cond3A : i32
    scf.if %cond3A_30 {
      %swap3A_35 = arith.constant 0 : index
      %swap3A_36 = arith.constant 0 : index
      %swap3A_37 = vector.load %arg7[%swap3A_35, %swap3A_36] : memref<2x64xf32, #tpu.memory_space<vmem>>, vector<2x64xf32>
      tpu.vector_store %arg7[%swap3A_35, %swap3A_36], %concatenate3A {strides = array<i32>} : memref<2x64xf32, #tpu.memory_space<vmem>>, vector<2x64xf32>,
    } else {
    }
    %gt3A = arith.constant 0 : i32
    %gt3A_31 = arith.cmpi sgt, %arg0, %gt3A : i32
    %convert_element_type3A_32 = arith.extui %gt3A_31 : i1 to i32
    %cond3A_33 = arith.constant 0 : i32
    %cond3A_34 = arith.cmpi ne, %convert_element_type3A_32, %cond3A_33 : i32
    scf.if %cond3A_34 {
      %get3A_35 = arith.constant 0 : index
      %get3A_36 = arith.constant 0 : index
      %get3A_37 = vector.load %arg7[%get3A_35, %get3A_36] : memref<2x64xf32, #tpu.memory_space<vmem>>, vector<2x64xf32>
      %add3A_38 = arith.addf %get3A_37, %concatenate3A : vector<2x64xf32>
      %swap3A_39 = arith.constant 0 : index
      %swap3A_40 = arith.constant 0 : index
      %swap3A_41 = vector.load %arg7[%swap3A_39, %swap3A_40] : memref<2x64xf32, #tpu.memory_space<vmem>>, vector<2x64xf32>
      tpu.vector_store %arg7[%swap3A_39, %swap3A_40], %add3A_38 {strides = array<i32>} : memref<2x64xf32, #tpu.memory_space<vmem>>, vector<2x64xf32>,
    } else {
    }
    return
  }
  func.func @transform_0(%arg0: i32) -> (i32, i32, i32) {
    %c0_i32 = arith.constant 0 : i32
    %c0_i32_0 = arith.constant 0 : i32
    %c0_i32_1 = arith.constant 0 : i32
    return %c0_i32, %arg0, %c0_i32_0 : i32, i32, i32
  }
  func.func @transform_1(%arg0: i32) -> (i32, i32, i32) {
    %c1_i32 = arith.constant 1 : i32
    %c0_i32 = arith.constant 0 : i32
    %c0_i32_0 = arith.constant 0 : i32
    return %c1_i32, %arg0, %c0_i32 : i32, i32, i32
  }
  func.func @transform_2(%arg0: i32) -> (i32, i32) {
    %c0_i32 = arith.constant 0 : i32
    %c0_i32_0 = arith.constant 0 : i32
    return %arg0, %c0_i32 : i32, i32
  }
  func.func @transform_3(%arg0: i32) -> (i32, i32) {
    %c0_i32 = arith.constant 0 : i32
    %c0_i32_0 = arith.constant 0 : i32
    return %arg0, %c0_i32 : i32, i32
  }
  func.func @transform_4(%arg0: i32) -> (i32, i32) {
    %c0_i32 = arith.constant 0 : i32
    %c0_i32_0 = arith.constant 0 : i32
    %c0_i32_1 = arith.constant 0 : i32
    return %c0_i32, %c0_i32_0 : i32, i32
  }
  func.func @transform_5(%arg0: i32) -> (i32, i32) {
    %c0_i32 = arith.constant 0 : i32
    %c0_i32_0 = arith.constant 0 : i32
    return %arg0, %c0_i32 : i32, i32
  }
  func.func @transform_6(%arg0: i32) -> (i32, i32) {
    %c0_i32 = arith.constant 0 : i32
    %c0_i32_0 = arith.constant 0 : i32
    %c0_i32_1 = arith.constant 0 : i32
    return %c0_i32, %c0_i32_0 : i32, i32
  }
}

module attributes {stable_mosaic.version = 14 : i64} {
  func.func @body(%arg0: i32, %arg1: memref<1000x64xf32, #tpu.memory_space<vmem>>, %arg2: memref<2x64xf32, #tpu.memory_space<vmem>>, %arg3: memref<1x64xf32, #tpu.memory_space<vmem>>, %arg4: memref<1x64xf32, #tpu.memory_space<vmem>>, %arg5: memref<64x2xf32, #tpu.memory_space<vmem>>, %arg6: memref<1x2xf32, #tpu.memory_space<vmem>>, %arg7: memref<1000x2xf32, #tpu.memory_space<vmem>>) attributes {dimension_semantics = [#tpu.dimension_semantics<arbitrary>], iteration_bounds = array<i64: 10>, scalar_prefetch = 0 : i64, scratch_operands = 0 : i64, tpu.core_type = #tpu.core_type<tc>, window_params = [{transform_indices = @transform_0, window_bounds = array<i64: 1000, 64>}, {pipeline_mode = #tpu.pipeline_mode<synchronous>, transform_indices = @transform_1, window_bounds = array<i64: 2, 64>}, {pipeline_mode = #tpu.pipeline_mode<synchronous>, transform_indices = @transform_2, window_bounds = array<i64: 1, 64>}, {pipeline_mode = #tpu.pipeline_mode<synchronous>, transform_indices = @transform_3, window_bounds = array<i64: 1, 64>}, {pipeline_mode = #tpu.pipeline_mode<synchronous>, transform_indices = @transform_4, window_bounds = array<i64: 64, 2>}, {pipeline_mode = #tpu.pipeline_mode<synchronous>, transform_indices = @transform_5, window_bounds = array<i64: 1, 2>}, {transform_indices = @transform_6, window_bounds = array<i64: 1000, 2>}]} {
    %get3A = arith.constant 0 : index
    %get3A_0 = arith.constant 0 : index
    %get3A_1 = vector.load %arg2[%get3A, %get3A_0] : memref<2x64xf32, #tpu.memory_space<vmem>>, vector<1x64xf32>
    %div3A = arith.constant 1.000000e+04 : f32
    %div3A_2 = vector.broadcast %div3A : f32 to vector<1x64xf32>
    %div3A_3 = arith.divf %get3A_1, %div3A_2 : vector<1x64xf32>
    %get3A_4 = arith.constant 1 : index
    %get3A_5 = arith.constant 0 : index
    %get3A_6 = vector.load %arg2[%get3A_4, %get3A_5] : memref<2x64xf32, #tpu.memory_space<vmem>>, vector<1x64xf32>
    %div3A_7 = arith.constant 1.000000e+04 : f32
    %div3A_8 = vector.broadcast %div3A_7 : f32 to vector<1x64xf32>
    %div3A_9 = arith.divf %get3A_6, %div3A_8 : vector<1x64xf32>
    %mul3A = arith.mulf %div3A_3, %div3A_3 : vector<1x64xf32>
    %sub3A = arith.subf %div3A_9, %mul3A : vector<1x64xf32>
    %get3A_10 = arith.constant 0 : index
    %get3A_11 = arith.constant 0 : index
    %get3A_12 = vector.load %arg3[%get3A_10, %get3A_11] : memref<1x64xf32, #tpu.memory_space<vmem>>, vector<1x64xf32>
    %add3A = arith.constant 9.99999974E-6 : f32
    %add3A_13 = vector.broadcast %add3A : f32 to vector<1x64xf32>
    %add3A_14 = arith.addf %sub3A, %add3A_13 : vector<1x64xf32>
    %rsqrt3A = math.rsqrt %add3A_14 : vector<1x64xf32>
    %mul3A_15 = arith.mulf %get3A_12, %rsqrt3A : vector<1x64xf32>
    %get3A_16 = arith.constant 0 : index
    %get3A_17 = arith.constant 0 : index
    %get3A_18 = vector.load %arg1[%get3A_16, %get3A_17] : memref<1000x64xf32, #tpu.memory_space<vmem>>, vector<1000x64xf32>
    %mul3A_19 = vector.broadcast %mul3A_15 : vector<1x64xf32> to vector<1000x64xf32>
    %mul3A_20 = arith.mulf %get3A_18, %mul3A_19 : vector<1000x64xf32>
    %get3A_21 = arith.constant 0 : index
    %get3A_22 = arith.constant 0 : index
    %get3A_23 = vector.load %arg4[%get3A_21, %get3A_22] : memref<1x64xf32, #tpu.memory_space<vmem>>, vector<1x64xf32>
    %mul3A_24 = arith.mulf %div3A_3, %mul3A_15 : vector<1x64xf32>
    %sub3A_25 = arith.subf %get3A_23, %mul3A_24 : vector<1x64xf32>
    %add3A_26 = vector.broadcast %sub3A_25 : vector<1x64xf32> to vector<1000x64xf32>
    %add3A_27 = arith.addf %mul3A_20, %add3A_26 : vector<1000x64xf32>
    %max3A = arith.constant 0.000000e+00 : f32
    %max3A_28 = vector.broadcast %max3A : f32 to vector<1000x64xf32>
    %max3A_29 = arith.maximumf %add3A_27, %max3A_28 : vector<1000x64xf32>
    %get3A_30 = arith.constant 0 : index
    %get3A_31 = arith.constant 0 : index
    %get3A_32 = vector.load %arg5[%get3A_30, %get3A_31] : memref<64x2xf32, #tpu.memory_space<vmem>>, vector<64x2xf32>
    %dot_general3A = arith.constant dense<0.000000e+00> : vector<1000x2xf32>
    %dot_general3A_33 = tpu.matmul %max3A_29, %get3A_32, %dot_general3A {dimension_numbers = #tpu.dot_dimension_numbers<[1], [0], [0], [1], [0, 0, 1, 1], [], []>, transpose_lhs_hint = false} : vector<1000x64xf32>, vector<64x2xf32>, vector<1000x2xf32> -> vector<1000x2xf32>
    %get3A_34 = arith.constant 0 : index
    %get3A_35 = arith.constant 0 : index
    %get3A_36 = vector.load %arg6[%get3A_34, %get3A_35] : memref<1x2xf32, #tpu.memory_space<vmem>>, vector<1x2xf32>
    %add3A_37 = vector.broadcast %get3A_36 : vector<1x2xf32> to vector<1000x2xf32>
    %add3A_38 = arith.addf %dot_general3A_33, %add3A_37 : vector<1000x2xf32>
    %swap3A = arith.constant 0 : index
    %swap3A_39 = arith.constant 0 : index
    %swap3A_40 = vector.load %arg7[%swap3A, %swap3A_39] : memref<1000x2xf32, #tpu.memory_space<vmem>>, vector<1000x2xf32>
    tpu.vector_store %arg7[%swap3A, %swap3A_39], %add3A_38 {strides = array<i32>} : memref<1000x2xf32, #tpu.memory_space<vmem>>, vector<1000x2xf32>,
    return
  }
  func.func @transform_0(%arg0: i32) -> (i32, i32) {
    %c0_i32 = arith.constant 0 : i32
    %c0_i32_0 = arith.constant 0 : i32
    return %arg0, %c0_i32 : i32, i32
  }
  func.func @transform_1(%arg0: i32) -> (i32, i32) {
    %c0_i32 = arith.constant 0 : i32
    %c0_i32_0 = arith.constant 0 : i32
    %c0_i32_1 = arith.constant 0 : i32
    return %c0_i32, %c0_i32_0 : i32, i32
  }
  func.func @transform_2(%arg0: i32) -> (i32, i32) {
    %c0_i32 = arith.constant 0 : i32
    %c0_i32_0 = arith.constant 0 : i32
    %c0_i32_1 = arith.constant 0 : i32
    return %c0_i32, %c0_i32_0 : i32, i32
  }
  func.func @transform_3(%arg0: i32) -> (i32, i32) {
    %c0_i32 = arith.constant 0 : i32
    %c0_i32_0 = arith.constant 0 : i32
    %c0_i32_1 = arith.constant 0 : i32
    return %c0_i32, %c0_i32_0 : i32, i32
  }
  func.func @transform_4(%arg0: i32) -> (i32, i32) {
    %c0_i32 = arith.constant 0 : i32
    %c0_i32_0 = arith.constant 0 : i32
    %c0_i32_1 = arith.constant 0 : i32
    return %c0_i32, %c0_i32_0 : i32, i32
  }
  func.func @transform_5(%arg0: i32) -> (i32, i32) {
    %c0_i32 = arith.constant 0 : i32
    %c0_i32_0 = arith.constant 0 : i32
    %c0_i32_1 = arith.constant 0 : i32
    return %c0_i32, %c0_i32_0 : i32, i32
  }
  func.func @transform_6(%arg0: i32) -> (i32, i32) {
    %c0_i32 = arith.constant 0 : i32
    %c0_i32_0 = arith.constant 0 : i32
    return %arg0, %c0_i32 : i32, i32
  }
}

</mosaic_0001>

<sc_bundles>
// kernel: kernel.10.cloned.1.call-start
scs
__scs_entry_jumppad:
0x0: {  	(pc) =	sbr.rel $0x88, $3  }
0x1: {  	(tag) =	ssettag $0x0;
	lr =	simm.s32 $0x1  }
0x2: {  	[smem:$0x3F95] =	sst lr;
	_ =	strace $0xD0000000  }
0x3: {  	_ = 	snop  }
0x4: {  	_ = 	snop  }
0x5: {  	_ = 	snop  }
0x6: {  	_ = 	snop  }
0x7: {  	_ = 	snop  }
__scs_overlays_trampoline_lowered:
0x8: {  	[smem:$0x3FA4] =	sst s0  }
0x9: {  	[smem:$0x3FA5] =	sst s1  }
0xa: {  	[smem:$0x3FA6] =	sst s2  }
0xb: {  	[smem:$0x3FA7] =	sst s3  }
0xc: {  	[smem:$0x3FA8] =	sst s4  }
0xd: {  	[smem:$0x3FA9] =	sst s5  }
0xe: {  	[smem:$0x3FAA] =	sst s6  }
0xf: {  	[smem:$0x3FAB] =	sst s7  }
0x10: {  	[smem:$0x3FAC] =	sst s8  }
0x11: {  	[smem:$0x3FAD] =	sst s9;
	s0 =	simm.s32 @!p0 $0x0  }
0x12: {  	s1 =	sld [smem:$0x3F93];
	s0 =	simm.s32 @p0 $0x1  }
0x13: {  	[smem:$0x3FAE] =	sst s0;
	s0 =	simm.s32 @!p1 $0x0  }
0x14: {  	s2 =	sld [smem:$0x3F92];
	s0 =	simm.s32 @p1 $0x1  }
0x15: {  	[smem:$0x3FAF] =	sst s0;
	s0 =	simm.s32 @!p2 $0x0  }
0x16: {  	s3 =	sld [smem:$0x3FDB];
	s0 =	simm.s32 @p2 $0x1  }
0x17: {  	s4 =	simm.s32 $0x1BF5;
	[smem:$0x3FB1] =	sst s0  }
0x18: {  	s0 =	sld [smem:$0x3F94];
	_ =	swait.ge [sflag:s4], $0x0  }
0x19: {  	s7 =	sld [smem:$0x3F95]  }
0x1a: {  	s8 =	sadd.s32 $0xFFFFE003, lr  }
0x1b: {  	s9 =	sadd.s32 $0xFFFFFEF7, lr;
	s5 =	simm.s32 $0xFFFFFFFF;
	p2 =	slt.u32 s8, $0xFFFFF086  }
0x1c: {  	p1 =	slt.u32 s9, $0xF7A;
	s5 =	simm.s32 @!p2 $0x0  }
0x1d: {  	s5 =	simm.s32 @p1 $0x1;
	p0 =	seq.s32 s7, s2  }
0x1e: {  	s7 =	smul.u32 @!p0 $0xF7A, s2;
	p2 =	seq.s32 @!p0 s5, $0x0  }
0x1f: {  	s9 =	smul.u32 $0xF7A, s1;
	s8 =	simm.s32 @!p0 $0x1BF5;
	p2 =	por !p2, p0  }
0x20: {  	[sflag:s8] =	ssyncset.s32 @!p0 $0xFFFFF086;
	s6 =	sadd.s32 @!p0 s3, s7;
	s7 =	simm.s32 @!p0 $0x108  }
0x21: {  	s3 =	sadd.s32 s3, s9;
	s6 =	sadd.s32 @!p0 $0x88, s6;
	s7 =	simm.s32 @p2 $0x1082  }
0x22: {  	[simem:s7], [sflag:s8] =	dma.local @!p0 [hbm:s6], $0xF7A  }
0x23: {  	s9 =	sor.u32 $0xD0000000, s2;
	s6 =	simm.s32 $0x108;
	_ =	swait.ge @!p0 [sflag:s8], $0x0  }
0x24: {  	s3 =	sadd.s32 $0x88, s3;
	s6 =	simm.s32 @!p1 $0x1082;
	[sflag:s4] =	ssyncset.s32 $0xFFFFF086  }
0x25: {  	[simem:s6], [sflag:s4] =	dma.local [hbm:s3], $0xF7A  }
0x26: {  	[smem:$0x3F95] =	sst s1;
	(tag) =	ssettag s2;
	_ =	strace s9  }
0x27: {  	s1 =	sld [smem:$0x3FA5]  }
0x28: {  	s2 =	sld [smem:$0x3FA6]  }
0x29: {  	s4 =	sld [smem:$0x3FA8]  }
0x2a: {  	p0 =	seq.s32 s5, $0x0;
	s5 =	sld [smem:$0x3FA9]  }
0x2b: {  	s6 =	sld [smem:$0x3FAA]  }
0x2c: {  	s7 =	sld [smem:$0x3FAB]  }
0x2d: {  	s3 =	simm.s32 $0x108;
	s8 =	sld [smem:$0x3FAC]  }
0x2e: {  	s3 =	simm.s32 @!p0 $0x1082;
	s9 =	sld [smem:$0x3FAD]  }
0x2f: {  	lr =	sadd.s32 s0, s3;
	s0 =	sld [smem:$0x3FA4]  }
0x30: {  	s3 =	sld [smem:$0x3FA7]  }
0x31: {  	[smem:$0x3FB0] =	sst s10  }
0x32: {  	s10 =	sld [smem:$0x3FAE];
	_ =	sdelay $0x3  }
0x33: {  	p0 =	seq.s32 s10, $0x1;
	s10 =	sld [smem:$0x3FB0];
	_ =	sdelay $0x3  }
0x34: {  	[smem:$0x3FB0] =	sst s10  }
0x35: {  	s10 =	sld [smem:$0x3FAF];
	_ =	sdelay $0x3  }
0x36: {  	p1 =	seq.s32 s10, $0x1;
	s10 =	sld [smem:$0x3FB0];
	_ =	sdelay $0x3  }
0x37: {  	[smem:$0x3FB0] =	sst s10  }
0x38: {  	s10 =	sld [smem:$0x3FB1]  }
0x39: {  	_ = 	snop;
	(pc) =	sbr.ind lr, $3  }
0x3a: {  	_ = 	snop  }
0x3b: {  	_ = 	snop  }
0x3c: {  	p2 =	seq.s32 s10, $0x1;
	s10 =	sld [smem:$0x3FB0]  }
0x3d: {  	_ =	shalt  }
0x3e: {  	_ =	shalt  }
0x3f: {  	_ =	shalt  }
0x40: {  	_ =	shalt  }
0x41: {  	_ =	shalt  }
0x42: {  	_ =	shalt  }
0x43: {  	_ =	shalt  }
0x44: {  	_ =	shalt  }
0x45: {  	_ =	shalt  }
0x46: {  	_ =	shalt  }
0x47: {  	_ =	shalt  }
0x48: {  	_ =	shalt  }
0x49: {  	_ =	shalt  }
0x4a: {  	_ =	shalt  }
0x4b: {  	_ =	shalt  }
0x4c: {  	_ =	shalt  }
0x4d: {  	_ =	shalt  }
0x4e: {  	_ =	shalt  }
0x4f: {  	_ =	shalt  }
0x50: {  	_ =	shalt  }
0x51: {  	_ =	shalt  }
0x52: {  	_ =	shalt  }
0x53: {  	_ =	shalt  }
0x54: {  	_ =	shalt  }
0x55: {  	_ =	shalt  }
0x56: {  	_ =	shalt  }
0x57: {  	_ =	shalt  }
0x58: {  	_ =	shalt  }
0x59: {  	_ =	shalt  }
0x5a: {  	_ =	shalt  }
0x5b: {  	_ =	shalt  }
0x5c: {  	_ =	shalt  }
0x5d: {  	_ =	shalt  }
0x5e: {  	_ =	shalt  }
0x5f: {  	_ =	shalt  }
0x60: {  	_ =	shalt  }
0x61: {  	_ =	shalt  }
0x62: {  	_ =	shalt  }
0x63: {  	_ =	shalt  }
0x64: {  	_ =	shalt  }
0x65: {  	_ =	shalt  }
0x66: {  	_ =	shalt  }
0x67: {  	_ =	shalt  }
0x68: {  	_ =	shalt  }
0x69: {  	_ =	shalt  }
0x6a: {  	_ =	shalt  }
0x6b: {  	_ =	shalt  }
0x6c: {  	_ =	shalt  }
0x6d: {  	_ =	shalt  }
0x6e: {  	_ =	shalt  }
0x6f: {  	_ =	shalt  }
0x70: {  	_ =	shalt  }
0x71: {  	_ =	shalt  }
0x72: {  	_ =	shalt  }
0x73: {  	_ =	shalt  }
0x74: {  	_ =	shalt  }
0x75: {  	_ =	shalt  }
0x76: {  	_ =	shalt  }
0x77: {  	_ =	shalt  }
0x78: {  	_ =	shalt  }
0x79: {  	_ =	shalt  }
0x7a: {  	_ =	shalt  }
0x7b: {  	_ =	shalt  }
0x7c: {  	_ =	shalt  }
0x7d: {  	_ =	shalt  }
0x7e: {  	_ =	shalt  }
0x7f: {  	_ =	shalt  }
0x80: {  	_ =	shalt  }
0x81: {  	_ =	shalt  }
0x82: {  	_ =	shalt  }
0x83: {  	_ =	shalt  }
0x84: {  	_ =	shalt  }
0x85: {  	_ =	shalt  }
0x86: {  	_ =	shalt  }
0x87: {  	_ =	shalt  }
.Lfunc_end0:
.L_simem_size_0:
called_computation_lowered:
.L_overlay_start_0:
0x88: {  	s2 =	sld [smem:$0x3FD9]  }
0x89: {  	s3 =	sld [smem:$0x3FFE];
	_ =	sdelay $0x1  }
0x8a: {  	s1 =	srdreg.scid  }
0x8b: {  	s0 =	sand.u32 $0x1, s1  }
0x8c: {  	s17 =	sshll.u32 s0, $0xA;
	s2 =	sadd.s32 s3, s2  }
0x8d: {  	s2 =	sadd.s32 s2, s17  }
0x8e: {  	[smem:$0x3FBC] =	sst s2  }
0x8f: {  	_ = 	snop  }
0x90: {  	s2 =	sld [smem:$0x3FD0];
	(tm) =	ssettm $0x1  }
0x91: {  	s18 =	sld [smem:$0x3FFB];
	_ =	sdelay $0x3  }
0x92: {  	_ =	strace s18  }
0x93: {  	s3 =	sld [smem:$0x3FFC];
	_ =	sdelay $0x3  }
0x94: {  	_ =	strace s3  }
0x95: {  	s3 =	sld [smem:$0x3FFD];
	_ =	sdelay $0x3  }
0x96: {  	_ =	strace s3  }
0x97: {  	_ =	strace $0x8FFFFFFF  }
0x98: {  	s19 =	sld [smem:$0x3FDB];
	_ =	sdelay $0x1  }
0x99: {  	s4 =	simm.s32 $_scs_section_size  }
0x9a: {  	s5 =	simm.s32 $_size__tile_overlayer_lowered;
	s6 =	simm.s32 $_tile_overlayer_lowered  }
0x9b: {  	s22 =	simm.s32 $0x1BFF;
	s21 =	sshll.u32 s6, $0x1;
	s3 =	sadd.s32 s4, s19  }
0x9c: {  	s7 =	simm.s32 $0x0;
	s20 =	sshll.u32 s5, $0x1;
	s5 =	sadd.s32 s21, s3  }
0x9d: {  	[timem:s7], [sflag:s22] =	dma.local [hbm:s5], s20  }
0x9e: {  	_ =	swait.ge [sflag:s22], s20  }
0x9f: {  	s4 =	ssub.s32 $0x0, s20;
	[sflag:s22] =	ssyncset.done $0x0  }
0xa0: {  	[sflag:s22] =	ssyncadd.s32 s4;
	_ =	sdelay $0x1  }
0xa1: {  	s23 =	simm.s32 $0x1B8B  }
0xa2: {  	_ =	swait.ge [sflag:s23], $0x1  }
0xa3: {  	[sflag:s23] =	ssyncset.done $0x0  }
0xa4: {  	s25 =	simm.s32 $0x1B8E;
	s24 =	sld [smem:$0x3FFE];
	[sflag:s23] =	ssyncadd.s32 $0xFFFFFFFF  }
0xa5: {  	s26 =	simm.s32 $execute0_lowered;
	[smem:$0x3FD2] =	sst s25  }
0xa6: {  	s5 =	sshll.u32 s26, $0x1;
	_ =	strace $0x80000046;
	[dreg:$0x1] =	wrdreg $0xFFFFFFFF  }
0xa7: {  	s28 =	simm.s32 $_size_execute0_lowered;
	s3 =	sadd.s32 s3, s5;
	[dreg:$0x0] =	wrdreg $0x0  }
0xa8: {  	s5 =	sshll.u32 s28, $0x1;
	[dreg:$0x2] =	wrdreg s3  }
0xa9: {  	[dreg:$0x3] =	wrdreg s5  }
0xaa: {  	[dreg:$0x4] =	wrdreg $0xC0  }
0xab: {  	_ =	task [dreg:s7], $0x5FFFF  }
0xac: {  	[dreg:$0x1] =	wrdreg $0xFFFFFFFF  }
0xad: {  	[dreg:$0x0] =	wrdreg $0x60  }
0xae: {  	[dreg:$0x2] =	wrdreg s24  }
0xaf: {  	[dreg:$0x3] =	wrdreg s2  }
0xb0: {  	[dreg:$0x4] =	wrdreg $0xA000  }
0xb1: {  	[dreg:$0x5] =	wrdreg $0x9  }
0xb2: {  	_ =	task.clear_ibuf [dreg:s7], $0x6FFFF;
	_ =	strace $0x90000046  }
0xb3: {  	s29 =	simm.s32 $0x9;
	_ =	strace $0x80000048  }
0xb4: {  	_ =	swait.ge [sflag:s29], $0x1  }
0xb5: {  	[sflag:s29] =	ssyncadd.s32 $0xFFFFFFFF  }
0xb6: {  	_ =	strace $0x90000048  }
0xb7: {  	_ =	sfence  }
0xb8: {  	s30 =	sld [smem:$0x0];
	_ =	sdelay $0x2  }
0xb9: {  	s31 =	sshll.u32 s1, $0xD;
	s1 =	sshrl.u32 s1, $0x2  }
0xba: {  	s3 =	sand.u32 $0x4000, s31;
	s1 =	sadd.s32 s1, s30  }
0xbb: {  	s0 =	sor.u32 s3, s0;
	s1 =	sshll.u32 s1, $0x11  }
0xbc: {  	s0 =	sor.u32 s1, s0  }
0xbd: {  	s0 =	sadd.s32 $0x8F2B, s0  }
0xbe: {  	[sflag:s0] =	ssyncadd.remote.s32 $0x1  }
0xbf: {  	_ =	sfence.sel $0xFFFF  }
0xc0: {  	[dreg:$0x0] =	wrdreg $0xFFFFFFFF;
	(pc) =	sbr.abs _section_cstart, $3  }
0xc1: {  	[dreg:$0x1] =	wrdreg $0xFFFFFFFF  }
0xc2: {  	_ =	task.clear_ibuf [dreg:s7], $0x2FFFF;
	_ =	strace $0x9FFFFFFF  }
0xc3: {  	(tm) =	ssettm $0x7FFFFFFF  }
tec
execute0_lowered:
.L_overlay_start_1:
0x0: {  	(tag) =	ssettag $0x1  }
0x1: {  	s0 =	rddreg [dreg:$0x0]  }
0x2: {  	s1 =	rddreg [dreg:$0x1]  }
0x3: {  	s2 =	rddreg [dreg:$0x2];
	s3 =	simm.s32 $0x0;
	s4 =	srdreg.scid  }
0x4: {  	s31 =	stileid.u32;
	s28 =	simm.s32 $0x2;
	s29 =	simm.s32 $0x180  }
0x5: {  	s30 =	simm.s32 $0x0;
	[smem:$0x7FF] =	sst s3;
	s14 =	sand.u32 $0x1, s4  }
0x6: {  	s18 =	sadd.s32 $0x3400, s0;
	s5 =	sadd.s32 $0x2AC00, s0;
	s10 =	smul.u32 $0x1400, s31  }
0x7: {  	s17 =	sadd.s32 $0x2AE00, s0;
	s12 =	sshll.u32 s31, $0x1;
	s23 =	smul.u32 $0x13C, s31  }
0x8: {  	s0 =	sadd.s32 $0x3420, s0;
	_ =	strace $0x80000047;
	s21 =	smul.u32 $0x14000, s14  }
0x9: {  	s6 =	ssub.s32 $0x2, s14;
	s11 =	sor.u32 s14, s12;
	s24 =	smul.u32 $0x9E, s14  }
0xa: {  	s7 =	sshrl.u32 s6, $0x1;
	s15 =	sadd.s32 $0x400, s10;
	s16 =	sadd.s32 $0x800, s10  }
0xb: {  	s20 =	sadd.s32 $0xC00, s10;
	s22 =	sadd.s32 $0x1000, s10;
	s12 =	smul.u32 $0x13C0, s11  }
0xc: {  	s19 =	ssub.s32 s6, s7;
	s6 =	sadd.s32 s10, s2;
	s7 =	sadd.s32 s15, s2  }
0xd: {  	s8 =	sadd.s32 s16, s2;
	s9 =	sadd.s32 s20, s2;
	s13 =	sadd.s32 s10, s21  }
0xe: {  	s10 =	sadd.s32 s22, s2;
	s15 =	sadd.s32 s21, s15;
	s16 =	sadd.s32 s21, s16  }
0xf: {  	s20 =	sadd.s32 s21, s20;
	s25 =	sadd.s32 s21, s22;
	s26 =	sadd.s32 s24, s23  }
0x10: {  	s22 =	simm.s32 $0x3;
	s23 =	simm.s32 $0x600;
	s24 =	simm.s32 $0x100  }
0x11: {  	s13 =	sshrl.u32 s13, $0x3;
	s11 =	sadd.s32 s18, s12;
	s12 =	sadd.s32 s12, s0  }
0x12: {  	s15 =	sshrl.u32 s15, $0x3;
	s16 =	sshrl.u32 s16, $0x3;
	s21 =	sshll.u32 s26, $0x5  }
0x13: {  	s26 =	simm.s32 $0x80;
	s13 =	sadd.s32 s17, s13;
	s14 =	sadd.s32 s17, s15  }
0x14: {  	s15 =	sadd.s32 s17, s16;
	s16 =	sshrl.u32 s20, $0x3;
	s20 =	sshrl.u32 s25, $0x3  }
0x15: {  	s0 =	sadd.s32 s0, s21;
	s31 =	sadd.s32 s18, s21;
	s18 =	smax.u32 s19, $0x1  }
0x16: {  	s21 =	simm.s32 $0x200;
	s25 =	simm.s32 $0x1;
	s16 =	sadd.s32 s17, s16  }
0x17: {  	s17 =	sadd.s32 s17, s20;
	s19 =	sadd.s32 $0x40, s0;
	s20 =	sadd.s32 $0x40, s31  }
.LBB2_1:
0x18: {  	[tilespmem:s21], [sflag:$0x3] =	stream.linear.gather [hbm4b:s1+s3], $0x400, $0x38;
	[tilespmem:$0x1E00] =	vst v63  }
0x19: {  	_ =	swait.ge [sflag:s22], $0x400  }
0x1a: {  	[sflag:s22] =	ssyncset.done $0x0  }
0x1b: {  	[sflag:s22] =	ssyncadd.s32 $0xFFFFFC00  }
0x1c: {  	[tilespmem:s23], [sflag:$0x3] =	stream.linear.gather [hbm4b:s5+s3], $0x400, $0x38;
	[tilespmem:$0x1E00] =	vst v63  }
0x1d: {  	_ =	swait.ge [sflag:s22], $0x400  }
0x1e: {  	[sflag:s22] =	ssyncset.done $0x0  }
0x1f: {  	[sflag:s22] =	ssyncadd.s32 $0xFFFFFC00  }
0x20: {  	[spmem:s6] =	stream.linear.scatter [tilespmem:s23], [sflag:$0x3], $0x400, $0x38;
	[tilespmem:$0x1E00] =	vst v63  }
0x21: {  	_ =	swait.ge [sflag:s22], $0x400  }
0x22: {  	[sflag:s22] =	ssyncset.done $0x0  }
0x23: {  	[sflag:s22] =	ssyncadd.s32 $0xFFFFFC00  }
0x24: {  	[spmem:s7] =	stream.linear.scatter [tilespmem:s23], [sflag:$0x3], $0x400, $0x38;
	[tilespmem:$0x1E00] =	vst v63  }
0x25: {  	_ =	swait.ge [sflag:s22], $0x400  }
0x26: {  	[sflag:s22] =	ssyncset.done $0x0  }
0x27: {  	[sflag:s22] =	ssyncadd.s32 $0xFFFFFC00  }
0x28: {  	[spmem:s8] =	stream.linear.scatter [tilespmem:s23], [sflag:$0x3], $0x400, $0x38;
	[tilespmem:$0x1E00] =	vst v63  }
0x29: {  	_ =	swait.ge [sflag:s22], $0x400  }
0x2a: {  	[sflag:s22] =	ssyncset.done $0x0  }
0x2b: {  	[sflag:s22] =	ssyncadd.s32 $0xFFFFFC00  }
0x2c: {  	[spmem:s9] =	stream.linear.scatter [tilespmem:s23], [sflag:$0x3], $0x400, $0x38;
	[tilespmem:$0x1E00] =	vst v63  }
0x2d: {  	_ =	swait.ge [sflag:s22], $0x400  }
0x2e: {  	[sflag:s22] =	ssyncset.done $0x0  }
0x2f: {  	[sflag:s22] =	ssyncadd.s32 $0xFFFFFC00  }
0x30: {  	[spmem:s10] =	stream.linear.scatter [tilespmem:s23], [sflag:$0x3], $0x400, $0x38;
	[tilespmem:$0x1E00] =	vst v63  }
0x31: {  	_ =	swait.ge [sflag:s22], $0x400  }
0x32: {  	[sflag:s22] =	ssyncset.done $0x0  }
0x33: {  	[sflag:s22] =	ssyncadd.s32 $0xFFFFFC00  }
0x34: {  	[bflag:$0x0] =	sbarrier.arrive $0xFFFF  }
0x35: {  	[tilespmem:s3], [sflag:$0x1] =	stream.linear.gather [hbm4b:s11+s3], $0x100, $0x38;
	[tilespmem:$0x1E00] =	vst v63  }
0x36: {  	_ = 	snop  }
0x37: {  	[tilespmem:s24], [sflag:$0x2] =	stream.linear.gather [hbm4b:s12+s3], $0x100, $0x38;
	[tilespmem:$0x1E00] =	vst v63  }
0x38: {  	_ =	swait.ge [sflag:s25], $0x100  }
0x39: {  	[sflag:s25] =	ssyncset.done $0x0  }
0x3a: {  	[sflag:s25] =	ssyncadd.s32 $0xFFFFFF00  }
0x3b: {  	[spmem:s2] =	stream.indirect.scatter.add.f32 [tilespmem:s21], [sflag:$0x3], $0x8, s26, s26, $0xb8;
	[tilespmem:$0x1E00] =	vst v63  }
0x3c: {  	_ =	swait.ge [sflag:s22], $0x400  }
0x3d: {  	[sflag:s22] =	ssyncset.done $0x0  }
0x3e: {  	s0 =	sadd.s32 $0x0, s20;
	[sflag:s22] =	ssyncadd.s32 $0xFFFFFC00  }
0x3f: {  	[tilespmem:s3], [sflag:$0x1] =	stream.linear.gather [hbm4b:s0+s3], $0x100, $0x38;
	[tilespmem:$0x1E00] =	vst v63  }
0x40: {  	_ =	swait.ge [sflag:s28], $0x100  }
0x41: {  	[sflag:s28] =	ssyncset.done $0x0  }
0x42: {  	[sflag:s28] =	ssyncadd.s32 $0xFFFFFF00  }
0x43: {  	[spmem:s2] =	stream.indirect.scatter.add.f32 [tilespmem:s21], [sflag:$0x3], $0x8, s29, s26, $0xb8;
	[tilespmem:$0x1E00] =	vst v63  }
0x44: {  	_ =	swait.ge [sflag:s22], $0x400  }
0x45: {  	[sflag:s22] =	ssyncset.done $0x0  }
0x46: {  	s31 =	simm.s32 $0x40;
	s0 =	sadd.s32 $0x0, s19;
	[sflag:s22] =	ssyncadd.s32 $0xFFFFFC00  }
.LBB2_2:
0x47: {  	[tilespmem:s24], [sflag:$0x2] =	stream.linear.gather [hbm4b:s0+s3], $0x100, $0x38;
	[tilespmem:$0x1E00] =	vst v63  }
0x48: {  	s0 =	smov.u32 s31  }
0x49: {  	p0 =	sne.s32 s31, $0x1340;
	s31 =	sadd.s32 $0x40, s31;
	_ =	swait.ge [sflag:s25], $0x100  }
0x4a: {  	[sflag:s25] =	ssyncset.done $0x0  }
0x4b: {  	[sflag:s25] =	ssyncadd.s32 $0xFFFFFF00  }
0x4c: {  	[spmem:s2] =	stream.indirect.scatter.add.f32 [tilespmem:s21], [sflag:$0x3], $0x8, s26, s26, $0xb8;
	[tilespmem:$0x1E00] =	vst v63  }
0x4d: {  	_ =	swait.ge [sflag:s22], $0x400  }
0x4e: {  	[sflag:s22] =	ssyncset.done $0x0  }
0x4f: {  	s4 =	sadd.s32 s0, s20;
	[sflag:s22] =	ssyncadd.s32 $0xFFFFFC00  }
0x50: {  	[tilespmem:s3], [sflag:$0x1] =	stream.linear.gather [hbm4b:s4+s3], $0x100, $0x38;
	[tilespmem:$0x1E00] =	vst v63  }
0x51: {  	_ =	swait.ge [sflag:s28], $0x100  }
0x52: {  	[sflag:s28] =	ssyncset.done $0x0  }
.Ltmp0:
0x53: {  	[sflag:s28] =	ssyncadd.s32 $0xFFFFFF00;
	(pc) =	sbr.rel @p0 .LBB2_2-.Ltmp0, $4  }
0x54: {  	[spmem:s2] =	stream.indirect.scatter.add.f32 [tilespmem:s21], [sflag:$0x3], $0x8, s29, s26, $0xb8;
	[tilespmem:$0x1E00] =	vst v63  }
0x55: {  	_ =	swait.ge [sflag:s22], $0x400  }
0x56: {  	[sflag:s22] =	ssyncset.done $0x0  }
0x57: {  	s0 =	sadd.s32 s0, s19;
	[sflag:s22] =	ssyncadd.s32 $0xFFFFFC00  }
0x58: {  	[tilespmem:s24], [sflag:$0x2] =	stream.linear.gather [hbm4b:s0+s3], $0x100, $0x38;
	[tilespmem:$0x1E00] =	vst v63  }
0x59: {  	_ =	swait.ge [sflag:s25], $0x100  }
0x5a: {  	[sflag:s25] =	ssyncset.done $0x0  }
0x5b: {  	[sflag:s25] =	ssyncadd.s32 $0xFFFFFF00  }
0x5c: {  	[spmem:s2] =	stream.indirect.scatter.add.f32 [tilespmem:s21], [sflag:$0x3], $0x8, s26, s26, $0xb8;
	[tilespmem:$0x1E00] =	vst v63  }
0x5d: {  	_ =	swait.ge [sflag:s22], $0x400  }
0x5e: {  	[sflag:s22] =	ssyncset.done $0x0  }
0x5f: {  	[sflag:s22] =	ssyncadd.s32 $0xFFFFFC00  }
0x60: {  	_ =	swait.ge [sflag:s28], $0x100  }
0x61: {  	[sflag:s28] =	ssyncset.done $0x0  }
0x62: {  	[sflag:s28] =	ssyncadd.s32 $0xFFFFFF00  }
0x63: {  	[spmem:s2] =	stream.indirect.scatter.add.f32 [tilespmem:s21], [sflag:$0x3], $0x8, s29, s26, $0xb8;
	[tilespmem:$0x1E00] =	vst v63  }
0x64: {  	_ =	swait.ge [sflag:s22], $0x400  }
0x65: {  	[sflag:s22] =	ssyncset.done $0x0  }
0x66: {  	[sflag:s22] =	ssyncadd.s32 $0xFFFFFC00  }
0x67: {  	[bflag:$0x0] =	sbarrier.arrive $0xFFFF  }
0x68: {  	[tilespmem:s23], [sflag:$0x3] =	stream.linear.gather [spmem:s6], $0x400, $0x38;
	[tilespmem:$0x1E00] =	vst v63  }
0x69: {  	_ =	swait.ge [sflag:s22], $0x400  }
0x6a: {  	[sflag:s22] =	ssyncset.done $0x0  }
0x6b: {  	[sflag:s22] =	ssyncadd.s32 $0xFFFFFC00  }
0x6c: {  	[hbm4b:s13+s3] =	stream.linear.scatter [tilespmem:s23], [sflag:$0x3], $0x400, $0x38;
	[tilespmem:$0x1E00] =	vst v63  }
0x6d: {  	_ =	swait.ge [sflag:s22], $0x400  }
0x6e: {  	[sflag:s22] =	ssyncset.done $0x0  }
0x6f: {  	[sflag:s22] =	ssyncadd.s32 $0xFFFFFC00  }
0x70: {  	[tilespmem:s23], [sflag:$0x3] =	stream.linear.gather [spmem:s7], $0x400, $0x38;
	[tilespmem:$0x1E00] =	vst v63  }
0x71: {  	_ =	swait.ge [sflag:s22], $0x400  }
0x72: {  	[sflag:s22] =	ssyncset.done $0x0  }
0x73: {  	[sflag:s22] =	ssyncadd.s32 $0xFFFFFC00  }
0x74: {  	[hbm4b:s14+s3] =	stream.linear.scatter [tilespmem:s23], [sflag:$0x3], $0x400, $0x38;
	[tilespmem:$0x1E00] =	vst v63  }
0x75: {  	_ =	swait.ge [sflag:s22], $0x400  }
0x76: {  	[sflag:s22] =	ssyncset.done $0x0  }
0x77: {  	[sflag:s22] =	ssyncadd.s32 $0xFFFFFC00  }
0x78: {  	[tilespmem:s23], [sflag:$0x3] =	stream.linear.gather [spmem:s8], $0x400, $0x38;
	[tilespmem:$0x1E00] =	vst v63  }
0x79: {  	_ =	swait.ge [sflag:s22], $0x400  }
0x7a: {  	[sflag:s22] =	ssyncset.done $0x0  }
0x7b: {  	[sflag:s22] =	ssyncadd.s32 $0xFFFFFC00  }
0x7c: {  	[hbm4b:s15+s3] =	stream.linear.scatter [tilespmem:s23], [sflag:$0x3], $0x400, $0x38;
	[tilespmem:$0x1E00] =	vst v63  }
0x7d: {  	_ =	swait.ge [sflag:s22], $0x400  }
0x7e: {  	[sflag:s22] =	ssyncset.done $0x0  }
0x7f: {  	[sflag:s22] =	ssyncadd.s32 $0xFFFFFC00  }
0x80: {  	[tilespmem:s23], [sflag:$0x3] =	stream.linear.gather [spmem:s9], $0x400, $0x38;
	[tilespmem:$0x1E00] =	vst v63  }
0x81: {  	_ =	swait.ge [sflag:s22], $0x400  }
0x82: {  	[sflag:s22] =	ssyncset.done $0x0  }
0x83: {  	[sflag:s22] =	ssyncadd.s32 $0xFFFFFC00  }
0x84: {  	[hbm4b:s16+s3] =	stream.linear.scatter [tilespmem:s23], [sflag:$0x3], $0x400, $0x38;
	[tilespmem:$0x1E00] =	vst v63  }
0x85: {  	_ =	swait.ge [sflag:s22], $0x400  }
0x86: {  	[sflag:s22] =	ssyncset.done $0x0  }
0x87: {  	[sflag:s22] =	ssyncadd.s32 $0xFFFFFC00  }
0x88: {  	[tilespmem:s23], [sflag:$0x3] =	stream.linear.gather [spmem:s10], $0x400, $0x38;
	[tilespmem:$0x1E00] =	vst v63  }
0x89: {  	s30 =	sadd.s32 $0x1, s30;
	_ =	swait.ge [sflag:s22], $0x400  }
0x8a: {  	p0 =	sne.s32 s30, s18;
	[sflag:s22] =	ssyncset.done $0x0  }
.Ltmp1:
0x8b: {  	[sflag:s22] =	ssyncadd.s32 $0xFFFFFC00;
	(pc) =	sbr.rel @p0 .LBB2_1-.Ltmp1, $4  }
0x8c: {  	[hbm4b:s17+s3] =	stream.linear.scatter [tilespmem:s23], [sflag:$0x3], $0x400, $0x38;
	[tilespmem:$0x1E00] =	vst v63  }
0x8d: {  	_ =	swait.ge [sflag:s22], $0x400  }
0x8e: {  	[sflag:s22] =	ssyncset.done $0x0  }
0x8f: {  	[sflag:s22] =	ssyncadd.s32 $0xFFFFFC00  }
0x90: {  	_ =	sfence.sel $0x180000  }
0x91: {  	[bflag:$0x0] =	sbarrier.arrive $0xFFFF  }
0x92: {  	_ =	strace $0x90000047  }
0x93: {  	s0 =	stileid.u32;
	[bflag:$0x2] =	sbarrier.arrive $0xFFFF  }
0x94: {  	p0 =	sne.s32 s0, $0x0;
	s0 =	rddreg [dreg:$0x3]  }
0x95: {  	s0 =	sadd.s32 @!p0 $0x100000, s0  }
0x96: {  	[sflag:s0] =	ssyncadd.tile.s32 @!p0 $0x1;
	_ =	shalt  }
.Lfunc_end2:
_tile_overlayer_lowered:
.L_overlay_start_2:
0x97: {  	(tag) =	ssettag $0x2  }
0x98: {  	s0 =	rddreg [dreg:$0x0];
	s2 =	stileid.u32  }
0x99: {  	s1 =	rddreg [dreg:$0x1];
	p0 =	sne.s32 s2, $0x0  }
0x9a: {  	s3 =	rddreg [dreg:$0x2];
	[bflag:$0x3] =	sbarrier.arrive $0xFFFF;
	s2 =	simm.s32 @!p0 $0x1C03  }
0x9b: {  	[timem:s3], [sflag:s2] =	dma.local @!p0 [hbm:s0], s1  }
0x9c: {  	s0 =	simm.s32 @!p0 $0x3  }
0x9d: {  	_ =	swait.ge @!p0 [sflag:s0], s1  }
0x9e: {  	s1 =	ssub.s32 @!p0 $0x0, s1;
	[sflag:s0] =	ssyncset.done @!p0 $0x0  }
0x9f: {  	[sflag:s0] =	ssyncadd.s32 @!p0 s1  }
0xa0: {  	[bflag:$0x3] =	sbarrier.arrive $0xFFFF  }
0xa1: {  	_ =	shalt  }

// kernel: kernel.13.cloned.1.call-start
scs
__scs_entry_jumppad:
0x0: {  	(pc) =	sbr.rel $0x88, $3  }
0x1: {  	(tag) =	ssettag $0x0;
	lr =	simm.s32 $0x1  }
0x2: {  	[smem:$0x3F95] =	sst lr;
	_ =	strace $0xD0000000  }
0x3: {  	_ = 	snop  }
0x4: {  	_ = 	snop  }
0x5: {  	_ = 	snop  }
0x6: {  	_ = 	snop  }
0x7: {  	_ = 	snop  }
__scs_overlays_trampoline_lowered:
0x8: {  	[smem:$0x3FA4] =	sst s0  }
0x9: {  	[smem:$0x3FA5] =	sst s1  }
0xa: {  	[smem:$0x3FA6] =	sst s2  }
0xb: {  	[smem:$0x3FA7] =	sst s3  }
0xc: {  	[smem:$0x3FA8] =	sst s4  }
0xd: {  	[smem:$0x3FA9] =	sst s5  }
0xe: {  	[smem:$0x3FAA] =	sst s6  }
0xf: {  	[smem:$0x3FAB] =	sst s7  }
0x10: {  	[smem:$0x3FAC] =	sst s8  }
0x11: {  	[smem:$0x3FAD] =	sst s9;
	s0 =	simm.s32 @!p0 $0x0  }
0x12: {  	s1 =	sld [smem:$0x3F93];
	s0 =	simm.s32 @p0 $0x1  }
0x13: {  	[smem:$0x3FAE] =	sst s0;
	s0 =	simm.s32 @!p1 $0x0  }
0x14: {  	s2 =	sld [smem:$0x3F92];
	s0 =	simm.s32 @p1 $0x1  }
0x15: {  	[smem:$0x3FAF] =	sst s0;
	s0 =	simm.s32 @!p2 $0x0  }
0x16: {  	s3 =	sld [smem:$0x3FDB];
	s0 =	simm.s32 @p2 $0x1  }
0x17: {  	s4 =	simm.s32 $0x1BF5;
	[smem:$0x3FB1] =	sst s0  }
0x18: {  	s0 =	sld [smem:$0x3F94];
	_ =	swait.ge [sflag:s4], $0x0  }
0x19: {  	s7 =	sld [smem:$0x3F95]  }
0x1a: {  	s8 =	sadd.s32 $0xFFFFE003, lr  }
0x1b: {  	s9 =	sadd.s32 $0xFFFFFEF7, lr;
	s5 =	simm.s32 $0xFFFFFFFF;
	p2 =	slt.u32 s8, $0xFFFFF086  }
0x1c: {  	p1 =	slt.u32 s9, $0xF7A;
	s5 =	simm.s32 @!p2 $0x0  }
0x1d: {  	s5 =	simm.s32 @p1 $0x1;
	p0 =	seq.s32 s7, s2  }
0x1e: {  	s7 =	smul.u32 @!p0 $0xF7A, s2;
	p2 =	seq.s32 @!p0 s5, $0x0  }
0x1f: {  	s9 =	smul.u32 $0xF7A, s1;
	s8 =	simm.s32 @!p0 $0x1BF5;
	p2 =	por !p2, p0  }
0x20: {  	[sflag:s8] =	ssyncset.s32 @!p0 $0xFFFFF086;
	s6 =	sadd.s32 @!p0 s3, s7;
	s7 =	simm.s32 @!p0 $0x108  }
0x21: {  	s3 =	sadd.s32 s3, s9;
	s6 =	sadd.s32 @!p0 $0x88, s6;
	s7 =	simm.s32 @p2 $0x1082  }
0x22: {  	[simem:s7], [sflag:s8] =	dma.local @!p0 [hbm:s6], $0xF7A  }
0x23: {  	s9 =	sor.u32 $0xD0000000, s2;
	s6 =	simm.s32 $0x108;
	_ =	swait.ge @!p0 [sflag:s8], $0x0  }
0x24: {  	s3 =	sadd.s32 $0x88, s3;
	s6 =	simm.s32 @!p1 $0x1082;
	[sflag:s4] =	ssyncset.s32 $0xFFFFF086  }
0x25: {  	[simem:s6], [sflag:s4] =	dma.local [hbm:s3], $0xF7A  }
0x26: {  	[smem:$0x3F95] =	sst s1;
	(tag) =	ssettag s2;
	_ =	strace s9  }
0x27: {  	s1 =	sld [smem:$0x3FA5]  }
0x28: {  	s2 =	sld [smem:$0x3FA6]  }
0x29: {  	s4 =	sld [smem:$0x3FA8]  }
0x2a: {  	p0 =	seq.s32 s5, $0x0;
	s5 =	sld [smem:$0x3FA9]  }
0x2b: {  	s6 =	sld [smem:$0x3FAA]  }
0x2c: {  	s7 =	sld [smem:$0x3FAB]  }
0x2d: {  	s3 =	simm.s32 $0x108;
	s8 =	sld [smem:$0x3FAC]  }
0x2e: {  	s3 =	simm.s32 @!p0 $0x1082;
	s9 =	sld [smem:$0x3FAD]  }
0x2f: {  	lr =	sadd.s32 s0, s3;
	s0 =	sld [smem:$0x3FA4]  }
0x30: {  	s3 =	sld [smem:$0x3FA7]  }
0x31: {  	[smem:$0x3FB0] =	sst s10  }
0x32: {  	s10 =	sld [smem:$0x3FAE];
	_ =	sdelay $0x3  }
0x33: {  	p0 =	seq.s32 s10, $0x1;
	s10 =	sld [smem:$0x3FB0];
	_ =	sdelay $0x3  }
0x34: {  	[smem:$0x3FB0] =	sst s10  }
0x35: {  	s10 =	sld [smem:$0x3FAF];
	_ =	sdelay $0x3  }
0x36: {  	p1 =	seq.s32 s10, $0x1;
	s10 =	sld [smem:$0x3FB0];
	_ =	sdelay $0x3  }
0x37: {  	[smem:$0x3FB0] =	sst s10  }
0x38: {  	s10 =	sld [smem:$0x3FB1]  }
0x39: {  	_ = 	snop;
	(pc) =	sbr.ind lr, $3  }
0x3a: {  	_ = 	snop  }
0x3b: {  	_ = 	snop  }
0x3c: {  	p2 =	seq.s32 s10, $0x1;
	s10 =	sld [smem:$0x3FB0]  }
0x3d: {  	_ =	shalt  }
0x3e: {  	_ =	shalt  }
0x3f: {  	_ =	shalt  }
0x40: {  	_ =	shalt  }
0x41: {  	_ =	shalt  }
0x42: {  	_ =	shalt  }
0x43: {  	_ =	shalt  }
0x44: {  	_ =	shalt  }
0x45: {  	_ =	shalt  }
0x46: {  	_ =	shalt  }
0x47: {  	_ =	shalt  }
0x48: {  	_ =	shalt  }
0x49: {  	_ =	shalt  }
0x4a: {  	_ =	shalt  }
0x4b: {  	_ =	shalt  }
0x4c: {  	_ =	shalt  }
0x4d: {  	_ =	shalt  }
0x4e: {  	_ =	shalt  }
0x4f: {  	_ =	shalt  }
0x50: {  	_ =	shalt  }
0x51: {  	_ =	shalt  }
0x52: {  	_ =	shalt  }
0x53: {  	_ =	shalt  }
0x54: {  	_ =	shalt  }
0x55: {  	_ =	shalt  }
0x56: {  	_ =	shalt  }
0x57: {  	_ =	shalt  }
0x58: {  	_ =	shalt  }
0x59: {  	_ =	shalt  }
0x5a: {  	_ =	shalt  }
0x5b: {  	_ =	shalt  }
0x5c: {  	_ =	shalt  }
0x5d: {  	_ =	shalt  }
0x5e: {  	_ =	shalt  }
0x5f: {  	_ =	shalt  }
0x60: {  	_ =	shalt  }
0x61: {  	_ =	shalt  }
0x62: {  	_ =	shalt  }
0x63: {  	_ =	shalt  }
0x64: {  	_ =	shalt  }
0x65: {  	_ =	shalt  }
0x66: {  	_ =	shalt  }
0x67: {  	_ =	shalt  }
0x68: {  	_ =	shalt  }
0x69: {  	_ =	shalt  }
0x6a: {  	_ =	shalt  }
0x6b: {  	_ =	shalt  }
0x6c: {  	_ =	shalt  }
0x6d: {  	_ =	shalt  }
0x6e: {  	_ =	shalt  }
0x6f: {  	_ =	shalt  }
0x70: {  	_ =	shalt  }
0x71: {  	_ =	shalt  }
0x72: {  	_ =	shalt  }
0x73: {  	_ =	shalt  }
0x74: {  	_ =	shalt  }
0x75: {  	_ =	shalt  }
0x76: {  	_ =	shalt  }
0x77: {  	_ =	shalt  }
0x78: {  	_ =	shalt  }
0x79: {  	_ =	shalt  }
0x7a: {  	_ =	shalt  }
0x7b: {  	_ =	shalt  }
0x7c: {  	_ =	shalt  }
0x7d: {  	_ =	shalt  }
0x7e: {  	_ =	shalt  }
0x7f: {  	_ =	shalt  }
0x80: {  	_ =	shalt  }
0x81: {  	_ =	shalt  }
0x82: {  	_ =	shalt  }
0x83: {  	_ =	shalt  }
0x84: {  	_ =	shalt  }
0x85: {  	_ =	shalt  }
0x86: {  	_ =	shalt  }
0x87: {  	_ =	shalt  }
.Lfunc_end0:
.L_simem_size_0:
called_computation.1_lowered:
.L_overlay_start_0:
0x88: {  	s2 =	sld [smem:$0x3FD9]  }
0x89: {  	s3 =	sld [smem:$0x3FFE];
	_ =	sdelay $0x1  }
0x8a: {  	s1 =	srdreg.scid  }
0x8b: {  	s0 =	sand.u32 $0x1, s1  }
0x8c: {  	s17 =	sshll.u32 s0, $0xA;
	s2 =	sadd.s32 s3, s2  }
0x8d: {  	s2 =	sadd.s32 s2, s17  }
0x8e: {  	[smem:$0x3FBC] =	sst s2  }
0x8f: {  	_ = 	snop  }
0x90: {  	s2 =	sld [smem:$0x3FD0];
	(tm) =	ssettm $0x1  }
0x91: {  	s18 =	sld [smem:$0x3FFB];
	_ =	sdelay $0x3  }
0x92: {  	_ =	strace s18  }
0x93: {  	s3 =	sld [smem:$0x3FFC];
	_ =	sdelay $0x3  }
0x94: {  	_ =	strace s3  }
0x95: {  	s3 =	sld [smem:$0x3FFD];
	_ =	sdelay $0x3  }
0x96: {  	_ =	strace s3  }
0x97: {  	_ =	strace $0x8FFFFFFF  }
0x98: {  	s19 =	sld [smem:$0x3FDB];
	_ =	sdelay $0x1  }
0x99: {  	s4 =	simm.s32 $_scs_section_size  }
0x9a: {  	s5 =	simm.s32 $_size__tile_overlayer_lowered;
	s6 =	simm.s32 $_tile_overlayer_lowered  }
0x9b: {  	s22 =	simm.s32 $0x1BFF;
	s21 =	sshll.u32 s6, $0x1;
	s3 =	sadd.s32 s4, s19  }
0x9c: {  	s7 =	simm.s32 $0x0;
	s20 =	sshll.u32 s5, $0x1;
	s5 =	sadd.s32 s21, s3  }
0x9d: {  	[timem:s7], [sflag:s22] =	dma.local [hbm:s5], s20  }
0x9e: {  	_ =	swait.ge [sflag:s22], s20  }
0x9f: {  	s4 =	ssub.s32 $0x0, s20;
	[sflag:s22] =	ssyncset.done $0x0  }
0xa0: {  	[sflag:s22] =	ssyncadd.s32 s4;
	_ =	sdelay $0x1  }
0xa1: {  	s23 =	simm.s32 $0x1B8B  }
0xa2: {  	_ =	swait.ge [sflag:s23], $0x1  }
0xa3: {  	[sflag:s23] =	ssyncset.done $0x0  }
0xa4: {  	s25 =	simm.s32 $0x1B8E;
	s24 =	sld [smem:$0x3FFE];
	[sflag:s23] =	ssyncadd.s32 $0xFFFFFFFF  }
0xa5: {  	s26 =	simm.s32 $execute0_lowered;
	[smem:$0x3FD2] =	sst s25  }
0xa6: {  	s5 =	sshll.u32 s26, $0x1;
	_ =	strace $0x80000049;
	[dreg:$0x1] =	wrdreg $0xFFFFFFFF  }
0xa7: {  	s28 =	simm.s32 $_size_execute0_lowered;
	s3 =	sadd.s32 s3, s5;
	[dreg:$0x0] =	wrdreg $0x0  }
0xa8: {  	s5 =	sshll.u32 s28, $0x1;
	[dreg:$0x2] =	wrdreg s3  }
0xa9: {  	[dreg:$0x3] =	wrdreg s5  }
0xaa: {  	[dreg:$0x4] =	wrdreg $0xC0  }
0xab: {  	_ =	task [dreg:s7], $0x5FFFF  }
0xac: {  	[dreg:$0x1] =	wrdreg $0xFFFFFFFF  }
0xad: {  	[dreg:$0x0] =	wrdreg $0x60  }
0xae: {  	[dreg:$0x2] =	wrdreg s24  }
0xaf: {  	[dreg:$0x3] =	wrdreg s2  }
0xb0: {  	[dreg:$0x4] =	wrdreg $0x82000  }
0xb1: {  	[dreg:$0x5] =	wrdreg $0x9  }
0xb2: {  	_ =	task.clear_ibuf [dreg:s7], $0x6FFFF;
	_ =	strace $0x90000049  }
0xb3: {  	s29 =	simm.s32 $0x9;
	_ =	strace $0x8000004B  }
0xb4: {  	_ =	swait.ge [sflag:s29], $0x1  }
0xb5: {  	[sflag:s29] =	ssyncadd.s32 $0xFFFFFFFF  }
0xb6: {  	_ =	strace $0x9000004B  }
0xb7: {  	_ =	sfence  }
0xb8: {  	s30 =	sld [smem:$0x0];
	_ =	sdelay $0x2  }
0xb9: {  	s31 =	sshll.u32 s1, $0xD;
	s1 =	sshrl.u32 s1, $0x2  }
0xba: {  	s3 =	sand.u32 $0x4000, s31;
	s1 =	sadd.s32 s1, s30  }
0xbb: {  	s0 =	sor.u32 s3, s0;
	s1 =	sshll.u32 s1, $0x11  }
0xbc: {  	s0 =	sor.u32 s1, s0  }
0xbd: {  	s0 =	sadd.s32 $0x8F2B, s0  }
0xbe: {  	[sflag:s0] =	ssyncadd.remote.s32 $0x1  }
0xbf: {  	_ =	sfence.sel $0xFFFF  }
0xc0: {  	[dreg:$0x0] =	wrdreg $0xFFFFFFFF;
	(pc) =	sbr.abs _section_cstart, $3  }
0xc1: {  	[dreg:$0x1] =	wrdreg $0xFFFFFFFF  }
0xc2: {  	_ =	task.clear_ibuf [dreg:s7], $0x2FFFF;
	_ =	strace $0x9FFFFFFF  }
0xc3: {  	(tm) =	ssettm $0x7FFFFFFF  }
tec
execute0_lowered:
.L_overlay_start_1:
0x0: {  	(tag) =	ssettag $0x1  }
0x1: {  	s0 =	rddreg [dreg:$0x0]  }
0x2: {  	s2 =	rddreg [dreg:$0x2];
	s4 =	simm.s32 $0x0;
	s13 =	stileid.u32  }
0x3: {  	s1 =	srdreg.scid;
	s28 =	simm.s32 $0x4200;
	s3 =	smul.u32 $0x14000, s13  }
0x4: {  	s29 =	simm.s32 $0x1;
	s30 =	simm.s32 $0x2;
	s11 =	smul.u32 $0x540, s13  }
0x5: {  	s31 =	simm.s32 $0x180;
	[smem:$0x7FF] =	sst s4;
	s14 =	smul.u32 $0x2A00, s13  }
0x6: {  	s1 =	sand.u32 $0x1, s1;
	s5 =	sadd.s32 $0x2AC00, s0;
	s26 =	smul.u32 $0x2240, s13  }
0x7: {  	s6 =	sadd.s32 $0x3400, s0;
	s0 =	sadd.s32 $0x51E00, s0;
	s17 =	smul.u32 $0x11200, s13  }
0x8: {  	_ =	strace $0x8000004A;
	s7 =	ssub.s32 $0x2, s1;
	s23 =	smul.u32 $0x140000, s1  }
0x9: {  	p0 =	sne.s32 s1, $0x0;
	s8 =	sshrl.u32 s7, $0x1;
	s16 =	sadd.s32 $0x4000, s3  }
0xa: {  	s19 =	sadd.s32 $0x8000, s3;
	s20 =	sadd.s32 $0xC000, s3;
	s21 =	sadd.s32 $0x10000, s3  }
0xb: {  	s11 =	sadd.s32 s11, s6;
	s14 =	sadd.s32 $0x114900, s14;
	s13 =	sadd.s32 $0x11100, s17  }
0xc: {  	s22 =	ssub.s32 s7, s8;
	s7 =	sadd.s32 s3, s2;
	s8 =	sadd.s32 s16, s2  }
0xd: {  	s9 =	sadd.s32 s19, s2;
	s10 =	sadd.s32 s20, s2;
	s12 =	sadd.s32 s21, s2  }
0xe: {  	s15 =	sadd.s32 $0x22400, s11;
	[dreg:$0x5] =	wrdreg s14;
	s3 =	sadd.s32 s3, s23  }
0xf: {  	s18 =	sadd.s32 s23, s16;
	[dreg:$0x6] =	wrdreg s13;
	s24 =	sadd.s32 s23, s19  }
0x10: {  	s25 =	sadd.s32 s23, s20;
	s21 =	sadd.s32 s23, s21;
	s23 =	simm.s32 $0x200  }
0x11: {  	[dreg:$0x4] =	wrdreg s15;
	s15 =	sadd.s32 s6, s26;
	s3 =	sshrl.u32 s3, $0x3  }
.Ltmp0:
0x12: {  	s18 =	sshrl.u32 s18, $0x3;
	s20 =	sshrl.u32 s25, $0x3;
	(pc) =	sbr.rel .LBB2_1-.Ltmp0, $4  }
0x13: {  	s26 =	sshrl.u32 s21, $0x3;
	s22 =	smax.u32 s22, $0x1;
	s25 =	simm.s32 $0x80  }
0x14: {  	s17 =	sadd.s32 s0, s3;
	s18 =	sadd.s32 s0, s18;
	s3 =	sshrl.u32 s24, $0x3  }
0x15: {  	s20 =	sadd.s32 s0, s20;
	s21 =	sadd.s32 s0, s26;
	s24 =	simm.s32 $0x3  }
0x16: {  	s26 =	simm.s32 $0x100;
	s19 =	sadd.s32 s0, s3;
	s0 =	simm.s32 $0x0  }
.LBB2_7:
0x17: {  	s1 =	sadd.s32 $0x22920, s3;
	[sflag:s24] =	ssyncadd.s32 $0xFFFFC000  }
0x18: {  	[tilespmem:s26], [sflag:$0x3] =	stream.linear.gather [hbm4b:s1+s4], $0x100, $0x38;
	[tilespmem:$0x1C200] =	vst v63  }
0x19: {  	_ =	swait.ge [sflag:s24], $0x100  }
0x1a: {  	[sflag:s24] =	ssyncset.done $0x0  }
0x1b: {  	[sflag:s24] =	ssyncadd.s32 $0xFFFFFF00  }
0x1c: {  	[tilespmem:s28], [sflag:$0x2] =	stream.indirect.gather [hbm4b:s5+s25], $0x80, s26, s25, $0xb8;
	[tilespmem:$0x1C200] =	vst v63  }
0x1d: {  	_ =	swait.ge [sflag:s29], $0x4000  }
0x1e: {  	[sflag:s29] =	ssyncset.done $0x0  }
0x1f: {  	[sflag:s29] =	ssyncadd.s32 $0xFFFFC000  }
0x20: {  	[spmem:s2] =	stream.indirect.scatter.add.f32 [tilespmem:s23], [sflag:$0x3], $0x80, s25, s25, $0xb8;
	[tilespmem:$0x1C200] =	vst v63  }
0x21: {  	_ =	swait.ge [sflag:s24], $0x4000  }
0x22: {  	[sflag:s24] =	ssyncset.done $0x0  }
0x23: {  	s16 =	sadd.s32 $0x22940, s3;
	[sflag:s24] =	ssyncadd.s32 $0xFFFFC000  }
0x24: {  	[tilespmem:s4], [sflag:$0x3] =	stream.linear.gather [hbm4b:s16+s4], $0x100, $0x38;
	[tilespmem:$0x1C200] =	vst v63  }
0x25: {  	_ =	swait.ge [sflag:s24], $0x100  }
0x26: {  	[sflag:s24] =	ssyncset.done $0x0  }
0x27: {  	[sflag:s24] =	ssyncadd.s32 $0xFFFFFF00  }
0x28: {  	[tilespmem:s23], [sflag:$0x1] =	stream.indirect.gather [hbm4b:s5+s25], $0x80, s4, s25, $0xb8;
	[tilespmem:$0x1C200] =	vst v63  }
0x29: {  	_ =	swait.ge [sflag:s30], $0x4000  }
0x2a: {  	[sflag:s30] =	ssyncset.done $0x0  }
0x2b: {  	[sflag:s30] =	ssyncadd.s32 $0xFFFFC000  }
0x2c: {  	[spmem:s2] =	stream.indirect.scatter.add.f32 [tilespmem:s28], [sflag:$0x3], $0x80, s31, s25, $0xb8;
	[tilespmem:$0x1C200] =	vst v63  }
0x2d: {  	_ =	swait.ge [sflag:s24], $0x4000  }
0x2e: {  	[sflag:s24] =	ssyncset.done $0x0  }
0x2f: {  	s1 =	rddreg [dreg:$0x5];
	[sflag:s24] =	ssyncadd.s32 $0xFFFFC000  }
.LBB2_8:
0x30: {  	s1 =	sshrl.u32 s1, $0x3  }
0x31: {  	s1 =	sadd.s32 s6, s1  }
0x32: {  	[tilespmem:s26], [sflag:$0x3] =	stream.linear.gather [hbm4b:s1+s4], $0x100, $0x38;
	[tilespmem:$0x1C200] =	vst v63  }
0x33: {  	_ =	swait.ge [sflag:s24], $0x100  }
0x34: {  	[sflag:s24] =	ssyncset.done $0x0  }
0x35: {  	[sflag:s24] =	ssyncadd.s32 $0xFFFFFF00  }
0x36: {  	[tilespmem:s28], [sflag:$0x2] =	stream.indirect.gather [hbm4b:s5+s25], $0x80, s26, s25, $0xb8;
	[tilespmem:$0x1C200] =	vst v63  }
0x37: {  	_ =	swait.ge [sflag:s29], $0x4000  }
0x38: {  	[sflag:s29] =	ssyncset.done $0x0  }
0x39: {  	[sflag:s29] =	ssyncadd.s32 $0xFFFFC000  }
0x3a: {  	[spmem:s2] =	stream.indirect.scatter.add.f32 [tilespmem:s23], [sflag:$0x3], $0x80, s25, s25, $0xb8;
	[tilespmem:$0x1C200] =	vst v63  }
0x3b: {  	_ =	swait.ge [sflag:s24], $0x4000  }
0x3c: {  	[sflag:s24] =	ssyncset.done $0x0  }
0x3d: {  	[sflag:s24] =	ssyncadd.s32 $0xFFFFC000  }
0x3e: {  	_ =	swait.ge [sflag:s30], $0x4000  }
0x3f: {  	[sflag:s30] =	ssyncset.done $0x0  }
0x40: {  	[sflag:s30] =	ssyncadd.s32 $0xFFFFC000  }
0x41: {  	[spmem:s2] =	stream.indirect.scatter.add.f32 [tilespmem:s28], [sflag:$0x3], $0x80, s31, s25, $0xb8;
	[tilespmem:$0x1C200] =	vst v63  }
0x42: {  	_ =	swait.ge [sflag:s24], $0x4000  }
0x43: {  	[sflag:s24] =	ssyncset.done $0x0  }
0x44: {  	[sflag:s24] =	ssyncadd.s32 $0xFFFFC000  }
0x45: {  	[bflag:$0x0] =	sbarrier.arrive $0xFFFF  }
0x46: {  	[tilespmem:s23], [sflag:$0x3] =	stream.linear.gather [spmem:s7], $0x4000, $0x38;
	[tilespmem:$0x1C200] =	vst v63  }
0x47: {  	_ =	swait.ge [sflag:s24], $0x4000  }
0x48: {  	[sflag:s24] =	ssyncset.done $0x0  }
0x49: {  	[sflag:s24] =	ssyncadd.s32 $0xFFFFC000  }
0x4a: {  	[hbm4b:s17+s4] =	stream.linear.scatter [tilespmem:s23], [sflag:$0x3], $0x4000, $0x38;
	[tilespmem:$0x1C200] =	vst v63  }
0x4b: {  	_ =	swait.ge [sflag:s24], $0x4000  }
0x4c: {  	[sflag:s24] =	ssyncset.done $0x0  }
0x4d: {  	[sflag:s24] =	ssyncadd.s32 $0xFFFFC000  }
0x4e: {  	[tilespmem:s23], [sflag:$0x3] =	stream.linear.gather [spmem:s8], $0x4000, $0x38;
	[tilespmem:$0x1C200] =	vst v63  }
0x4f: {  	_ =	swait.ge [sflag:s24], $0x4000  }
0x50: {  	[sflag:s24] =	ssyncset.done $0x0  }
0x51: {  	[sflag:s24] =	ssyncadd.s32 $0xFFFFC000  }
0x52: {  	[hbm4b:s18+s4] =	stream.linear.scatter [tilespmem:s23], [sflag:$0x3], $0x4000, $0x38;
	[tilespmem:$0x1C200] =	vst v63  }
0x53: {  	_ =	swait.ge [sflag:s24], $0x4000  }
0x54: {  	[sflag:s24] =	ssyncset.done $0x0  }
0x55: {  	[sflag:s24] =	ssyncadd.s32 $0xFFFFC000  }
0x56: {  	[tilespmem:s23], [sflag:$0x3] =	stream.linear.gather [spmem:s9], $0x4000, $0x38;
	[tilespmem:$0x1C200] =	vst v63  }
0x57: {  	_ =	swait.ge [sflag:s24], $0x4000  }
0x58: {  	[sflag:s24] =	ssyncset.done $0x0  }
0x59: {  	[sflag:s24] =	ssyncadd.s32 $0xFFFFC000  }
0x5a: {  	[hbm4b:s19+s4] =	stream.linear.scatter [tilespmem:s23], [sflag:$0x3], $0x4000, $0x38;
	[tilespmem:$0x1C200] =	vst v63  }
0x5b: {  	_ =	swait.ge [sflag:s24], $0x4000  }
0x5c: {  	[sflag:s24] =	ssyncset.done $0x0  }
0x5d: {  	[sflag:s24] =	ssyncadd.s32 $0xFFFFC000  }
0x5e: {  	[tilespmem:s23], [sflag:$0x3] =	stream.linear.gather [spmem:s10], $0x4000, $0x38;
	[tilespmem:$0x1C200] =	vst v63  }
0x5f: {  	_ =	swait.ge [sflag:s24], $0x4000  }
0x60: {  	[sflag:s24] =	ssyncset.done $0x0  }
0x61: {  	[sflag:s24] =	ssyncadd.s32 $0xFFFFC000  }
0x62: {  	[hbm4b:s20+s4] =	stream.linear.scatter [tilespmem:s23], [sflag:$0x3], $0x4000, $0x38;
	[tilespmem:$0x1C200] =	vst v63  }
0x63: {  	_ =	swait.ge [sflag:s24], $0x4000  }
0x64: {  	[sflag:s24] =	ssyncset.done $0x0  }
0x65: {  	[sflag:s24] =	ssyncadd.s32 $0xFFFFC000  }
0x66: {  	[tilespmem:s23], [sflag:$0x3] =	stream.linear.gather [spmem:s12], $0x4000, $0x38;
	[tilespmem:$0x1C200] =	vst v63  }
0x67: {  	s0 =	sadd.s32 $0x1, s0;
	_ =	swait.ge [sflag:s24], $0x4000  }
0x68: {  	p1 =	sne.s32 s0, s22;
	[sflag:s24] =	ssyncset.done $0x0  }
.Ltmp1:
0x69: {  	[sflag:s24] =	ssyncadd.s32 $0xFFFFC000;
	(pc) =	sbr.rel @!p1 .LBB2_9-.Ltmp1, $4  }
0x6a: {  	[hbm4b:s21+s4] =	stream.linear.scatter [tilespmem:s23], [sflag:$0x3], $0x4000, $0x38;
	[tilespmem:$0x1C200] =	vst v63  }
0x6b: {  	_ =	swait.ge [sflag:s24], $0x4000  }
0x6c: {  	[sflag:s24] =	ssyncset.done $0x0  }
0x6d: {  	[sflag:s24] =	ssyncadd.s32 $0xFFFFC000  }
.LBB2_1:
0x6e: {  	s1 =	rddreg [dreg:$0x1]  }
0x6f: {  	[tilespmem:s23], [sflag:$0x3] =	stream.linear.gather [hbm4b:s1+s4], $0x4000, $0x38;
	[tilespmem:$0x1C200] =	vst v63  }
0x70: {  	_ =	swait.ge [sflag:s24], $0x4000  }
0x71: {  	[sflag:s24] =	ssyncset.done $0x0  }
0x72: {  	[sflag:s24] =	ssyncadd.s32 $0xFFFFC000  }
0x73: {  	[spmem:s7] =	stream.linear.scatter [tilespmem:s23], [sflag:$0x3], $0x4000, $0x38;
	[tilespmem:$0x1C200] =	vst v63  }
0x74: {  	_ =	swait.ge [sflag:s24], $0x4000  }
0x75: {  	[sflag:s24] =	ssyncset.done $0x0  }
0x76: {  	[sflag:s24] =	ssyncadd.s32 $0xFFFFC000  }
0x77: {  	[spmem:s8] =	stream.linear.scatter [tilespmem:s23], [sflag:$0x3], $0x4000, $0x38;
	[tilespmem:$0x1C200] =	vst v63  }
0x78: {  	_ =	swait.ge [sflag:s24], $0x4000  }
0x79: {  	[sflag:s24] =	ssyncset.done $0x0  }
0x7a: {  	[sflag:s24] =	ssyncadd.s32 $0xFFFFC000  }
0x7b: {  	[spmem:s9] =	stream.linear.scatter [tilespmem:s23], [sflag:$0x3], $0x4000, $0x38;
	[tilespmem:$0x1C200] =	vst v63  }
0x7c: {  	_ =	swait.ge [sflag:s24], $0x4000  }
0x7d: {  	[sflag:s24] =	ssyncset.done $0x0  }
0x7e: {  	[sflag:s24] =	ssyncadd.s32 $0xFFFFC000  }
0x7f: {  	[spmem:s10] =	stream.linear.scatter [tilespmem:s23], [sflag:$0x3], $0x4000, $0x38;
	[tilespmem:$0x1C200] =	vst v63  }
0x80: {  	_ =	swait.ge [sflag:s24], $0x4000  }
0x81: {  	[sflag:s24] =	ssyncset.done $0x0  }
0x82: {  	[sflag:s24] =	ssyncadd.s32 $0xFFFFC000  }
0x83: {  	[spmem:s12] =	stream.linear.scatter [tilespmem:s23], [sflag:$0x3], $0x4000, $0x38;
	[tilespmem:$0x1C200] =	vst v63  }
.Ltmp2:
0x84: {  	_ =	swait.ge [sflag:s24], $0x4000;
	(pc) =	sbr.rel @p0 .LBB2_5-.Ltmp2, $3  }
0x85: {  	[sflag:s24] =	ssyncset.done $0x0  }
0x86: {  	[sflag:s24] =	ssyncadd.s32 $0xFFFFC000  }
0x87: {  	[bflag:$0x0] =	sbarrier.arrive $0xFFFF;
	_ =	sdelay $0x1  }
0x88: {  	[tilespmem:s4], [sflag:$0x3] =	stream.linear.gather [hbm4b:s15+s4], $0x100, $0x38;
	[tilespmem:$0x1C200] =	vst v63  }
0x89: {  	_ =	swait.ge [sflag:s24], $0x100  }
0x8a: {  	[sflag:s24] =	ssyncset.done $0x0  }
0x8b: {  	s1 =	sadd.s32 $0xFFFFDE00, s15;
	[sflag:s24] =	ssyncadd.s32 $0xFFFFFF00  }
0x8c: {  	[tilespmem:s23], [sflag:$0x1] =	stream.indirect.gather [hbm4b:s5+s25], $0x80, s4, s25, $0xb8;
	[tilespmem:$0x1C200] =	vst v63  }
0x8d: {  	s3 =	sadd.s32 $0x2220, s1  }
0x8e: {  	[tilespmem:s26], [sflag:$0x3] =	stream.linear.gather [hbm4b:s3+s4], $0x100, $0x38;
	[tilespmem:$0x1C200] =	vst v63  }
0x8f: {  	_ =	swait.ge [sflag:s24], $0x100  }
0x90: {  	[sflag:s24] =	ssyncset.done $0x0  }
0x91: {  	[sflag:s24] =	ssyncadd.s32 $0xFFFFFF00  }
0x92: {  	[tilespmem:s28], [sflag:$0x2] =	stream.indirect.gather [hbm4b:s5+s25], $0x80, s26, s25, $0xb8;
	[tilespmem:$0x1C200] =	vst v63  }
0x93: {  	_ =	swait.ge [sflag:s29], $0x4000  }
0x94: {  	[sflag:s29] =	ssyncset.done $0x0  }
0x95: {  	[sflag:s29] =	ssyncadd.s32 $0xFFFFC000  }
0x96: {  	[spmem:s2] =	stream.indirect.scatter.add.f32 [tilespmem:s23], [sflag:$0x3], $0x80, s25, s25, $0xb8;
	[tilespmem:$0x1C200] =	vst v63  }
0x97: {  	_ =	swait.ge [sflag:s24], $0x4000  }
0x98: {  	[sflag:s24] =	ssyncset.done $0x0  }
0x99: {  	s1 =	sadd.s32 $0x2240, s1;
	[sflag:s24] =	ssyncadd.s32 $0xFFFFC000  }
0x9a: {  	[tilespmem:s4], [sflag:$0x3] =	stream.linear.gather [hbm4b:s1+s4], $0x100, $0x38;
	[tilespmem:$0x1C200] =	vst v63  }
0x9b: {  	_ =	swait.ge [sflag:s24], $0x100  }
0x9c: {  	[sflag:s24] =	ssyncset.done $0x0  }
0x9d: {  	[sflag:s24] =	ssyncadd.s32 $0xFFFFFF00  }
0x9e: {  	[tilespmem:s23], [sflag:$0x1] =	stream.indirect.gather [hbm4b:s5+s25], $0x80, s4, s25, $0xb8;
	[tilespmem:$0x1C200] =	vst v63  }
0x9f: {  	_ =	swait.ge [sflag:s30], $0x4000  }
0xa0: {  	[sflag:s30] =	ssyncset.done $0x0  }
0xa1: {  	[sflag:s30] =	ssyncadd.s32 $0xFFFFC000  }
0xa2: {  	[spmem:s2] =	stream.indirect.scatter.add.f32 [tilespmem:s28], [sflag:$0x3], $0x80, s31, s25, $0xb8;
	[tilespmem:$0x1C200] =	vst v63  }
0xa3: {  	_ =	swait.ge [sflag:s24], $0x4000  }
0xa4: {  	s3 =	sadd.s32 $0xFFFFDE40, s15;
	s1 =	simm.s32 $0xFFFFDE80;
	[sflag:s24] =	ssyncset.done $0x0  }
.LBB2_3:
0xa5: {  	s13 =	sadd.s32 $0x2220, s3  }
0xa6: {  	[sflag:s24] =	ssyncadd.s32 $0xFFFFC000;
	s14 =	smov.u32 s1;
	s16 =	sadd.s32 $0x40, s1  }
0xa7: {  	[tilespmem:s26], [sflag:$0x3] =	stream.linear.gather [hbm4b:s13+s4], $0x100, $0x38;
	[tilespmem:$0x1C200] =	vst v63  }
0xa8: {  	p1 =	seq.s32 s1, $0xFFFFFFC0;
	_ =	swait.ge [sflag:s24], $0x100  }
0xa9: {  	[sflag:s24] =	ssyncset.done $0x0  }
0xaa: {  	[sflag:s24] =	ssyncadd.s32 $0xFFFFFF00  }
0xab: {  	[tilespmem:s28], [sflag:$0x2] =	stream.indirect.gather [hbm4b:s5+s25], $0x80, s26, s25, $0xb8;
	[tilespmem:$0x1C200] =	vst v63  }
0xac: {  	_ =	swait.ge [sflag:s29], $0x4000  }
0xad: {  	[sflag:s29] =	ssyncset.done $0x0  }
0xae: {  	[sflag:s29] =	ssyncadd.s32 $0xFFFFC000  }
0xaf: {  	[spmem:s2] =	stream.indirect.scatter.add.f32 [tilespmem:s23], [sflag:$0x3], $0x80, s25, s25, $0xb8;
	[tilespmem:$0x1C200] =	vst v63  }
0xb0: {  	_ =	swait.ge [sflag:s24], $0x4000  }
0xb1: {  	[sflag:s24] =	ssyncset.done $0x0  }
0xb2: {  	s1 =	sadd.s32 $0x2240, s3;
	[sflag:s24] =	ssyncadd.s32 $0xFFFFC000  }
0xb3: {  	[tilespmem:s4], [sflag:$0x3] =	stream.linear.gather [hbm4b:s1+s4], $0x100, $0x38;
	[tilespmem:$0x1C200] =	vst v63  }
0xb4: {  	_ =	swait.ge [sflag:s24], $0x100  }
0xb5: {  	[sflag:s24] =	ssyncset.done $0x0  }
0xb6: {  	[sflag:s24] =	ssyncadd.s32 $0xFFFFFF00  }
0xb7: {  	[tilespmem:s23], [sflag:$0x1] =	stream.indirect.gather [hbm4b:s5+s25], $0x80, s4, s25, $0xb8;
	[tilespmem:$0x1C200] =	vst v63  }
0xb8: {  	_ =	swait.ge [sflag:s30], $0x4000  }
.Ltmp3:
0xb9: {  	[sflag:s30] =	ssyncset.done $0x0;
	(pc) =	sbr.rel @!p1 .LBB2_3-.Ltmp3, $4  }
0xba: {  	[sflag:s30] =	ssyncadd.s32 $0xFFFFC000  }
0xbb: {  	[spmem:s2] =	stream.indirect.scatter.add.f32 [tilespmem:s28], [sflag:$0x3], $0x80, s31, s25, $0xb8;
	[tilespmem:$0x1C200] =	vst v63  }
0xbc: {  	_ =	swait.ge [sflag:s24], $0x4000  }
0xbd: {  	s3 =	sadd.s32 s14, s15;
	s1 =	smov.u32 s16;
	[sflag:s24] =	ssyncset.done $0x0  }
0xbe: {  	s1 =	sadd.s32 $0x2220, s3;
	[sflag:s24] =	ssyncadd.s32 $0xFFFFC000  }
0xbf: {  	[tilespmem:s26], [sflag:$0x3] =	stream.linear.gather [hbm4b:s1+s4], $0x100, $0x38;
	[tilespmem:$0x1C200] =	vst v63  }
0xc0: {  	_ =	swait.ge [sflag:s24], $0x100  }
0xc1: {  	[sflag:s24] =	ssyncset.done $0x0  }
0xc2: {  	[sflag:s24] =	ssyncadd.s32 $0xFFFFFF00  }
0xc3: {  	[tilespmem:s28], [sflag:$0x2] =	stream.indirect.gather [hbm4b:s5+s25], $0x80, s26, s25, $0xb8;
	[tilespmem:$0x1C200] =	vst v63  }
0xc4: {  	_ =	swait.ge [sflag:s29], $0x4000  }
0xc5: {  	[sflag:s29] =	ssyncset.done $0x0  }
0xc6: {  	[sflag:s29] =	ssyncadd.s32 $0xFFFFC000  }
0xc7: {  	[spmem:s2] =	stream.indirect.scatter.add.f32 [tilespmem:s23], [sflag:$0x3], $0x80, s25, s25, $0xb8;
	[tilespmem:$0x1C200] =	vst v63  }
0xc8: {  	_ =	swait.ge [sflag:s24], $0x4000  }
0xc9: {  	[sflag:s24] =	ssyncset.done $0x0  }
0xca: {  	s16 =	sadd.s32 $0x2240, s3;
	[sflag:s24] =	ssyncadd.s32 $0xFFFFC000  }
0xcb: {  	[tilespmem:s4], [sflag:$0x3] =	stream.linear.gather [hbm4b:s16+s4], $0x100, $0x38;
	[tilespmem:$0x1C200] =	vst v63  }
0xcc: {  	_ =	swait.ge [sflag:s24], $0x100  }
0xcd: {  	[sflag:s24] =	ssyncset.done $0x0  }
0xce: {  	[sflag:s24] =	ssyncadd.s32 $0xFFFFFF00  }
0xcf: {  	[tilespmem:s23], [sflag:$0x1] =	stream.indirect.gather [hbm4b:s5+s25], $0x80, s4, s25, $0xb8;
	[tilespmem:$0x1C200] =	vst v63  }
0xd0: {  	_ =	swait.ge [sflag:s30], $0x4000  }
0xd1: {  	[sflag:s30] =	ssyncset.done $0x0  }
.Ltmp4:
0xd2: {  	[sflag:s30] =	ssyncadd.s32 $0xFFFFC000;
	(pc) =	sbr.rel .LBB2_8-.Ltmp4, $4  }
0xd3: {  	[spmem:s2] =	stream.indirect.scatter.add.f32 [tilespmem:s28], [sflag:$0x3], $0x80, s31, s25, $0xb8;
	[tilespmem:$0x1C200] =	vst v63  }
0xd4: {  	_ =	swait.ge [sflag:s24], $0x4000  }
0xd5: {  	[sflag:s24] =	ssyncset.done $0x0  }
0xd6: {  	s1 =	rddreg [dreg:$0x6];
	[sflag:s24] =	ssyncadd.s32 $0xFFFFC000  }
.LBB2_5:
0xd7: {  	s1 =	rddreg [dreg:$0x4]  }
0xd8: {  	[tilespmem:s4], [sflag:$0x3] =	stream.linear.gather [hbm4b:s1+s4], $0x100, $0x38;
	[tilespmem:$0x1C200] =	vst v63  }
0xd9: {  	_ =	swait.ge [sflag:s24], $0x100  }
0xda: {  	[sflag:s24] =	ssyncset.done $0x0  }
0xdb: {  	s16 =	sadd.s32 $0xFFFFFB00, s11;
	[sflag:s24] =	ssyncadd.s32 $0xFFFFFF00  }
0xdc: {  	[tilespmem:s23], [sflag:$0x1] =	stream.indirect.gather [hbm4b:s5+s25], $0x80, s4, s25, $0xb8;
	[tilespmem:$0x1C200] =	vst v63  }
0xdd: {  	s3 =	sadd.s32 $0x22920, s16  }
0xde: {  	[tilespmem:s26], [sflag:$0x3] =	stream.linear.gather [hbm4b:s3+s4], $0x100, $0x38;
	[tilespmem:$0x1C200] =	vst v63  }
0xdf: {  	_ =	swait.ge [sflag:s24], $0x100  }
0xe0: {  	[sflag:s24] =	ssyncset.done $0x0  }
0xe1: {  	[sflag:s24] =	ssyncadd.s32 $0xFFFFFF00  }
0xe2: {  	[tilespmem:s28], [sflag:$0x2] =	stream.indirect.gather [hbm4b:s5+s25], $0x80, s26, s25, $0xb8;
	[tilespmem:$0x1C200] =	vst v63  }
0xe3: {  	_ =	swait.ge [sflag:s29], $0x4000  }
0xe4: {  	[sflag:s29] =	ssyncset.done $0x0  }
0xe5: {  	[sflag:s29] =	ssyncadd.s32 $0xFFFFC000  }
0xe6: {  	[spmem:s2] =	stream.indirect.scatter.add.f32 [tilespmem:s23], [sflag:$0x3], $0x80, s25, s25, $0xb8;
	[tilespmem:$0x1C200] =	vst v63  }
0xe7: {  	_ =	swait.ge [sflag:s24], $0x4000  }
0xe8: {  	[sflag:s24] =	ssyncset.done $0x0  }
0xe9: {  	s1 =	sadd.s32 $0x22940, s16;
	[sflag:s24] =	ssyncadd.s32 $0xFFFFC000  }
0xea: {  	[tilespmem:s4], [sflag:$0x3] =	stream.linear.gather [hbm4b:s1+s4], $0x100, $0x38;
	[tilespmem:$0x1C200] =	vst v63  }
0xeb: {  	_ =	swait.ge [sflag:s24], $0x100  }
0xec: {  	[sflag:s24] =	ssyncset.done $0x0  }
0xed: {  	[sflag:s24] =	ssyncadd.s32 $0xFFFFFF00  }
0xee: {  	[tilespmem:s23], [sflag:$0x1] =	stream.indirect.gather [hbm4b:s5+s25], $0x80, s4, s25, $0xb8;
	[tilespmem:$0x1C200] =	vst v63  }
0xef: {  	_ =	swait.ge [sflag:s30], $0x4000  }
0xf0: {  	[sflag:s30] =	ssyncset.done $0x0  }
0xf1: {  	[sflag:s30] =	ssyncadd.s32 $0xFFFFC000  }
0xf2: {  	[spmem:s2] =	stream.indirect.scatter.add.f32 [tilespmem:s28], [sflag:$0x3], $0x80, s31, s25, $0xb8;
	[tilespmem:$0x1C200] =	vst v63  }
0xf3: {  	_ =	swait.ge [sflag:s24], $0x4000  }
0xf4: {  	s3 =	sadd.s32 $0xFFFFFB40, s11;
	s1 =	simm.s32 $0xFFFFFB80;
	[sflag:s24] =	ssyncset.done $0x0  }
.LBB2_6:
0xf5: {  	s13 =	sadd.s32 $0x22920, s3  }
0xf6: {  	[sflag:s24] =	ssyncadd.s32 $0xFFFFC000;
	s14 =	smov.u32 s1;
	s16 =	sadd.s32 $0x40, s1  }
0xf7: {  	[tilespmem:s26], [sflag:$0x3] =	stream.linear.gather [hbm4b:s13+s4], $0x100, $0x38;
	[tilespmem:$0x1C200] =	vst v63  }
0xf8: {  	p1 =	sne.s32 s1, $0xFFFFFFC0;
	_ =	swait.ge [sflag:s24], $0x100  }
0xf9: {  	[sflag:s24] =	ssyncset.done $0x0  }
0xfa: {  	[sflag:s24] =	ssyncadd.s32 $0xFFFFFF00  }
0xfb: {  	[tilespmem:s28], [sflag:$0x2] =	stream.indirect.gather [hbm4b:s5+s25], $0x80, s26, s25, $0xb8;
	[tilespmem:$0x1C200] =	vst v63  }
0xfc: {  	_ =	swait.ge [sflag:s29], $0x4000  }
0xfd: {  	[sflag:s29] =	ssyncset.done $0x0  }
0xfe: {  	[sflag:s29] =	ssyncadd.s32 $0xFFFFC000  }
0xff: {  	[spmem:s2] =	stream.indirect.scatter.add.f32 [tilespmem:s23], [sflag:$0x3], $0x80, s25, s25, $0xb8;
	[tilespmem:$0x1C200] =	vst v63  }
0x100: {  	_ =	swait.ge [sflag:s24], $0x4000  }
0x101: {  	[sflag:s24] =	ssyncset.done $0x0  }
0x102: {  	s1 =	sadd.s32 $0x22940, s3;
	[sflag:s24] =	ssyncadd.s32 $0xFFFFC000  }
0x103: {  	[tilespmem:s4], [sflag:$0x3] =	stream.linear.gather [hbm4b:s1+s4], $0x100, $0x38;
	[tilespmem:$0x1C200] =	vst v63  }
0x104: {  	_ =	swait.ge [sflag:s24], $0x100  }
0x105: {  	[sflag:s24] =	ssyncset.done $0x0  }
0x106: {  	[sflag:s24] =	ssyncadd.s32 $0xFFFFFF00  }
0x107: {  	[tilespmem:s23], [sflag:$0x1] =	stream.indirect.gather [hbm4b:s5+s25], $0x80, s4, s25, $0xb8;
	[tilespmem:$0x1C200] =	vst v63  }
0x108: {  	_ =	swait.ge [sflag:s30], $0x4000  }
.Ltmp5:
0x109: {  	[sflag:s30] =	ssyncset.done $0x0;
	(pc) =	sbr.rel @p1 .LBB2_6-.Ltmp5, $4  }
0x10a: {  	[sflag:s30] =	ssyncadd.s32 $0xFFFFC000  }
0x10b: {  	[spmem:s2] =	stream.indirect.scatter.add.f32 [tilespmem:s28], [sflag:$0x3], $0x80, s31, s25, $0xb8;
	[tilespmem:$0x1C200] =	vst v63  }
0x10c: {  	_ =	swait.ge [sflag:s24], $0x4000  }
0x10d: {  	s3 =	sadd.s32 s14, s11;
	s1 =	smov.u32 s16;
	[sflag:s24] =	ssyncset.done $0x0  }
.Ltmp6:
0x10e: {  	_ = 	snop;
	(pc) =	sbr.rel .LBB2_7-.Ltmp6, $1  }
0x10f: {  	_ =	sdelay $0x3  }
.LBB2_9:
0x110: {  	_ =	sfence.sel $0x180000  }
0x111: {  	[bflag:$0x0] =	sbarrier.arrive $0xFFFF  }
0x112: {  	_ =	strace $0x9000004A  }
0x113: {  	s0 =	stileid.u32;
	[bflag:$0x2] =	sbarrier.arrive $0xFFFF  }
0x114: {  	p0 =	sne.s32 s0, $0x0;
	s0 =	rddreg [dreg:$0x3]  }
0x115: {  	s0 =	sadd.s32 @!p0 $0x100000, s0  }
0x116: {  	[sflag:s0] =	ssyncadd.tile.s32 @!p0 $0x1;
	_ =	shalt  }
.Lfunc_end2:
_tile_overlayer_lowered:
.L_overlay_start_2:
0x117: {  	(tag) =	ssettag $0x2  }
0x118: {  	s0 =	rddreg [dreg:$0x0];
	s2 =	stileid.u32  }
0x119: {  	s1 =	rddreg [dreg:$0x1];
	p0 =	sne.s32 s2, $0x0  }
0x11a: {  	s3 =	rddreg [dreg:$0x2];
	[bflag:$0x3] =	sbarrier.arrive $0xFFFF;
	s2 =	simm.s32 @!p0 $0x1C03  }
0x11b: {  	[timem:s3], [sflag:s2] =	dma.local @!p0 [hbm:s0], s1  }
0x11c: {  	s0 =	simm.s32 @!p0 $0x3  }
0x11d: {  	_ =	swait.ge @!p0 [sflag:s0], s1  }
0x11e: {  	s1 =	ssub.s32 @!p0 $0x0, s1;
	[sflag:s0] =	ssyncset.done @!p0 $0x0  }
0x11f: {  	[sflag:s0] =	ssyncadd.s32 @!p0 s1  }
0x120: {  	[bflag:$0x3] =	sbarrier.arrive $0xFFFF  }
0x121: {  	_ =	shalt  }

// kernel: kernel.16.cloned.1.call-start
scs
__scs_entry_jumppad:
0x0: {  	(pc) =	sbr.rel $0x88, $3  }
0x1: {  	(tag) =	ssettag $0x0;
	lr =	simm.s32 $0x1  }
0x2: {  	[smem:$0x3F95] =	sst lr;
	_ =	strace $0xD0000000  }
0x3: {  	_ = 	snop  }
0x4: {  	_ = 	snop  }
0x5: {  	_ = 	snop  }
0x6: {  	_ = 	snop  }
0x7: {  	_ = 	snop  }
__scs_overlays_trampoline_lowered:
0x8: {  	[smem:$0x3FA4] =	sst s0  }
0x9: {  	[smem:$0x3FA5] =	sst s1  }
0xa: {  	[smem:$0x3FA6] =	sst s2  }
0xb: {  	[smem:$0x3FA7] =	sst s3  }
0xc: {  	[smem:$0x3FA8] =	sst s4  }
0xd: {  	[smem:$0x3FA9] =	sst s5  }
0xe: {  	[smem:$0x3FAA] =	sst s6  }
0xf: {  	[smem:$0x3FAB] =	sst s7  }
0x10: {  	[smem:$0x3FAC] =	sst s8  }
0x11: {  	[smem:$0x3FAD] =	sst s9;
	s0 =	simm.s32 @!p0 $0x0  }
0x12: {  	s1 =	sld [smem:$0x3F93];
	s0 =	simm.s32 @p0 $0x1  }
0x13: {  	[smem:$0x3FAE] =	sst s0;
	s0 =	simm.s32 @!p1 $0x0  }
0x14: {  	s2 =	sld [smem:$0x3F92];
	s0 =	simm.s32 @p1 $0x1  }
0x15: {  	[smem:$0x3FAF] =	sst s0;
	s0 =	simm.s32 @!p2 $0x0  }
0x16: {  	s3 =	sld [smem:$0x3FDB];
	s0 =	simm.s32 @p2 $0x1  }
0x17: {  	s4 =	simm.s32 $0x1BF5;
	[smem:$0x3FB1] =	sst s0  }
0x18: {  	s0 =	sld [smem:$0x3F94];
	_ =	swait.ge [sflag:s4], $0x0  }
0x19: {  	s7 =	sld [smem:$0x3F95]  }
0x1a: {  	s8 =	sadd.s32 $0xFFFFE003, lr  }
0x1b: {  	s9 =	sadd.s32 $0xFFFFFEF7, lr;
	s5 =	simm.s32 $0xFFFFFFFF;
	p2 =	slt.u32 s8, $0xFFFFF086  }
0x1c: {  	p1 =	slt.u32 s9, $0xF7A;
	s5 =	simm.s32 @!p2 $0x0  }
0x1d: {  	s5 =	simm.s32 @p1 $0x1;
	p0 =	seq.s32 s7, s2  }
0x1e: {  	s7 =	smul.u32 @!p0 $0xF7A, s2;
	p2 =	seq.s32 @!p0 s5, $0x0  }
0x1f: {  	s9 =	smul.u32 $0xF7A, s1;
	s8 =	simm.s32 @!p0 $0x1BF5;
	p2 =	por !p2, p0  }
0x20: {  	[sflag:s8] =	ssyncset.s32 @!p0 $0xFFFFF086;
	s6 =	sadd.s32 @!p0 s3, s7;
	s7 =	simm.s32 @!p0 $0x108  }
0x21: {  	s3 =	sadd.s32 s3, s9;
	s6 =	sadd.s32 @!p0 $0x88, s6;
	s7 =	simm.s32 @p2 $0x1082  }
0x22: {  	[simem:s7], [sflag:s8] =	dma.local @!p0 [hbm:s6], $0xF7A  }
0x23: {  	s9 =	sor.u32 $0xD0000000, s2;
	s6 =	simm.s32 $0x108;
	_ =	swait.ge @!p0 [sflag:s8], $0x0  }
0x24: {  	s3 =	sadd.s32 $0x88, s3;
	s6 =	simm.s32 @!p1 $0x1082;
	[sflag:s4] =	ssyncset.s32 $0xFFFFF086  }
0x25: {  	[simem:s6], [sflag:s4] =	dma.local [hbm:s3], $0xF7A  }
0x26: {  	[smem:$0x3F95] =	sst s1;
	(tag) =	ssettag s2;
	_ =	strace s9  }
0x27: {  	s1 =	sld [smem:$0x3FA5]  }
0x28: {  	s2 =	sld [smem:$0x3FA6]  }
0x29: {  	s4 =	sld [smem:$0x3FA8]  }
0x2a: {  	p0 =	seq.s32 s5, $0x0;
	s5 =	sld [smem:$0x3FA9]  }
0x2b: {  	s6 =	sld [smem:$0x3FAA]  }
0x2c: {  	s7 =	sld [smem:$0x3FAB]  }
0x2d: {  	s3 =	simm.s32 $0x108;
	s8 =	sld [smem:$0x3FAC]  }
0x2e: {  	s3 =	simm.s32 @!p0 $0x1082;
	s9 =	sld [smem:$0x3FAD]  }
0x2f: {  	lr =	sadd.s32 s0, s3;
	s0 =	sld [smem:$0x3FA4]  }
0x30: {  	s3 =	sld [smem:$0x3FA7]  }
0x31: {  	[smem:$0x3FB0] =	sst s10  }
0x32: {  	s10 =	sld [smem:$0x3FAE];
	_ =	sdelay $0x3  }
0x33: {  	p0 =	seq.s32 s10, $0x1;
	s10 =	sld [smem:$0x3FB0];
	_ =	sdelay $0x3  }
0x34: {  	[smem:$0x3FB0] =	sst s10  }
0x35: {  	s10 =	sld [smem:$0x3FAF];
	_ =	sdelay $0x3  }
0x36: {  	p1 =	seq.s32 s10, $0x1;
	s10 =	sld [smem:$0x3FB0];
	_ =	sdelay $0x3  }
0x37: {  	[smem:$0x3FB0] =	sst s10  }
0x38: {  	s10 =	sld [smem:$0x3FB1]  }
0x39: {  	_ = 	snop;
	(pc) =	sbr.ind lr, $3  }
0x3a: {  	_ = 	snop  }
0x3b: {  	_ = 	snop  }
0x3c: {  	p2 =	seq.s32 s10, $0x1;
	s10 =	sld [smem:$0x3FB0]  }
0x3d: {  	_ =	shalt  }
0x3e: {  	_ =	shalt  }
0x3f: {  	_ =	shalt  }
0x40: {  	_ =	shalt  }
0x41: {  	_ =	shalt  }
0x42: {  	_ =	shalt  }
0x43: {  	_ =	shalt  }
0x44: {  	_ =	shalt  }
0x45: {  	_ =	shalt  }
0x46: {  	_ =	shalt  }
0x47: {  	_ =	shalt  }
0x48: {  	_ =	shalt  }
0x49: {  	_ =	shalt  }
0x4a: {  	_ =	shalt  }
0x4b: {  	_ =	shalt  }
0x4c: {  	_ =	shalt  }
0x4d: {  	_ =	shalt  }
0x4e: {  	_ =	shalt  }
0x4f: {  	_ =	shalt  }
0x50: {  	_ =	shalt  }
0x51: {  	_ =	shalt  }
0x52: {  	_ =	shalt  }
0x53: {  	_ =	shalt  }
0x54: {  	_ =	shalt  }
0x55: {  	_ =	shalt  }
0x56: {  	_ =	shalt  }
0x57: {  	_ =	shalt  }
0x58: {  	_ =	shalt  }
0x59: {  	_ =	shalt  }
0x5a: {  	_ =	shalt  }
0x5b: {  	_ =	shalt  }
0x5c: {  	_ =	shalt  }
0x5d: {  	_ =	shalt  }
0x5e: {  	_ =	shalt  }
0x5f: {  	_ =	shalt  }
0x60: {  	_ =	shalt  }
0x61: {  	_ =	shalt  }
0x62: {  	_ =	shalt  }
0x63: {  	_ =	shalt  }
0x64: {  	_ =	shalt  }
0x65: {  	_ =	shalt  }
0x66: {  	_ =	shalt  }
0x67: {  	_ =	shalt  }
0x68: {  	_ =	shalt  }
0x69: {  	_ =	shalt  }
0x6a: {  	_ =	shalt  }
0x6b: {  	_ =	shalt  }
0x6c: {  	_ =	shalt  }
0x6d: {  	_ =	shalt  }
0x6e: {  	_ =	shalt  }
0x6f: {  	_ =	shalt  }
0x70: {  	_ =	shalt  }
0x71: {  	_ =	shalt  }
0x72: {  	_ =	shalt  }
0x73: {  	_ =	shalt  }
0x74: {  	_ =	shalt  }
0x75: {  	_ =	shalt  }
0x76: {  	_ =	shalt  }
0x77: {  	_ =	shalt  }
0x78: {  	_ =	shalt  }
0x79: {  	_ =	shalt  }
0x7a: {  	_ =	shalt  }
0x7b: {  	_ =	shalt  }
0x7c: {  	_ =	shalt  }
0x7d: {  	_ =	shalt  }
0x7e: {  	_ =	shalt  }
0x7f: {  	_ =	shalt  }
0x80: {  	_ =	shalt  }
0x81: {  	_ =	shalt  }
0x82: {  	_ =	shalt  }
0x83: {  	_ =	shalt  }
0x84: {  	_ =	shalt  }
0x85: {  	_ =	shalt  }
0x86: {  	_ =	shalt  }
0x87: {  	_ =	shalt  }
.Lfunc_end0:
.L_simem_size_0:
called_computation.2_lowered:
.L_overlay_start_0:
0x88: {  	s2 =	sld [smem:$0x3FD9]  }
0x89: {  	s3 =	sld [smem:$0x3FFE];
	_ =	sdelay $0x1  }
0x8a: {  	s1 =	srdreg.scid  }
0x8b: {  	s0 =	sand.u32 $0x1, s1  }
0x8c: {  	s17 =	sshll.u32 s0, $0xA;
	s2 =	sadd.s32 s3, s2  }
0x8d: {  	s2 =	sadd.s32 s2, s17  }
0x8e: {  	[smem:$0x3FBC] =	sst s2  }
0x8f: {  	_ = 	snop  }
0x90: {  	s2 =	sld [smem:$0x3FD0];
	(tm) =	ssettm $0x1  }
0x91: {  	s18 =	sld [smem:$0x3FFB];
	_ =	sdelay $0x3  }
0x92: {  	_ =	strace s18  }
0x93: {  	s3 =	sld [smem:$0x3FFC];
	_ =	sdelay $0x3  }
0x94: {  	_ =	strace s3  }
0x95: {  	s3 =	sld [smem:$0x3FFD];
	_ =	sdelay $0x3  }
0x96: {  	_ =	strace s3  }
0x97: {  	_ =	strace $0x8FFFFFFF  }
0x98: {  	s19 =	sld [smem:$0x3FDB];
	_ =	sdelay $0x1  }
0x99: {  	s4 =	simm.s32 $_scs_section_size  }
0x9a: {  	s5 =	simm.s32 $_size__tile_overlayer_lowered;
	s6 =	simm.s32 $_tile_overlayer_lowered  }
0x9b: {  	s22 =	simm.s32 $0x1BFF;
	s21 =	sshll.u32 s6, $0x1;
	s3 =	sadd.s32 s4, s19  }
0x9c: {  	s7 =	simm.s32 $0x0;
	s20 =	sshll.u32 s5, $0x1;
	s5 =	sadd.s32 s21, s3  }
0x9d: {  	[timem:s7], [sflag:s22] =	dma.local [hbm:s5], s20  }
0x9e: {  	_ =	swait.ge [sflag:s22], s20  }
0x9f: {  	s4 =	ssub.s32 $0x0, s20;
	[sflag:s22] =	ssyncset.done $0x0  }
0xa0: {  	[sflag:s22] =	ssyncadd.s32 s4;
	_ =	sdelay $0x1  }
0xa1: {  	s23 =	simm.s32 $0x1B8B  }
0xa2: {  	_ =	swait.ge [sflag:s23], $0x1  }
0xa3: {  	[sflag:s23] =	ssyncset.done $0x0  }
0xa4: {  	s25 =	simm.s32 $0x1B8E;
	s24 =	sld [smem:$0x3FFE];
	[sflag:s23] =	ssyncadd.s32 $0xFFFFFFFF  }
0xa5: {  	s26 =	simm.s32 $execute0_lowered;
	[smem:$0x3FD2] =	sst s25  }
0xa6: {  	s5 =	sshll.u32 s26, $0x1;
	_ =	strace $0x8000004C;
	[dreg:$0x1] =	wrdreg $0xFFFFFFFF  }
0xa7: {  	s28 =	simm.s32 $_size_execute0_lowered;
	s3 =	sadd.s32 s3, s5;
	[dreg:$0x0] =	wrdreg $0x0  }
0xa8: {  	s5 =	sshll.u32 s28, $0x1;
	[dreg:$0x2] =	wrdreg s3  }
0xa9: {  	[dreg:$0x3] =	wrdreg s5  }
0xaa: {  	[dreg:$0x4] =	wrdreg $0xC0  }
0xab: {  	_ =	task [dreg:s7], $0x5FFFF  }
0xac: {  	[dreg:$0x1] =	wrdreg $0xFFFFFFFF  }
0xad: {  	[dreg:$0x0] =	wrdreg $0x60  }
0xae: {  	[dreg:$0x2] =	wrdreg s24  }
0xaf: {  	[dreg:$0x3] =	wrdreg s2  }
0xb0: {  	[dreg:$0x4] =	wrdreg $0x42000  }
0xb1: {  	[dreg:$0x5] =	wrdreg $0x9  }
0xb2: {  	_ =	task.clear_ibuf [dreg:s7], $0x6FFFF;
	_ =	strace $0x9000004C  }
0xb3: {  	s29 =	simm.s32 $0x9;
	_ =	strace $0x8000004E  }
0xb4: {  	_ =	swait.ge [sflag:s29], $0x1  }
0xb5: {  	[sflag:s29] =	ssyncadd.s32 $0xFFFFFFFF  }
0xb6: {  	_ =	strace $0x9000004E  }
0xb7: {  	_ =	sfence  }
0xb8: {  	s30 =	sld [smem:$0x0];
	_ =	sdelay $0x2  }
0xb9: {  	s31 =	sshll.u32 s1, $0xD;
	s1 =	sshrl.u32 s1, $0x2  }
0xba: {  	s3 =	sand.u32 $0x4000, s31;
	s1 =	sadd.s32 s1, s30  }
0xbb: {  	s0 =	sor.u32 s3, s0;
	s1 =	sshll.u32 s1, $0x11  }
0xbc: {  	s0 =	sor.u32 s1, s0  }
0xbd: {  	s0 =	sadd.s32 $0x8F2B, s0  }
0xbe: {  	[sflag:s0] =	ssyncadd.remote.s32 $0x1  }
0xbf: {  	_ =	sfence.sel $0xFFFF  }
0xc0: {  	[dreg:$0x0] =	wrdreg $0xFFFFFFFF;
	(pc) =	sbr.abs _section_cstart, $3  }
0xc1: {  	[dreg:$0x1] =	wrdreg $0xFFFFFFFF  }
0xc2: {  	_ =	task.clear_ibuf [dreg:s7], $0x2FFFF;
	_ =	strace $0x9FFFFFFF  }
0xc3: {  	(tm) =	ssettm $0x7FFFFFFF  }
tec
execute0_lowered:
.L_overlay_start_1:
0x0: {  	(tag) =	ssettag $0x1  }
0x1: {  	s0 =	rddreg [dreg:$0x0]  }
0x2: {  	s2 =	rddreg [dreg:$0x2];
	s4 =	simm.s32 $0x0;
	s13 =	stileid.u32  }
0x3: {  	s1 =	srdreg.scid;
	s28 =	simm.s32 $0x2200;
	s3 =	smul.u32 $0xA000, s13  }
0x4: {  	s29 =	simm.s32 $0x1;
	s30 =	simm.s32 $0x2;
	s11 =	smul.u32 $0xA80, s13  }
0x5: {  	s31 =	simm.s32 $0x180;
	[smem:$0x7FF] =	sst s4;
	s14 =	smul.u32 $0x5400, s13  }
0x6: {  	s1 =	sand.u32 $0x1, s1;
	s5 =	sadd.s32 $0x2AC00, s0;
	s26 =	smul.u32 $0x1D00, s13  }
0x7: {  	s6 =	sadd.s32 $0x3400, s0;
	s0 =	sadd.s32 $0x3E600, s0;
	s17 =	smul.u32 $0xE800, s13  }
0x8: {  	_ =	strace $0x8000004D;
	s7 =	ssub.s32 $0x2, s1;
	s23 =	smul.u32 $0xA0000, s1  }
0x9: {  	p0 =	sne.s32 s1, $0x0;
	s8 =	sshrl.u32 s7, $0x1;
	s16 =	sadd.s32 $0x2000, s3  }
0xa: {  	s19 =	sadd.s32 $0x4000, s3;
	s20 =	sadd.s32 $0x6000, s3;
	s21 =	sadd.s32 $0x8000, s3  }
0xb: {  	s11 =	sadd.s32 s11, s6;
	s14 =	sadd.s32 $0xED300, s14;
	s13 =	sadd.s32 $0xE700, s17  }
0xc: {  	s22 =	ssub.s32 s7, s8;
	s7 =	sadd.s32 s3, s2;
	s8 =	sadd.s32 s16, s2  }
0xd: {  	s9 =	sadd.s32 s19, s2;
	s10 =	sadd.s32 s20, s2;
	s12 =	sadd.s32 s21, s2  }
0xe: {  	s15 =	sadd.s32 $0x1D000, s11;
	[dreg:$0x5] =	wrdreg s14;
	s3 =	sadd.s32 s3, s23  }
0xf: {  	s18 =	sadd.s32 s23, s16;
	[dreg:$0x6] =	wrdreg s13;
	s24 =	sadd.s32 s23, s19  }
0x10: {  	s25 =	sadd.s32 s23, s20;
	s21 =	sadd.s32 s23, s21;
	s23 =	simm.s32 $0x200  }
0x11: {  	[dreg:$0x4] =	wrdreg s15;
	s15 =	sadd.s32 s6, s26;
	s3 =	sshrl.u32 s3, $0x3  }
.Ltmp0:
0x12: {  	s18 =	sshrl.u32 s18, $0x3;
	s20 =	sshrl.u32 s25, $0x3;
	(pc) =	sbr.rel .LBB2_1-.Ltmp0, $4  }
0x13: {  	s26 =	sshrl.u32 s21, $0x3;
	s22 =	smax.u32 s22, $0x1;
	s25 =	simm.s32 $0x80  }
0x14: {  	s17 =	sadd.s32 s0, s3;
	s18 =	sadd.s32 s0, s18;
	s3 =	sshrl.u32 s24, $0x3  }
0x15: {  	s20 =	sadd.s32 s0, s20;
	s21 =	sadd.s32 s0, s26;
	s24 =	simm.s32 $0x3  }
0x16: {  	s26 =	simm.s32 $0x100;
	s19 =	sadd.s32 s0, s3;
	s0 =	simm.s32 $0x0  }
.LBB2_7:
0x17: {  	s1 =	sadd.s32 $0x1DA60, s3;
	[sflag:s24] =	ssyncadd.s32 $0xFFFFE000  }
0x18: {  	[tilespmem:s26], [sflag:$0x3] =	stream.linear.gather [hbm4b:s1+s4], $0x100, $0x38;
	[tilespmem:$0xE200] =	vst v63  }
0x19: {  	_ =	swait.ge [sflag:s24], $0x100  }
0x1a: {  	[sflag:s24] =	ssyncset.done $0x0  }
0x1b: {  	[sflag:s24] =	ssyncadd.s32 $0xFFFFFF00  }
0x1c: {  	[tilespmem:s28], [sflag:$0x2] =	stream.indirect.gather [hbm4b:s5+s25], $0x40, s26, s25, $0xb8;
	[tilespmem:$0xE200] =	vst v63  }
0x1d: {  	_ =	swait.ge [sflag:s29], $0x2000  }
0x1e: {  	[sflag:s29] =	ssyncset.done $0x0  }
0x1f: {  	[sflag:s29] =	ssyncadd.s32 $0xFFFFE000  }
0x20: {  	[spmem:s2] =	stream.indirect.scatter.add.f32 [tilespmem:s23], [sflag:$0x3], $0x40, s25, s25, $0xb8;
	[tilespmem:$0xE200] =	vst v63  }
0x21: {  	_ =	swait.ge [sflag:s24], $0x2000  }
0x22: {  	[sflag:s24] =	ssyncset.done $0x0  }
0x23: {  	s16 =	sadd.s32 $0x1DA80, s3;
	[sflag:s24] =	ssyncadd.s32 $0xFFFFE000  }
0x24: {  	[tilespmem:s4], [sflag:$0x3] =	stream.linear.gather [hbm4b:s16+s4], $0x100, $0x38;
	[tilespmem:$0xE200] =	vst v63  }
0x25: {  	_ =	swait.ge [sflag:s24], $0x100  }
0x26: {  	[sflag:s24] =	ssyncset.done $0x0  }
0x27: {  	[sflag:s24] =	ssyncadd.s32 $0xFFFFFF00  }
0x28: {  	[tilespmem:s23], [sflag:$0x1] =	stream.indirect.gather [hbm4b:s5+s25], $0x40, s4, s25, $0xb8;
	[tilespmem:$0xE200] =	vst v63  }
0x29: {  	_ =	swait.ge [sflag:s30], $0x2000  }
0x2a: {  	[sflag:s30] =	ssyncset.done $0x0  }
0x2b: {  	[sflag:s30] =	ssyncadd.s32 $0xFFFFE000  }
0x2c: {  	[spmem:s2] =	stream.indirect.scatter.add.f32 [tilespmem:s28], [sflag:$0x3], $0x40, s31, s25, $0xb8;
	[tilespmem:$0xE200] =	vst v63  }
0x2d: {  	_ =	swait.ge [sflag:s24], $0x2000  }
0x2e: {  	[sflag:s24] =	ssyncset.done $0x0  }
0x2f: {  	s1 =	rddreg [dreg:$0x5];
	[sflag:s24] =	ssyncadd.s32 $0xFFFFE000  }
.LBB2_8:
0x30: {  	s1 =	sshrl.u32 s1, $0x3  }
0x31: {  	s1 =	sadd.s32 s6, s1  }
0x32: {  	[tilespmem:s26], [sflag:$0x3] =	stream.linear.gather [hbm4b:s1+s4], $0x100, $0x38;
	[tilespmem:$0xE200] =	vst v63  }
0x33: {  	_ =	swait.ge [sflag:s24], $0x100  }
0x34: {  	[sflag:s24] =	ssyncset.done $0x0  }
0x35: {  	[sflag:s24] =	ssyncadd.s32 $0xFFFFFF00  }
0x36: {  	[tilespmem:s28], [sflag:$0x2] =	stream.indirect.gather [hbm4b:s5+s25], $0x40, s26, s25, $0xb8;
	[tilespmem:$0xE200] =	vst v63  }
0x37: {  	_ =	swait.ge [sflag:s29], $0x2000  }
0x38: {  	[sflag:s29] =	ssyncset.done $0x0  }
0x39: {  	[sflag:s29] =	ssyncadd.s32 $0xFFFFE000  }
0x3a: {  	[spmem:s2] =	stream.indirect.scatter.add.f32 [tilespmem:s23], [sflag:$0x3], $0x40, s25, s25, $0xb8;
	[tilespmem:$0xE200] =	vst v63  }
0x3b: {  	_ =	swait.ge [sflag:s24], $0x2000  }
0x3c: {  	[sflag:s24] =	ssyncset.done $0x0  }
0x3d: {  	[sflag:s24] =	ssyncadd.s32 $0xFFFFE000  }
0x3e: {  	_ =	swait.ge [sflag:s30], $0x2000  }
0x3f: {  	[sflag:s30] =	ssyncset.done $0x0  }
0x40: {  	[sflag:s30] =	ssyncadd.s32 $0xFFFFE000  }
0x41: {  	[spmem:s2] =	stream.indirect.scatter.add.f32 [tilespmem:s28], [sflag:$0x3], $0x40, s31, s25, $0xb8;
	[tilespmem:$0xE200] =	vst v63  }
0x42: {  	_ =	swait.ge [sflag:s24], $0x2000  }
0x43: {  	[sflag:s24] =	ssyncset.done $0x0  }
0x44: {  	[sflag:s24] =	ssyncadd.s32 $0xFFFFE000  }
0x45: {  	[bflag:$0x0] =	sbarrier.arrive $0xFFFF  }
0x46: {  	[tilespmem:s23], [sflag:$0x3] =	stream.linear.gather [spmem:s7], $0x2000, $0x38;
	[tilespmem:$0xE200] =	vst v63  }
0x47: {  	_ =	swait.ge [sflag:s24], $0x2000  }
0x48: {  	[sflag:s24] =	ssyncset.done $0x0  }
0x49: {  	[sflag:s24] =	ssyncadd.s32 $0xFFFFE000  }
0x4a: {  	[hbm4b:s17+s4] =	stream.linear.scatter [tilespmem:s23], [sflag:$0x3], $0x2000, $0x38;
	[tilespmem:$0xE200] =	vst v63  }
0x4b: {  	_ =	swait.ge [sflag:s24], $0x2000  }
0x4c: {  	[sflag:s24] =	ssyncset.done $0x0  }
0x4d: {  	[sflag:s24] =	ssyncadd.s32 $0xFFFFE000  }
0x4e: {  	[tilespmem:s23], [sflag:$0x3] =	stream.linear.gather [spmem:s8], $0x2000, $0x38;
	[tilespmem:$0xE200] =	vst v63  }
0x4f: {  	_ =	swait.ge [sflag:s24], $0x2000  }
0x50: {  	[sflag:s24] =	ssyncset.done $0x0  }
0x51: {  	[sflag:s24] =	ssyncadd.s32 $0xFFFFE000  }
0x52: {  	[hbm4b:s18+s4] =	stream.linear.scatter [tilespmem:s23], [sflag:$0x3], $0x2000, $0x38;
	[tilespmem:$0xE200] =	vst v63  }
0x53: {  	_ =	swait.ge [sflag:s24], $0x2000  }
0x54: {  	[sflag:s24] =	ssyncset.done $0x0  }
0x55: {  	[sflag:s24] =	ssyncadd.s32 $0xFFFFE000  }
0x56: {  	[tilespmem:s23], [sflag:$0x3] =	stream.linear.gather [spmem:s9], $0x2000, $0x38;
	[tilespmem:$0xE200] =	vst v63  }
0x57: {  	_ =	swait.ge [sflag:s24], $0x2000  }
0x58: {  	[sflag:s24] =	ssyncset.done $0x0  }
0x59: {  	[sflag:s24] =	ssyncadd.s32 $0xFFFFE000  }
0x5a: {  	[hbm4b:s19+s4] =	stream.linear.scatter [tilespmem:s23], [sflag:$0x3], $0x2000, $0x38;
	[tilespmem:$0xE200] =	vst v63  }
0x5b: {  	_ =	swait.ge [sflag:s24], $0x2000  }
0x5c: {  	[sflag:s24] =	ssyncset.done $0x0  }
0x5d: {  	[sflag:s24] =	ssyncadd.s32 $0xFFFFE000  }
0x5e: {  	[tilespmem:s23], [sflag:$0x3] =	stream.linear.gather [spmem:s10], $0x2000, $0x38;
	[tilespmem:$0xE200] =	vst v63  }
0x5f: {  	_ =	swait.ge [sflag:s24], $0x2000  }
0x60: {  	[sflag:s24] =	ssyncset.done $0x0  }
0x61: {  	[sflag:s24] =	ssyncadd.s32 $0xFFFFE000  }
0x62: {  	[hbm4b:s20+s4] =	stream.linear.scatter [tilespmem:s23], [sflag:$0x3], $0x2000, $0x38;
	[tilespmem:$0xE200] =	vst v63  }
0x63: {  	_ =	swait.ge [sflag:s24], $0x2000  }
0x64: {  	[sflag:s24] =	ssyncset.done $0x0  }
0x65: {  	[sflag:s24] =	ssyncadd.s32 $0xFFFFE000  }
0x66: {  	[tilespmem:s23], [sflag:$0x3] =	stream.linear.gather [spmem:s12], $0x2000, $0x38;
	[tilespmem:$0xE200] =	vst v63  }
0x67: {  	s0 =	sadd.s32 $0x1, s0;
	_ =	swait.ge [sflag:s24], $0x2000  }
0x68: {  	p1 =	sne.s32 s0, s22;
	[sflag:s24] =	ssyncset.done $0x0  }
.Ltmp1:
0x69: {  	[sflag:s24] =	ssyncadd.s32 $0xFFFFE000;
	(pc) =	sbr.rel @!p1 .LBB2_9-.Ltmp1, $4  }
0x6a: {  	[hbm4b:s21+s4] =	stream.linear.scatter [tilespmem:s23], [sflag:$0x3], $0x2000, $0x38;
	[tilespmem:$0xE200] =	vst v63  }
0x6b: {  	_ =	swait.ge [sflag:s24], $0x2000  }
0x6c: {  	[sflag:s24] =	ssyncset.done $0x0  }
0x6d: {  	[sflag:s24] =	ssyncadd.s32 $0xFFFFE000  }
.LBB2_1:
0x6e: {  	s1 =	rddreg [dreg:$0x1]  }
0x6f: {  	[tilespmem:s23], [sflag:$0x3] =	stream.linear.gather [hbm4b:s1+s4], $0x2000, $0x38;
	[tilespmem:$0xE200] =	vst v63  }
0x70: {  	_ =	swait.ge [sflag:s24], $0x2000  }
0x71: {  	[sflag:s24] =	ssyncset.done $0x0  }
0x72: {  	[sflag:s24] =	ssyncadd.s32 $0xFFFFE000  }
0x73: {  	[spmem:s7] =	stream.linear.scatter [tilespmem:s23], [sflag:$0x3], $0x2000, $0x38;
	[tilespmem:$0xE200] =	vst v63  }
0x74: {  	_ =	swait.ge [sflag:s24], $0x2000  }
0x75: {  	[sflag:s24] =	ssyncset.done $0x0  }
0x76: {  	[sflag:s24] =	ssyncadd.s32 $0xFFFFE000  }
0x77: {  	[spmem:s8] =	stream.linear.scatter [tilespmem:s23], [sflag:$0x3], $0x2000, $0x38;
	[tilespmem:$0xE200] =	vst v63  }
0x78: {  	_ =	swait.ge [sflag:s24], $0x2000  }
0x79: {  	[sflag:s24] =	ssyncset.done $0x0  }
0x7a: {  	[sflag:s24] =	ssyncadd.s32 $0xFFFFE000  }
0x7b: {  	[spmem:s9] =	stream.linear.scatter [tilespmem:s23], [sflag:$0x3], $0x2000, $0x38;
	[tilespmem:$0xE200] =	vst v63  }
0x7c: {  	_ =	swait.ge [sflag:s24], $0x2000  }
0x7d: {  	[sflag:s24] =	ssyncset.done $0x0  }
0x7e: {  	[sflag:s24] =	ssyncadd.s32 $0xFFFFE000  }
0x7f: {  	[spmem:s10] =	stream.linear.scatter [tilespmem:s23], [sflag:$0x3], $0x2000, $0x38;
	[tilespmem:$0xE200] =	vst v63  }
0x80: {  	_ =	swait.ge [sflag:s24], $0x2000  }
0x81: {  	[sflag:s24] =	ssyncset.done $0x0  }
0x82: {  	[sflag:s24] =	ssyncadd.s32 $0xFFFFE000  }
0x83: {  	[spmem:s12] =	stream.linear.scatter [tilespmem:s23], [sflag:$0x3], $0x2000, $0x38;
	[tilespmem:$0xE200] =	vst v63  }
.Ltmp2:
0x84: {  	_ =	swait.ge [sflag:s24], $0x2000;
	(pc) =	sbr.rel @p0 .LBB2_5-.Ltmp2, $3  }
0x85: {  	[sflag:s24] =	ssyncset.done $0x0  }
0x86: {  	[sflag:s24] =	ssyncadd.s32 $0xFFFFE000  }
0x87: {  	[bflag:$0x0] =	sbarrier.arrive $0xFFFF;
	_ =	sdelay $0x1  }
0x88: {  	[tilespmem:s4], [sflag:$0x3] =	stream.linear.gather [hbm4b:s15+s4], $0x100, $0x38;
	[tilespmem:$0xE200] =	vst v63  }
0x89: {  	_ =	swait.ge [sflag:s24], $0x100  }
0x8a: {  	[sflag:s24] =	ssyncset.done $0x0  }
0x8b: {  	s1 =	sadd.s32 $0xFFFFE340, s15;
	[sflag:s24] =	ssyncadd.s32 $0xFFFFFF00  }
0x8c: {  	[tilespmem:s23], [sflag:$0x1] =	stream.indirect.gather [hbm4b:s5+s25], $0x40, s4, s25, $0xb8;
	[tilespmem:$0xE200] =	vst v63  }
0x8d: {  	s3 =	sadd.s32 $0x1CE0, s1  }
0x8e: {  	[tilespmem:s26], [sflag:$0x3] =	stream.linear.gather [hbm4b:s3+s4], $0x100, $0x38;
	[tilespmem:$0xE200] =	vst v63  }
0x8f: {  	_ =	swait.ge [sflag:s24], $0x100  }
0x90: {  	[sflag:s24] =	ssyncset.done $0x0  }
0x91: {  	[sflag:s24] =	ssyncadd.s32 $0xFFFFFF00  }
0x92: {  	[tilespmem:s28], [sflag:$0x2] =	stream.indirect.gather [hbm4b:s5+s25], $0x40, s26, s25, $0xb8;
	[tilespmem:$0xE200] =	vst v63  }
0x93: {  	_ =	swait.ge [sflag:s29], $0x2000  }
0x94: {  	[sflag:s29] =	ssyncset.done $0x0  }
0x95: {  	[sflag:s29] =	ssyncadd.s32 $0xFFFFE000  }
0x96: {  	[spmem:s2] =	stream.indirect.scatter.add.f32 [tilespmem:s23], [sflag:$0x3], $0x40, s25, s25, $0xb8;
	[tilespmem:$0xE200] =	vst v63  }
0x97: {  	_ =	swait.ge [sflag:s24], $0x2000  }
0x98: {  	[sflag:s24] =	ssyncset.done $0x0  }
0x99: {  	s1 =	sadd.s32 $0x1D00, s1;
	[sflag:s24] =	ssyncadd.s32 $0xFFFFE000  }
0x9a: {  	[tilespmem:s4], [sflag:$0x3] =	stream.linear.gather [hbm4b:s1+s4], $0x100, $0x38;
	[tilespmem:$0xE200] =	vst v63  }
0x9b: {  	_ =	swait.ge [sflag:s24], $0x100  }
0x9c: {  	[sflag:s24] =	ssyncset.done $0x0  }
0x9d: {  	[sflag:s24] =	ssyncadd.s32 $0xFFFFFF00  }
0x9e: {  	[tilespmem:s23], [sflag:$0x1] =	stream.indirect.gather [hbm4b:s5+s25], $0x40, s4, s25, $0xb8;
	[tilespmem:$0xE200] =	vst v63  }
0x9f: {  	_ =	swait.ge [sflag:s30], $0x2000  }
0xa0: {  	[sflag:s30] =	ssyncset.done $0x0  }
0xa1: {  	[sflag:s30] =	ssyncadd.s32 $0xFFFFE000  }
0xa2: {  	[spmem:s2] =	stream.indirect.scatter.add.f32 [tilespmem:s28], [sflag:$0x3], $0x40, s31, s25, $0xb8;
	[tilespmem:$0xE200] =	vst v63  }
0xa3: {  	_ =	swait.ge [sflag:s24], $0x2000  }
0xa4: {  	s3 =	sadd.s32 $0xFFFFE380, s15;
	s1 =	simm.s32 $0xFFFFE3C0;
	[sflag:s24] =	ssyncset.done $0x0  }
.LBB2_3:
0xa5: {  	s13 =	sadd.s32 $0x1CE0, s3  }
0xa6: {  	[sflag:s24] =	ssyncadd.s32 $0xFFFFE000;
	s14 =	smov.u32 s1;
	s16 =	sadd.s32 $0x40, s1  }
0xa7: {  	[tilespmem:s26], [sflag:$0x3] =	stream.linear.gather [hbm4b:s13+s4], $0x100, $0x38;
	[tilespmem:$0xE200] =	vst v63  }
0xa8: {  	p1 =	seq.s32 s1, $0xFFFFFFC0;
	_ =	swait.ge [sflag:s24], $0x100  }
0xa9: {  	[sflag:s24] =	ssyncset.done $0x0  }
0xaa: {  	[sflag:s24] =	ssyncadd.s32 $0xFFFFFF00  }
0xab: {  	[tilespmem:s28], [sflag:$0x2] =	stream.indirect.gather [hbm4b:s5+s25], $0x40, s26, s25, $0xb8;
	[tilespmem:$0xE200] =	vst v63  }
0xac: {  	_ =	swait.ge [sflag:s29], $0x2000  }
0xad: {  	[sflag:s29] =	ssyncset.done $0x0  }
0xae: {  	[sflag:s29] =	ssyncadd.s32 $0xFFFFE000  }
0xaf: {  	[spmem:s2] =	stream.indirect.scatter.add.f32 [tilespmem:s23], [sflag:$0x3], $0x40, s25, s25, $0xb8;
	[tilespmem:$0xE200] =	vst v63  }
0xb0: {  	_ =	swait.ge [sflag:s24], $0x2000  }
0xb1: {  	[sflag:s24] =	ssyncset.done $0x0  }
0xb2: {  	s1 =	sadd.s32 $0x1D00, s3;
	[sflag:s24] =	ssyncadd.s32 $0xFFFFE000  }
0xb3: {  	[tilespmem:s4], [sflag:$0x3] =	stream.linear.gather [hbm4b:s1+s4], $0x100, $0x38;
	[tilespmem:$0xE200] =	vst v63  }
0xb4: {  	_ =	swait.ge [sflag:s24], $0x100  }
0xb5: {  	[sflag:s24] =	ssyncset.done $0x0  }
0xb6: {  	[sflag:s24] =	ssyncadd.s32 $0xFFFFFF00  }
0xb7: {  	[tilespmem:s23], [sflag:$0x1] =	stream.indirect.gather [hbm4b:s5+s25], $0x40, s4, s25, $0xb8;
	[tilespmem:$0xE200] =	vst v63  }
0xb8: {  	_ =	swait.ge [sflag:s30], $0x2000  }
.Ltmp3:
0xb9: {  	[sflag:s30] =	ssyncset.done $0x0;
	(pc) =	sbr.rel @!p1 .LBB2_3-.Ltmp3, $4  }
0xba: {  	[sflag:s30] =	ssyncadd.s32 $0xFFFFE000  }
0xbb: {  	[spmem:s2] =	stream.indirect.scatter.add.f32 [tilespmem:s28], [sflag:$0x3], $0x40, s31, s25, $0xb8;
	[tilespmem:$0xE200] =	vst v63  }
0xbc: {  	_ =	swait.ge [sflag:s24], $0x2000  }
0xbd: {  	s3 =	sadd.s32 s14, s15;
	s1 =	smov.u32 s16;
	[sflag:s24] =	ssyncset.done $0x0  }
0xbe: {  	s1 =	sadd.s32 $0x1CE0, s3;
	[sflag:s24] =	ssyncadd.s32 $0xFFFFE000  }
0xbf: {  	[tilespmem:s26], [sflag:$0x3] =	stream.linear.gather [hbm4b:s1+s4], $0x100, $0x38;
	[tilespmem:$0xE200] =	vst v63  }
0xc0: {  	_ =	swait.ge [sflag:s24], $0x100  }
0xc1: {  	[sflag:s24] =	ssyncset.done $0x0  }
0xc2: {  	[sflag:s24] =	ssyncadd.s32 $0xFFFFFF00  }
0xc3: {  	[tilespmem:s28], [sflag:$0x2] =	stream.indirect.gather [hbm4b:s5+s25], $0x40, s26, s25, $0xb8;
	[tilespmem:$0xE200] =	vst v63  }
0xc4: {  	_ =	swait.ge [sflag:s29], $0x2000  }
0xc5: {  	[sflag:s29] =	ssyncset.done $0x0  }
0xc6: {  	[sflag:s29] =	ssyncadd.s32 $0xFFFFE000  }
0xc7: {  	[spmem:s2] =	stream.indirect.scatter.add.f32 [tilespmem:s23], [sflag:$0x3], $0x40, s25, s25, $0xb8;
	[tilespmem:$0xE200] =	vst v63  }
0xc8: {  	_ =	swait.ge [sflag:s24], $0x2000  }
0xc9: {  	[sflag:s24] =	ssyncset.done $0x0  }
0xca: {  	s16 =	sadd.s32 $0x1D00, s3;
	[sflag:s24] =	ssyncadd.s32 $0xFFFFE000  }
0xcb: {  	[tilespmem:s4], [sflag:$0x3] =	stream.linear.gather [hbm4b:s16+s4], $0x100, $0x38;
	[tilespmem:$0xE200] =	vst v63  }
0xcc: {  	_ =	swait.ge [sflag:s24], $0x100  }
0xcd: {  	[sflag:s24] =	ssyncset.done $0x0  }
0xce: {  	[sflag:s24] =	ssyncadd.s32 $0xFFFFFF00  }
0xcf: {  	[tilespmem:s23], [sflag:$0x1] =	stream.indirect.gather [hbm4b:s5+s25], $0x40, s4, s25, $0xb8;
	[tilespmem:$0xE200] =	vst v63  }
0xd0: {  	_ =	swait.ge [sflag:s30], $0x2000  }
0xd1: {  	[sflag:s30] =	ssyncset.done $0x0  }
.Ltmp4:
0xd2: {  	[sflag:s30] =	ssyncadd.s32 $0xFFFFE000;
	(pc) =	sbr.rel .LBB2_8-.Ltmp4, $4  }
0xd3: {  	[spmem:s2] =	stream.indirect.scatter.add.f32 [tilespmem:s28], [sflag:$0x3], $0x40, s31, s25, $0xb8;
	[tilespmem:$0xE200] =	vst v63  }
0xd4: {  	_ =	swait.ge [sflag:s24], $0x2000  }
0xd5: {  	[sflag:s24] =	ssyncset.done $0x0  }
0xd6: {  	s1 =	rddreg [dreg:$0x6];
	[sflag:s24] =	ssyncadd.s32 $0xFFFFE000  }
.LBB2_5:
0xd7: {  	s1 =	rddreg [dreg:$0x4]  }
0xd8: {  	[tilespmem:s4], [sflag:$0x3] =	stream.linear.gather [hbm4b:s1+s4], $0x100, $0x38;
	[tilespmem:$0xE200] =	vst v63  }
0xd9: {  	_ =	swait.ge [sflag:s24], $0x100  }
0xda: {  	[sflag:s24] =	ssyncset.done $0x0  }
0xdb: {  	s16 =	sadd.s32 $0xFFFFF5C0, s11;
	[sflag:s24] =	ssyncadd.s32 $0xFFFFFF00  }
0xdc: {  	[tilespmem:s23], [sflag:$0x1] =	stream.indirect.gather [hbm4b:s5+s25], $0x40, s4, s25, $0xb8;
	[tilespmem:$0xE200] =	vst v63  }
0xdd: {  	s3 =	sadd.s32 $0x1DA60, s16  }
0xde: {  	[tilespmem:s26], [sflag:$0x3] =	stream.linear.gather [hbm4b:s3+s4], $0x100, $0x38;
	[tilespmem:$0xE200] =	vst v63  }
0xdf: {  	_ =	swait.ge [sflag:s24], $0x100  }
0xe0: {  	[sflag:s24] =	ssyncset.done $0x0  }
0xe1: {  	[sflag:s24] =	ssyncadd.s32 $0xFFFFFF00  }
0xe2: {  	[tilespmem:s28], [sflag:$0x2] =	stream.indirect.gather [hbm4b:s5+s25], $0x40, s26, s25, $0xb8;
	[tilespmem:$0xE200] =	vst v63  }
0xe3: {  	_ =	swait.ge [sflag:s29], $0x2000  }
0xe4: {  	[sflag:s29] =	ssyncset.done $0x0  }
0xe5: {  	[sflag:s29] =	ssyncadd.s32 $0xFFFFE000  }
0xe6: {  	[spmem:s2] =	stream.indirect.scatter.add.f32 [tilespmem:s23], [sflag:$0x3], $0x40, s25, s25, $0xb8;
	[tilespmem:$0xE200] =	vst v63  }
0xe7: {  	_ =	swait.ge [sflag:s24], $0x2000  }
0xe8: {  	[sflag:s24] =	ssyncset.done $0x0  }
0xe9: {  	s1 =	sadd.s32 $0x1DA80, s16;
	[sflag:s24] =	ssyncadd.s32 $0xFFFFE000  }
0xea: {  	[tilespmem:s4], [sflag:$0x3] =	stream.linear.gather [hbm4b:s1+s4], $0x100, $0x38;
	[tilespmem:$0xE200] =	vst v63  }
0xeb: {  	_ =	swait.ge [sflag:s24], $0x100  }
0xec: {  	[sflag:s24] =	ssyncset.done $0x0  }
0xed: {  	[sflag:s24] =	ssyncadd.s32 $0xFFFFFF00  }
0xee: {  	[tilespmem:s23], [sflag:$0x1] =	stream.indirect.gather [hbm4b:s5+s25], $0x40, s4, s25, $0xb8;
	[tilespmem:$0xE200] =	vst v63  }
0xef: {  	_ =	swait.ge [sflag:s30], $0x2000  }
0xf0: {  	[sflag:s30] =	ssyncset.done $0x0  }
0xf1: {  	[sflag:s30] =	ssyncadd.s32 $0xFFFFE000  }
0xf2: {  	[spmem:s2] =	stream.indirect.scatter.add.f32 [tilespmem:s28], [sflag:$0x3], $0x40, s31, s25, $0xb8;
	[tilespmem:$0xE200] =	vst v63  }
0xf3: {  	_ =	swait.ge [sflag:s24], $0x2000  }
0xf4: {  	s3 =	sadd.s32 $0xFFFFF600, s11;
	s1 =	simm.s32 $0xFFFFF640;
	[sflag:s24] =	ssyncset.done $0x0  }
.LBB2_6:
0xf5: {  	s13 =	sadd.s32 $0x1DA60, s3  }
0xf6: {  	[sflag:s24] =	ssyncadd.s32 $0xFFFFE000;
	s14 =	smov.u32 s1;
	s16 =	sadd.s32 $0x40, s1  }
0xf7: {  	[tilespmem:s26], [sflag:$0x3] =	stream.linear.gather [hbm4b:s13+s4], $0x100, $0x38;
	[tilespmem:$0xE200] =	vst v63  }
0xf8: {  	p1 =	sne.s32 s1, $0xFFFFFFC0;
	_ =	swait.ge [sflag:s24], $0x100  }
0xf9: {  	[sflag:s24] =	ssyncset.done $0x0  }
0xfa: {  	[sflag:s24] =	ssyncadd.s32 $0xFFFFFF00  }
0xfb: {  	[tilespmem:s28], [sflag:$0x2] =	stream.indirect.gather [hbm4b:s5+s25], $0x40, s26, s25, $0xb8;
	[tilespmem:$0xE200] =	vst v63  }
0xfc: {  	_ =	swait.ge [sflag:s29], $0x2000  }
0xfd: {  	[sflag:s29] =	ssyncset.done $0x0  }
0xfe: {  	[sflag:s29] =	ssyncadd.s32 $0xFFFFE000  }
0xff: {  	[spmem:s2] =	stream.indirect.scatter.add.f32 [tilespmem:s23], [sflag:$0x3], $0x40, s25, s25, $0xb8;
	[tilespmem:$0xE200] =	vst v63  }
0x100: {  	_ =	swait.ge [sflag:s24], $0x2000  }
0x101: {  	[sflag:s24] =	ssyncset.done $0x0  }
0x102: {  	s1 =	sadd.s32 $0x1DA80, s3;
	[sflag:s24] =	ssyncadd.s32 $0xFFFFE000  }
0x103: {  	[tilespmem:s4], [sflag:$0x3] =	stream.linear.gather [hbm4b:s1+s4], $0x100, $0x38;
	[tilespmem:$0xE200] =	vst v63  }
0x104: {  	_ =	swait.ge [sflag:s24], $0x100  }
0x105: {  	[sflag:s24] =	ssyncset.done $0x0  }
0x106: {  	[sflag:s24] =	ssyncadd.s32 $0xFFFFFF00  }
0x107: {  	[tilespmem:s23], [sflag:$0x1] =	stream.indirect.gather [hbm4b:s5+s25], $0x40, s4, s25, $0xb8;
	[tilespmem:$0xE200] =	vst v63  }
0x108: {  	_ =	swait.ge [sflag:s30], $0x2000  }
.Ltmp5:
0x109: {  	[sflag:s30] =	ssyncset.done $0x0;
	(pc) =	sbr.rel @p1 .LBB2_6-.Ltmp5, $4  }
0x10a: {  	[sflag:s30] =	ssyncadd.s32 $0xFFFFE000  }
0x10b: {  	[spmem:s2] =	stream.indirect.scatter.add.f32 [tilespmem:s28], [sflag:$0x3], $0x40, s31, s25, $0xb8;
	[tilespmem:$0xE200] =	vst v63  }
0x10c: {  	_ =	swait.ge [sflag:s24], $0x2000  }
0x10d: {  	s3 =	sadd.s32 s14, s11;
	s1 =	smov.u32 s16;
	[sflag:s24] =	ssyncset.done $0x0  }
.Ltmp6:
0x10e: {  	_ = 	snop;
	(pc) =	sbr.rel .LBB2_7-.Ltmp6, $1  }
0x10f: {  	_ =	sdelay $0x3  }
.LBB2_9:
0x110: {  	_ =	sfence.sel $0x180000  }
0x111: {  	[bflag:$0x0] =	sbarrier.arrive $0xFFFF  }
0x112: {  	_ =	strace $0x9000004D  }
0x113: {  	s0 =	stileid.u32;
	[bflag:$0x2] =	sbarrier.arrive $0xFFFF  }
0x114: {  	p0 =	sne.s32 s0, $0x0;
	s0 =	rddreg [dreg:$0x3]  }
0x115: {  	s0 =	sadd.s32 @!p0 $0x100000, s0  }
0x116: {  	[sflag:s0] =	ssyncadd.tile.s32 @!p0 $0x1;
	_ =	shalt  }
.Lfunc_end2:
_tile_overlayer_lowered:
.L_overlay_start_2:
0x117: {  	(tag) =	ssettag $0x2  }
0x118: {  	s0 =	rddreg [dreg:$0x0];
	s2 =	stileid.u32  }
0x119: {  	s1 =	rddreg [dreg:$0x1];
	p0 =	sne.s32 s2, $0x0  }
0x11a: {  	s3 =	rddreg [dreg:$0x2];
	[bflag:$0x3] =	sbarrier.arrive $0xFFFF;
	s2 =	simm.s32 @!p0 $0x1C03  }
0x11b: {  	[timem:s3], [sflag:s2] =	dma.local @!p0 [hbm:s0], s1  }
0x11c: {  	s0 =	simm.s32 @!p0 $0x3  }
0x11d: {  	_ =	swait.ge @!p0 [sflag:s0], s1  }
0x11e: {  	s1 =	ssub.s32 @!p0 $0x0, s1;
	[sflag:s0] =	ssyncset.done @!p0 $0x0  }
0x11f: {  	[sflag:s0] =	ssyncadd.s32 @!p0 s1  }
0x120: {  	[bflag:$0x3] =	sbarrier.arrive $0xFFFF  }
0x121: {  	_ =	shalt  }

</sc_bundles>
